<compile_context>
chip_gen: v7x
topology: tpu7x:2x2x1
jax: 0.10.2.dev20260603
libtpu: 0.0.44.dev20260713+nightly
codegen_flags: <defaults>
</compile_context>

<pallas_src>
import functools

import jax
import jax.numpy as jnp
from jax import lax
from jax.experimental import pallas as pl
from jax.experimental.pallas import tpu as pltpu
from jax.experimental.pallas import tpu_sc as plsc

N_NODES = 10000
D = 128
N_EDGES = 320000

NC = 2
NS = 16
NW = NC * NS

K = 128
EPT = N_EDGES // NW
EPT_P = 10240
NCHUNK = EPT_P // K
N_ACC = 10240
ROWS_PS = N_ACC // NS

_MESH = plsc.VectorSubcoreMesh(core_axis_name="c", subcore_axis_name="s")



@functools.partial(
    pl.kernel,
    out_type=jax.ShapeDtypeStruct((NC, N_ACC, 128), jnp.float32),
    mesh=_MESH,
    scratch_types=[
        pltpu.VMEM((NCHUNK, K), jnp.int32),
        pltpu.VMEM((K, 128), jnp.float32),
        pltpu.VMEM_SHARED((N_ACC, 128), jnp.float32),
    ],
)
def _sc_degree(dst_hbm, ones_hbm, z_hbm, out_hbm, dst_v, ones_v, deg_sh):
    c = lax.axis_index("c")
    s = lax.axis_index("s")
    wid = s * NC + c
    pltpu.sync_copy(dst_hbm.at[wid], dst_v)
    pltpu.sync_copy(ones_hbm, ones_v)
    r0 = s * ROWS_PS
    pltpu.sync_copy(z_hbm.at[pl.ds(r0, ROWS_PS)], deg_sh.at[pl.ds(r0, ROWS_PS)])
    plsc.subcore_barrier()

    def step(j, _):
        pltpu.sync_copy(ones_v, deg_sh.at[dst_v.at[j]], add=True)
        return _

    lax.fori_loop(0, NCHUNK, step, None)
    plsc.subcore_barrier()
    pltpu.sync_copy(deg_sh.at[pl.ds(r0, ROWS_PS)], out_hbm.at[c, pl.ds(r0, ROWS_PS)])


KS = 64
NCH2 = EPT_P // KS
NBUF = 4
SPC = K // KS
CPF = 40
NFOLD = NCH2 // CPF
SPB = CPF // NBUF


@functools.partial(
    pl.kernel,
    out_type=jax.ShapeDtypeStruct((NC, N_ACC, D), jnp.float32),
    mesh=_MESH,
    scratch_types=[
        pltpu.VMEM((NCHUNK, K), jnp.int32),
        pltpu.VMEM((CPF, KS), jnp.int32),
    ]
    + [pltpu.VMEM((KS, D), jnp.float32)] * NBUF
    + [pltpu.VMEM_SHARED((N_ACC, D), jnp.float32)]
    + [pltpu.SemaphoreType.DMA] * NBUF,
)
def _sc_scatter(g_hbm, src_hbm, dst_hbm, z_hbm, out_hbm, src_v, dst_v, *rest):
    bufs = rest[:NBUF]
    acc_sh = rest[NBUF]
    gs = rest[NBUF + 1:]
    c = lax.axis_index("c")
    s = lax.axis_index("s")
    wid = s * NC + c
    r0 = s * ROWS_PS
    pltpu.sync_copy(src_hbm.at[wid], src_v)
    pltpu.sync_copy(z_hbm.at[pl.ds(r0, ROWS_PS)], acc_sh.at[pl.ds(r0, ROWS_PS)])
    plsc.subcore_barrier()

    def sidx(j, b):
        return src_v.at[j // SPC, pl.ds((b % SPC) * KS, KS)]

    for b in range(NBUF):
        pltpu.async_copy(g_hbm.at[sidx(b, b)], bufs[b], gs[b])

    def make_step(f):
        def step(jj, _):
            for b in range(NBUF):
                j = f * CPF + jj * NBUF + b
                r = jj * NBUF + b
                pltpu.make_async_copy(g_hbm.at[sidx(j, b)], bufs[b], gs[b]).wait()
                pltpu.sync_copy(bufs[b], acc_sh.at[dst_v.at[r]], add=True)
                jn = j + NBUF

                @pl.when(jn < NCH2)
                def _():
                    pltpu.async_copy(g_hbm.at[sidx(jn, b)], bufs[b], gs[b])
            return _
        return step

    for f in range(NFOLD):
        pltpu.sync_copy(dst_hbm.at[wid, pl.ds(f * CPF, CPF)], dst_v)
        lax.fori_loop(0, SPB, make_step(f), None)
    plsc.subcore_barrier()
    pltpu.sync_copy(acc_sh.at[pl.ds(r0, ROWS_PS)], out_hbm.at[c, pl.ds(r0, ROWS_PS)])



_BLK = 1280
_GRID = N_ACC // _BLK


def _row_spec(width=D):
    return pl.BlockSpec((_BLK, width), lambda i: (i, 0))


def _full_spec(shape):
    return pl.BlockSpec(shape, lambda i: tuple(0 for _ in shape))


def _pair_spec(width):
    return pl.BlockSpec((2, _BLK, width), lambda i: (0, i, 0))


def _dinv(degc_ref):
    return lax.rsqrt(degc_ref[...] + 1.0)


def _tc_a_body(x_ref, w1_ref, degc_ref, g1_ref):
    h = jnp.dot(x_ref[...], w1_ref[...], preferred_element_type=jnp.float32)
    g1_ref[...] = h * _dinv(degc_ref)


def _tc_b_body(p_ref, g1_ref, b1_ref, w2_ref, degc_ref, g2_ref):
    dinv = _dinv(degc_ref)
    pre = (p_ref[0] + p_ref[1] + g1_ref[...]) * dinv + b1_ref[...]
    nrm = jnp.sqrt(jnp.sum(pre * pre, axis=1, keepdims=True))
    x1 = pre / jnp.maximum(nrm, 1e-12)
    g2_ref[...] = jnp.dot(x1, w2_ref[...], preferred_element_type=jnp.float32) * dinv


def _tc_c_body(q_ref, g2_ref, b2_ref, x_ref, degc_ref, out_ref):
    dinv = _dinv(degc_ref)
    out_ref[...] = (q_ref[0] + q_ref[1] + g2_ref[...]) * dinv + b2_ref[...] + x_ref[...]


_deg_spec = pl.BlockSpec((_BLK, 1), lambda i: (i, 0))

_tc_a = pl.pallas_call(
    _tc_a_body,
    grid=(_GRID,),
    in_specs=[_row_spec(), _full_spec((D, D)), _deg_spec],
    out_specs=_row_spec(),
    out_shape=jax.ShapeDtypeStruct((N_ACC, D), jnp.float32),
)

_tc_b = pl.pallas_call(
    _tc_b_body,
    grid=(_GRID,),
    in_specs=[_pair_spec(D), _row_spec(), _full_spec((1, D)), _full_spec((D, D)),
              _deg_spec],
    out_specs=_row_spec(),
    out_shape=jax.ShapeDtypeStruct((N_ACC, D), jnp.float32),
)

_tc_c = pl.pallas_call(
    _tc_c_body,
    grid=(_GRID,),
    in_specs=[_pair_spec(D), _row_spec(), _full_spec((1, D)), _row_spec(),
              _deg_spec],
    out_specs=_row_spec(),
    out_shape=jax.ShapeDtypeStruct((N_ACC, D), jnp.float32),
)



def kernel(x, edge_index, W1, b1, W2, b2):
    src = edge_index[0].astype(jnp.int32).reshape(NW, EPT)
    dst = edge_index[1].astype(jnp.int32).reshape(NW, EPT)
    pad = EPT_P - EPT
    srcp = jnp.pad(src, ((0, 0), (0, pad)), constant_values=N_NODES)
    dstp = jnp.pad(dst, ((0, 0), (0, pad)), constant_values=N_NODES)
    srcp128 = srcp.reshape(NW, NCHUNK, K)
    dstp2 = dstp.reshape(NW, NCH2, KS)
    dstp = dstp.reshape(NW, NCHUNK, K)

    xp = jnp.pad(x, ((0, N_ACC - N_NODES), (0, 0)))
    z_full = jnp.zeros((N_ACC, D), jnp.float32)
    ones = jnp.ones((K, 128), jnp.float32)
    b1r = b1.reshape(1, D)
    b2r = b2.reshape(1, D)

    degp = _sc_degree(dstp, ones, z_full)
    degc = degp[0, :, 0:1] + degp[1, :, 0:1]

    g1 = _tc_a(xp, W1, degc)
    p = _sc_scatter(g1, srcp128, dstp2, z_full)
    g2 = _tc_b(p, g1, b1r, W2, degc)
    q = _sc_scatter(g2, srcp128, dstp2, z_full)
    return _tc_c(q, g2, b2r, xp, degc)[:N_NODES]

# --- scband reference (transcript-rebuilt; emitter-appended) ---
"""Pipeline reference for scband-gcnlayer-31980326486285 (READ-ONLY COPY).

The authoritative reference and input builder live on the scoring server;
editing this copy changes nothing except your own understanding.
"""

import jax, jax.numpy as jnp
import numpy as np

N_NODES = 10000
D = 128
N_EDGES = 320000


def _gcn_conv(x, W, b, src, dst, num_nodes):
    # PyG GCNConv: x' = D^{-1/2} (A + I) D^{-1/2} (X @ W) + b
    h = x @ W
    loop = jnp.arange(num_nodes, dtype=src.dtype)
    s = jnp.concatenate([src, loop])
    d = jnp.concatenate([dst, loop])
    deg = jax.ops.segment_sum(jnp.ones_like(d, dtype=x.dtype), d, num_segments=num_nodes)
    dinv = jnp.where(deg > 0, 1.0 / jnp.sqrt(deg), 0.0)
    norm = dinv[s] * dinv[d]
    msgs = h[s] * norm[:, None]
    out = jax.ops.segment_sum(msgs, d, num_segments=num_nodes)
    return out + b


def _l2_normalize(x, eps=1e-12):
    n = jnp.sqrt(jnp.sum(x * x, axis=-1, keepdims=True))
    return x / jnp.maximum(n, eps)


def setup_inputs(seed: int = 0) -> dict:
    key = jax.random.key(seed)
    k1, k2, k3, k4 = jax.random.split(key, 4)
    x = jax.random.normal(k1, (N_NODES, D), dtype=jnp.float32)
    edge_index = jax.random.randint(k2, (2, N_EDGES), 0, N_NODES, dtype=jnp.int64) if jax.config.jax_enable_x64 else jax.random.randint(k2, (2, N_EDGES), 0, N_NODES, dtype=jnp.int32)
    glorot = float(np.sqrt(6.0 / (D + D)))
    W1 = jax.random.uniform(k3, (D, D), dtype=jnp.float32, minval=-glorot, maxval=glorot)
    W2 = jax.random.uniform(k4, (D, D), dtype=jnp.float32, minval=-glorot, maxval=glorot)
    b1 = jnp.zeros((D,), dtype=jnp.float32)
    b2 = jnp.zeros((D,), dtype=jnp.float32)
    return {"x": x, "edge_index": edge_index, "W1": W1, "b1": b1, "W2": W2, "b2": b2}


def reference(x, edge_index, W1, b1, W2, b2):
    src = edge_index[0]
    dst = edge_index[1]
    x1 = _gcn_conv(x, W1, b1, src, dst, N_NODES)
    x1 = _l2_normalize(x1)
    # dropout(p=0.9) is identity in eval mode
    x2 = _gcn_conv(x1, W2, b2, src, dst, N_NODES)
    return x2 + x

if __name__ == "__main__":
    import jax
    _d = setup_inputs()
    print(jax.jit(kernel)(*tuple(_d.values())))

</pallas_src>

<mosaic_0001>
#map = affine_map<(d0, d1) -> (0, 0)>
#map1 = affine_map<(d0, d1) -> (0, 0, 0)>
module attributes {stable_mosaic.version = 14 : i64} {
  func.func @_sc_scatter(%arg0: i32, %arg1: i32, %arg2: memref<10240x128xf32, #tpu.memory_space<hbm>>, %arg3: memref<32x80x128xi32, #tpu.memory_space<hbm>>, %arg4: memref<32x160x64xi32, #tpu.memory_space<hbm>>, %arg5: memref<10240x128xf32, #tpu.memory_space<hbm>>, %arg6: memref<2x10240x128xf32, #tpu.memory_space<hbm>>, %arg7: memref<80x128xi32, #tpu.memory_space<vmem>>, %arg8: memref<40x64xi32, #tpu.memory_space<vmem>>, %arg9: memref<64x128xf32, #tpu.memory_space<vmem>>, %arg10: memref<64x128xf32, #tpu.memory_space<vmem>>, %arg11: memref<64x128xf32, #tpu.memory_space<vmem>>, %arg12: memref<64x128xf32, #tpu.memory_space<vmem>>, %arg13: memref<10240x128xf32, #tpu.memory_space<vmem_shared>>, %arg14: memref<!tpu.dma_semaphore, #tpu.memory_space<semaphore_mem>>, %arg15: memref<!tpu.dma_semaphore, #tpu.memory_space<semaphore_mem>>, %arg16: memref<!tpu.dma_semaphore, #tpu.memory_space<semaphore_mem>>, %arg17: memref<!tpu.dma_semaphore, #tpu.memory_space<semaphore_mem>>) attributes {dimension_semantics = [#tpu.dimension_semantics<core_parallel>, #tpu.dimension_semantics<subcore_parallel>], iteration_bounds = array<i64: 2, 16>, scalar_prefetch = 0 : i64, scratch_operands = 11 : i64, tpu.core_type = #tpu.core_type<sc_vector_subcore>, window_params = [{transform_indices = #map}, {transform_indices = #map1}, {transform_indices = #map1}, {transform_indices = #map}, {transform_indices = #map1}]} {
    %mul3A = arith.constant 2 : i32
    %mul3A_0 = arith.muli %arg1, %mul3A : i32
    %add3A = arith.addi %mul3A_0, %arg0 : i32
    %mul3A_1 = arith.constant 640 : i32
    %mul3A_2 = arith.muli %arg1, %mul3A_1 : i32
    "tpu.region"() ({
      %run_scoped3A = tpu.sem_alloc : memref<!tpu.dma_semaphore, #tpu.memory_space<semaphore_mem>>
      %dma_start3A_50 = arith.constant 0 : i32
      %dma_start3A_51 = arith.constant 0 : i32
      %dma_start3A_52 = tpu.memref_slice %arg3[%add3A, %dma_start3A_50, %dma_start3A_51] : memref<32x80x128xi32, #tpu.memory_space<hbm>> -> memref<1x80x128xi32, #tpu.memory_space<hbm>>
      %dma_start3A_53 = tpu.memref_squeeze %dma_start3A_52 : memref<1x80x128xi32, #tpu.memory_space<hbm>> -> memref<80x128xi32, #tpu.memory_space<hbm>>
      %dma_start3A_54 = arith.constant 0 : i32
      %dma_start3A_55 = arith.constant 0 : i32
      %dma_start3A_56 = tpu.memref_slice %arg3[%add3A, %dma_start3A_54, %dma_start3A_55] : memref<32x80x128xi32, #tpu.memory_space<hbm>> -> memref<1x80x128xi32, #tpu.memory_space<hbm>>
      %dma_start3A_57 = tpu.memref_squeeze %dma_start3A_56 : memref<1x80x128xi32, #tpu.memory_space<hbm>> -> memref<80x128xi32, #tpu.memory_space<hbm>>
      tpu.enqueue_dma source(%dma_start3A_57 : memref<80x128xi32, #tpu.memory_space<hbm>>) target(%arg7 : memref<80x128xi32, #tpu.memory_space<vmem>>) target_semaphore(%run_scoped3A : memref<!tpu.dma_semaphore, #tpu.memory_space<semaphore_mem>>)
      %dma_wait3A = arith.constant 0 : i32
      %dma_wait3A_58 = arith.constant 0 : i32
      %dma_wait3A_59 = tpu.memref_slice %arg3[%add3A, %dma_wait3A, %dma_wait3A_58] : memref<32x80x128xi32, #tpu.memory_space<hbm>> -> memref<1x80x128xi32, #tpu.memory_space<hbm>>
      %dma_wait3A_60 = tpu.memref_squeeze %dma_wait3A_59 : memref<1x80x128xi32, #tpu.memory_space<hbm>> -> memref<80x128xi32, #tpu.memory_space<hbm>>
      %dma_wait3A_61 = arith.constant 0 : i32
      %dma_wait3A_62 = arith.constant 0 : i32
      %dma_wait3A_63 = tpu.memref_slice %arg3[%add3A, %dma_wait3A_61, %dma_wait3A_62] : memref<32x80x128xi32, #tpu.memory_space<hbm>> -> memref<1x80x128xi32, #tpu.memory_space<hbm>>
      %dma_wait3A_64 = tpu.memref_squeeze %dma_wait3A_63 : memref<1x80x128xi32, #tpu.memory_space<hbm>> -> memref<80x128xi32, #tpu.memory_space<hbm>>
      tpu.wait_dma2 semaphore(%run_scoped3A : memref<!tpu.dma_semaphore, #tpu.memory_space<semaphore_mem>>) src(%dma_wait3A_64 : memref<80x128xi32, #tpu.memory_space<hbm>>) dst(%arg7 : memref<80x128xi32, #tpu.memory_space<vmem>>)
      tpu.yield
    }) : () -> ()
    "tpu.region"() ({
      %run_scoped3A = tpu.sem_alloc : memref<!tpu.dma_semaphore, #tpu.memory_space<semaphore_mem>>
      %dma_start3A_50 = arith.constant 0 : i32
      %dma_start3A_51 = tpu.memref_slice %arg13[%mul3A_2, %dma_start3A_50] : memref<10240x128xf32, #tpu.memory_space<vmem_shared>> -> memref<640x128xf32, #tpu.memory_space<vmem_shared>>
      %dma_start3A_52 = arith.constant 0 : i32
      %dma_start3A_53 = tpu.memref_slice %arg5[%mul3A_2, %dma_start3A_52] : memref<10240x128xf32, #tpu.memory_space<hbm>> -> memref<640x128xf32, #tpu.memory_space<hbm>>
      tpu.enqueue_dma source(%dma_start3A_53 : memref<640x128xf32, #tpu.memory_space<hbm>>) target(%dma_start3A_51 : memref<640x128xf32, #tpu.memory_space<vmem_shared>>) target_semaphore(%run_scoped3A : memref<!tpu.dma_semaphore, #tpu.memory_space<semaphore_mem>>)
      %dma_wait3A = arith.constant 0 : i32
      %dma_wait3A_54 = tpu.memref_slice %arg13[%mul3A_2, %dma_wait3A] : memref<10240x128xf32, #tpu.memory_space<vmem_shared>> -> memref<640x128xf32, #tpu.memory_space<vmem_shared>>
      %dma_wait3A_55 = arith.constant 0 : i32
      %dma_wait3A_56 = tpu.memref_slice %arg5[%mul3A_2, %dma_wait3A_55] : memref<10240x128xf32, #tpu.memory_space<hbm>> -> memref<640x128xf32, #tpu.memory_space<hbm>>
      tpu.wait_dma2 semaphore(%run_scoped3A : memref<!tpu.dma_semaphore, #tpu.memory_space<semaphore_mem>>) src(%dma_wait3A_56 : memref<640x128xf32, #tpu.memory_space<hbm>>) dst(%dma_wait3A_54 : memref<640x128xf32, #tpu.memory_space<vmem_shared>>)
      tpu.yield
    }) : () -> ()
    %barrier3A = arith.constant 0 : index
    tpu.barrier barrier_id(%barrier3A)
    %dma_start3A = arith.constant 0 : i32
    %dma_start3A_3 = arith.constant 0 : i32
    %dma_start3A_4 = tpu.memref_slice %arg7[%dma_start3A, %dma_start3A_3] : memref<80x128xi32, #tpu.memory_space<vmem>> -> memref<1x64xi32, #tpu.memory_space<vmem>>
    %dma_start3A_5 = tpu.memref_squeeze %dma_start3A_4 : memref<1x64xi32, #tpu.memory_space<vmem>> -> memref<64xi32, #tpu.memory_space<vmem>>
    %dma_start3A_6 = arith.constant 0 : i32
    %dma_start3A_7 = arith.constant 0 : i32
    %dma_start3A_8 = tpu.memref_slice %arg2[%dma_start3A_6, %dma_start3A_7] : memref<10240x128xf32, #tpu.memory_space<hbm>> -> memref<10240x128xf32, #tpu.memory_space<hbm>>
    tpu.enqueue_indirect_dma source(%dma_start3A_8 : memref<10240x128xf32, #tpu.memory_space<hbm>>) target(%arg9 : memref<64x128xf32, #tpu.memory_space<vmem>>) offsets(%dma_start3A_5 : memref<64xi32, #tpu.memory_space<vmem>>) semaphore(%arg14 : memref<!tpu.dma_semaphore, #tpu.memory_space<semaphore_mem>>)
    %dma_start3A_9 = arith.constant 0 : i32
    %dma_start3A_10 = arith.constant 64 : i32
    %dma_start3A_11 = tpu.memref_slice %arg7[%dma_start3A_9, %dma_start3A_10] : memref<80x128xi32, #tpu.memory_space<vmem>> -> memref<1x64xi32, #tpu.memory_space<vmem>>
    %dma_start3A_12 = tpu.memref_squeeze %dma_start3A_11 : memref<1x64xi32, #tpu.memory_space<vmem>> -> memref<64xi32, #tpu.memory_space<vmem>>
    %dma_start3A_13 = arith.constant 0 : i32
    %dma_start3A_14 = arith.constant 0 : i32
    %dma_start3A_15 = tpu.memref_slice %arg2[%dma_start3A_13, %dma_start3A_14] : memref<10240x128xf32, #tpu.memory_space<hbm>> -> memref<10240x128xf32, #tpu.memory_space<hbm>>
    tpu.enqueue_indirect_dma source(%dma_start3A_15 : memref<10240x128xf32, #tpu.memory_space<hbm>>) target(%arg10 : memref<64x128xf32, #tpu.memory_space<vmem>>) offsets(%dma_start3A_12 : memref<64xi32, #tpu.memory_space<vmem>>) semaphore(%arg15 : memref<!tpu.dma_semaphore, #tpu.memory_space<semaphore_mem>>)
    %dma_start3A_16 = arith.constant 1 : i32
    %dma_start3A_17 = arith.constant 0 : i32
    %dma_start3A_18 = tpu.memref_slice %arg7[%dma_start3A_16, %dma_start3A_17] : memref<80x128xi32, #tpu.memory_space<vmem>> -> memref<1x64xi32, #tpu.memory_space<vmem>>
    %dma_start3A_19 = tpu.memref_squeeze %dma_start3A_18 : memref<1x64xi32, #tpu.memory_space<vmem>> -> memref<64xi32, #tpu.memory_space<vmem>>
    %dma_start3A_20 = arith.constant 0 : i32
    %dma_start3A_21 = arith.constant 0 : i32
    %dma_start3A_22 = tpu.memref_slice %arg2[%dma_start3A_20, %dma_start3A_21] : memref<10240x128xf32, #tpu.memory_space<hbm>> -> memref<10240x128xf32, #tpu.memory_space<hbm>>
    tpu.enqueue_indirect_dma source(%dma_start3A_22 : memref<10240x128xf32, #tpu.memory_space<hbm>>) target(%arg11 : memref<64x128xf32, #tpu.memory_space<vmem>>) offsets(%dma_start3A_19 : memref<64xi32, #tpu.memory_space<vmem>>) semaphore(%arg16 : memref<!tpu.dma_semaphore, #tpu.memory_space<semaphore_mem>>)
    %dma_start3A_23 = arith.constant 1 : i32
    %dma_start3A_24 = arith.constant 64 : i32
    %dma_start3A_25 = tpu.memref_slice %arg7[%dma_start3A_23, %dma_start3A_24] : memref<80x128xi32, #tpu.memory_space<vmem>> -> memref<1x64xi32, #tpu.memory_space<vmem>>
    %dma_start3A_26 = tpu.memref_squeeze %dma_start3A_25 : memref<1x64xi32, #tpu.memory_space<vmem>> -> memref<64xi32, #tpu.memory_space<vmem>>
    %dma_start3A_27 = arith.constant 0 : i32
    %dma_start3A_28 = arith.constant 0 : i32
    %dma_start3A_29 = tpu.memref_slice %arg2[%dma_start3A_27, %dma_start3A_28] : memref<10240x128xf32, #tpu.memory_space<hbm>> -> memref<10240x128xf32, #tpu.memory_space<hbm>>
    tpu.enqueue_indirect_dma source(%dma_start3A_29 : memref<10240x128xf32, #tpu.memory_space<hbm>>) target(%arg12 : memref<64x128xf32, #tpu.memory_space<vmem>>) offsets(%dma_start3A_26 : memref<64xi32, #tpu.memory_space<vmem>>) semaphore(%arg17 : memref<!tpu.dma_semaphore, #tpu.memory_space<semaphore_mem>>)
    "tpu.region"() ({
      %run_scoped3A = tpu.sem_alloc : memref<!tpu.dma_semaphore, #tpu.memory_space<semaphore_mem>>
      %dma_start3A_50 = arith.constant 0 : i32
      %dma_start3A_51 = arith.constant 0 : i32
      %dma_start3A_52 = tpu.memref_slice %arg4[%add3A, %dma_start3A_50, %dma_start3A_51] : memref<32x160x64xi32, #tpu.memory_space<hbm>> -> memref<1x40x64xi32, #tpu.memory_space<hbm>>
      %dma_start3A_53 = tpu.memref_squeeze %dma_start3A_52 : memref<1x40x64xi32, #tpu.memory_space<hbm>> -> memref<40x64xi32, #tpu.memory_space<hbm>>
      %dma_start3A_54 = arith.constant 0 : i32
      %dma_start3A_55 = arith.constant 0 : i32
      %dma_start3A_56 = tpu.memref_slice %arg4[%add3A, %dma_start3A_54, %dma_start3A_55] : memref<32x160x64xi32, #tpu.memory_space<hbm>> -> memref<1x40x64xi32, #tpu.memory_space<hbm>>
      %dma_start3A_57 = tpu.memref_squeeze %dma_start3A_56 : memref<1x40x64xi32, #tpu.memory_space<hbm>> -> memref<40x64xi32, #tpu.memory_space<hbm>>
      tpu.enqueue_dma source(%dma_start3A_57 : memref<40x64xi32, #tpu.memory_space<hbm>>) target(%arg8 : memref<40x64xi32, #tpu.memory_space<vmem>>) target_semaphore(%run_scoped3A : memref<!tpu.dma_semaphore, #tpu.memory_space<semaphore_mem>>)
      %dma_wait3A = arith.constant 0 : i32
      %dma_wait3A_58 = arith.constant 0 : i32
      %dma_wait3A_59 = tpu.memref_slice %arg4[%add3A, %dma_wait3A, %dma_wait3A_58] : memref<32x160x64xi32, #tpu.memory_space<hbm>> -> memref<1x40x64xi32, #tpu.memory_space<hbm>>
      %dma_wait3A_60 = tpu.memref_squeeze %dma_wait3A_59 : memref<1x40x64xi32, #tpu.memory_space<hbm>> -> memref<40x64xi32, #tpu.memory_space<hbm>>
      %dma_wait3A_61 = arith.constant 0 : i32
      %dma_wait3A_62 = arith.constant 0 : i32
      %dma_wait3A_63 = tpu.memref_slice %arg4[%add3A, %dma_wait3A_61, %dma_wait3A_62] : memref<32x160x64xi32, #tpu.memory_space<hbm>> -> memref<1x40x64xi32, #tpu.memory_space<hbm>>
      %dma_wait3A_64 = tpu.memref_squeeze %dma_wait3A_63 : memref<1x40x64xi32, #tpu.memory_space<hbm>> -> memref<40x64xi32, #tpu.memory_space<hbm>>
      tpu.wait_dma2 semaphore(%run_scoped3A : memref<!tpu.dma_semaphore, #tpu.memory_space<semaphore_mem>>) src(%dma_wait3A_64 : memref<40x64xi32, #tpu.memory_space<hbm>>) dst(%arg8 : memref<40x64xi32, #tpu.memory_space<vmem>>)
      tpu.yield
    }) : () -> ()
    %scan3A = arith.constant 0 : i32
    %scan3A_30 = arith.constant 10 : i32
    %scan3A_31 = arith.addi %scan3A, %scan3A_30 : i32
    %scan3A_32 = arith.constant 1 : i32
    scf.for %scan3A_50 = %scan3A to %scan3A_31 step %scan3A_32  : i32 {
      %mul3A_51 = arith.constant 4 : i32
      %mul3A_52 = arith.muli %scan3A_50, %mul3A_51 : i32
      %add3A_53 = arith.constant 0 : i32
      %add3A_54 = arith.addi %add3A_53, %mul3A_52 : i32
      %add3A_55 = arith.constant 0 : i32
      %add3A_56 = arith.addi %add3A_54, %add3A_55 : i32
      %mul3A_57 = arith.constant 4 : i32
      %mul3A_58 = arith.muli %scan3A_50, %mul3A_57 : i32
      %add3A_59 = arith.constant 0 : i32
      %add3A_60 = arith.addi %mul3A_58, %add3A_59 : i32
      %jit3A = arith.constant 2 : i32
      %div3A = arith.divsi %add3A_56, %jit3A : i32
      %sign3A = arith.constant 0 : i32
      %sign3A_61 = arith.cmpi sgt, %add3A_56, %sign3A : i32
      %sign3A_62 = arith.extui %sign3A_61 : i1 to i32
      %sign3A_63 = arith.constant 0 : i32
      %sign3A_64 = arith.cmpi slt, %add3A_56, %sign3A_63 : i32
      %sign3A_65 = arith.extui %sign3A_64 : i1 to i32
      %sign3A_66 = arith.subi %sign3A_62, %sign3A_65 : i32
      %sign3A_67 = arith.constant 0 : i32
      %sign3A_68 = arith.cmpi sgt, %jit3A, %sign3A_67 : i32
      %sign3A_69 = arith.extui %sign3A_68 : i1 to i32
      %sign3A_70 = arith.constant 0 : i32
      %sign3A_71 = arith.cmpi slt, %jit3A, %sign3A_70 : i32
      %sign3A_72 = arith.extui %sign3A_71 : i1 to i32
      %sign3A_73 = arith.subi %sign3A_69, %sign3A_72 : i32
      %ne3A = arith.cmpi ne, %sign3A_66, %sign3A_73 : i32
      %rem3A = arith.remsi %add3A_56, %jit3A : i32
      %ne3A_74 = arith.constant 0 : i32
      %ne3A_75 = arith.cmpi ne, %rem3A, %ne3A_74 : i32
      %and3A = arith.andi %ne3A, %ne3A_75 : i1
      %sub3A = arith.constant 1 : i32
      %sub3A_76 = arith.subi %div3A, %sub3A : i32
      %select_n3A = arith.select %and3A, %sub3A_76, %div3A : i32
      %dma_wait3A = arith.constant 0 : i32
      %dma_wait3A_77 = tpu.memref_slice %arg7[%select_n3A, %dma_wait3A] : memref<80x128xi32, #tpu.memory_space<vmem>> -> memref<1x64xi32, #tpu.memory_space<vmem>>
      %dma_wait3A_78 = tpu.memref_squeeze %dma_wait3A_77 : memref<1x64xi32, #tpu.memory_space<vmem>> -> memref<64xi32, #tpu.memory_space<vmem>>
      %dma_wait3A_79 = arith.constant 0 : i32
      %dma_wait3A_80 = arith.constant 0 : i32
      %dma_wait3A_81 = tpu.memref_slice %arg2[%dma_wait3A_79, %dma_wait3A_80] : memref<10240x128xf32, #tpu.memory_space<hbm>> -> memref<10240x128xf32, #tpu.memory_space<hbm>>
      tpu.wait_indirect_dma semaphore(%arg14 : memref<!tpu.dma_semaphore, #tpu.memory_space<semaphore_mem>>) src(%dma_wait3A_81 : memref<10240x128xf32, #tpu.memory_space<hbm>>) dst(%arg9 : memref<64x128xf32, #tpu.memory_space<vmem>>)
      "tpu.region"() ({
        %run_scoped3A = tpu.sem_alloc : memref<!tpu.dma_semaphore, #tpu.memory_space<semaphore_mem>>
        %dma_start3A_227 = arith.constant 0 : i32
        %dma_start3A_228 = tpu.memref_slice %arg8[%add3A_60, %dma_start3A_227] : memref<40x64xi32, #tpu.memory_space<vmem>> -> memref<1x64xi32, #tpu.memory_space<vmem>>
        %dma_start3A_229 = tpu.memref_squeeze %dma_start3A_228 : memref<1x64xi32, #tpu.memory_space<vmem>> -> memref<64xi32, #tpu.memory_space<vmem>>
        %dma_start3A_230 = arith.constant 0 : i32
        %dma_start3A_231 = arith.constant 0 : i32
        %dma_start3A_232 = tpu.memref_slice %arg13[%dma_start3A_230, %dma_start3A_231] : memref<10240x128xf32, #tpu.memory_space<vmem_shared>> -> memref<10240x128xf32, #tpu.memory_space<vmem_shared>>
        tpu.enqueue_indirect_dma source(%arg9 : memref<64x128xf32, #tpu.memory_space<vmem>>) target(%dma_start3A_232 : memref<10240x128xf32, #tpu.memory_space<vmem_shared>>) offsets(%dma_start3A_229 : memref<64xi32, #tpu.memory_space<vmem>>) semaphore(%run_scoped3A : memref<!tpu.dma_semaphore, #tpu.memory_space<semaphore_mem>>) {add = true}
        %dma_wait3A_233 = arith.constant 0 : i32
        %dma_wait3A_234 = tpu.memref_slice %arg8[%add3A_60, %dma_wait3A_233] : memref<40x64xi32, #tpu.memory_space<vmem>> -> memref<1x64xi32, #tpu.memory_space<vmem>>
        %dma_wait3A_235 = tpu.memref_squeeze %dma_wait3A_234 : memref<1x64xi32, #tpu.memory_space<vmem>> -> memref<64xi32, #tpu.memory_space<vmem>>
        %dma_wait3A_236 = arith.constant 0 : i32
        %dma_wait3A_237 = arith.constant 0 : i32
        %dma_wait3A_238 = tpu.memref_slice %arg13[%dma_wait3A_236, %dma_wait3A_237] : memref<10240x128xf32, #tpu.memory_space<vmem_shared>> -> memref<10240x128xf32, #tpu.memory_space<vmem_shared>>
        tpu.wait_indirect_dma semaphore(%run_scoped3A : memref<!tpu.dma_semaphore, #tpu.memory_space<semaphore_mem>>) src(%arg9 : memref<64x128xf32, #tpu.memory_space<vmem>>) dst(%dma_wait3A_238 : memref<10240x128xf32, #tpu.memory_space<vmem_shared>>)
        tpu.yield
      }) : () -> ()
      %add3A_82 = arith.constant 4 : i32
      %add3A_83 = arith.addi %add3A_56, %add3A_82 : i32
      %lt3A = arith.constant 160 : i32
      %lt3A_84 = arith.cmpi slt, %add3A_83, %lt3A : i32
      %convert_element_type3A = arith.extui %lt3A_84 : i1 to i32
      %cond3A = arith.constant 0 : i32
      %cond3A_85 = arith.cmpi ne, %convert_element_type3A, %cond3A : i32
      scf.if %cond3A_85 {
        %jit3A_227 = arith.constant 2 : i32
        %div3A_228 = arith.divsi %add3A_83, %jit3A_227 : i32
        %sign3A_229 = arith.constant 0 : i32
        %sign3A_230 = arith.cmpi sgt, %add3A_83, %sign3A_229 : i32
        %sign3A_231 = arith.extui %sign3A_230 : i1 to i32
        %sign3A_232 = arith.constant 0 : i32
        %sign3A_233 = arith.cmpi slt, %add3A_83, %sign3A_232 : i32
        %sign3A_234 = arith.extui %sign3A_233 : i1 to i32
        %sign3A_235 = arith.subi %sign3A_231, %sign3A_234 : i32
        %sign3A_236 = arith.constant 0 : i32
        %sign3A_237 = arith.cmpi sgt, %jit3A_227, %sign3A_236 : i32
        %sign3A_238 = arith.extui %sign3A_237 : i1 to i32
        %sign3A_239 = arith.constant 0 : i32
        %sign3A_240 = arith.cmpi slt, %jit3A_227, %sign3A_239 : i32
        %sign3A_241 = arith.extui %sign3A_240 : i1 to i32
        %sign3A_242 = arith.subi %sign3A_238, %sign3A_241 : i32
        %ne3A_243 = arith.cmpi ne, %sign3A_235, %sign3A_242 : i32
        %rem3A_244 = arith.remsi %add3A_83, %jit3A_227 : i32
        %ne3A_245 = arith.constant 0 : i32
        %ne3A_246 = arith.cmpi ne, %rem3A_244, %ne3A_245 : i32
        %and3A_247 = arith.andi %ne3A_243, %ne3A_246 : i1
        %sub3A_248 = arith.constant 1 : i32
        %sub3A_249 = arith.subi %div3A_228, %sub3A_248 : i32
        %select_n3A_250 = arith.select %and3A_247, %sub3A_249, %div3A_228 : i32
        %dma_start3A_251 = arith.constant 0 : i32
        %dma_start3A_252 = tpu.memref_slice %arg7[%select_n3A_250, %dma_start3A_251] : memref<80x128xi32, #tpu.memory_space<vmem>> -> memref<1x64xi32, #tpu.memory_space<vmem>>
        %dma_start3A_253 = tpu.memref_squeeze %dma_start3A_252 : memref<1x64xi32, #tpu.memory_space<vmem>> -> memref<64xi32, #tpu.memory_space<vmem>>
        %dma_start3A_254 = arith.constant 0 : i32
        %dma_start3A_255 = arith.constant 0 : i32
        %dma_start3A_256 = tpu.memref_slice %arg2[%dma_start3A_254, %dma_start3A_255] : memref<10240x128xf32, #tpu.memory_space<hbm>> -> memref<10240x128xf32, #tpu.memory_space<hbm>>
        tpu.enqueue_indirect_dma source(%dma_start3A_256 : memref<10240x128xf32, #tpu.memory_space<hbm>>) target(%arg9 : memref<64x128xf32, #tpu.memory_space<vmem>>) offsets(%dma_start3A_253 : memref<64xi32, #tpu.memory_space<vmem>>) semaphore(%arg14 : memref<!tpu.dma_semaphore, #tpu.memory_space<semaphore_mem>>)
      } else {
      }
      %mul3A_86 = arith.constant 4 : i32
      %mul3A_87 = arith.muli %scan3A_50, %mul3A_86 : i32
      %add3A_88 = arith.constant 0 : i32
      %add3A_89 = arith.addi %add3A_88, %mul3A_87 : i32
      %add3A_90 = arith.constant 1 : i32
      %add3A_91 = arith.addi %add3A_89, %add3A_90 : i32
      %mul3A_92 = arith.constant 4 : i32
      %mul3A_93 = arith.muli %scan3A_50, %mul3A_92 : i32
      %add3A_94 = arith.constant 1 : i32
      %add3A_95 = arith.addi %mul3A_93, %add3A_94 : i32
      %jit3A_96 = arith.constant 2 : i32
      %div3A_97 = arith.divsi %add3A_91, %jit3A_96 : i32
      %sign3A_98 = arith.constant 0 : i32
      %sign3A_99 = arith.cmpi sgt, %add3A_91, %sign3A_98 : i32
      %sign3A_100 = arith.extui %sign3A_99 : i1 to i32
      %sign3A_101 = arith.constant 0 : i32
      %sign3A_102 = arith.cmpi slt, %add3A_91, %sign3A_101 : i32
      %sign3A_103 = arith.extui %sign3A_102 : i1 to i32
      %sign3A_104 = arith.subi %sign3A_100, %sign3A_103 : i32
      %sign3A_105 = arith.constant 0 : i32
      %sign3A_106 = arith.cmpi sgt, %jit3A_96, %sign3A_105 : i32
      %sign3A_107 = arith.extui %sign3A_106 : i1 to i32
      %sign3A_108 = arith.constant 0 : i32
      %sign3A_109 = arith.cmpi slt, %jit3A_96, %sign3A_108 : i32
      %sign3A_110 = arith.extui %sign3A_109 : i1 to i32
      %sign3A_111 = arith.subi %sign3A_107, %sign3A_110 : i32
      %ne3A_112 = arith.cmpi ne, %sign3A_104, %sign3A_111 : i32
      %rem3A_113 = arith.remsi %add3A_91, %jit3A_96 : i32
      %ne3A_114 = arith.constant 0 : i32
      %ne3A_115 = arith.cmpi ne, %rem3A_113, %ne3A_114 : i32
      %and3A_116 = arith.andi %ne3A_112, %ne3A_115 : i1
      %sub3A_117 = arith.constant 1 : i32
      %sub3A_118 = arith.subi %div3A_97, %sub3A_117 : i32
      %select_n3A_119 = arith.select %and3A_116, %sub3A_118, %div3A_97 : i32
      %dma_wait3A_120 = arith.constant 64 : i32
      %dma_wait3A_121 = tpu.memref_slice %arg7[%select_n3A_119, %dma_wait3A_120] : memref<80x128xi32, #tpu.memory_space<vmem>> -> memref<1x64xi32, #tpu.memory_space<vmem>>
      %dma_wait3A_122 = tpu.memref_squeeze %dma_wait3A_121 : memref<1x64xi32, #tpu.memory_space<vmem>> -> memref<64xi32, #tpu.memory_space<vmem>>
      %dma_wait3A_123 = arith.constant 0 : i32
      %dma_wait3A_124 = arith.constant 0 : i32
      %dma_wait3A_125 = tpu.memref_slice %arg2[%dma_wait3A_123, %dma_wait3A_124] : memref<10240x128xf32, #tpu.memory_space<hbm>> -> memref<10240x128xf32, #tpu.memory_space<hbm>>
      tpu.wait_indirect_dma semaphore(%arg15 : memref<!tpu.dma_semaphore, #tpu.memory_space<semaphore_mem>>) src(%dma_wait3A_125 : memref<10240x128xf32, #tpu.memory_space<hbm>>) dst(%arg10 : memref<64x128xf32, #tpu.memory_space<vmem>>)
      "tpu.region"() ({
        %run_scoped3A = tpu.sem_alloc : memref<!tpu.dma_semaphore, #tpu.memory_space<semaphore_mem>>
        %dma_start3A_227 = arith.constant 0 : i32
        %dma_start3A_228 = tpu.memref_slice %arg8[%add3A_95, %dma_start3A_227] : memref<40x64xi32, #tpu.memory_space<vmem>> -> memref<1x64xi32, #tpu.memory_space<vmem>>
        %dma_start3A_229 = tpu.memref_squeeze %dma_start3A_228 : memref<1x64xi32, #tpu.memory_space<vmem>> -> memref<64xi32, #tpu.memory_space<vmem>>
        %dma_start3A_230 = arith.constant 0 : i32
        %dma_start3A_231 = arith.constant 0 : i32
        %dma_start3A_232 = tpu.memref_slice %arg13[%dma_start3A_230, %dma_start3A_231] : memref<10240x128xf32, #tpu.memory_space<vmem_shared>> -> memref<10240x128xf32, #tpu.memory_space<vmem_shared>>
        tpu.enqueue_indirect_dma source(%arg10 : memref<64x128xf32, #tpu.memory_space<vmem>>) target(%dma_start3A_232 : memref<10240x128xf32, #tpu.memory_space<vmem_shared>>) offsets(%dma_start3A_229 : memref<64xi32, #tpu.memory_space<vmem>>) semaphore(%run_scoped3A : memref<!tpu.dma_semaphore, #tpu.memory_space<semaphore_mem>>) {add = true}
        %dma_wait3A_233 = arith.constant 0 : i32
        %dma_wait3A_234 = tpu.memref_slice %arg8[%add3A_95, %dma_wait3A_233] : memref<40x64xi32, #tpu.memory_space<vmem>> -> memref<1x64xi32, #tpu.memory_space<vmem>>
        %dma_wait3A_235 = tpu.memref_squeeze %dma_wait3A_234 : memref<1x64xi32, #tpu.memory_space<vmem>> -> memref<64xi32, #tpu.memory_space<vmem>>
        %dma_wait3A_236 = arith.constant 0 : i32
        %dma_wait3A_237 = arith.constant 0 : i32
        %dma_wait3A_238 = tpu.memref_slice %arg13[%dma_wait3A_236, %dma_wait3A_237] : memref<10240x128xf32, #tpu.memory_space<vmem_shared>> -> memref<10240x128xf32, #tpu.memory_space<vmem_shared>>
        tpu.wait_indirect_dma semaphore(%run_scoped3A : memref<!tpu.dma_semaphore, #tpu.memory_space<semaphore_mem>>) src(%arg10 : memref<64x128xf32, #tpu.memory_space<vmem>>) dst(%dma_wait3A_238 : memref<10240x128xf32, #tpu.memory_space<vmem_shared>>)
        tpu.yield
      }) : () -> ()
      %add3A_126 = arith.constant 4 : i32
      %add3A_127 = arith.addi %add3A_91, %add3A_126 : i32
      %lt3A_128 = arith.constant 160 : i32
      %lt3A_129 = arith.cmpi slt, %add3A_127, %lt3A_128 : i32
      %convert_element_type3A_130 = arith.extui %lt3A_129 : i1 to i32
      %cond3A_131 = arith.constant 0 : i32
      %cond3A_132 = arith.cmpi ne, %convert_element_type3A_130, %cond3A_131 : i32
      scf.if %cond3A_132 {
        %jit3A_227 = arith.constant 2 : i32
        %div3A_228 = arith.divsi %add3A_127, %jit3A_227 : i32
        %sign3A_229 = arith.constant 0 : i32
        %sign3A_230 = arith.cmpi sgt, %add3A_127, %sign3A_229 : i32
        %sign3A_231 = arith.extui %sign3A_230 : i1 to i32
        %sign3A_232 = arith.constant 0 : i32
        %sign3A_233 = arith.cmpi slt, %add3A_127, %sign3A_232 : i32
        %sign3A_234 = arith.extui %sign3A_233 : i1 to i32
        %sign3A_235 = arith.subi %sign3A_231, %sign3A_234 : i32
        %sign3A_236 = arith.constant 0 : i32
        %sign3A_237 = arith.cmpi sgt, %jit3A_227, %sign3A_236 : i32
        %sign3A_238 = arith.extui %sign3A_237 : i1 to i32
        %sign3A_239 = arith.constant 0 : i32
        %sign3A_240 = arith.cmpi slt, %jit3A_227, %sign3A_239 : i32
        %sign3A_241 = arith.extui %sign3A_240 : i1 to i32
        %sign3A_242 = arith.subi %sign3A_238, %sign3A_241 : i32
        %ne3A_243 = arith.cmpi ne, %sign3A_235, %sign3A_242 : i32
        %rem3A_244 = arith.remsi %add3A_127, %jit3A_227 : i32
        %ne3A_245 = arith.constant 0 : i32
        %ne3A_246 = arith.cmpi ne, %rem3A_244, %ne3A_245 : i32
        %and3A_247 = arith.andi %ne3A_243, %ne3A_246 : i1
        %sub3A_248 = arith.constant 1 : i32
        %sub3A_249 = arith.subi %div3A_228, %sub3A_248 : i32
        %select_n3A_250 = arith.select %and3A_247, %sub3A_249, %div3A_228 : i32
        %dma_start3A_251 = arith.constant 64 : i32
        %dma_start3A_252 = tpu.memref_slice %arg7[%select_n3A_250, %dma_start3A_251] : memref<80x128xi32, #tpu.memory_space<vmem>> -> memref<1x64xi32, #tpu.memory_space<vmem>>
        %dma_start3A_253 = tpu.memref_squeeze %dma_start3A_252 : memref<1x64xi32, #tpu.memory_space<vmem>> -> memref<64xi32, #tpu.memory_space<vmem>>
        %dma_start3A_254 = arith.constant 0 : i32
        %dma_start3A_255 = arith.constant 0 : i32
        %dma_start3A_256 = tpu.memref_slice %arg2[%dma_start3A_254, %dma_start3A_255] : memref<10240x128xf32, #tpu.memory_space<hbm>> -> memref<10240x128xf32, #tpu.memory_space<hbm>>
        tpu.enqueue_indirect_dma source(%dma_start3A_256 : memref<10240x128xf32, #tpu.memory_space<hbm>>) target(%arg10 : memref<64x128xf32, #tpu.memory_space<vmem>>) offsets(%dma_start3A_253 : memref<64xi32, #tpu.memory_space<vmem>>) semaphore(%arg15 : memref<!tpu.dma_semaphore, #tpu.memory_space<semaphore_mem>>)
      } else {
      }
      %mul3A_133 = arith.constant 4 : i32
      %mul3A_134 = arith.muli %scan3A_50, %mul3A_133 : i32
      %add3A_135 = arith.constant 0 : i32
      %add3A_136 = arith.addi %add3A_135, %mul3A_134 : i32
      %add3A_137 = arith.constant 2 : i32
      %add3A_138 = arith.addi %add3A_136, %add3A_137 : i32
      %mul3A_139 = arith.constant 4 : i32
      %mul3A_140 = arith.muli %scan3A_50, %mul3A_139 : i32
      %add3A_141 = arith.constant 2 : i32
      %add3A_142 = arith.addi %mul3A_140, %add3A_141 : i32
      %jit3A_143 = arith.constant 2 : i32
      %div3A_144 = arith.divsi %add3A_138, %jit3A_143 : i32
      %sign3A_145 = arith.constant 0 : i32
      %sign3A_146 = arith.cmpi sgt, %add3A_138, %sign3A_145 : i32
      %sign3A_147 = arith.extui %sign3A_146 : i1 to i32
      %sign3A_148 = arith.constant 0 : i32
      %sign3A_149 = arith.cmpi slt, %add3A_138, %sign3A_148 : i32
      %sign3A_150 = arith.extui %sign3A_149 : i1 to i32
      %sign3A_151 = arith.subi %sign3A_147, %sign3A_150 : i32
      %sign3A_152 = arith.constant 0 : i32
      %sign3A_153 = arith.cmpi sgt, %jit3A_143, %sign3A_152 : i32
      %sign3A_154 = arith.extui %sign3A_153 : i1 to i32
      %sign3A_155 = arith.constant 0 : i32
      %sign3A_156 = arith.cmpi slt, %jit3A_143, %sign3A_155 : i32
      %sign3A_157 = arith.extui %sign3A_156 : i1 to i32
      %sign3A_158 = arith.subi %sign3A_154, %sign3A_157 : i32
      %ne3A_159 = arith.cmpi ne, %sign3A_151, %sign3A_158 : i32
      %rem3A_160 = arith.remsi %add3A_138, %jit3A_143 : i32
      %ne3A_161 = arith.constant 0 : i32
      %ne3A_162 = arith.cmpi ne, %rem3A_160, %ne3A_161 : i32
      %and3A_163 = arith.andi %ne3A_159, %ne3A_162 : i1
      %sub3A_164 = arith.constant 1 : i32
      %sub3A_165 = arith.subi %div3A_144, %sub3A_164 : i32
      %select_n3A_166 = arith.select %and3A_163, %sub3A_165, %div3A_144 : i32
      %dma_wait3A_167 = arith.constant 0 : i32
      %dma_wait3A_168 = tpu.memref_slice %arg7[%select_n3A_166, %dma_wait3A_167] : memref<80x128xi32, #tpu.memory_space<vmem>> -> memref<1x64xi32, #tpu.memory_space<vmem>>
      %dma_wait3A_169 = tpu.memref_squeeze %dma_wait3A_168 : memref<1x64xi32, #tpu.memory_space<vmem>> -> memref<64xi32, #tpu.memory_space<vmem>>
      %dma_wait3A_170 = arith.constant 0 : i32
      %dma_wait3A_171 = arith.constant 0 : i32
      %dma_wait3A_172 = tpu.memref_slice %arg2[%dma_wait3A_170, %dma_wait3A_171] : memref<10240x128xf32, #tpu.memory_space<hbm>> -> memref<10240x128xf32, #tpu.memory_space<hbm>>
      tpu.wait_indirect_dma semaphore(%arg16 : memref<!tpu.dma_semaphore, #tpu.memory_space<semaphore_mem>>) src(%dma_wait3A_172 : memref<10240x128xf32, #tpu.memory_space<hbm>>) dst(%arg11 : memref<64x128xf32, #tpu.memory_space<vmem>>)
      "tpu.region"() ({
        %run_scoped3A = tpu.sem_alloc : memref<!tpu.dma_semaphore, #tpu.memory_space<semaphore_mem>>
        %dma_start3A_227 = arith.constant 0 : i32
        %dma_start3A_228 = tpu.memref_slice %arg8[%add3A_142, %dma_start3A_227] : memref<40x64xi32, #tpu.memory_space<vmem>> -> memref<1x64xi32, #tpu.memory_space<vmem>>
        %dma_start3A_229 = tpu.memref_squeeze %dma_start3A_228 : memref<1x64xi32, #tpu.memory_space<vmem>> -> memref<64xi32, #tpu.memory_space<vmem>>
        %dma_start3A_230 = arith.constant 0 : i32
        %dma_start3A_231 = arith.constant 0 : i32
        %dma_start3A_232 = tpu.memref_slice %arg13[%dma_start3A_230, %dma_start3A_231] : memref<10240x128xf32, #tpu.memory_space<vmem_shared>> -> memref<10240x128xf32, #tpu.memory_space<vmem_shared>>
        tpu.enqueue_indirect_dma source(%arg11 : memref<64x128xf32, #tpu.memory_space<vmem>>) target(%dma_start3A_232 : memref<10240x128xf32, #tpu.memory_space<vmem_shared>>) offsets(%dma_start3A_229 : memref<64xi32, #tpu.memory_space<vmem>>) semaphore(%run_scoped3A : memref<!tpu.dma_semaphore, #tpu.memory_space<semaphore_mem>>) {add = true}
        %dma_wait3A_233 = arith.constant 0 : i32
        %dma_wait3A_234 = tpu.memref_slice %arg8[%add3A_142, %dma_wait3A_233] : memref<40x64xi32, #tpu.memory_space<vmem>> -> memref<1x64xi32, #tpu.memory_space<vmem>>
        %dma_wait3A_235 = tpu.memref_squeeze %dma_wait3A_234 : memref<1x64xi32, #tpu.memory_space<vmem>> -> memref<64xi32, #tpu.memory_space<vmem>>
        %dma_wait3A_236 = arith.constant 0 : i32
        %dma_wait3A_237 = arith.constant 0 : i32
        %dma_wait3A_238 = tpu.memref_slice %arg13[%dma_wait3A_236, %dma_wait3A_237] : memref<10240x128xf32, #tpu.memory_space<vmem_shared>> -> memref<10240x128xf32, #tpu.memory_space<vmem_shared>>
        tpu.wait_indirect_dma semaphore(%run_scoped3A : memref<!tpu.dma_semaphore, #tpu.memory_space<semaphore_mem>>) src(%arg11 : memref<64x128xf32, #tpu.memory_space<vmem>>) dst(%dma_wait3A_238 : memref<10240x128xf32, #tpu.memory_space<vmem_shared>>)
        tpu.yield
      }) : () -> ()
      %add3A_173 = arith.constant 4 : i32
      %add3A_174 = arith.addi %add3A_138, %add3A_173 : i32
      %lt3A_175 = arith.constant 160 : i32
      %lt3A_176 = arith.cmpi slt, %add3A_174, %lt3A_175 : i32
      %convert_element_type3A_177 = arith.extui %lt3A_176 : i1 to i32
      %cond3A_178 = arith.constant 0 : i32
      %cond3A_179 = arith.cmpi ne, %convert_element_type3A_177, %cond3A_178 : i32
      scf.if %cond3A_179 {
        %jit3A_227 = arith.constant 2 : i32
        %div3A_228 = arith.divsi %add3A_174, %jit3A_227 : i32
        %sign3A_229 = arith.constant 0 : i32
        %sign3A_230 = arith.cmpi sgt, %add3A_174, %sign3A_229 : i32
        %sign3A_231 = arith.extui %sign3A_230 : i1 to i32
        %sign3A_232 = arith.constant 0 : i32
        %sign3A_233 = arith.cmpi slt, %add3A_174, %sign3A_232 : i32
        %sign3A_234 = arith.extui %sign3A_233 : i1 to i32
        %sign3A_235 = arith.subi %sign3A_231, %sign3A_234 : i32
        %sign3A_236 = arith.constant 0 : i32
        %sign3A_237 = arith.cmpi sgt, %jit3A_227, %sign3A_236 : i32
        %sign3A_238 = arith.extui %sign3A_237 : i1 to i32
        %sign3A_239 = arith.constant 0 : i32
        %sign3A_240 = arith.cmpi slt, %jit3A_227, %sign3A_239 : i32
        %sign3A_241 = arith.extui %sign3A_240 : i1 to i32
        %sign3A_242 = arith.subi %sign3A_238, %sign3A_241 : i32
        %ne3A_243 = arith.cmpi ne, %sign3A_235, %sign3A_242 : i32
        %rem3A_244 = arith.remsi %add3A_174, %jit3A_227 : i32
        %ne3A_245 = arith.constant 0 : i32
        %ne3A_246 = arith.cmpi ne, %rem3A_244, %ne3A_245 : i32
        %and3A_247 = arith.andi %ne3A_243, %ne3A_246 : i1
        %sub3A_248 = arith.constant 1 : i32
        %sub3A_249 = arith.subi %div3A_228, %sub3A_248 : i32
        %select_n3A_250 = arith.select %and3A_247, %sub3A_249, %div3A_228 : i32
        %dma_start3A_251 = arith.constant 0 : i32
        %dma_start3A_252 = tpu.memref_slice %arg7[%select_n3A_250, %dma_start3A_251] : memref<80x128xi32, #tpu.memory_space<vmem>> -> memref<1x64xi32, #tpu.memory_space<vmem>>
        %dma_start3A_253 = tpu.memref_squeeze %dma_start3A_252 : memref<1x64xi32, #tpu.memory_space<vmem>> -> memref<64xi32, #tpu.memory_space<vmem>>
        %dma_start3A_254 = arith.constant 0 : i32
        %dma_start3A_255 = arith.constant 0 : i32
        %dma_start3A_256 = tpu.memref_slice %arg2[%dma_start3A_254, %dma_start3A_255] : memref<10240x128xf32, #tpu.memory_space<hbm>> -> memref<10240x128xf32, #tpu.memory_space<hbm>>
        tpu.enqueue_indirect_dma source(%dma_start3A_256 : memref<10240x128xf32, #tpu.memory_space<hbm>>) target(%arg11 : memref<64x128xf32, #tpu.memory_space<vmem>>) offsets(%dma_start3A_253 : memref<64xi32, #tpu.memory_space<vmem>>) semaphore(%arg16 : memref<!tpu.dma_semaphore, #tpu.memory_space<semaphore_mem>>)
      } else {
      }
      %mul3A_180 = arith.constant 4 : i32
      %mul3A_181 = arith.muli %scan3A_50, %mul3A_180 : i32
      %add3A_182 = arith.constant 0 : i32
      %add3A_183 = arith.addi %add3A_182, %mul3A_181 : i32
      %add3A_184 = arith.constant 3 : i32
      %add3A_185 = arith.addi %add3A_183, %add3A_184 : i32
      %mul3A_186 = arith.constant 4 : i32
      %mul3A_187 = arith.muli %scan3A_50, %mul3A_186 : i32
      %add3A_188 = arith.constant 3 : i32
      %add3A_189 = arith.addi %mul3A_187, %add3A_188 : i32
      %jit3A_190 = arith.constant 2 : i32
      %div3A_191 = arith.divsi %add3A_185, %jit3A_190 : i32
      %sign3A_192 = arith.constant 0 : i32
      %sign3A_193 = arith.cmpi sgt, %add3A_185, %sign3A_192 : i32
      %sign3A_194 = arith.extui %sign3A_193 : i1 to i32
      %sign3A_195 = arith.constant 0 : i32
      %sign3A_196 = arith.cmpi slt, %add3A_185, %sign3A_195 : i32
      %sign3A_197 = arith.extui %sign3A_196 : i1 to i32
      %sign3A_198 = arith.subi %sign3A_194, %sign3A_197 : i32
      %sign3A_199 = arith.constant 0 : i32
      %sign3A_200 = arith.cmpi sgt, %jit3A_190, %sign3A_199 : i32
      %sign3A_201 = arith.extui %sign3A_200 : i1 to i32
      %sign3A_202 = arith.constant 0 : i32
      %sign3A_203 = arith.cmpi slt, %jit3A_190, %sign3A_202 : i32
      %sign3A_204 = arith.extui %sign3A_203 : i1 to i32
      %sign3A_205 = arith.subi %sign3A_201, %sign3A_204 : i32
      %ne3A_206 = arith.cmpi ne, %sign3A_198, %sign3A_205 : i32
      %rem3A_207 = arith.remsi %add3A_185, %jit3A_190 : i32
      %ne3A_208 = arith.constant 0 : i32
      %ne3A_209 = arith.cmpi ne, %rem3A_207, %ne3A_208 : i32
      %and3A_210 = arith.andi %ne3A_206, %ne3A_209 : i1
      %sub3A_211 = arith.constant 1 : i32
      %sub3A_212 = arith.subi %div3A_191, %sub3A_211 : i32
      %select_n3A_213 = arith.select %and3A_210, %sub3A_212, %div3A_191 : i32
      %dma_wait3A_214 = arith.constant 64 : i32
      %dma_wait3A_215 = tpu.memref_slice %arg7[%select_n3A_213, %dma_wait3A_214] : memref<80x128xi32, #tpu.memory_space<vmem>> -> memref<1x64xi32, #tpu.memory_space<vmem>>
      %dma_wait3A_216 = tpu.memref_squeeze %dma_wait3A_215 : memref<1x64xi32, #tpu.memory_space<vmem>> -> memref<64xi32, #tpu.memory_space<vmem>>
      %dma_wait3A_217 = arith.constant 0 : i32
      %dma_wait3A_218 = arith.constant 0 : i32
      %dma_wait3A_219 = tpu.memref_slice %arg2[%dma_wait3A_217, %dma_wait3A_218] : memref<10240x128xf32, #tpu.memory_space<hbm>> -> memref<10240x128xf32, #tpu.memory_space<hbm>>
      tpu.wait_indirect_dma semaphore(%arg17 : memref<!tpu.dma_semaphore, #tpu.memory_space<semaphore_mem>>) src(%dma_wait3A_219 : memref<10240x128xf32, #tpu.memory_space<hbm>>) dst(%arg12 : memref<64x128xf32, #tpu.memory_space<vmem>>)
      "tpu.region"() ({
        %run_scoped3A = tpu.sem_alloc : memref<!tpu.dma_semaphore, #tpu.memory_space<semaphore_mem>>
        %dma_start3A_227 = arith.constant 0 : i32
        %dma_start3A_228 = tpu.memref_slice %arg8[%add3A_189, %dma_start3A_227] : memref<40x64xi32, #tpu.memory_space<vmem>> -> memref<1x64xi32, #tpu.memory_space<vmem>>
        %dma_start3A_229 = tpu.memref_squeeze %dma_start3A_228 : memref<1x64xi32, #tpu.memory_space<vmem>> -> memref<64xi32, #tpu.memory_space<vmem>>
        %dma_start3A_230 = arith.constant 0 : i32
        %dma_start3A_231 = arith.constant 0 : i32
        %dma_start3A_232 = tpu.memref_slice %arg13[%dma_start3A_230, %dma_start3A_231] : memref<10240x128xf32, #tpu.memory_space<vmem_shared>> -> memref<10240x128xf32, #tpu.memory_space<vmem_shared>>
        tpu.enqueue_indirect_dma source(%arg12 : memref<64x128xf32, #tpu.memory_space<vmem>>) target(%dma_start3A_232 : memref<10240x128xf32, #tpu.memory_space<vmem_shared>>) offsets(%dma_start3A_229 : memref<64xi32, #tpu.memory_space<vmem>>) semaphore(%run_scoped3A : memref<!tpu.dma_semaphore, #tpu.memory_space<semaphore_mem>>) {add = true}
        %dma_wait3A_233 = arith.constant 0 : i32
        %dma_wait3A_234 = tpu.memref_slice %arg8[%add3A_189, %dma_wait3A_233] : memref<40x64xi32, #tpu.memory_space<vmem>> -> memref<1x64xi32, #tpu.memory_space<vmem>>
        %dma_wait3A_235 = tpu.memref_squeeze %dma_wait3A_234 : memref<1x64xi32, #tpu.memory_space<vmem>> -> memref<64xi32, #tpu.memory_space<vmem>>
        %dma_wait3A_236 = arith.constant 0 : i32
        %dma_wait3A_237 = arith.constant 0 : i32
        %dma_wait3A_238 = tpu.memref_slice %arg13[%dma_wait3A_236, %dma_wait3A_237] : memref<10240x128xf32, #tpu.memory_space<vmem_shared>> -> memref<10240x128xf32, #tpu.memory_space<vmem_shared>>
        tpu.wait_indirect_dma semaphore(%run_scoped3A : memref<!tpu.dma_semaphore, #tpu.memory_space<semaphore_mem>>) src(%arg12 : memref<64x128xf32, #tpu.memory_space<vmem>>) dst(%dma_wait3A_238 : memref<10240x128xf32, #tpu.memory_space<vmem_shared>>)
        tpu.yield
      }) : () -> ()
      %add3A_220 = arith.constant 4 : i32
      %add3A_221 = arith.addi %add3A_185, %add3A_220 : i32
      %lt3A_222 = arith.constant 160 : i32
      %lt3A_223 = arith.cmpi slt, %add3A_221, %lt3A_222 : i32
      %convert_element_type3A_224 = arith.extui %lt3A_223 : i1 to i32
      %cond3A_225 = arith.constant 0 : i32
      %cond3A_226 = arith.cmpi ne, %convert_element_type3A_224, %cond3A_225 : i32
      scf.if %cond3A_226 {
        %jit3A_227 = arith.constant 2 : i32
        %div3A_228 = arith.divsi %add3A_221, %jit3A_227 : i32
        %sign3A_229 = arith.constant 0 : i32
        %sign3A_230 = arith.cmpi sgt, %add3A_221, %sign3A_229 : i32
        %sign3A_231 = arith.extui %sign3A_230 : i1 to i32
        %sign3A_232 = arith.constant 0 : i32
        %sign3A_233 = arith.cmpi slt, %add3A_221, %sign3A_232 : i32
        %sign3A_234 = arith.extui %sign3A_233 : i1 to i32
        %sign3A_235 = arith.subi %sign3A_231, %sign3A_234 : i32
        %sign3A_236 = arith.constant 0 : i32
        %sign3A_237 = arith.cmpi sgt, %jit3A_227, %sign3A_236 : i32
        %sign3A_238 = arith.extui %sign3A_237 : i1 to i32
        %sign3A_239 = arith.constant 0 : i32
        %sign3A_240 = arith.cmpi slt, %jit3A_227, %sign3A_239 : i32
        %sign3A_241 = arith.extui %sign3A_240 : i1 to i32
        %sign3A_242 = arith.subi %sign3A_238, %sign3A_241 : i32
        %ne3A_243 = arith.cmpi ne, %sign3A_235, %sign3A_242 : i32
        %rem3A_244 = arith.remsi %add3A_221, %jit3A_227 : i32
        %ne3A_245 = arith.constant 0 : i32
        %ne3A_246 = arith.cmpi ne, %rem3A_244, %ne3A_245 : i32
        %and3A_247 = arith.andi %ne3A_243, %ne3A_246 : i1
        %sub3A_248 = arith.constant 1 : i32
        %sub3A_249 = arith.subi %div3A_228, %sub3A_248 : i32
        %select_n3A_250 = arith.select %and3A_247, %sub3A_249, %div3A_228 : i32
        %dma_start3A_251 = arith.constant 64 : i32
        %dma_start3A_252 = tpu.memref_slice %arg7[%select_n3A_250, %dma_start3A_251] : memref<80x128xi32, #tpu.memory_space<vmem>> -> memref<1x64xi32, #tpu.memory_space<vmem>>
        %dma_start3A_253 = tpu.memref_squeeze %dma_start3A_252 : memref<1x64xi32, #tpu.memory_space<vmem>> -> memref<64xi32, #tpu.memory_space<vmem>>
        %dma_start3A_254 = arith.constant 0 : i32
        %dma_start3A_255 = arith.constant 0 : i32
        %dma_start3A_256 = tpu.memref_slice %arg2[%dma_start3A_254, %dma_start3A_255] : memref<10240x128xf32, #tpu.memory_space<hbm>> -> memref<10240x128xf32, #tpu.memory_space<hbm>>
        tpu.enqueue_indirect_dma source(%dma_start3A_256 : memref<10240x128xf32, #tpu.memory_space<hbm>>) target(%arg12 : memref<64x128xf32, #tpu.memory_space<vmem>>) offsets(%dma_start3A_253 : memref<64xi32, #tpu.memory_space<vmem>>) semaphore(%arg17 : memref<!tpu.dma_semaphore, #tpu.memory_space<semaphore_mem>>)
      } else {
      }
    }
    %scan3A_33 = arith.constant 10 : i32
    "tpu.region"() ({
      %run_scoped3A = tpu.sem_alloc : memref<!tpu.dma_semaphore, #tpu.memory_space<semaphore_mem>>
      %dma_start3A_50 = arith.constant 40 : i32
      %dma_start3A_51 = arith.constant 0 : i32
      %dma_start3A_52 = tpu.memref_slice %arg4[%add3A, %dma_start3A_50, %dma_start3A_51] : memref<32x160x64xi32, #tpu.memory_space<hbm>> -> memref<1x40x64xi32, #tpu.memory_space<hbm>>
      %dma_start3A_53 = tpu.memref_squeeze %dma_start3A_52 : memref<1x40x64xi32, #tpu.memory_space<hbm>> -> memref<40x64xi32, #tpu.memory_space<hbm>>
      %dma_start3A_54 = arith.constant 40 : i32
      %dma_start3A_55 = arith.constant 0 : i32
      %dma_start3A_56 = tpu.memref_slice %arg4[%add3A, %dma_start3A_54, %dma_start3A_55] : memref<32x160x64xi32, #tpu.memory_space<hbm>> -> memref<1x40x64xi32, #tpu.memory_space<hbm>>
      %dma_start3A_57 = tpu.memref_squeeze %dma_start3A_56 : memref<1x40x64xi32, #tpu.memory_space<hbm>> -> memref<40x64xi32, #tpu.memory_space<hbm>>
      tpu.enqueue_dma source(%dma_start3A_57 : memref<40x64xi32, #tpu.memory_space<hbm>>) target(%arg8 : memref<40x64xi32, #tpu.memory_space<vmem>>) target_semaphore(%run_scoped3A : memref<!tpu.dma_semaphore, #tpu.memory_space<semaphore_mem>>)
      %dma_wait3A = arith.constant 40 : i32
      %dma_wait3A_58 = arith.constant 0 : i32
      %dma_wait3A_59 = tpu.memref_slice %arg4[%add3A, %dma_wait3A, %dma_wait3A_58] : memref<32x160x64xi32, #tpu.memory_space<hbm>> -> memref<1x40x64xi32, #tpu.memory_space<hbm>>
      %dma_wait3A_60 = tpu.memref_squeeze %dma_wait3A_59 : memref<1x40x64xi32, #tpu.memory_space<hbm>> -> memref<40x64xi32, #tpu.memory_space<hbm>>
      %dma_wait3A_61 = arith.constant 40 : i32
      %dma_wait3A_62 = arith.constant 0 : i32
      %dma_wait3A_63 = tpu.memref_slice %arg4[%add3A, %dma_wait3A_61, %dma_wait3A_62] : memref<32x160x64xi32, #tpu.memory_space<hbm>> -> memref<1x40x64xi32, #tpu.memory_space<hbm>>
      %dma_wait3A_64 = tpu.memref_squeeze %dma_wait3A_63 : memref<1x40x64xi32, #tpu.memory_space<hbm>> -> memref<40x64xi32, #tpu.memory_space<hbm>>
      tpu.wait_dma2 semaphore(%run_scoped3A : memref<!tpu.dma_semaphore, #tpu.memory_space<semaphore_mem>>) src(%dma_wait3A_64 : memref<40x64xi32, #tpu.memory_space<hbm>>) dst(%arg8 : memref<40x64xi32, #tpu.memory_space<vmem>>)
      tpu.yield
    }) : () -> ()
    %scan3A_34 = arith.constant 0 : i32
    %scan3A_35 = arith.constant 10 : i32
    %scan3A_36 = arith.addi %scan3A_34, %scan3A_35 : i32
    %scan3A_37 = arith.constant 1 : i32
    scf.for %scan3A_50 = %scan3A_34 to %scan3A_36 step %scan3A_37  : i32 {
      %mul3A_51 = arith.constant 4 : i32
      %mul3A_52 = arith.muli %scan3A_50, %mul3A_51 : i32
      %add3A_53 = arith.constant 40 : i32
      %add3A_54 = arith.addi %add3A_53, %mul3A_52 : i32
      %add3A_55 = arith.constant 0 : i32
      %add3A_56 = arith.addi %add3A_54, %add3A_55 : i32
      %mul3A_57 = arith.constant 4 : i32
      %mul3A_58 = arith.muli %scan3A_50, %mul3A_57 : i32
      %add3A_59 = arith.constant 0 : i32
      %add3A_60 = arith.addi %mul3A_58, %add3A_59 : i32
      %jit3A = arith.constant 2 : i32
      %div3A = arith.divsi %add3A_56, %jit3A : i32
      %sign3A = arith.constant 0 : i32
      %sign3A_61 = arith.cmpi sgt, %add3A_56, %sign3A : i32
      %sign3A_62 = arith.extui %sign3A_61 : i1 to i32
      %sign3A_63 = arith.constant 0 : i32
      %sign3A_64 = arith.cmpi slt, %add3A_56, %sign3A_63 : i32
      %sign3A_65 = arith.extui %sign3A_64 : i1 to i32
      %sign3A_66 = arith.subi %sign3A_62, %sign3A_65 : i32
      %sign3A_67 = arith.constant 0 : i32
      %sign3A_68 = arith.cmpi sgt, %jit3A, %sign3A_67 : i32
      %sign3A_69 = arith.extui %sign3A_68 : i1 to i32
      %sign3A_70 = arith.constant 0 : i32
      %sign3A_71 = arith.cmpi slt, %jit3A, %sign3A_70 : i32
      %sign3A_72 = arith.extui %sign3A_71 : i1 to i32
      %sign3A_73 = arith.subi %sign3A_69, %sign3A_72 : i32
      %ne3A = arith.cmpi ne, %sign3A_66, %sign3A_73 : i32
      %rem3A = arith.remsi %add3A_56, %jit3A : i32
      %ne3A_74 = arith.constant 0 : i32
      %ne3A_75 = arith.cmpi ne, %rem3A, %ne3A_74 : i32
      %and3A = arith.andi %ne3A, %ne3A_75 : i1
      %sub3A = arith.constant 1 : i32
      %sub3A_76 = arith.subi %div3A, %sub3A : i32
      %select_n3A = arith.select %and3A, %sub3A_76, %div3A : i32
      %dma_wait3A = arith.constant 0 : i32
      %dma_wait3A_77 = tpu.memref_slice %arg7[%select_n3A, %dma_wait3A] : memref<80x128xi32, #tpu.memory_space<vmem>> -> memref<1x64xi32, #tpu.memory_space<vmem>>
      %dma_wait3A_78 = tpu.memref_squeeze %dma_wait3A_77 : memref<1x64xi32, #tpu.memory_space<vmem>> -> memref<64xi32, #tpu.memory_space<vmem>>
      %dma_wait3A_79 = arith.constant 0 : i32
      %dma_wait3A_80 = arith.constant 0 : i32
      %dma_wait3A_81 = tpu.memref_slice %arg2[%dma_wait3A_79, %dma_wait3A_80] : memref<10240x128xf32, #tpu.memory_space<hbm>> -> memref<10240x128xf32, #tpu.memory_space<hbm>>
      tpu.wait_indirect_dma semaphore(%arg14 : memref<!tpu.dma_semaphore, #tpu.memory_space<semaphore_mem>>) src(%dma_wait3A_81 : memref<10240x128xf32, #tpu.memory_space<hbm>>) dst(%arg9 : memref<64x128xf32, #tpu.memory_space<vmem>>)
      "tpu.region"() ({
        %run_scoped3A = tpu.sem_alloc : memref<!tpu.dma_semaphore, #tpu.memory_space<semaphore_mem>>
        %dma_start3A_227 = arith.constant 0 : i32
        %dma_start3A_228 = tpu.memref_slice %arg8[%add3A_60, %dma_start3A_227] : memref<40x64xi32, #tpu.memory_space<vmem>> -> memref<1x64xi32, #tpu.memory_space<vmem>>
        %dma_start3A_229 = tpu.memref_squeeze %dma_start3A_228 : memref<1x64xi32, #tpu.memory_space<vmem>> -> memref<64xi32, #tpu.memory_space<vmem>>
        %dma_start3A_230 = arith.constant 0 : i32
        %dma_start3A_231 = arith.constant 0 : i32
        %dma_start3A_232 = tpu.memref_slice %arg13[%dma_start3A_230, %dma_start3A_231] : memref<10240x128xf32, #tpu.memory_space<vmem_shared>> -> memref<10240x128xf32, #tpu.memory_space<vmem_shared>>
        tpu.enqueue_indirect_dma source(%arg9 : memref<64x128xf32, #tpu.memory_space<vmem>>) target(%dma_start3A_232 : memref<10240x128xf32, #tpu.memory_space<vmem_shared>>) offsets(%dma_start3A_229 : memref<64xi32, #tpu.memory_space<vmem>>) semaphore(%run_scoped3A : memref<!tpu.dma_semaphore, #tpu.memory_space<semaphore_mem>>) {add = true}
        %dma_wait3A_233 = arith.constant 0 : i32
        %dma_wait3A_234 = tpu.memref_slice %arg8[%add3A_60, %dma_wait3A_233] : memref<40x64xi32, #tpu.memory_space<vmem>> -> memref<1x64xi32, #tpu.memory_space<vmem>>
        %dma_wait3A_235 = tpu.memref_squeeze %dma_wait3A_234 : memref<1x64xi32, #tpu.memory_space<vmem>> -> memref<64xi32, #tpu.memory_space<vmem>>
        %dma_wait3A_236 = arith.constant 0 : i32
        %dma_wait3A_237 = arith.constant 0 : i32
        %dma_wait3A_238 = tpu.memref_slice %arg13[%dma_wait3A_236, %dma_wait3A_237] : memref<10240x128xf32, #tpu.memory_space<vmem_shared>> -> memref<10240x128xf32, #tpu.memory_space<vmem_shared>>
        tpu.wait_indirect_dma semaphore(%run_scoped3A : memref<!tpu.dma_semaphore, #tpu.memory_space<semaphore_mem>>) src(%arg9 : memref<64x128xf32, #tpu.memory_space<vmem>>) dst(%dma_wait3A_238 : memref<10240x128xf32, #tpu.memory_space<vmem_shared>>)
        tpu.yield
      }) : () -> ()
      %add3A_82 = arith.constant 4 : i32
      %add3A_83 = arith.addi %add3A_56, %add3A_82 : i32
      %lt3A = arith.constant 160 : i32
      %lt3A_84 = arith.cmpi slt, %add3A_83, %lt3A : i32
      %convert_element_type3A = arith.extui %lt3A_84 : i1 to i32
      %cond3A = arith.constant 0 : i32
      %cond3A_85 = arith.cmpi ne, %convert_element_type3A, %cond3A : i32
      scf.if %cond3A_85 {
        %jit3A_227 = arith.constant 2 : i32
        %div3A_228 = arith.divsi %add3A_83, %jit3A_227 : i32
        %sign3A_229 = arith.constant 0 : i32
        %sign3A_230 = arith.cmpi sgt, %add3A_83, %sign3A_229 : i32
        %sign3A_231 = arith.extui %sign3A_230 : i1 to i32
        %sign3A_232 = arith.constant 0 : i32
        %sign3A_233 = arith.cmpi slt, %add3A_83, %sign3A_232 : i32
        %sign3A_234 = arith.extui %sign3A_233 : i1 to i32
        %sign3A_235 = arith.subi %sign3A_231, %sign3A_234 : i32
        %sign3A_236 = arith.constant 0 : i32
        %sign3A_237 = arith.cmpi sgt, %jit3A_227, %sign3A_236 : i32
        %sign3A_238 = arith.extui %sign3A_237 : i1 to i32
        %sign3A_239 = arith.constant 0 : i32
        %sign3A_240 = arith.cmpi slt, %jit3A_227, %sign3A_239 : i32
        %sign3A_241 = arith.extui %sign3A_240 : i1 to i32
        %sign3A_242 = arith.subi %sign3A_238, %sign3A_241 : i32
        %ne3A_243 = arith.cmpi ne, %sign3A_235, %sign3A_242 : i32
        %rem3A_244 = arith.remsi %add3A_83, %jit3A_227 : i32
        %ne3A_245 = arith.constant 0 : i32
        %ne3A_246 = arith.cmpi ne, %rem3A_244, %ne3A_245 : i32
        %and3A_247 = arith.andi %ne3A_243, %ne3A_246 : i1
        %sub3A_248 = arith.constant 1 : i32
        %sub3A_249 = arith.subi %div3A_228, %sub3A_248 : i32
        %select_n3A_250 = arith.select %and3A_247, %sub3A_249, %div3A_228 : i32
        %dma_start3A_251 = arith.constant 0 : i32
        %dma_start3A_252 = tpu.memref_slice %arg7[%select_n3A_250, %dma_start3A_251] : memref<80x128xi32, #tpu.memory_space<vmem>> -> memref<1x64xi32, #tpu.memory_space<vmem>>
        %dma_start3A_253 = tpu.memref_squeeze %dma_start3A_252 : memref<1x64xi32, #tpu.memory_space<vmem>> -> memref<64xi32, #tpu.memory_space<vmem>>
        %dma_start3A_254 = arith.constant 0 : i32
        %dma_start3A_255 = arith.constant 0 : i32
        %dma_start3A_256 = tpu.memref_slice %arg2[%dma_start3A_254, %dma_start3A_255] : memref<10240x128xf32, #tpu.memory_space<hbm>> -> memref<10240x128xf32, #tpu.memory_space<hbm>>
        tpu.enqueue_indirect_dma source(%dma_start3A_256 : memref<10240x128xf32, #tpu.memory_space<hbm>>) target(%arg9 : memref<64x128xf32, #tpu.memory_space<vmem>>) offsets(%dma_start3A_253 : memref<64xi32, #tpu.memory_space<vmem>>) semaphore(%arg14 : memref<!tpu.dma_semaphore, #tpu.memory_space<semaphore_mem>>)
      } else {
      }
      %mul3A_86 = arith.constant 4 : i32
      %mul3A_87 = arith.muli %scan3A_50, %mul3A_86 : i32
      %add3A_88 = arith.constant 40 : i32
      %add3A_89 = arith.addi %add3A_88, %mul3A_87 : i32
      %add3A_90 = arith.constant 1 : i32
      %add3A_91 = arith.addi %add3A_89, %add3A_90 : i32
      %mul3A_92 = arith.constant 4 : i32
      %mul3A_93 = arith.muli %scan3A_50, %mul3A_92 : i32
      %add3A_94 = arith.constant 1 : i32
      %add3A_95 = arith.addi %mul3A_93, %add3A_94 : i32
      %jit3A_96 = arith.constant 2 : i32
      %div3A_97 = arith.divsi %add3A_91, %jit3A_96 : i32
      %sign3A_98 = arith.constant 0 : i32
      %sign3A_99 = arith.cmpi sgt, %add3A_91, %sign3A_98 : i32
      %sign3A_100 = arith.extui %sign3A_99 : i1 to i32
      %sign3A_101 = arith.constant 0 : i32
      %sign3A_102 = arith.cmpi slt, %add3A_91, %sign3A_101 : i32
      %sign3A_103 = arith.extui %sign3A_102 : i1 to i32
      %sign3A_104 = arith.subi %sign3A_100, %sign3A_103 : i32
      %sign3A_105 = arith.constant 0 : i32
      %sign3A_106 = arith.cmpi sgt, %jit3A_96, %sign3A_105 : i32
      %sign3A_107 = arith.extui %sign3A_106 : i1 to i32
      %sign3A_108 = arith.constant 0 : i32
      %sign3A_109 = arith.cmpi slt, %jit3A_96, %sign3A_108 : i32
      %sign3A_110 = arith.extui %sign3A_109 : i1 to i32
      %sign3A_111 = arith.subi %sign3A_107, %sign3A_110 : i32
      %ne3A_112 = arith.cmpi ne, %sign3A_104, %sign3A_111 : i32
      %rem3A_113 = arith.remsi %add3A_91, %jit3A_96 : i32
      %ne3A_114 = arith.constant 0 : i32
      %ne3A_115 = arith.cmpi ne, %rem3A_113, %ne3A_114 : i32
      %and3A_116 = arith.andi %ne3A_112, %ne3A_115 : i1
      %sub3A_117 = arith.constant 1 : i32
      %sub3A_118 = arith.subi %div3A_97, %sub3A_117 : i32
      %select_n3A_119 = arith.select %and3A_116, %sub3A_118, %div3A_97 : i32
      %dma_wait3A_120 = arith.constant 64 : i32
      %dma_wait3A_121 = tpu.memref_slice %arg7[%select_n3A_119, %dma_wait3A_120] : memref<80x128xi32, #tpu.memory_space<vmem>> -> memref<1x64xi32, #tpu.memory_space<vmem>>
      %dma_wait3A_122 = tpu.memref_squeeze %dma_wait3A_121 : memref<1x64xi32, #tpu.memory_space<vmem>> -> memref<64xi32, #tpu.memory_space<vmem>>
      %dma_wait3A_123 = arith.constant 0 : i32
      %dma_wait3A_124 = arith.constant 0 : i32
      %dma_wait3A_125 = tpu.memref_slice %arg2[%dma_wait3A_123, %dma_wait3A_124] : memref<10240x128xf32, #tpu.memory_space<hbm>> -> memref<10240x128xf32, #tpu.memory_space<hbm>>
      tpu.wait_indirect_dma semaphore(%arg15 : memref<!tpu.dma_semaphore, #tpu.memory_space<semaphore_mem>>) src(%dma_wait3A_125 : memref<10240x128xf32, #tpu.memory_space<hbm>>) dst(%arg10 : memref<64x128xf32, #tpu.memory_space<vmem>>)
      "tpu.region"() ({
        %run_scoped3A = tpu.sem_alloc : memref<!tpu.dma_semaphore, #tpu.memory_space<semaphore_mem>>
        %dma_start3A_227 = arith.constant 0 : i32
        %dma_start3A_228 = tpu.memref_slice %arg8[%add3A_95, %dma_start3A_227] : memref<40x64xi32, #tpu.memory_space<vmem>> -> memref<1x64xi32, #tpu.memory_space<vmem>>
        %dma_start3A_229 = tpu.memref_squeeze %dma_start3A_228 : memref<1x64xi32, #tpu.memory_space<vmem>> -> memref<64xi32, #tpu.memory_space<vmem>>
        %dma_start3A_230 = arith.constant 0 : i32
        %dma_start3A_231 = arith.constant 0 : i32
        %dma_start3A_232 = tpu.memref_slice %arg13[%dma_start3A_230, %dma_start3A_231] : memref<10240x128xf32, #tpu.memory_space<vmem_shared>> -> memref<10240x128xf32, #tpu.memory_space<vmem_shared>>
        tpu.enqueue_indirect_dma source(%arg10 : memref<64x128xf32, #tpu.memory_space<vmem>>) target(%dma_start3A_232 : memref<10240x128xf32, #tpu.memory_space<vmem_shared>>) offsets(%dma_start3A_229 : memref<64xi32, #tpu.memory_space<vmem>>) semaphore(%run_scoped3A : memref<!tpu.dma_semaphore, #tpu.memory_space<semaphore_mem>>) {add = true}
        %dma_wait3A_233 = arith.constant 0 : i32
        %dma_wait3A_234 = tpu.memref_slice %arg8[%add3A_95, %dma_wait3A_233] : memref<40x64xi32, #tpu.memory_space<vmem>> -> memref<1x64xi32, #tpu.memory_space<vmem>>
        %dma_wait3A_235 = tpu.memref_squeeze %dma_wait3A_234 : memref<1x64xi32, #tpu.memory_space<vmem>> -> memref<64xi32, #tpu.memory_space<vmem>>
        %dma_wait3A_236 = arith.constant 0 : i32
        %dma_wait3A_237 = arith.constant 0 : i32
        %dma_wait3A_238 = tpu.memref_slice %arg13[%dma_wait3A_236, %dma_wait3A_237] : memref<10240x128xf32, #tpu.memory_space<vmem_shared>> -> memref<10240x128xf32, #tpu.memory_space<vmem_shared>>
        tpu.wait_indirect_dma semaphore(%run_scoped3A : memref<!tpu.dma_semaphore, #tpu.memory_space<semaphore_mem>>) src(%arg10 : memref<64x128xf32, #tpu.memory_space<vmem>>) dst(%dma_wait3A_238 : memref<10240x128xf32, #tpu.memory_space<vmem_shared>>)
        tpu.yield
      }) : () -> ()
      %add3A_126 = arith.constant 4 : i32
      %add3A_127 = arith.addi %add3A_91, %add3A_126 : i32
      %lt3A_128 = arith.constant 160 : i32
      %lt3A_129 = arith.cmpi slt, %add3A_127, %lt3A_128 : i32
      %convert_element_type3A_130 = arith.extui %lt3A_129 : i1 to i32
      %cond3A_131 = arith.constant 0 : i32
      %cond3A_132 = arith.cmpi ne, %convert_element_type3A_130, %cond3A_131 : i32
      scf.if %cond3A_132 {
        %jit3A_227 = arith.constant 2 : i32
        %div3A_228 = arith.divsi %add3A_127, %jit3A_227 : i32
        %sign3A_229 = arith.constant 0 : i32
        %sign3A_230 = arith.cmpi sgt, %add3A_127, %sign3A_229 : i32
        %sign3A_231 = arith.extui %sign3A_230 : i1 to i32
        %sign3A_232 = arith.constant 0 : i32
        %sign3A_233 = arith.cmpi slt, %add3A_127, %sign3A_232 : i32
        %sign3A_234 = arith.extui %sign3A_233 : i1 to i32
        %sign3A_235 = arith.subi %sign3A_231, %sign3A_234 : i32
        %sign3A_236 = arith.constant 0 : i32
        %sign3A_237 = arith.cmpi sgt, %jit3A_227, %sign3A_236 : i32
        %sign3A_238 = arith.extui %sign3A_237 : i1 to i32
        %sign3A_239 = arith.constant 0 : i32
        %sign3A_240 = arith.cmpi slt, %jit3A_227, %sign3A_239 : i32
        %sign3A_241 = arith.extui %sign3A_240 : i1 to i32
        %sign3A_242 = arith.subi %sign3A_238, %sign3A_241 : i32
        %ne3A_243 = arith.cmpi ne, %sign3A_235, %sign3A_242 : i32
        %rem3A_244 = arith.remsi %add3A_127, %jit3A_227 : i32
        %ne3A_245 = arith.constant 0 : i32
        %ne3A_246 = arith.cmpi ne, %rem3A_244, %ne3A_245 : i32
        %and3A_247 = arith.andi %ne3A_243, %ne3A_246 : i1
        %sub3A_248 = arith.constant 1 : i32
        %sub3A_249 = arith.subi %div3A_228, %sub3A_248 : i32
        %select_n3A_250 = arith.select %and3A_247, %sub3A_249, %div3A_228 : i32
        %dma_start3A_251 = arith.constant 64 : i32
        %dma_start3A_252 = tpu.memref_slice %arg7[%select_n3A_250, %dma_start3A_251] : memref<80x128xi32, #tpu.memory_space<vmem>> -> memref<1x64xi32, #tpu.memory_space<vmem>>
        %dma_start3A_253 = tpu.memref_squeeze %dma_start3A_252 : memref<1x64xi32, #tpu.memory_space<vmem>> -> memref<64xi32, #tpu.memory_space<vmem>>
        %dma_start3A_254 = arith.constant 0 : i32
        %dma_start3A_255 = arith.constant 0 : i32
        %dma_start3A_256 = tpu.memref_slice %arg2[%dma_start3A_254, %dma_start3A_255] : memref<10240x128xf32, #tpu.memory_space<hbm>> -> memref<10240x128xf32, #tpu.memory_space<hbm>>
        tpu.enqueue_indirect_dma source(%dma_start3A_256 : memref<10240x128xf32, #tpu.memory_space<hbm>>) target(%arg10 : memref<64x128xf32, #tpu.memory_space<vmem>>) offsets(%dma_start3A_253 : memref<64xi32, #tpu.memory_space<vmem>>) semaphore(%arg15 : memref<!tpu.dma_semaphore, #tpu.memory_space<semaphore_mem>>)
      } else {
      }
      %mul3A_133 = arith.constant 4 : i32
      %mul3A_134 = arith.muli %scan3A_50, %mul3A_133 : i32
      %add3A_135 = arith.constant 40 : i32
      %add3A_136 = arith.addi %add3A_135, %mul3A_134 : i32
      %add3A_137 = arith.constant 2 : i32
      %add3A_138 = arith.addi %add3A_136, %add3A_137 : i32
      %mul3A_139 = arith.constant 4 : i32
      %mul3A_140 = arith.muli %scan3A_50, %mul3A_139 : i32
      %add3A_141 = arith.constant 2 : i32
      %add3A_142 = arith.addi %mul3A_140, %add3A_141 : i32
      %jit3A_143 = arith.constant 2 : i32
      %div3A_144 = arith.divsi %add3A_138, %jit3A_143 : i32
      %sign3A_145 = arith.constant 0 : i32
      %sign3A_146 = arith.cmpi sgt, %add3A_138, %sign3A_145 : i32
      %sign3A_147 = arith.extui %sign3A_146 : i1 to i32
      %sign3A_148 = arith.constant 0 : i32
      %sign3A_149 = arith.cmpi slt, %add3A_138, %sign3A_148 : i32
      %sign3A_150 = arith.extui %sign3A_149 : i1 to i32
      %sign3A_151 = arith.subi %sign3A_147, %sign3A_150 : i32
      %sign3A_152 = arith.constant 0 : i32
      %sign3A_153 = arith.cmpi sgt, %jit3A_143, %sign3A_152 : i32
      %sign3A_154 = arith.extui %sign3A_153 : i1 to i32
      %sign3A_155 = arith.constant 0 : i32
      %sign3A_156 = arith.cmpi slt, %jit3A_143, %sign3A_155 : i32
      %sign3A_157 = arith.extui %sign3A_156 : i1 to i32
      %sign3A_158 = arith.subi %sign3A_154, %sign3A_157 : i32
      %ne3A_159 = arith.cmpi ne, %sign3A_151, %sign3A_158 : i32
      %rem3A_160 = arith.remsi %add3A_138, %jit3A_143 : i32
      %ne3A_161 = arith.constant 0 : i32
      %ne3A_162 = arith.cmpi ne, %rem3A_160, %ne3A_161 : i32
      %and3A_163 = arith.andi %ne3A_159, %ne3A_162 : i1
      %sub3A_164 = arith.constant 1 : i32
      %sub3A_165 = arith.subi %div3A_144, %sub3A_164 : i32
      %select_n3A_166 = arith.select %and3A_163, %sub3A_165, %div3A_144 : i32
      %dma_wait3A_167 = arith.constant 0 : i32
      %dma_wait3A_168 = tpu.memref_slice %arg7[%select_n3A_166, %dma_wait3A_167] : memref<80x128xi32, #tpu.memory_space<vmem>> -> memref<1x64xi32, #tpu.memory_space<vmem>>
      %dma_wait3A_169 = tpu.memref_squeeze %dma_wait3A_168 : memref<1x64xi32, #tpu.memory_space<vmem>> -> memref<64xi32, #tpu.memory_space<vmem>>
      %dma_wait3A_170 = arith.constant 0 : i32
      %dma_wait3A_171 = arith.constant 0 : i32
      %dma_wait3A_172 = tpu.memref_slice %arg2[%dma_wait3A_170, %dma_wait3A_171] : memref<10240x128xf32, #tpu.memory_space<hbm>> -> memref<10240x128xf32, #tpu.memory_space<hbm>>
      tpu.wait_indirect_dma semaphore(%arg16 : memref<!tpu.dma_semaphore, #tpu.memory_space<semaphore_mem>>) src(%dma_wait3A_172 : memref<10240x128xf32, #tpu.memory_space<hbm>>) dst(%arg11 : memref<64x128xf32, #tpu.memory_space<vmem>>)
      "tpu.region"() ({
        %run_scoped3A = tpu.sem_alloc : memref<!tpu.dma_semaphore, #tpu.memory_space<semaphore_mem>>
        %dma_start3A_227 = arith.constant 0 : i32
        %dma_start3A_228 = tpu.memref_slice %arg8[%add3A_142, %dma_start3A_227] : memref<40x64xi32, #tpu.memory_space<vmem>> -> memref<1x64xi32, #tpu.memory_space<vmem>>
        %dma_start3A_229 = tpu.memref_squeeze %dma_start3A_228 : memref<1x64xi32, #tpu.memory_space<vmem>> -> memref<64xi32, #tpu.memory_space<vmem>>
        %dma_start3A_230 = arith.constant 0 : i32
        %dma_start3A_231 = arith.constant 0 : i32
        %dma_start3A_232 = tpu.memref_slice %arg13[%dma_start3A_230, %dma_start3A_231] : memref<10240x128xf32, #tpu.memory_space<vmem_shared>> -> memref<10240x128xf32, #tpu.memory_space<vmem_shared>>
        tpu.enqueue_indirect_dma source(%arg11 : memref<64x128xf32, #tpu.memory_space<vmem>>) target(%dma_start3A_232 : memref<10240x128xf32, #tpu.memory_space<vmem_shared>>) offsets(%dma_start3A_229 : memref<64xi32, #tpu.memory_space<vmem>>) semaphore(%run_scoped3A : memref<!tpu.dma_semaphore, #tpu.memory_space<semaphore_mem>>) {add = true}
        %dma_wait3A_233 = arith.constant 0 : i32
        %dma_wait3A_234 = tpu.memref_slice %arg8[%add3A_142, %dma_wait3A_233] : memref<40x64xi32, #tpu.memory_space<vmem>> -> memref<1x64xi32, #tpu.memory_space<vmem>>
        %dma_wait3A_235 = tpu.memref_squeeze %dma_wait3A_234 : memref<1x64xi32, #tpu.memory_space<vmem>> -> memref<64xi32, #tpu.memory_space<vmem>>
        %dma_wait3A_236 = arith.constant 0 : i32
        %dma_wait3A_237 = arith.constant 0 : i32
        %dma_wait3A_238 = tpu.memref_slice %arg13[%dma_wait3A_236, %dma_wait3A_237] : memref<10240x128xf32, #tpu.memory_space<vmem_shared>> -> memref<10240x128xf32, #tpu.memory_space<vmem_shared>>
        tpu.wait_indirect_dma semaphore(%run_scoped3A : memref<!tpu.dma_semaphore, #tpu.memory_space<semaphore_mem>>) src(%arg11 : memref<64x128xf32, #tpu.memory_space<vmem>>) dst(%dma_wait3A_238 : memref<10240x128xf32, #tpu.memory_space<vmem_shared>>)
        tpu.yield
      }) : () -> ()
      %add3A_173 = arith.constant 4 : i32
      %add3A_174 = arith.addi %add3A_138, %add3A_173 : i32
      %lt3A_175 = arith.constant 160 : i32
      %lt3A_176 = arith.cmpi slt, %add3A_174, %lt3A_175 : i32
      %convert_element_type3A_177 = arith.extui %lt3A_176 : i1 to i32
      %cond3A_178 = arith.constant 0 : i32
      %cond3A_179 = arith.cmpi ne, %convert_element_type3A_177, %cond3A_178 : i32
      scf.if %cond3A_179 {
        %jit3A_227 = arith.constant 2 : i32
        %div3A_228 = arith.divsi %add3A_174, %jit3A_227 : i32
        %sign3A_229 = arith.constant 0 : i32
        %sign3A_230 = arith.cmpi sgt, %add3A_174, %sign3A_229 : i32
        %sign3A_231 = arith.extui %sign3A_230 : i1 to i32
        %sign3A_232 = arith.constant 0 : i32
        %sign3A_233 = arith.cmpi slt, %add3A_174, %sign3A_232 : i32
        %sign3A_234 = arith.extui %sign3A_233 : i1 to i32
        %sign3A_235 = arith.subi %sign3A_231, %sign3A_234 : i32
        %sign3A_236 = arith.constant 0 : i32
        %sign3A_237 = arith.cmpi sgt, %jit3A_227, %sign3A_236 : i32
        %sign3A_238 = arith.extui %sign3A_237 : i1 to i32
        %sign3A_239 = arith.constant 0 : i32
        %sign3A_240 = arith.cmpi slt, %jit3A_227, %sign3A_239 : i32
        %sign3A_241 = arith.extui %sign3A_240 : i1 to i32
        %sign3A_242 = arith.subi %sign3A_238, %sign3A_241 : i32
        %ne3A_243 = arith.cmpi ne, %sign3A_235, %sign3A_242 : i32
        %rem3A_244 = arith.remsi %add3A_174, %jit3A_227 : i32
        %ne3A_245 = arith.constant 0 : i32
        %ne3A_246 = arith.cmpi ne, %rem3A_244, %ne3A_245 : i32
        %and3A_247 = arith.andi %ne3A_243, %ne3A_246 : i1
        %sub3A_248 = arith.constant 1 : i32
        %sub3A_249 = arith.subi %div3A_228, %sub3A_248 : i32
        %select_n3A_250 = arith.select %and3A_247, %sub3A_249, %div3A_228 : i32
        %dma_start3A_251 = arith.constant 0 : i32
        %dma_start3A_252 = tpu.memref_slice %arg7[%select_n3A_250, %dma_start3A_251] : memref<80x128xi32, #tpu.memory_space<vmem>> -> memref<1x64xi32, #tpu.memory_space<vmem>>
        %dma_start3A_253 = tpu.memref_squeeze %dma_start3A_252 : memref<1x64xi32, #tpu.memory_space<vmem>> -> memref<64xi32, #tpu.memory_space<vmem>>
        %dma_start3A_254 = arith.constant 0 : i32
        %dma_start3A_255 = arith.constant 0 : i32
        %dma_start3A_256 = tpu.memref_slice %arg2[%dma_start3A_254, %dma_start3A_255] : memref<10240x128xf32, #tpu.memory_space<hbm>> -> memref<10240x128xf32, #tpu.memory_space<hbm>>
        tpu.enqueue_indirect_dma source(%dma_start3A_256 : memref<10240x128xf32, #tpu.memory_space<hbm>>) target(%arg11 : memref<64x128xf32, #tpu.memory_space<vmem>>) offsets(%dma_start3A_253 : memref<64xi32, #tpu.memory_space<vmem>>) semaphore(%arg16 : memref<!tpu.dma_semaphore, #tpu.memory_space<semaphore_mem>>)
      } else {
      }
      %mul3A_180 = arith.constant 4 : i32
      %mul3A_181 = arith.muli %scan3A_50, %mul3A_180 : i32
      %add3A_182 = arith.constant 40 : i32
      %add3A_183 = arith.addi %add3A_182, %mul3A_181 : i32
      %add3A_184 = arith.constant 3 : i32
      %add3A_185 = arith.addi %add3A_183, %add3A_184 : i32
      %mul3A_186 = arith.constant 4 : i32
      %mul3A_187 = arith.muli %scan3A_50, %mul3A_186 : i32
      %add3A_188 = arith.constant 3 : i32
      %add3A_189 = arith.addi %mul3A_187, %add3A_188 : i32
      %jit3A_190 = arith.constant 2 : i32
      %div3A_191 = arith.divsi %add3A_185, %jit3A_190 : i32
      %sign3A_192 = arith.constant 0 : i32
      %sign3A_193 = arith.cmpi sgt, %add3A_185, %sign3A_192 : i32
      %sign3A_194 = arith.extui %sign3A_193 : i1 to i32
      %sign3A_195 = arith.constant 0 : i32
      %sign3A_196 = arith.cmpi slt, %add3A_185, %sign3A_195 : i32
      %sign3A_197 = arith.extui %sign3A_196 : i1 to i32
      %sign3A_198 = arith.subi %sign3A_194, %sign3A_197 : i32
      %sign3A_199 = arith.constant 0 : i32
      %sign3A_200 = arith.cmpi sgt, %jit3A_190, %sign3A_199 : i32
      %sign3A_201 = arith.extui %sign3A_200 : i1 to i32
      %sign3A_202 = arith.constant 0 : i32
      %sign3A_203 = arith.cmpi slt, %jit3A_190, %sign3A_202 : i32
      %sign3A_204 = arith.extui %sign3A_203 : i1 to i32
      %sign3A_205 = arith.subi %sign3A_201, %sign3A_204 : i32
      %ne3A_206 = arith.cmpi ne, %sign3A_198, %sign3A_205 : i32
      %rem3A_207 = arith.remsi %add3A_185, %jit3A_190 : i32
      %ne3A_208 = arith.constant 0 : i32
      %ne3A_209 = arith.cmpi ne, %rem3A_207, %ne3A_208 : i32
      %and3A_210 = arith.andi %ne3A_206, %ne3A_209 : i1
      %sub3A_211 = arith.constant 1 : i32
      %sub3A_212 = arith.subi %div3A_191, %sub3A_211 : i32
      %select_n3A_213 = arith.select %and3A_210, %sub3A_212, %div3A_191 : i32
      %dma_wait3A_214 = arith.constant 64 : i32
      %dma_wait3A_215 = tpu.memref_slice %arg7[%select_n3A_213, %dma_wait3A_214] : memref<80x128xi32, #tpu.memory_space<vmem>> -> memref<1x64xi32, #tpu.memory_space<vmem>>
      %dma_wait3A_216 = tpu.memref_squeeze %dma_wait3A_215 : memref<1x64xi32, #tpu.memory_space<vmem>> -> memref<64xi32, #tpu.memory_space<vmem>>
      %dma_wait3A_217 = arith.constant 0 : i32
      %dma_wait3A_218 = arith.constant 0 : i32
      %dma_wait3A_219 = tpu.memref_slice %arg2[%dma_wait3A_217, %dma_wait3A_218] : memref<10240x128xf32, #tpu.memory_space<hbm>> -> memref<10240x128xf32, #tpu.memory_space<hbm>>
      tpu.wait_indirect_dma semaphore(%arg17 : memref<!tpu.dma_semaphore, #tpu.memory_space<semaphore_mem>>) src(%dma_wait3A_219 : memref<10240x128xf32, #tpu.memory_space<hbm>>) dst(%arg12 : memref<64x128xf32, #tpu.memory_space<vmem>>)
      "tpu.region"() ({
        %run_scoped3A = tpu.sem_alloc : memref<!tpu.dma_semaphore, #tpu.memory_space<semaphore_mem>>
        %dma_start3A_227 = arith.constant 0 : i32
        %dma_start3A_228 = tpu.memref_slice %arg8[%add3A_189, %dma_start3A_227] : memref<40x64xi32, #tpu.memory_space<vmem>> -> memref<1x64xi32, #tpu.memory_space<vmem>>
        %dma_start3A_229 = tpu.memref_squeeze %dma_start3A_228 : memref<1x64xi32, #tpu.memory_space<vmem>> -> memref<64xi32, #tpu.memory_space<vmem>>
        %dma_start3A_230 = arith.constant 0 : i32
        %dma_start3A_231 = arith.constant 0 : i32
        %dma_start3A_232 = tpu.memref_slice %arg13[%dma_start3A_230, %dma_start3A_231] : memref<10240x128xf32, #tpu.memory_space<vmem_shared>> -> memref<10240x128xf32, #tpu.memory_space<vmem_shared>>
        tpu.enqueue_indirect_dma source(%arg12 : memref<64x128xf32, #tpu.memory_space<vmem>>) target(%dma_start3A_232 : memref<10240x128xf32, #tpu.memory_space<vmem_shared>>) offsets(%dma_start3A_229 : memref<64xi32, #tpu.memory_space<vmem>>) semaphore(%run_scoped3A : memref<!tpu.dma_semaphore, #tpu.memory_space<semaphore_mem>>) {add = true}
        %dma_wait3A_233 = arith.constant 0 : i32
        %dma_wait3A_234 = tpu.memref_slice %arg8[%add3A_189, %dma_wait3A_233] : memref<40x64xi32, #tpu.memory_space<vmem>> -> memref<1x64xi32, #tpu.memory_space<vmem>>
        %dma_wait3A_235 = tpu.memref_squeeze %dma_wait3A_234 : memref<1x64xi32, #tpu.memory_space<vmem>> -> memref<64xi32, #tpu.memory_space<vmem>>
        %dma_wait3A_236 = arith.constant 0 : i32
        %dma_wait3A_237 = arith.constant 0 : i32
        %dma_wait3A_238 = tpu.memref_slice %arg13[%dma_wait3A_236, %dma_wait3A_237] : memref<10240x128xf32, #tpu.memory_space<vmem_shared>> -> memref<10240x128xf32, #tpu.memory_space<vmem_shared>>
        tpu.wait_indirect_dma semaphore(%run_scoped3A : memref<!tpu.dma_semaphore, #tpu.memory_space<semaphore_mem>>) src(%arg12 : memref<64x128xf32, #tpu.memory_space<vmem>>) dst(%dma_wait3A_238 : memref<10240x128xf32, #tpu.memory_space<vmem_shared>>)
        tpu.yield
      }) : () -> ()
      %add3A_220 = arith.constant 4 : i32
      %add3A_221 = arith.addi %add3A_185, %add3A_220 : i32
      %lt3A_222 = arith.constant 160 : i32
      %lt3A_223 = arith.cmpi slt, %add3A_221, %lt3A_222 : i32
      %convert_element_type3A_224 = arith.extui %lt3A_223 : i1 to i32
      %cond3A_225 = arith.constant 0 : i32
      %cond3A_226 = arith.cmpi ne, %convert_element_type3A_224, %cond3A_225 : i32
      scf.if %cond3A_226 {
        %jit3A_227 = arith.constant 2 : i32
        %div3A_228 = arith.divsi %add3A_221, %jit3A_227 : i32
        %sign3A_229 = arith.constant 0 : i32
        %sign3A_230 = arith.cmpi sgt, %add3A_221, %sign3A_229 : i32
        %sign3A_231 = arith.extui %sign3A_230 : i1 to i32
        %sign3A_232 = arith.constant 0 : i32
        %sign3A_233 = arith.cmpi slt, %add3A_221, %sign3A_232 : i32
        %sign3A_234 = arith.extui %sign3A_233 : i1 to i32
        %sign3A_235 = arith.subi %sign3A_231, %sign3A_234 : i32
        %sign3A_236 = arith.constant 0 : i32
        %sign3A_237 = arith.cmpi sgt, %jit3A_227, %sign3A_236 : i32
        %sign3A_238 = arith.extui %sign3A_237 : i1 to i32
        %sign3A_239 = arith.constant 0 : i32
        %sign3A_240 = arith.cmpi slt, %jit3A_227, %sign3A_239 : i32
        %sign3A_241 = arith.extui %sign3A_240 : i1 to i32
        %sign3A_242 = arith.subi %sign3A_238, %sign3A_241 : i32
        %ne3A_243 = arith.cmpi ne, %sign3A_235, %sign3A_242 : i32
        %rem3A_244 = arith.remsi %add3A_221, %jit3A_227 : i32
        %ne3A_245 = arith.constant 0 : i32
        %ne3A_246 = arith.cmpi ne, %rem3A_244, %ne3A_245 : i32
        %and3A_247 = arith.andi %ne3A_243, %ne3A_246 : i1
        %sub3A_248 = arith.constant 1 : i32
        %sub3A_249 = arith.subi %div3A_228, %sub3A_248 : i32
        %select_n3A_250 = arith.select %and3A_247, %sub3A_249, %div3A_228 : i32
        %dma_start3A_251 = arith.constant 64 : i32
        %dma_start3A_252 = tpu.memref_slice %arg7[%select_n3A_250, %dma_start3A_251] : memref<80x128xi32, #tpu.memory_space<vmem>> -> memref<1x64xi32, #tpu.memory_space<vmem>>
        %dma_start3A_253 = tpu.memref_squeeze %dma_start3A_252 : memref<1x64xi32, #tpu.memory_space<vmem>> -> memref<64xi32, #tpu.memory_space<vmem>>
        %dma_start3A_254 = arith.constant 0 : i32
        %dma_start3A_255 = arith.constant 0 : i32
        %dma_start3A_256 = tpu.memref_slice %arg2[%dma_start3A_254, %dma_start3A_255] : memref<10240x128xf32, #tpu.memory_space<hbm>> -> memref<10240x128xf32, #tpu.memory_space<hbm>>
        tpu.enqueue_indirect_dma source(%dma_start3A_256 : memref<10240x128xf32, #tpu.memory_space<hbm>>) target(%arg12 : memref<64x128xf32, #tpu.memory_space<vmem>>) offsets(%dma_start3A_253 : memref<64xi32, #tpu.memory_space<vmem>>) semaphore(%arg17 : memref<!tpu.dma_semaphore, #tpu.memory_space<semaphore_mem>>)
      } else {
      }
    }
    %scan3A_38 = arith.constant 10 : i32
    "tpu.region"() ({
      %run_scoped3A = tpu.sem_alloc : memref<!tpu.dma_semaphore, #tpu.memory_space<semaphore_mem>>
      %dma_start3A_50 = arith.constant 80 : i32
      %dma_start3A_51 = arith.constant 0 : i32
      %dma_start3A_52 = tpu.memref_slice %arg4[%add3A, %dma_start3A_50, %dma_start3A_51] : memref<32x160x64xi32, #tpu.memory_space<hbm>> -> memref<1x40x64xi32, #tpu.memory_space<hbm>>
      %dma_start3A_53 = tpu.memref_squeeze %dma_start3A_52 : memref<1x40x64xi32, #tpu.memory_space<hbm>> -> memref<40x64xi32, #tpu.memory_space<hbm>>
      %dma_start3A_54 = arith.constant 80 : i32
      %dma_start3A_55 = arith.constant 0 : i32
      %dma_start3A_56 = tpu.memref_slice %arg4[%add3A, %dma_start3A_54, %dma_start3A_55] : memref<32x160x64xi32, #tpu.memory_space<hbm>> -> memref<1x40x64xi32, #tpu.memory_space<hbm>>
      %dma_start3A_57 = tpu.memref_squeeze %dma_start3A_56 : memref<1x40x64xi32, #tpu.memory_space<hbm>> -> memref<40x64xi32, #tpu.memory_space<hbm>>
      tpu.enqueue_dma source(%dma_start3A_57 : memref<40x64xi32, #tpu.memory_space<hbm>>) target(%arg8 : memref<40x64xi32, #tpu.memory_space<vmem>>) target_semaphore(%run_scoped3A : memref<!tpu.dma_semaphore, #tpu.memory_space<semaphore_mem>>)
      %dma_wait3A = arith.constant 80 : i32
      %dma_wait3A_58 = arith.constant 0 : i32
      %dma_wait3A_59 = tpu.memref_slice %arg4[%add3A, %dma_wait3A, %dma_wait3A_58] : memref<32x160x64xi32, #tpu.memory_space<hbm>> -> memref<1x40x64xi32, #tpu.memory_space<hbm>>
      %dma_wait3A_60 = tpu.memref_squeeze %dma_wait3A_59 : memref<1x40x64xi32, #tpu.memory_space<hbm>> -> memref<40x64xi32, #tpu.memory_space<hbm>>
      %dma_wait3A_61 = arith.constant 80 : i32
      %dma_wait3A_62 = arith.constant 0 : i32
      %dma_wait3A_63 = tpu.memref_slice %arg4[%add3A, %dma_wait3A_61, %dma_wait3A_62] : memref<32x160x64xi32, #tpu.memory_space<hbm>> -> memref<1x40x64xi32, #tpu.memory_space<hbm>>
      %dma_wait3A_64 = tpu.memref_squeeze %dma_wait3A_63 : memref<1x40x64xi32, #tpu.memory_space<hbm>> -> memref<40x64xi32, #tpu.memory_space<hbm>>
      tpu.wait_dma2 semaphore(%run_scoped3A : memref<!tpu.dma_semaphore, #tpu.memory_space<semaphore_mem>>) src(%dma_wait3A_64 : memref<40x64xi32, #tpu.memory_space<hbm>>) dst(%arg8 : memref<40x64xi32, #tpu.memory_space<vmem>>)
      tpu.yield
    }) : () -> ()
    %scan3A_39 = arith.constant 0 : i32
    %scan3A_40 = arith.constant 10 : i32
    %scan3A_41 = arith.addi %scan3A_39, %scan3A_40 : i32
    %scan3A_42 = arith.constant 1 : i32
    scf.for %scan3A_50 = %scan3A_39 to %scan3A_41 step %scan3A_42  : i32 {
      %mul3A_51 = arith.constant 4 : i32
      %mul3A_52 = arith.muli %scan3A_50, %mul3A_51 : i32
      %add3A_53 = arith.constant 80 : i32
      %add3A_54 = arith.addi %add3A_53, %mul3A_52 : i32
      %add3A_55 = arith.constant 0 : i32
      %add3A_56 = arith.addi %add3A_54, %add3A_55 : i32
      %mul3A_57 = arith.constant 4 : i32
      %mul3A_58 = arith.muli %scan3A_50, %mul3A_57 : i32
      %add3A_59 = arith.constant 0 : i32
      %add3A_60 = arith.addi %mul3A_58, %add3A_59 : i32
      %jit3A = arith.constant 2 : i32
      %div3A = arith.divsi %add3A_56, %jit3A : i32
      %sign3A = arith.constant 0 : i32
      %sign3A_61 = arith.cmpi sgt, %add3A_56, %sign3A : i32
      %sign3A_62 = arith.extui %sign3A_61 : i1 to i32
      %sign3A_63 = arith.constant 0 : i32
      %sign3A_64 = arith.cmpi slt, %add3A_56, %sign3A_63 : i32
      %sign3A_65 = arith.extui %sign3A_64 : i1 to i32
      %sign3A_66 = arith.subi %sign3A_62, %sign3A_65 : i32
      %sign3A_67 = arith.constant 0 : i32
      %sign3A_68 = arith.cmpi sgt, %jit3A, %sign3A_67 : i32
      %sign3A_69 = arith.extui %sign3A_68 : i1 to i32
      %sign3A_70 = arith.constant 0 : i32
      %sign3A_71 = arith.cmpi slt, %jit3A, %sign3A_70 : i32
      %sign3A_72 = arith.extui %sign3A_71 : i1 to i32
      %sign3A_73 = arith.subi %sign3A_69, %sign3A_72 : i32
      %ne3A = arith.cmpi ne, %sign3A_66, %sign3A_73 : i32
      %rem3A = arith.remsi %add3A_56, %jit3A : i32
      %ne3A_74 = arith.constant 0 : i32
      %ne3A_75 = arith.cmpi ne, %rem3A, %ne3A_74 : i32
      %and3A = arith.andi %ne3A, %ne3A_75 : i1
      %sub3A = arith.constant 1 : i32
      %sub3A_76 = arith.subi %div3A, %sub3A : i32
      %select_n3A = arith.select %and3A, %sub3A_76, %div3A : i32
      %dma_wait3A = arith.constant 0 : i32
      %dma_wait3A_77 = tpu.memref_slice %arg7[%select_n3A, %dma_wait3A] : memref<80x128xi32, #tpu.memory_space<vmem>> -> memref<1x64xi32, #tpu.memory_space<vmem>>
      %dma_wait3A_78 = tpu.memref_squeeze %dma_wait3A_77 : memref<1x64xi32, #tpu.memory_space<vmem>> -> memref<64xi32, #tpu.memory_space<vmem>>
      %dma_wait3A_79 = arith.constant 0 : i32
      %dma_wait3A_80 = arith.constant 0 : i32
      %dma_wait3A_81 = tpu.memref_slice %arg2[%dma_wait3A_79, %dma_wait3A_80] : memref<10240x128xf32, #tpu.memory_space<hbm>> -> memref<10240x128xf32, #tpu.memory_space<hbm>>
      tpu.wait_indirect_dma semaphore(%arg14 : memref<!tpu.dma_semaphore, #tpu.memory_space<semaphore_mem>>) src(%dma_wait3A_81 : memref<10240x128xf32, #tpu.memory_space<hbm>>) dst(%arg9 : memref<64x128xf32, #tpu.memory_space<vmem>>)
      "tpu.region"() ({
        %run_scoped3A = tpu.sem_alloc : memref<!tpu.dma_semaphore, #tpu.memory_space<semaphore_mem>>
        %dma_start3A_227 = arith.constant 0 : i32
        %dma_start3A_228 = tpu.memref_slice %arg8[%add3A_60, %dma_start3A_227] : memref<40x64xi32, #tpu.memory_space<vmem>> -> memref<1x64xi32, #tpu.memory_space<vmem>>
        %dma_start3A_229 = tpu.memref_squeeze %dma_start3A_228 : memref<1x64xi32, #tpu.memory_space<vmem>> -> memref<64xi32, #tpu.memory_space<vmem>>
        %dma_start3A_230 = arith.constant 0 : i32
        %dma_start3A_231 = arith.constant 0 : i32
        %dma_start3A_232 = tpu.memref_slice %arg13[%dma_start3A_230, %dma_start3A_231] : memref<10240x128xf32, #tpu.memory_space<vmem_shared>> -> memref<10240x128xf32, #tpu.memory_space<vmem_shared>>
        tpu.enqueue_indirect_dma source(%arg9 : memref<64x128xf32, #tpu.memory_space<vmem>>) target(%dma_start3A_232 : memref<10240x128xf32, #tpu.memory_space<vmem_shared>>) offsets(%dma_start3A_229 : memref<64xi32, #tpu.memory_space<vmem>>) semaphore(%run_scoped3A : memref<!tpu.dma_semaphore, #tpu.memory_space<semaphore_mem>>) {add = true}
        %dma_wait3A_233 = arith.constant 0 : i32
        %dma_wait3A_234 = tpu.memref_slice %arg8[%add3A_60, %dma_wait3A_233] : memref<40x64xi32, #tpu.memory_space<vmem>> -> memref<1x64xi32, #tpu.memory_space<vmem>>
        %dma_wait3A_235 = tpu.memref_squeeze %dma_wait3A_234 : memref<1x64xi32, #tpu.memory_space<vmem>> -> memref<64xi32, #tpu.memory_space<vmem>>
        %dma_wait3A_236 = arith.constant 0 : i32
        %dma_wait3A_237 = arith.constant 0 : i32
        %dma_wait3A_238 = tpu.memref_slice %arg13[%dma_wait3A_236, %dma_wait3A_237] : memref<10240x128xf32, #tpu.memory_space<vmem_shared>> -> memref<10240x128xf32, #tpu.memory_space<vmem_shared>>
        tpu.wait_indirect_dma semaphore(%run_scoped3A : memref<!tpu.dma_semaphore, #tpu.memory_space<semaphore_mem>>) src(%arg9 : memref<64x128xf32, #tpu.memory_space<vmem>>) dst(%dma_wait3A_238 : memref<10240x128xf32, #tpu.memory_space<vmem_shared>>)
        tpu.yield
      }) : () -> ()
      %add3A_82 = arith.constant 4 : i32
      %add3A_83 = arith.addi %add3A_56, %add3A_82 : i32
      %lt3A = arith.constant 160 : i32
      %lt3A_84 = arith.cmpi slt, %add3A_83, %lt3A : i32
      %convert_element_type3A = arith.extui %lt3A_84 : i1 to i32
      %cond3A = arith.constant 0 : i32
      %cond3A_85 = arith.cmpi ne, %convert_element_type3A, %cond3A : i32
      scf.if %cond3A_85 {
        %jit3A_227 = arith.constant 2 : i32
        %div3A_228 = arith.divsi %add3A_83, %jit3A_227 : i32
        %sign3A_229 = arith.constant 0 : i32
        %sign3A_230 = arith.cmpi sgt, %add3A_83, %sign3A_229 : i32
        %sign3A_231 = arith.extui %sign3A_230 : i1 to i32
        %sign3A_232 = arith.constant 0 : i32
        %sign3A_233 = arith.cmpi slt, %add3A_83, %sign3A_232 : i32
        %sign3A_234 = arith.extui %sign3A_233 : i1 to i32
        %sign3A_235 = arith.subi %sign3A_231, %sign3A_234 : i32
        %sign3A_236 = arith.constant 0 : i32
        %sign3A_237 = arith.cmpi sgt, %jit3A_227, %sign3A_236 : i32
        %sign3A_238 = arith.extui %sign3A_237 : i1 to i32
        %sign3A_239 = arith.constant 0 : i32
        %sign3A_240 = arith.cmpi slt, %jit3A_227, %sign3A_239 : i32
        %sign3A_241 = arith.extui %sign3A_240 : i1 to i32
        %sign3A_242 = arith.subi %sign3A_238, %sign3A_241 : i32
        %ne3A_243 = arith.cmpi ne, %sign3A_235, %sign3A_242 : i32
        %rem3A_244 = arith.remsi %add3A_83, %jit3A_227 : i32
        %ne3A_245 = arith.constant 0 : i32
        %ne3A_246 = arith.cmpi ne, %rem3A_244, %ne3A_245 : i32
        %and3A_247 = arith.andi %ne3A_243, %ne3A_246 : i1
        %sub3A_248 = arith.constant 1 : i32
        %sub3A_249 = arith.subi %div3A_228, %sub3A_248 : i32
        %select_n3A_250 = arith.select %and3A_247, %sub3A_249, %div3A_228 : i32
        %dma_start3A_251 = arith.constant 0 : i32
        %dma_start3A_252 = tpu.memref_slice %arg7[%select_n3A_250, %dma_start3A_251] : memref<80x128xi32, #tpu.memory_space<vmem>> -> memref<1x64xi32, #tpu.memory_space<vmem>>
        %dma_start3A_253 = tpu.memref_squeeze %dma_start3A_252 : memref<1x64xi32, #tpu.memory_space<vmem>> -> memref<64xi32, #tpu.memory_space<vmem>>
        %dma_start3A_254 = arith.constant 0 : i32
        %dma_start3A_255 = arith.constant 0 : i32
        %dma_start3A_256 = tpu.memref_slice %arg2[%dma_start3A_254, %dma_start3A_255] : memref<10240x128xf32, #tpu.memory_space<hbm>> -> memref<10240x128xf32, #tpu.memory_space<hbm>>
        tpu.enqueue_indirect_dma source(%dma_start3A_256 : memref<10240x128xf32, #tpu.memory_space<hbm>>) target(%arg9 : memref<64x128xf32, #tpu.memory_space<vmem>>) offsets(%dma_start3A_253 : memref<64xi32, #tpu.memory_space<vmem>>) semaphore(%arg14 : memref<!tpu.dma_semaphore, #tpu.memory_space<semaphore_mem>>)
      } else {
      }
      %mul3A_86 = arith.constant 4 : i32
      %mul3A_87 = arith.muli %scan3A_50, %mul3A_86 : i32
      %add3A_88 = arith.constant 80 : i32
      %add3A_89 = arith.addi %add3A_88, %mul3A_87 : i32
      %add3A_90 = arith.constant 1 : i32
      %add3A_91 = arith.addi %add3A_89, %add3A_90 : i32
      %mul3A_92 = arith.constant 4 : i32
      %mul3A_93 = arith.muli %scan3A_50, %mul3A_92 : i32
      %add3A_94 = arith.constant 1 : i32
      %add3A_95 = arith.addi %mul3A_93, %add3A_94 : i32
      %jit3A_96 = arith.constant 2 : i32
      %div3A_97 = arith.divsi %add3A_91, %jit3A_96 : i32
      %sign3A_98 = arith.constant 0 : i32
      %sign3A_99 = arith.cmpi sgt, %add3A_91, %sign3A_98 : i32
      %sign3A_100 = arith.extui %sign3A_99 : i1 to i32
      %sign3A_101 = arith.constant 0 : i32
      %sign3A_102 = arith.cmpi slt, %add3A_91, %sign3A_101 : i32
      %sign3A_103 = arith.extui %sign3A_102 : i1 to i32
      %sign3A_104 = arith.subi %sign3A_100, %sign3A_103 : i32
      %sign3A_105 = arith.constant 0 : i32
      %sign3A_106 = arith.cmpi sgt, %jit3A_96, %sign3A_105 : i32
      %sign3A_107 = arith.extui %sign3A_106 : i1 to i32
      %sign3A_108 = arith.constant 0 : i32
      %sign3A_109 = arith.cmpi slt, %jit3A_96, %sign3A_108 : i32
      %sign3A_110 = arith.extui %sign3A_109 : i1 to i32
      %sign3A_111 = arith.subi %sign3A_107, %sign3A_110 : i32
      %ne3A_112 = arith.cmpi ne, %sign3A_104, %sign3A_111 : i32
      %rem3A_113 = arith.remsi %add3A_91, %jit3A_96 : i32
      %ne3A_114 = arith.constant 0 : i32
      %ne3A_115 = arith.cmpi ne, %rem3A_113, %ne3A_114 : i32
      %and3A_116 = arith.andi %ne3A_112, %ne3A_115 : i1
      %sub3A_117 = arith.constant 1 : i32
      %sub3A_118 = arith.subi %div3A_97, %sub3A_117 : i32
      %select_n3A_119 = arith.select %and3A_116, %sub3A_118, %div3A_97 : i32
      %dma_wait3A_120 = arith.constant 64 : i32
      %dma_wait3A_121 = tpu.memref_slice %arg7[%select_n3A_119, %dma_wait3A_120] : memref<80x128xi32, #tpu.memory_space<vmem>> -> memref<1x64xi32, #tpu.memory_space<vmem>>
      %dma_wait3A_122 = tpu.memref_squeeze %dma_wait3A_121 : memref<1x64xi32, #tpu.memory_space<vmem>> -> memref<64xi32, #tpu.memory_space<vmem>>
      %dma_wait3A_123 = arith.constant 0 : i32
      %dma_wait3A_124 = arith.constant 0 : i32
      %dma_wait3A_125 = tpu.memref_slice %arg2[%dma_wait3A_123, %dma_wait3A_124] : memref<10240x128xf32, #tpu.memory_space<hbm>> -> memref<10240x128xf32, #tpu.memory_space<hbm>>
      tpu.wait_indirect_dma semaphore(%arg15 : memref<!tpu.dma_semaphore, #tpu.memory_space<semaphore_mem>>) src(%dma_wait3A_125 : memref<10240x128xf32, #tpu.memory_space<hbm>>) dst(%arg10 : memref<64x128xf32, #tpu.memory_space<vmem>>)
      "tpu.region"() ({
        %run_scoped3A = tpu.sem_alloc : memref<!tpu.dma_semaphore, #tpu.memory_space<semaphore_mem>>
        %dma_start3A_227 = arith.constant 0 : i32
        %dma_start3A_228 = tpu.memref_slice %arg8[%add3A_95, %dma_start3A_227] : memref<40x64xi32, #tpu.memory_space<vmem>> -> memref<1x64xi32, #tpu.memory_space<vmem>>
        %dma_start3A_229 = tpu.memref_squeeze %dma_start3A_228 : memref<1x64xi32, #tpu.memory_space<vmem>> -> memref<64xi32, #tpu.memory_space<vmem>>
        %dma_start3A_230 = arith.constant 0 : i32
        %dma_start3A_231 = arith.constant 0 : i32
        %dma_start3A_232 = tpu.memref_slice %arg13[%dma_start3A_230, %dma_start3A_231] : memref<10240x128xf32, #tpu.memory_space<vmem_shared>> -> memref<10240x128xf32, #tpu.memory_space<vmem_shared>>
        tpu.enqueue_indirect_dma source(%arg10 : memref<64x128xf32, #tpu.memory_space<vmem>>) target(%dma_start3A_232 : memref<10240x128xf32, #tpu.memory_space<vmem_shared>>) offsets(%dma_start3A_229 : memref<64xi32, #tpu.memory_space<vmem>>) semaphore(%run_scoped3A : memref<!tpu.dma_semaphore, #tpu.memory_space<semaphore_mem>>) {add = true}
        %dma_wait3A_233 = arith.constant 0 : i32
        %dma_wait3A_234 = tpu.memref_slice %arg8[%add3A_95, %dma_wait3A_233] : memref<40x64xi32, #tpu.memory_space<vmem>> -> memref<1x64xi32, #tpu.memory_space<vmem>>
        %dma_wait3A_235 = tpu.memref_squeeze %dma_wait3A_234 : memref<1x64xi32, #tpu.memory_space<vmem>> -> memref<64xi32, #tpu.memory_space<vmem>>
        %dma_wait3A_236 = arith.constant 0 : i32
        %dma_wait3A_237 = arith.constant 0 : i32
        %dma_wait3A_238 = tpu.memref_slice %arg13[%dma_wait3A_236, %dma_wait3A_237] : memref<10240x128xf32, #tpu.memory_space<vmem_shared>> -> memref<10240x128xf32, #tpu.memory_space<vmem_shared>>
        tpu.wait_indirect_dma semaphore(%run_scoped3A : memref<!tpu.dma_semaphore, #tpu.memory_space<semaphore_mem>>) src(%arg10 : memref<64x128xf32, #tpu.memory_space<vmem>>) dst(%dma_wait3A_238 : memref<10240x128xf32, #tpu.memory_space<vmem_shared>>)
        tpu.yield
      }) : () -> ()
      %add3A_126 = arith.constant 4 : i32
      %add3A_127 = arith.addi %add3A_91, %add3A_126 : i32
      %lt3A_128 = arith.constant 160 : i32
      %lt3A_129 = arith.cmpi slt, %add3A_127, %lt3A_128 : i32
      %convert_element_type3A_130 = arith.extui %lt3A_129 : i1 to i32
      %cond3A_131 = arith.constant 0 : i32
      %cond3A_132 = arith.cmpi ne, %convert_element_type3A_130, %cond3A_131 : i32
      scf.if %cond3A_132 {
        %jit3A_227 = arith.constant 2 : i32
        %div3A_228 = arith.divsi %add3A_127, %jit3A_227 : i32
        %sign3A_229 = arith.constant 0 : i32
        %sign3A_230 = arith.cmpi sgt, %add3A_127, %sign3A_229 : i32
        %sign3A_231 = arith.extui %sign3A_230 : i1 to i32
        %sign3A_232 = arith.constant 0 : i32
        %sign3A_233 = arith.cmpi slt, %add3A_127, %sign3A_232 : i32
        %sign3A_234 = arith.extui %sign3A_233 : i1 to i32
        %sign3A_235 = arith.subi %sign3A_231, %sign3A_234 : i32
        %sign3A_236 = arith.constant 0 : i32
        %sign3A_237 = arith.cmpi sgt, %jit3A_227, %sign3A_236 : i32
        %sign3A_238 = arith.extui %sign3A_237 : i1 to i32
        %sign3A_239 = arith.constant 0 : i32
        %sign3A_240 = arith.cmpi slt, %jit3A_227, %sign3A_239 : i32
        %sign3A_241 = arith.extui %sign3A_240 : i1 to i32
        %sign3A_242 = arith.subi %sign3A_238, %sign3A_241 : i32
        %ne3A_243 = arith.cmpi ne, %sign3A_235, %sign3A_242 : i32
        %rem3A_244 = arith.remsi %add3A_127, %jit3A_227 : i32
        %ne3A_245 = arith.constant 0 : i32
        %ne3A_246 = arith.cmpi ne, %rem3A_244, %ne3A_245 : i32
        %and3A_247 = arith.andi %ne3A_243, %ne3A_246 : i1
        %sub3A_248 = arith.constant 1 : i32
        %sub3A_249 = arith.subi %div3A_228, %sub3A_248 : i32
        %select_n3A_250 = arith.select %and3A_247, %sub3A_249, %div3A_228 : i32
        %dma_start3A_251 = arith.constant 64 : i32
        %dma_start3A_252 = tpu.memref_slice %arg7[%select_n3A_250, %dma_start3A_251] : memref<80x128xi32, #tpu.memory_space<vmem>> -> memref<1x64xi32, #tpu.memory_space<vmem>>
        %dma_start3A_253 = tpu.memref_squeeze %dma_start3A_252 : memref<1x64xi32, #tpu.memory_space<vmem>> -> memref<64xi32, #tpu.memory_space<vmem>>
        %dma_start3A_254 = arith.constant 0 : i32
        %dma_start3A_255 = arith.constant 0 : i32
        %dma_start3A_256 = tpu.memref_slice %arg2[%dma_start3A_254, %dma_start3A_255] : memref<10240x128xf32, #tpu.memory_space<hbm>> -> memref<10240x128xf32, #tpu.memory_space<hbm>>
        tpu.enqueue_indirect_dma source(%dma_start3A_256 : memref<10240x128xf32, #tpu.memory_space<hbm>>) target(%arg10 : memref<64x128xf32, #tpu.memory_space<vmem>>) offsets(%dma_start3A_253 : memref<64xi32, #tpu.memory_space<vmem>>) semaphore(%arg15 : memref<!tpu.dma_semaphore, #tpu.memory_space<semaphore_mem>>)
      } else {
      }
      %mul3A_133 = arith.constant 4 : i32
      %mul3A_134 = arith.muli %scan3A_50, %mul3A_133 : i32
      %add3A_135 = arith.constant 80 : i32
      %add3A_136 = arith.addi %add3A_135, %mul3A_134 : i32
      %add3A_137 = arith.constant 2 : i32
      %add3A_138 = arith.addi %add3A_136, %add3A_137 : i32
      %mul3A_139 = arith.constant 4 : i32
      %mul3A_140 = arith.muli %scan3A_50, %mul3A_139 : i32
      %add3A_141 = arith.constant 2 : i32
      %add3A_142 = arith.addi %mul3A_140, %add3A_141 : i32
      %jit3A_143 = arith.constant 2 : i32
      %div3A_144 = arith.divsi %add3A_138, %jit3A_143 : i32
      %sign3A_145 = arith.constant 0 : i32
      %sign3A_146 = arith.cmpi sgt, %add3A_138, %sign3A_145 : i32
      %sign3A_147 = arith.extui %sign3A_146 : i1 to i32
      %sign3A_148 = arith.constant 0 : i32
      %sign3A_149 = arith.cmpi slt, %add3A_138, %sign3A_148 : i32
      %sign3A_150 = arith.extui %sign3A_149 : i1 to i32
      %sign3A_151 = arith.subi %sign3A_147, %sign3A_150 : i32
      %sign3A_152 = arith.constant 0 : i32
      %sign3A_153 = arith.cmpi sgt, %jit3A_143, %sign3A_152 : i32
      %sign3A_154 = arith.extui %sign3A_153 : i1 to i32
      %sign3A_155 = arith.constant 0 : i32
      %sign3A_156 = arith.cmpi slt, %jit3A_143, %sign3A_155 : i32
      %sign3A_157 = arith.extui %sign3A_156 : i1 to i32
      %sign3A_158 = arith.subi %sign3A_154, %sign3A_157 : i32
      %ne3A_159 = arith.cmpi ne, %sign3A_151, %sign3A_158 : i32
      %rem3A_160 = arith.remsi %add3A_138, %jit3A_143 : i32
      %ne3A_161 = arith.constant 0 : i32
      %ne3A_162 = arith.cmpi ne, %rem3A_160, %ne3A_161 : i32
      %and3A_163 = arith.andi %ne3A_159, %ne3A_162 : i1
      %sub3A_164 = arith.constant 1 : i32
      %sub3A_165 = arith.subi %div3A_144, %sub3A_164 : i32
      %select_n3A_166 = arith.select %and3A_163, %sub3A_165, %div3A_144 : i32
      %dma_wait3A_167 = arith.constant 0 : i32
      %dma_wait3A_168 = tpu.memref_slice %arg7[%select_n3A_166, %dma_wait3A_167] : memref<80x128xi32, #tpu.memory_space<vmem>> -> memref<1x64xi32, #tpu.memory_space<vmem>>
      %dma_wait3A_169 = tpu.memref_squeeze %dma_wait3A_168 : memref<1x64xi32, #tpu.memory_space<vmem>> -> memref<64xi32, #tpu.memory_space<vmem>>
      %dma_wait3A_170 = arith.constant 0 : i32
      %dma_wait3A_171 = arith.constant 0 : i32
      %dma_wait3A_172 = tpu.memref_slice %arg2[%dma_wait3A_170, %dma_wait3A_171] : memref<10240x128xf32, #tpu.memory_space<hbm>> -> memref<10240x128xf32, #tpu.memory_space<hbm>>
      tpu.wait_indirect_dma semaphore(%arg16 : memref<!tpu.dma_semaphore, #tpu.memory_space<semaphore_mem>>) src(%dma_wait3A_172 : memref<10240x128xf32, #tpu.memory_space<hbm>>) dst(%arg11 : memref<64x128xf32, #tpu.memory_space<vmem>>)
      "tpu.region"() ({
        %run_scoped3A = tpu.sem_alloc : memref<!tpu.dma_semaphore, #tpu.memory_space<semaphore_mem>>
        %dma_start3A_227 = arith.constant 0 : i32
        %dma_start3A_228 = tpu.memref_slice %arg8[%add3A_142, %dma_start3A_227] : memref<40x64xi32, #tpu.memory_space<vmem>> -> memref<1x64xi32, #tpu.memory_space<vmem>>
        %dma_start3A_229 = tpu.memref_squeeze %dma_start3A_228 : memref<1x64xi32, #tpu.memory_space<vmem>> -> memref<64xi32, #tpu.memory_space<vmem>>
        %dma_start3A_230 = arith.constant 0 : i32
        %dma_start3A_231 = arith.constant 0 : i32
        %dma_start3A_232 = tpu.memref_slice %arg13[%dma_start3A_230, %dma_start3A_231] : memref<10240x128xf32, #tpu.memory_space<vmem_shared>> -> memref<10240x128xf32, #tpu.memory_space<vmem_shared>>
        tpu.enqueue_indirect_dma source(%arg11 : memref<64x128xf32, #tpu.memory_space<vmem>>) target(%dma_start3A_232 : memref<10240x128xf32, #tpu.memory_space<vmem_shared>>) offsets(%dma_start3A_229 : memref<64xi32, #tpu.memory_space<vmem>>) semaphore(%run_scoped3A : memref<!tpu.dma_semaphore, #tpu.memory_space<semaphore_mem>>) {add = true}
        %dma_wait3A_233 = arith.constant 0 : i32
        %dma_wait3A_234 = tpu.memref_slice %arg8[%add3A_142, %dma_wait3A_233] : memref<40x64xi32, #tpu.memory_space<vmem>> -> memref<1x64xi32, #tpu.memory_space<vmem>>
        %dma_wait3A_235 = tpu.memref_squeeze %dma_wait3A_234 : memref<1x64xi32, #tpu.memory_space<vmem>> -> memref<64xi32, #tpu.memory_space<vmem>>
        %dma_wait3A_236 = arith.constant 0 : i32
        %dma_wait3A_237 = arith.constant 0 : i32
        %dma_wait3A_238 = tpu.memref_slice %arg13[%dma_wait3A_236, %dma_wait3A_237] : memref<10240x128xf32, #tpu.memory_space<vmem_shared>> -> memref<10240x128xf32, #tpu.memory_space<vmem_shared>>
        tpu.wait_indirect_dma semaphore(%run_scoped3A : memref<!tpu.dma_semaphore, #tpu.memory_space<semaphore_mem>>) src(%arg11 : memref<64x128xf32, #tpu.memory_space<vmem>>) dst(%dma_wait3A_238 : memref<10240x128xf32, #tpu.memory_space<vmem_shared>>)
        tpu.yield
      }) : () -> ()
      %add3A_173 = arith.constant 4 : i32
      %add3A_174 = arith.addi %add3A_138, %add3A_173 : i32
      %lt3A_175 = arith.constant 160 : i32
      %lt3A_176 = arith.cmpi slt, %add3A_174, %lt3A_175 : i32
      %convert_element_type3A_177 = arith.extui %lt3A_176 : i1 to i32
      %cond3A_178 = arith.constant 0 : i32
      %cond3A_179 = arith.cmpi ne, %convert_element_type3A_177, %cond3A_178 : i32
      scf.if %cond3A_179 {
        %jit3A_227 = arith.constant 2 : i32
        %div3A_228 = arith.divsi %add3A_174, %jit3A_227 : i32
        %sign3A_229 = arith.constant 0 : i32
        %sign3A_230 = arith.cmpi sgt, %add3A_174, %sign3A_229 : i32
        %sign3A_231 = arith.extui %sign3A_230 : i1 to i32
        %sign3A_232 = arith.constant 0 : i32
        %sign3A_233 = arith.cmpi slt, %add3A_174, %sign3A_232 : i32
        %sign3A_234 = arith.extui %sign3A_233 : i1 to i32
        %sign3A_235 = arith.subi %sign3A_231, %sign3A_234 : i32
        %sign3A_236 = arith.constant 0 : i32
        %sign3A_237 = arith.cmpi sgt, %jit3A_227, %sign3A_236 : i32
        %sign3A_238 = arith.extui %sign3A_237 : i1 to i32
        %sign3A_239 = arith.constant 0 : i32
        %sign3A_240 = arith.cmpi slt, %jit3A_227, %sign3A_239 : i32
        %sign3A_241 = arith.extui %sign3A_240 : i1 to i32
        %sign3A_242 = arith.subi %sign3A_238, %sign3A_241 : i32
        %ne3A_243 = arith.cmpi ne, %sign3A_235, %sign3A_242 : i32
        %rem3A_244 = arith.remsi %add3A_174, %jit3A_227 : i32
        %ne3A_245 = arith.constant 0 : i32
        %ne3A_246 = arith.cmpi ne, %rem3A_244, %ne3A_245 : i32
        %and3A_247 = arith.andi %ne3A_243, %ne3A_246 : i1
        %sub3A_248 = arith.constant 1 : i32
        %sub3A_249 = arith.subi %div3A_228, %sub3A_248 : i32
        %select_n3A_250 = arith.select %and3A_247, %sub3A_249, %div3A_228 : i32
        %dma_start3A_251 = arith.constant 0 : i32
        %dma_start3A_252 = tpu.memref_slice %arg7[%select_n3A_250, %dma_start3A_251] : memref<80x128xi32, #tpu.memory_space<vmem>> -> memref<1x64xi32, #tpu.memory_space<vmem>>
        %dma_start3A_253 = tpu.memref_squeeze %dma_start3A_252 : memref<1x64xi32, #tpu.memory_space<vmem>> -> memref<64xi32, #tpu.memory_space<vmem>>
        %dma_start3A_254 = arith.constant 0 : i32
        %dma_start3A_255 = arith.constant 0 : i32
        %dma_start3A_256 = tpu.memref_slice %arg2[%dma_start3A_254, %dma_start3A_255] : memref<10240x128xf32, #tpu.memory_space<hbm>> -> memref<10240x128xf32, #tpu.memory_space<hbm>>
        tpu.enqueue_indirect_dma source(%dma_start3A_256 : memref<10240x128xf32, #tpu.memory_space<hbm>>) target(%arg11 : memref<64x128xf32, #tpu.memory_space<vmem>>) offsets(%dma_start3A_253 : memref<64xi32, #tpu.memory_space<vmem>>) semaphore(%arg16 : memref<!tpu.dma_semaphore, #tpu.memory_space<semaphore_mem>>)
      } else {
      }
      %mul3A_180 = arith.constant 4 : i32
      %mul3A_181 = arith.muli %scan3A_50, %mul3A_180 : i32
      %add3A_182 = arith.constant 80 : i32
      %add3A_183 = arith.addi %add3A_182, %mul3A_181 : i32
      %add3A_184 = arith.constant 3 : i32
      %add3A_185 = arith.addi %add3A_183, %add3A_184 : i32
      %mul3A_186 = arith.constant 4 : i32
      %mul3A_187 = arith.muli %scan3A_50, %mul3A_186 : i32
      %add3A_188 = arith.constant 3 : i32
      %add3A_189 = arith.addi %mul3A_187, %add3A_188 : i32
      %jit3A_190 = arith.constant 2 : i32
      %div3A_191 = arith.divsi %add3A_185, %jit3A_190 : i32
      %sign3A_192 = arith.constant 0 : i32
      %sign3A_193 = arith.cmpi sgt, %add3A_185, %sign3A_192 : i32
      %sign3A_194 = arith.extui %sign3A_193 : i1 to i32
      %sign3A_195 = arith.constant 0 : i32
      %sign3A_196 = arith.cmpi slt, %add3A_185, %sign3A_195 : i32
      %sign3A_197 = arith.extui %sign3A_196 : i1 to i32
      %sign3A_198 = arith.subi %sign3A_194, %sign3A_197 : i32
      %sign3A_199 = arith.constant 0 : i32
      %sign3A_200 = arith.cmpi sgt, %jit3A_190, %sign3A_199 : i32
      %sign3A_201 = arith.extui %sign3A_200 : i1 to i32
      %sign3A_202 = arith.constant 0 : i32
      %sign3A_203 = arith.cmpi slt, %jit3A_190, %sign3A_202 : i32
      %sign3A_204 = arith.extui %sign3A_203 : i1 to i32
      %sign3A_205 = arith.subi %sign3A_201, %sign3A_204 : i32
      %ne3A_206 = arith.cmpi ne, %sign3A_198, %sign3A_205 : i32
      %rem3A_207 = arith.remsi %add3A_185, %jit3A_190 : i32
      %ne3A_208 = arith.constant 0 : i32
      %ne3A_209 = arith.cmpi ne, %rem3A_207, %ne3A_208 : i32
      %and3A_210 = arith.andi %ne3A_206, %ne3A_209 : i1
      %sub3A_211 = arith.constant 1 : i32
      %sub3A_212 = arith.subi %div3A_191, %sub3A_211 : i32
      %select_n3A_213 = arith.select %and3A_210, %sub3A_212, %div3A_191 : i32
      %dma_wait3A_214 = arith.constant 64 : i32
      %dma_wait3A_215 = tpu.memref_slice %arg7[%select_n3A_213, %dma_wait3A_214] : memref<80x128xi32, #tpu.memory_space<vmem>> -> memref<1x64xi32, #tpu.memory_space<vmem>>
      %dma_wait3A_216 = tpu.memref_squeeze %dma_wait3A_215 : memref<1x64xi32, #tpu.memory_space<vmem>> -> memref<64xi32, #tpu.memory_space<vmem>>
      %dma_wait3A_217 = arith.constant 0 : i32
      %dma_wait3A_218 = arith.constant 0 : i32
      %dma_wait3A_219 = tpu.memref_slice %arg2[%dma_wait3A_217, %dma_wait3A_218] : memref<10240x128xf32, #tpu.memory_space<hbm>> -> memref<10240x128xf32, #tpu.memory_space<hbm>>
      tpu.wait_indirect_dma semaphore(%arg17 : memref<!tpu.dma_semaphore, #tpu.memory_space<semaphore_mem>>) src(%dma_wait3A_219 : memref<10240x128xf32, #tpu.memory_space<hbm>>) dst(%arg12 : memref<64x128xf32, #tpu.memory_space<vmem>>)
      "tpu.region"() ({
        %run_scoped3A = tpu.sem_alloc : memref<!tpu.dma_semaphore, #tpu.memory_space<semaphore_mem>>
        %dma_start3A_227 = arith.constant 0 : i32
        %dma_start3A_228 = tpu.memref_slice %arg8[%add3A_189, %dma_start3A_227] : memref<40x64xi32, #tpu.memory_space<vmem>> -> memref<1x64xi32, #tpu.memory_space<vmem>>
        %dma_start3A_229 = tpu.memref_squeeze %dma_start3A_228 : memref<1x64xi32, #tpu.memory_space<vmem>> -> memref<64xi32, #tpu.memory_space<vmem>>
        %dma_start3A_230 = arith.constant 0 : i32
        %dma_start3A_231 = arith.constant 0 : i32
        %dma_start3A_232 = tpu.memref_slice %arg13[%dma_start3A_230, %dma_start3A_231] : memref<10240x128xf32, #tpu.memory_space<vmem_shared>> -> memref<10240x128xf32, #tpu.memory_space<vmem_shared>>
        tpu.enqueue_indirect_dma source(%arg12 : memref<64x128xf32, #tpu.memory_space<vmem>>) target(%dma_start3A_232 : memref<10240x128xf32, #tpu.memory_space<vmem_shared>>) offsets(%dma_start3A_229 : memref<64xi32, #tpu.memory_space<vmem>>) semaphore(%run_scoped3A : memref<!tpu.dma_semaphore, #tpu.memory_space<semaphore_mem>>) {add = true}
        %dma_wait3A_233 = arith.constant 0 : i32
        %dma_wait3A_234 = tpu.memref_slice %arg8[%add3A_189, %dma_wait3A_233] : memref<40x64xi32, #tpu.memory_space<vmem>> -> memref<1x64xi32, #tpu.memory_space<vmem>>
        %dma_wait3A_235 = tpu.memref_squeeze %dma_wait3A_234 : memref<1x64xi32, #tpu.memory_space<vmem>> -> memref<64xi32, #tpu.memory_space<vmem>>
        %dma_wait3A_236 = arith.constant 0 : i32
        %dma_wait3A_237 = arith.constant 0 : i32
        %dma_wait3A_238 = tpu.memref_slice %arg13[%dma_wait3A_236, %dma_wait3A_237] : memref<10240x128xf32, #tpu.memory_space<vmem_shared>> -> memref<10240x128xf32, #tpu.memory_space<vmem_shared>>
        tpu.wait_indirect_dma semaphore(%run_scoped3A : memref<!tpu.dma_semaphore, #tpu.memory_space<semaphore_mem>>) src(%arg12 : memref<64x128xf32, #tpu.memory_space<vmem>>) dst(%dma_wait3A_238 : memref<10240x128xf32, #tpu.memory_space<vmem_shared>>)
        tpu.yield
      }) : () -> ()
      %add3A_220 = arith.constant 4 : i32
      %add3A_221 = arith.addi %add3A_185, %add3A_220 : i32
      %lt3A_222 = arith.constant 160 : i32
      %lt3A_223 = arith.cmpi slt, %add3A_221, %lt3A_222 : i32
      %convert_element_type3A_224 = arith.extui %lt3A_223 : i1 to i32
      %cond3A_225 = arith.constant 0 : i32
      %cond3A_226 = arith.cmpi ne, %convert_element_type3A_224, %cond3A_225 : i32
      scf.if %cond3A_226 {
        %jit3A_227 = arith.constant 2 : i32
        %div3A_228 = arith.divsi %add3A_221, %jit3A_227 : i32
        %sign3A_229 = arith.constant 0 : i32
        %sign3A_230 = arith.cmpi sgt, %add3A_221, %sign3A_229 : i32
        %sign3A_231 = arith.extui %sign3A_230 : i1 to i32
        %sign3A_232 = arith.constant 0 : i32
        %sign3A_233 = arith.cmpi slt, %add3A_221, %sign3A_232 : i32
        %sign3A_234 = arith.extui %sign3A_233 : i1 to i32
        %sign3A_235 = arith.subi %sign3A_231, %sign3A_234 : i32
        %sign3A_236 = arith.constant 0 : i32
        %sign3A_237 = arith.cmpi sgt, %jit3A_227, %sign3A_236 : i32
        %sign3A_238 = arith.extui %sign3A_237 : i1 to i32
        %sign3A_239 = arith.constant 0 : i32
        %sign3A_240 = arith.cmpi slt, %jit3A_227, %sign3A_239 : i32
        %sign3A_241 = arith.extui %sign3A_240 : i1 to i32
        %sign3A_242 = arith.subi %sign3A_238, %sign3A_241 : i32
        %ne3A_243 = arith.cmpi ne, %sign3A_235, %sign3A_242 : i32
        %rem3A_244 = arith.remsi %add3A_221, %jit3A_227 : i32
        %ne3A_245 = arith.constant 0 : i32
        %ne3A_246 = arith.cmpi ne, %rem3A_244, %ne3A_245 : i32
        %and3A_247 = arith.andi %ne3A_243, %ne3A_246 : i1
        %sub3A_248 = arith.constant 1 : i32
        %sub3A_249 = arith.subi %div3A_228, %sub3A_248 : i32
        %select_n3A_250 = arith.select %and3A_247, %sub3A_249, %div3A_228 : i32
        %dma_start3A_251 = arith.constant 64 : i32
        %dma_start3A_252 = tpu.memref_slice %arg7[%select_n3A_250, %dma_start3A_251] : memref<80x128xi32, #tpu.memory_space<vmem>> -> memref<1x64xi32, #tpu.memory_space<vmem>>
        %dma_start3A_253 = tpu.memref_squeeze %dma_start3A_252 : memref<1x64xi32, #tpu.memory_space<vmem>> -> memref<64xi32, #tpu.memory_space<vmem>>
        %dma_start3A_254 = arith.constant 0 : i32
        %dma_start3A_255 = arith.constant 0 : i32
        %dma_start3A_256 = tpu.memref_slice %arg2[%dma_start3A_254, %dma_start3A_255] : memref<10240x128xf32, #tpu.memory_space<hbm>> -> memref<10240x128xf32, #tpu.memory_space<hbm>>
        tpu.enqueue_indirect_dma source(%dma_start3A_256 : memref<10240x128xf32, #tpu.memory_space<hbm>>) target(%arg12 : memref<64x128xf32, #tpu.memory_space<vmem>>) offsets(%dma_start3A_253 : memref<64xi32, #tpu.memory_space<vmem>>) semaphore(%arg17 : memref<!tpu.dma_semaphore, #tpu.memory_space<semaphore_mem>>)
      } else {
      }
    }
    %scan3A_43 = arith.constant 10 : i32
    "tpu.region"() ({
      %run_scoped3A = tpu.sem_alloc : memref<!tpu.dma_semaphore, #tpu.memory_space<semaphore_mem>>
      %dma_start3A_50 = arith.constant 120 : i32
      %dma_start3A_51 = arith.constant 0 : i32
      %dma_start3A_52 = tpu.memref_slice %arg4[%add3A, %dma_start3A_50, %dma_start3A_51] : memref<32x160x64xi32, #tpu.memory_space<hbm>> -> memref<1x40x64xi32, #tpu.memory_space<hbm>>
      %dma_start3A_53 = tpu.memref_squeeze %dma_start3A_52 : memref<1x40x64xi32, #tpu.memory_space<hbm>> -> memref<40x64xi32, #tpu.memory_space<hbm>>
      %dma_start3A_54 = arith.constant 120 : i32
      %dma_start3A_55 = arith.constant 0 : i32
      %dma_start3A_56 = tpu.memref_slice %arg4[%add3A, %dma_start3A_54, %dma_start3A_55] : memref<32x160x64xi32, #tpu.memory_space<hbm>> -> memref<1x40x64xi32, #tpu.memory_space<hbm>>
      %dma_start3A_57 = tpu.memref_squeeze %dma_start3A_56 : memref<1x40x64xi32, #tpu.memory_space<hbm>> -> memref<40x64xi32, #tpu.memory_space<hbm>>
      tpu.enqueue_dma source(%dma_start3A_57 : memref<40x64xi32, #tpu.memory_space<hbm>>) target(%arg8 : memref<40x64xi32, #tpu.memory_space<vmem>>) target_semaphore(%run_scoped3A : memref<!tpu.dma_semaphore, #tpu.memory_space<semaphore_mem>>)
      %dma_wait3A = arith.constant 120 : i32
      %dma_wait3A_58 = arith.constant 0 : i32
      %dma_wait3A_59 = tpu.memref_slice %arg4[%add3A, %dma_wait3A, %dma_wait3A_58] : memref<32x160x64xi32, #tpu.memory_space<hbm>> -> memref<1x40x64xi32, #tpu.memory_space<hbm>>
      %dma_wait3A_60 = tpu.memref_squeeze %dma_wait3A_59 : memref<1x40x64xi32, #tpu.memory_space<hbm>> -> memref<40x64xi32, #tpu.memory_space<hbm>>
      %dma_wait3A_61 = arith.constant 120 : i32
      %dma_wait3A_62 = arith.constant 0 : i32
      %dma_wait3A_63 = tpu.memref_slice %arg4[%add3A, %dma_wait3A_61, %dma_wait3A_62] : memref<32x160x64xi32, #tpu.memory_space<hbm>> -> memref<1x40x64xi32, #tpu.memory_space<hbm>>
      %dma_wait3A_64 = tpu.memref_squeeze %dma_wait3A_63 : memref<1x40x64xi32, #tpu.memory_space<hbm>> -> memref<40x64xi32, #tpu.memory_space<hbm>>
      tpu.wait_dma2 semaphore(%run_scoped3A : memref<!tpu.dma_semaphore, #tpu.memory_space<semaphore_mem>>) src(%dma_wait3A_64 : memref<40x64xi32, #tpu.memory_space<hbm>>) dst(%arg8 : memref<40x64xi32, #tpu.memory_space<vmem>>)
      tpu.yield
    }) : () -> ()
    %scan3A_44 = arith.constant 0 : i32
    %scan3A_45 = arith.constant 10 : i32
    %scan3A_46 = arith.addi %scan3A_44, %scan3A_45 : i32
    %scan3A_47 = arith.constant 1 : i32
    scf.for %scan3A_50 = %scan3A_44 to %scan3A_46 step %scan3A_47  : i32 {
      %mul3A_51 = arith.constant 4 : i32
      %mul3A_52 = arith.muli %scan3A_50, %mul3A_51 : i32
      %add3A_53 = arith.constant 120 : i32
      %add3A_54 = arith.addi %add3A_53, %mul3A_52 : i32
      %add3A_55 = arith.constant 0 : i32
      %add3A_56 = arith.addi %add3A_54, %add3A_55 : i32
      %mul3A_57 = arith.constant 4 : i32
      %mul3A_58 = arith.muli %scan3A_50, %mul3A_57 : i32
      %add3A_59 = arith.constant 0 : i32
      %add3A_60 = arith.addi %mul3A_58, %add3A_59 : i32
      %jit3A = arith.constant 2 : i32
      %div3A = arith.divsi %add3A_56, %jit3A : i32
      %sign3A = arith.constant 0 : i32
      %sign3A_61 = arith.cmpi sgt, %add3A_56, %sign3A : i32
      %sign3A_62 = arith.extui %sign3A_61 : i1 to i32
      %sign3A_63 = arith.constant 0 : i32
      %sign3A_64 = arith.cmpi slt, %add3A_56, %sign3A_63 : i32
      %sign3A_65 = arith.extui %sign3A_64 : i1 to i32
      %sign3A_66 = arith.subi %sign3A_62, %sign3A_65 : i32
      %sign3A_67 = arith.constant 0 : i32
      %sign3A_68 = arith.cmpi sgt, %jit3A, %sign3A_67 : i32
      %sign3A_69 = arith.extui %sign3A_68 : i1 to i32
      %sign3A_70 = arith.constant 0 : i32
      %sign3A_71 = arith.cmpi slt, %jit3A, %sign3A_70 : i32
      %sign3A_72 = arith.extui %sign3A_71 : i1 to i32
      %sign3A_73 = arith.subi %sign3A_69, %sign3A_72 : i32
      %ne3A = arith.cmpi ne, %sign3A_66, %sign3A_73 : i32
      %rem3A = arith.remsi %add3A_56, %jit3A : i32
      %ne3A_74 = arith.constant 0 : i32
      %ne3A_75 = arith.cmpi ne, %rem3A, %ne3A_74 : i32
      %and3A = arith.andi %ne3A, %ne3A_75 : i1
      %sub3A = arith.constant 1 : i32
      %sub3A_76 = arith.subi %div3A, %sub3A : i32
      %select_n3A = arith.select %and3A, %sub3A_76, %div3A : i32
      %dma_wait3A = arith.constant 0 : i32
      %dma_wait3A_77 = tpu.memref_slice %arg7[%select_n3A, %dma_wait3A] : memref<80x128xi32, #tpu.memory_space<vmem>> -> memref<1x64xi32, #tpu.memory_space<vmem>>
      %dma_wait3A_78 = tpu.memref_squeeze %dma_wait3A_77 : memref<1x64xi32, #tpu.memory_space<vmem>> -> memref<64xi32, #tpu.memory_space<vmem>>
      %dma_wait3A_79 = arith.constant 0 : i32
      %dma_wait3A_80 = arith.constant 0 : i32
      %dma_wait3A_81 = tpu.memref_slice %arg2[%dma_wait3A_79, %dma_wait3A_80] : memref<10240x128xf32, #tpu.memory_space<hbm>> -> memref<10240x128xf32, #tpu.memory_space<hbm>>
      tpu.wait_indirect_dma semaphore(%arg14 : memref<!tpu.dma_semaphore, #tpu.memory_space<semaphore_mem>>) src(%dma_wait3A_81 : memref<10240x128xf32, #tpu.memory_space<hbm>>) dst(%arg9 : memref<64x128xf32, #tpu.memory_space<vmem>>)
      "tpu.region"() ({
        %run_scoped3A = tpu.sem_alloc : memref<!tpu.dma_semaphore, #tpu.memory_space<semaphore_mem>>
        %dma_start3A_227 = arith.constant 0 : i32
        %dma_start3A_228 = tpu.memref_slice %arg8[%add3A_60, %dma_start3A_227] : memref<40x64xi32, #tpu.memory_space<vmem>> -> memref<1x64xi32, #tpu.memory_space<vmem>>
        %dma_start3A_229 = tpu.memref_squeeze %dma_start3A_228 : memref<1x64xi32, #tpu.memory_space<vmem>> -> memref<64xi32, #tpu.memory_space<vmem>>
        %dma_start3A_230 = arith.constant 0 : i32
        %dma_start3A_231 = arith.constant 0 : i32
        %dma_start3A_232 = tpu.memref_slice %arg13[%dma_start3A_230, %dma_start3A_231] : memref<10240x128xf32, #tpu.memory_space<vmem_shared>> -> memref<10240x128xf32, #tpu.memory_space<vmem_shared>>
        tpu.enqueue_indirect_dma source(%arg9 : memref<64x128xf32, #tpu.memory_space<vmem>>) target(%dma_start3A_232 : memref<10240x128xf32, #tpu.memory_space<vmem_shared>>) offsets(%dma_start3A_229 : memref<64xi32, #tpu.memory_space<vmem>>) semaphore(%run_scoped3A : memref<!tpu.dma_semaphore, #tpu.memory_space<semaphore_mem>>) {add = true}
        %dma_wait3A_233 = arith.constant 0 : i32
        %dma_wait3A_234 = tpu.memref_slice %arg8[%add3A_60, %dma_wait3A_233] : memref<40x64xi32, #tpu.memory_space<vmem>> -> memref<1x64xi32, #tpu.memory_space<vmem>>
        %dma_wait3A_235 = tpu.memref_squeeze %dma_wait3A_234 : memref<1x64xi32, #tpu.memory_space<vmem>> -> memref<64xi32, #tpu.memory_space<vmem>>
        %dma_wait3A_236 = arith.constant 0 : i32
        %dma_wait3A_237 = arith.constant 0 : i32
        %dma_wait3A_238 = tpu.memref_slice %arg13[%dma_wait3A_236, %dma_wait3A_237] : memref<10240x128xf32, #tpu.memory_space<vmem_shared>> -> memref<10240x128xf32, #tpu.memory_space<vmem_shared>>
        tpu.wait_indirect_dma semaphore(%run_scoped3A : memref<!tpu.dma_semaphore, #tpu.memory_space<semaphore_mem>>) src(%arg9 : memref<64x128xf32, #tpu.memory_space<vmem>>) dst(%dma_wait3A_238 : memref<10240x128xf32, #tpu.memory_space<vmem_shared>>)
        tpu.yield
      }) : () -> ()
      %add3A_82 = arith.constant 4 : i32
      %add3A_83 = arith.addi %add3A_56, %add3A_82 : i32
      %lt3A = arith.constant 160 : i32
      %lt3A_84 = arith.cmpi slt, %add3A_83, %lt3A : i32
      %convert_element_type3A = arith.extui %lt3A_84 : i1 to i32
      %cond3A = arith.constant 0 : i32
      %cond3A_85 = arith.cmpi ne, %convert_element_type3A, %cond3A : i32
      scf.if %cond3A_85 {
        %jit3A_227 = arith.constant 2 : i32
        %div3A_228 = arith.divsi %add3A_83, %jit3A_227 : i32
        %sign3A_229 = arith.constant 0 : i32
        %sign3A_230 = arith.cmpi sgt, %add3A_83, %sign3A_229 : i32
        %sign3A_231 = arith.extui %sign3A_230 : i1 to i32
        %sign3A_232 = arith.constant 0 : i32
        %sign3A_233 = arith.cmpi slt, %add3A_83, %sign3A_232 : i32
        %sign3A_234 = arith.extui %sign3A_233 : i1 to i32
        %sign3A_235 = arith.subi %sign3A_231, %sign3A_234 : i32
        %sign3A_236 = arith.constant 0 : i32
        %sign3A_237 = arith.cmpi sgt, %jit3A_227, %sign3A_236 : i32
        %sign3A_238 = arith.extui %sign3A_237 : i1 to i32
        %sign3A_239 = arith.constant 0 : i32
        %sign3A_240 = arith.cmpi slt, %jit3A_227, %sign3A_239 : i32
        %sign3A_241 = arith.extui %sign3A_240 : i1 to i32
        %sign3A_242 = arith.subi %sign3A_238, %sign3A_241 : i32
        %ne3A_243 = arith.cmpi ne, %sign3A_235, %sign3A_242 : i32
        %rem3A_244 = arith.remsi %add3A_83, %jit3A_227 : i32
        %ne3A_245 = arith.constant 0 : i32
        %ne3A_246 = arith.cmpi ne, %rem3A_244, %ne3A_245 : i32
        %and3A_247 = arith.andi %ne3A_243, %ne3A_246 : i1
        %sub3A_248 = arith.constant 1 : i32
        %sub3A_249 = arith.subi %div3A_228, %sub3A_248 : i32
        %select_n3A_250 = arith.select %and3A_247, %sub3A_249, %div3A_228 : i32
        %dma_start3A_251 = arith.constant 0 : i32
        %dma_start3A_252 = tpu.memref_slice %arg7[%select_n3A_250, %dma_start3A_251] : memref<80x128xi32, #tpu.memory_space<vmem>> -> memref<1x64xi32, #tpu.memory_space<vmem>>
        %dma_start3A_253 = tpu.memref_squeeze %dma_start3A_252 : memref<1x64xi32, #tpu.memory_space<vmem>> -> memref<64xi32, #tpu.memory_space<vmem>>
        %dma_start3A_254 = arith.constant 0 : i32
        %dma_start3A_255 = arith.constant 0 : i32
        %dma_start3A_256 = tpu.memref_slice %arg2[%dma_start3A_254, %dma_start3A_255] : memref<10240x128xf32, #tpu.memory_space<hbm>> -> memref<10240x128xf32, #tpu.memory_space<hbm>>
        tpu.enqueue_indirect_dma source(%dma_start3A_256 : memref<10240x128xf32, #tpu.memory_space<hbm>>) target(%arg9 : memref<64x128xf32, #tpu.memory_space<vmem>>) offsets(%dma_start3A_253 : memref<64xi32, #tpu.memory_space<vmem>>) semaphore(%arg14 : memref<!tpu.dma_semaphore, #tpu.memory_space<semaphore_mem>>)
      } else {
      }
      %mul3A_86 = arith.constant 4 : i32
      %mul3A_87 = arith.muli %scan3A_50, %mul3A_86 : i32
      %add3A_88 = arith.constant 120 : i32
      %add3A_89 = arith.addi %add3A_88, %mul3A_87 : i32
      %add3A_90 = arith.constant 1 : i32
      %add3A_91 = arith.addi %add3A_89, %add3A_90 : i32
      %mul3A_92 = arith.constant 4 : i32
      %mul3A_93 = arith.muli %scan3A_50, %mul3A_92 : i32
      %add3A_94 = arith.constant 1 : i32
      %add3A_95 = arith.addi %mul3A_93, %add3A_94 : i32
      %jit3A_96 = arith.constant 2 : i32
      %div3A_97 = arith.divsi %add3A_91, %jit3A_96 : i32
      %sign3A_98 = arith.constant 0 : i32
      %sign3A_99 = arith.cmpi sgt, %add3A_91, %sign3A_98 : i32
      %sign3A_100 = arith.extui %sign3A_99 : i1 to i32
      %sign3A_101 = arith.constant 0 : i32
      %sign3A_102 = arith.cmpi slt, %add3A_91, %sign3A_101 : i32
      %sign3A_103 = arith.extui %sign3A_102 : i1 to i32
      %sign3A_104 = arith.subi %sign3A_100, %sign3A_103 : i32
      %sign3A_105 = arith.constant 0 : i32
      %sign3A_106 = arith.cmpi sgt, %jit3A_96, %sign3A_105 : i32
      %sign3A_107 = arith.extui %sign3A_106 : i1 to i32
      %sign3A_108 = arith.constant 0 : i32
      %sign3A_109 = arith.cmpi slt, %jit3A_96, %sign3A_108 : i32
      %sign3A_110 = arith.extui %sign3A_109 : i1 to i32
      %sign3A_111 = arith.subi %sign3A_107, %sign3A_110 : i32
      %ne3A_112 = arith.cmpi ne, %sign3A_104, %sign3A_111 : i32
      %rem3A_113 = arith.remsi %add3A_91, %jit3A_96 : i32
      %ne3A_114 = arith.constant 0 : i32
      %ne3A_115 = arith.cmpi ne, %rem3A_113, %ne3A_114 : i32
      %and3A_116 = arith.andi %ne3A_112, %ne3A_115 : i1
      %sub3A_117 = arith.constant 1 : i32
      %sub3A_118 = arith.subi %div3A_97, %sub3A_117 : i32
      %select_n3A_119 = arith.select %and3A_116, %sub3A_118, %div3A_97 : i32
      %dma_wait3A_120 = arith.constant 64 : i32
      %dma_wait3A_121 = tpu.memref_slice %arg7[%select_n3A_119, %dma_wait3A_120] : memref<80x128xi32, #tpu.memory_space<vmem>> -> memref<1x64xi32, #tpu.memory_space<vmem>>
      %dma_wait3A_122 = tpu.memref_squeeze %dma_wait3A_121 : memref<1x64xi32, #tpu.memory_space<vmem>> -> memref<64xi32, #tpu.memory_space<vmem>>
      %dma_wait3A_123 = arith.constant 0 : i32
      %dma_wait3A_124 = arith.constant 0 : i32
      %dma_wait3A_125 = tpu.memref_slice %arg2[%dma_wait3A_123, %dma_wait3A_124] : memref<10240x128xf32, #tpu.memory_space<hbm>> -> memref<10240x128xf32, #tpu.memory_space<hbm>>
      tpu.wait_indirect_dma semaphore(%arg15 : memref<!tpu.dma_semaphore, #tpu.memory_space<semaphore_mem>>) src(%dma_wait3A_125 : memref<10240x128xf32, #tpu.memory_space<hbm>>) dst(%arg10 : memref<64x128xf32, #tpu.memory_space<vmem>>)
      "tpu.region"() ({
        %run_scoped3A = tpu.sem_alloc : memref<!tpu.dma_semaphore, #tpu.memory_space<semaphore_mem>>
        %dma_start3A_227 = arith.constant 0 : i32
        %dma_start3A_228 = tpu.memref_slice %arg8[%add3A_95, %dma_start3A_227] : memref<40x64xi32, #tpu.memory_space<vmem>> -> memref<1x64xi32, #tpu.memory_space<vmem>>
        %dma_start3A_229 = tpu.memref_squeeze %dma_start3A_228 : memref<1x64xi32, #tpu.memory_space<vmem>> -> memref<64xi32, #tpu.memory_space<vmem>>
        %dma_start3A_230 = arith.constant 0 : i32
        %dma_start3A_231 = arith.constant 0 : i32
        %dma_start3A_232 = tpu.memref_slice %arg13[%dma_start3A_230, %dma_start3A_231] : memref<10240x128xf32, #tpu.memory_space<vmem_shared>> -> memref<10240x128xf32, #tpu.memory_space<vmem_shared>>
        tpu.enqueue_indirect_dma source(%arg10 : memref<64x128xf32, #tpu.memory_space<vmem>>) target(%dma_start3A_232 : memref<10240x128xf32, #tpu.memory_space<vmem_shared>>) offsets(%dma_start3A_229 : memref<64xi32, #tpu.memory_space<vmem>>) semaphore(%run_scoped3A : memref<!tpu.dma_semaphore, #tpu.memory_space<semaphore_mem>>) {add = true}
        %dma_wait3A_233 = arith.constant 0 : i32
        %dma_wait3A_234 = tpu.memref_slice %arg8[%add3A_95, %dma_wait3A_233] : memref<40x64xi32, #tpu.memory_space<vmem>> -> memref<1x64xi32, #tpu.memory_space<vmem>>
        %dma_wait3A_235 = tpu.memref_squeeze %dma_wait3A_234 : memref<1x64xi32, #tpu.memory_space<vmem>> -> memref<64xi32, #tpu.memory_space<vmem>>
        %dma_wait3A_236 = arith.constant 0 : i32
        %dma_wait3A_237 = arith.constant 0 : i32
        %dma_wait3A_238 = tpu.memref_slice %arg13[%dma_wait3A_236, %dma_wait3A_237] : memref<10240x128xf32, #tpu.memory_space<vmem_shared>> -> memref<10240x128xf32, #tpu.memory_space<vmem_shared>>
        tpu.wait_indirect_dma semaphore(%run_scoped3A : memref<!tpu.dma_semaphore, #tpu.memory_space<semaphore_mem>>) src(%arg10 : memref<64x128xf32, #tpu.memory_space<vmem>>) dst(%dma_wait3A_238 : memref<10240x128xf32, #tpu.memory_space<vmem_shared>>)
        tpu.yield
      }) : () -> ()
      %add3A_126 = arith.constant 4 : i32
      %add3A_127 = arith.addi %add3A_91, %add3A_126 : i32
      %lt3A_128 = arith.constant 160 : i32
      %lt3A_129 = arith.cmpi slt, %add3A_127, %lt3A_128 : i32
      %convert_element_type3A_130 = arith.extui %lt3A_129 : i1 to i32
      %cond3A_131 = arith.constant 0 : i32
      %cond3A_132 = arith.cmpi ne, %convert_element_type3A_130, %cond3A_131 : i32
      scf.if %cond3A_132 {
        %jit3A_227 = arith.constant 2 : i32
        %div3A_228 = arith.divsi %add3A_127, %jit3A_227 : i32
        %sign3A_229 = arith.constant 0 : i32
        %sign3A_230 = arith.cmpi sgt, %add3A_127, %sign3A_229 : i32
        %sign3A_231 = arith.extui %sign3A_230 : i1 to i32
        %sign3A_232 = arith.constant 0 : i32
        %sign3A_233 = arith.cmpi slt, %add3A_127, %sign3A_232 : i32
        %sign3A_234 = arith.extui %sign3A_233 : i1 to i32
        %sign3A_235 = arith.subi %sign3A_231, %sign3A_234 : i32
        %sign3A_236 = arith.constant 0 : i32
        %sign3A_237 = arith.cmpi sgt, %jit3A_227, %sign3A_236 : i32
        %sign3A_238 = arith.extui %sign3A_237 : i1 to i32
        %sign3A_239 = arith.constant 0 : i32
        %sign3A_240 = arith.cmpi slt, %jit3A_227, %sign3A_239 : i32
        %sign3A_241 = arith.extui %sign3A_240 : i1 to i32
        %sign3A_242 = arith.subi %sign3A_238, %sign3A_241 : i32
        %ne3A_243 = arith.cmpi ne, %sign3A_235, %sign3A_242 : i32
        %rem3A_244 = arith.remsi %add3A_127, %jit3A_227 : i32
        %ne3A_245 = arith.constant 0 : i32
        %ne3A_246 = arith.cmpi ne, %rem3A_244, %ne3A_245 : i32
        %and3A_247 = arith.andi %ne3A_243, %ne3A_246 : i1
        %sub3A_248 = arith.constant 1 : i32
        %sub3A_249 = arith.subi %div3A_228, %sub3A_248 : i32
        %select_n3A_250 = arith.select %and3A_247, %sub3A_249, %div3A_228 : i32
        %dma_start3A_251 = arith.constant 64 : i32
        %dma_start3A_252 = tpu.memref_slice %arg7[%select_n3A_250, %dma_start3A_251] : memref<80x128xi32, #tpu.memory_space<vmem>> -> memref<1x64xi32, #tpu.memory_space<vmem>>
        %dma_start3A_253 = tpu.memref_squeeze %dma_start3A_252 : memref<1x64xi32, #tpu.memory_space<vmem>> -> memref<64xi32, #tpu.memory_space<vmem>>
        %dma_start3A_254 = arith.constant 0 : i32
        %dma_start3A_255 = arith.constant 0 : i32
        %dma_start3A_256 = tpu.memref_slice %arg2[%dma_start3A_254, %dma_start3A_255] : memref<10240x128xf32, #tpu.memory_space<hbm>> -> memref<10240x128xf32, #tpu.memory_space<hbm>>
        tpu.enqueue_indirect_dma source(%dma_start3A_256 : memref<10240x128xf32, #tpu.memory_space<hbm>>) target(%arg10 : memref<64x128xf32, #tpu.memory_space<vmem>>) offsets(%dma_start3A_253 : memref<64xi32, #tpu.memory_space<vmem>>) semaphore(%arg15 : memref<!tpu.dma_semaphore, #tpu.memory_space<semaphore_mem>>)
      } else {
      }
      %mul3A_133 = arith.constant 4 : i32
      %mul3A_134 = arith.muli %scan3A_50, %mul3A_133 : i32
      %add3A_135 = arith.constant 120 : i32
      %add3A_136 = arith.addi %add3A_135, %mul3A_134 : i32
      %add3A_137 = arith.constant 2 : i32
      %add3A_138 = arith.addi %add3A_136, %add3A_137 : i32
      %mul3A_139 = arith.constant 4 : i32
      %mul3A_140 = arith.muli %scan3A_50, %mul3A_139 : i32
      %add3A_141 = arith.constant 2 : i32
      %add3A_142 = arith.addi %mul3A_140, %add3A_141 : i32
      %jit3A_143 = arith.constant 2 : i32
      %div3A_144 = arith.divsi %add3A_138, %jit3A_143 : i32
      %sign3A_145 = arith.constant 0 : i32
      %sign3A_146 = arith.cmpi sgt, %add3A_138, %sign3A_145 : i32
      %sign3A_147 = arith.extui %sign3A_146 : i1 to i32
      %sign3A_148 = arith.constant 0 : i32
      %sign3A_149 = arith.cmpi slt, %add3A_138, %sign3A_148 : i32
      %sign3A_150 = arith.extui %sign3A_149 : i1 to i32
      %sign3A_151 = arith.subi %sign3A_147, %sign3A_150 : i32
      %sign3A_152 = arith.constant 0 : i32
      %sign3A_153 = arith.cmpi sgt, %jit3A_143, %sign3A_152 : i32
      %sign3A_154 = arith.extui %sign3A_153 : i1 to i32
      %sign3A_155 = arith.constant 0 : i32
      %sign3A_156 = arith.cmpi slt, %jit3A_143, %sign3A_155 : i32
      %sign3A_157 = arith.extui %sign3A_156 : i1 to i32
      %sign3A_158 = arith.subi %sign3A_154, %sign3A_157 : i32
      %ne3A_159 = arith.cmpi ne, %sign3A_151, %sign3A_158 : i32
      %rem3A_160 = arith.remsi %add3A_138, %jit3A_143 : i32
      %ne3A_161 = arith.constant 0 : i32
      %ne3A_162 = arith.cmpi ne, %rem3A_160, %ne3A_161 : i32
      %and3A_163 = arith.andi %ne3A_159, %ne3A_162 : i1
      %sub3A_164 = arith.constant 1 : i32
      %sub3A_165 = arith.subi %div3A_144, %sub3A_164 : i32
      %select_n3A_166 = arith.select %and3A_163, %sub3A_165, %div3A_144 : i32
      %dma_wait3A_167 = arith.constant 0 : i32
      %dma_wait3A_168 = tpu.memref_slice %arg7[%select_n3A_166, %dma_wait3A_167] : memref<80x128xi32, #tpu.memory_space<vmem>> -> memref<1x64xi32, #tpu.memory_space<vmem>>
      %dma_wait3A_169 = tpu.memref_squeeze %dma_wait3A_168 : memref<1x64xi32, #tpu.memory_space<vmem>> -> memref<64xi32, #tpu.memory_space<vmem>>
      %dma_wait3A_170 = arith.constant 0 : i32
      %dma_wait3A_171 = arith.constant 0 : i32
      %dma_wait3A_172 = tpu.memref_slice %arg2[%dma_wait3A_170, %dma_wait3A_171] : memref<10240x128xf32, #tpu.memory_space<hbm>> -> memref<10240x128xf32, #tpu.memory_space<hbm>>
      tpu.wait_indirect_dma semaphore(%arg16 : memref<!tpu.dma_semaphore, #tpu.memory_space<semaphore_mem>>) src(%dma_wait3A_172 : memref<10240x128xf32, #tpu.memory_space<hbm>>) dst(%arg11 : memref<64x128xf32, #tpu.memory_space<vmem>>)
      "tpu.region"() ({
        %run_scoped3A = tpu.sem_alloc : memref<!tpu.dma_semaphore, #tpu.memory_space<semaphore_mem>>
        %dma_start3A_227 = arith.constant 0 : i32
        %dma_start3A_228 = tpu.memref_slice %arg8[%add3A_142, %dma_start3A_227] : memref<40x64xi32, #tpu.memory_space<vmem>> -> memref<1x64xi32, #tpu.memory_space<vmem>>
        %dma_start3A_229 = tpu.memref_squeeze %dma_start3A_228 : memref<1x64xi32, #tpu.memory_space<vmem>> -> memref<64xi32, #tpu.memory_space<vmem>>
        %dma_start3A_230 = arith.constant 0 : i32
        %dma_start3A_231 = arith.constant 0 : i32
        %dma_start3A_232 = tpu.memref_slice %arg13[%dma_start3A_230, %dma_start3A_231] : memref<10240x128xf32, #tpu.memory_space<vmem_shared>> -> memref<10240x128xf32, #tpu.memory_space<vmem_shared>>
        tpu.enqueue_indirect_dma source(%arg11 : memref<64x128xf32, #tpu.memory_space<vmem>>) target(%dma_start3A_232 : memref<10240x128xf32, #tpu.memory_space<vmem_shared>>) offsets(%dma_start3A_229 : memref<64xi32, #tpu.memory_space<vmem>>) semaphore(%run_scoped3A : memref<!tpu.dma_semaphore, #tpu.memory_space<semaphore_mem>>) {add = true}
        %dma_wait3A_233 = arith.constant 0 : i32
        %dma_wait3A_234 = tpu.memref_slice %arg8[%add3A_142, %dma_wait3A_233] : memref<40x64xi32, #tpu.memory_space<vmem>> -> memref<1x64xi32, #tpu.memory_space<vmem>>
        %dma_wait3A_235 = tpu.memref_squeeze %dma_wait3A_234 : memref<1x64xi32, #tpu.memory_space<vmem>> -> memref<64xi32, #tpu.memory_space<vmem>>
        %dma_wait3A_236 = arith.constant 0 : i32
        %dma_wait3A_237 = arith.constant 0 : i32
        %dma_wait3A_238 = tpu.memref_slice %arg13[%dma_wait3A_236, %dma_wait3A_237] : memref<10240x128xf32, #tpu.memory_space<vmem_shared>> -> memref<10240x128xf32, #tpu.memory_space<vmem_shared>>
        tpu.wait_indirect_dma semaphore(%run_scoped3A : memref<!tpu.dma_semaphore, #tpu.memory_space<semaphore_mem>>) src(%arg11 : memref<64x128xf32, #tpu.memory_space<vmem>>) dst(%dma_wait3A_238 : memref<10240x128xf32, #tpu.memory_space<vmem_shared>>)
        tpu.yield
      }) : () -> ()
      %add3A_173 = arith.constant 4 : i32
      %add3A_174 = arith.addi %add3A_138, %add3A_173 : i32
      %lt3A_175 = arith.constant 160 : i32
      %lt3A_176 = arith.cmpi slt, %add3A_174, %lt3A_175 : i32
      %convert_element_type3A_177 = arith.extui %lt3A_176 : i1 to i32
      %cond3A_178 = arith.constant 0 : i32
      %cond3A_179 = arith.cmpi ne, %convert_element_type3A_177, %cond3A_178 : i32
      scf.if %cond3A_179 {
        %jit3A_227 = arith.constant 2 : i32
        %div3A_228 = arith.divsi %add3A_174, %jit3A_227 : i32
        %sign3A_229 = arith.constant 0 : i32
        %sign3A_230 = arith.cmpi sgt, %add3A_174, %sign3A_229 : i32
        %sign3A_231 = arith.extui %sign3A_230 : i1 to i32
        %sign3A_232 = arith.constant 0 : i32
        %sign3A_233 = arith.cmpi slt, %add3A_174, %sign3A_232 : i32
        %sign3A_234 = arith.extui %sign3A_233 : i1 to i32
        %sign3A_235 = arith.subi %sign3A_231, %sign3A_234 : i32
        %sign3A_236 = arith.constant 0 : i32
        %sign3A_237 = arith.cmpi sgt, %jit3A_227, %sign3A_236 : i32
        %sign3A_238 = arith.extui %sign3A_237 : i1 to i32
        %sign3A_239 = arith.constant 0 : i32
        %sign3A_240 = arith.cmpi slt, %jit3A_227, %sign3A_239 : i32
        %sign3A_241 = arith.extui %sign3A_240 : i1 to i32
        %sign3A_242 = arith.subi %sign3A_238, %sign3A_241 : i32
        %ne3A_243 = arith.cmpi ne, %sign3A_235, %sign3A_242 : i32
        %rem3A_244 = arith.remsi %add3A_174, %jit3A_227 : i32
        %ne3A_245 = arith.constant 0 : i32
        %ne3A_246 = arith.cmpi ne, %rem3A_244, %ne3A_245 : i32
        %and3A_247 = arith.andi %ne3A_243, %ne3A_246 : i1
        %sub3A_248 = arith.constant 1 : i32
        %sub3A_249 = arith.subi %div3A_228, %sub3A_248 : i32
        %select_n3A_250 = arith.select %and3A_247, %sub3A_249, %div3A_228 : i32
        %dma_start3A_251 = arith.constant 0 : i32
        %dma_start3A_252 = tpu.memref_slice %arg7[%select_n3A_250, %dma_start3A_251] : memref<80x128xi32, #tpu.memory_space<vmem>> -> memref<1x64xi32, #tpu.memory_space<vmem>>
        %dma_start3A_253 = tpu.memref_squeeze %dma_start3A_252 : memref<1x64xi32, #tpu.memory_space<vmem>> -> memref<64xi32, #tpu.memory_space<vmem>>
        %dma_start3A_254 = arith.constant 0 : i32
        %dma_start3A_255 = arith.constant 0 : i32
        %dma_start3A_256 = tpu.memref_slice %arg2[%dma_start3A_254, %dma_start3A_255] : memref<10240x128xf32, #tpu.memory_space<hbm>> -> memref<10240x128xf32, #tpu.memory_space<hbm>>
        tpu.enqueue_indirect_dma source(%dma_start3A_256 : memref<10240x128xf32, #tpu.memory_space<hbm>>) target(%arg11 : memref<64x128xf32, #tpu.memory_space<vmem>>) offsets(%dma_start3A_253 : memref<64xi32, #tpu.memory_space<vmem>>) semaphore(%arg16 : memref<!tpu.dma_semaphore, #tpu.memory_space<semaphore_mem>>)
      } else {
      }
      %mul3A_180 = arith.constant 4 : i32
      %mul3A_181 = arith.muli %scan3A_50, %mul3A_180 : i32
      %add3A_182 = arith.constant 120 : i32
      %add3A_183 = arith.addi %add3A_182, %mul3A_181 : i32
      %add3A_184 = arith.constant 3 : i32
      %add3A_185 = arith.addi %add3A_183, %add3A_184 : i32
      %mul3A_186 = arith.constant 4 : i32
      %mul3A_187 = arith.muli %scan3A_50, %mul3A_186 : i32
      %add3A_188 = arith.constant 3 : i32
      %add3A_189 = arith.addi %mul3A_187, %add3A_188 : i32
      %jit3A_190 = arith.constant 2 : i32
      %div3A_191 = arith.divsi %add3A_185, %jit3A_190 : i32
      %sign3A_192 = arith.constant 0 : i32
      %sign3A_193 = arith.cmpi sgt, %add3A_185, %sign3A_192 : i32
      %sign3A_194 = arith.extui %sign3A_193 : i1 to i32
      %sign3A_195 = arith.constant 0 : i32
      %sign3A_196 = arith.cmpi slt, %add3A_185, %sign3A_195 : i32
      %sign3A_197 = arith.extui %sign3A_196 : i1 to i32
      %sign3A_198 = arith.subi %sign3A_194, %sign3A_197 : i32
      %sign3A_199 = arith.constant 0 : i32
      %sign3A_200 = arith.cmpi sgt, %jit3A_190, %sign3A_199 : i32
      %sign3A_201 = arith.extui %sign3A_200 : i1 to i32
      %sign3A_202 = arith.constant 0 : i32
      %sign3A_203 = arith.cmpi slt, %jit3A_190, %sign3A_202 : i32
      %sign3A_204 = arith.extui %sign3A_203 : i1 to i32
      %sign3A_205 = arith.subi %sign3A_201, %sign3A_204 : i32
      %ne3A_206 = arith.cmpi ne, %sign3A_198, %sign3A_205 : i32
      %rem3A_207 = arith.remsi %add3A_185, %jit3A_190 : i32
      %ne3A_208 = arith.constant 0 : i32
      %ne3A_209 = arith.cmpi ne, %rem3A_207, %ne3A_208 : i32
      %and3A_210 = arith.andi %ne3A_206, %ne3A_209 : i1
      %sub3A_211 = arith.constant 1 : i32
      %sub3A_212 = arith.subi %div3A_191, %sub3A_211 : i32
      %select_n3A_213 = arith.select %and3A_210, %sub3A_212, %div3A_191 : i32
      %dma_wait3A_214 = arith.constant 64 : i32
      %dma_wait3A_215 = tpu.memref_slice %arg7[%select_n3A_213, %dma_wait3A_214] : memref<80x128xi32, #tpu.memory_space<vmem>> -> memref<1x64xi32, #tpu.memory_space<vmem>>
      %dma_wait3A_216 = tpu.memref_squeeze %dma_wait3A_215 : memref<1x64xi32, #tpu.memory_space<vmem>> -> memref<64xi32, #tpu.memory_space<vmem>>
      %dma_wait3A_217 = arith.constant 0 : i32
      %dma_wait3A_218 = arith.constant 0 : i32
      %dma_wait3A_219 = tpu.memref_slice %arg2[%dma_wait3A_217, %dma_wait3A_218] : memref<10240x128xf32, #tpu.memory_space<hbm>> -> memref<10240x128xf32, #tpu.memory_space<hbm>>
      tpu.wait_indirect_dma semaphore(%arg17 : memref<!tpu.dma_semaphore, #tpu.memory_space<semaphore_mem>>) src(%dma_wait3A_219 : memref<10240x128xf32, #tpu.memory_space<hbm>>) dst(%arg12 : memref<64x128xf32, #tpu.memory_space<vmem>>)
      "tpu.region"() ({
        %run_scoped3A = tpu.sem_alloc : memref<!tpu.dma_semaphore, #tpu.memory_space<semaphore_mem>>
        %dma_start3A_227 = arith.constant 0 : i32
        %dma_start3A_228 = tpu.memref_slice %arg8[%add3A_189, %dma_start3A_227] : memref<40x64xi32, #tpu.memory_space<vmem>> -> memref<1x64xi32, #tpu.memory_space<vmem>>
        %dma_start3A_229 = tpu.memref_squeeze %dma_start3A_228 : memref<1x64xi32, #tpu.memory_space<vmem>> -> memref<64xi32, #tpu.memory_space<vmem>>
        %dma_start3A_230 = arith.constant 0 : i32
        %dma_start3A_231 = arith.constant 0 : i32
        %dma_start3A_232 = tpu.memref_slice %arg13[%dma_start3A_230, %dma_start3A_231] : memref<10240x128xf32, #tpu.memory_space<vmem_shared>> -> memref<10240x128xf32, #tpu.memory_space<vmem_shared>>
        tpu.enqueue_indirect_dma source(%arg12 : memref<64x128xf32, #tpu.memory_space<vmem>>) target(%dma_start3A_232 : memref<10240x128xf32, #tpu.memory_space<vmem_shared>>) offsets(%dma_start3A_229 : memref<64xi32, #tpu.memory_space<vmem>>) semaphore(%run_scoped3A : memref<!tpu.dma_semaphore, #tpu.memory_space<semaphore_mem>>) {add = true}
        %dma_wait3A_233 = arith.constant 0 : i32
        %dma_wait3A_234 = tpu.memref_slice %arg8[%add3A_189, %dma_wait3A_233] : memref<40x64xi32, #tpu.memory_space<vmem>> -> memref<1x64xi32, #tpu.memory_space<vmem>>
        %dma_wait3A_235 = tpu.memref_squeeze %dma_wait3A_234 : memref<1x64xi32, #tpu.memory_space<vmem>> -> memref<64xi32, #tpu.memory_space<vmem>>
        %dma_wait3A_236 = arith.constant 0 : i32
        %dma_wait3A_237 = arith.constant 0 : i32
        %dma_wait3A_238 = tpu.memref_slice %arg13[%dma_wait3A_236, %dma_wait3A_237] : memref<10240x128xf32, #tpu.memory_space<vmem_shared>> -> memref<10240x128xf32, #tpu.memory_space<vmem_shared>>
        tpu.wait_indirect_dma semaphore(%run_scoped3A : memref<!tpu.dma_semaphore, #tpu.memory_space<semaphore_mem>>) src(%arg12 : memref<64x128xf32, #tpu.memory_space<vmem>>) dst(%dma_wait3A_238 : memref<10240x128xf32, #tpu.memory_space<vmem_shared>>)
        tpu.yield
      }) : () -> ()
      %add3A_220 = arith.constant 4 : i32
      %add3A_221 = arith.addi %add3A_185, %add3A_220 : i32
      %lt3A_222 = arith.constant 160 : i32
      %lt3A_223 = arith.cmpi slt, %add3A_221, %lt3A_222 : i32
      %convert_element_type3A_224 = arith.extui %lt3A_223 : i1 to i32
      %cond3A_225 = arith.constant 0 : i32
      %cond3A_226 = arith.cmpi ne, %convert_element_type3A_224, %cond3A_225 : i32
      scf.if %cond3A_226 {
        %jit3A_227 = arith.constant 2 : i32
        %div3A_228 = arith.divsi %add3A_221, %jit3A_227 : i32
        %sign3A_229 = arith.constant 0 : i32
        %sign3A_230 = arith.cmpi sgt, %add3A_221, %sign3A_229 : i32
        %sign3A_231 = arith.extui %sign3A_230 : i1 to i32
        %sign3A_232 = arith.constant 0 : i32
        %sign3A_233 = arith.cmpi slt, %add3A_221, %sign3A_232 : i32
        %sign3A_234 = arith.extui %sign3A_233 : i1 to i32
        %sign3A_235 = arith.subi %sign3A_231, %sign3A_234 : i32
        %sign3A_236 = arith.constant 0 : i32
        %sign3A_237 = arith.cmpi sgt, %jit3A_227, %sign3A_236 : i32
        %sign3A_238 = arith.extui %sign3A_237 : i1 to i32
        %sign3A_239 = arith.constant 0 : i32
        %sign3A_240 = arith.cmpi slt, %jit3A_227, %sign3A_239 : i32
        %sign3A_241 = arith.extui %sign3A_240 : i1 to i32
        %sign3A_242 = arith.subi %sign3A_238, %sign3A_241 : i32
        %ne3A_243 = arith.cmpi ne, %sign3A_235, %sign3A_242 : i32
        %rem3A_244 = arith.remsi %add3A_221, %jit3A_227 : i32
        %ne3A_245 = arith.constant 0 : i32
        %ne3A_246 = arith.cmpi ne, %rem3A_244, %ne3A_245 : i32
        %and3A_247 = arith.andi %ne3A_243, %ne3A_246 : i1
        %sub3A_248 = arith.constant 1 : i32
        %sub3A_249 = arith.subi %div3A_228, %sub3A_248 : i32
        %select_n3A_250 = arith.select %and3A_247, %sub3A_249, %div3A_228 : i32
        %dma_start3A_251 = arith.constant 64 : i32
        %dma_start3A_252 = tpu.memref_slice %arg7[%select_n3A_250, %dma_start3A_251] : memref<80x128xi32, #tpu.memory_space<vmem>> -> memref<1x64xi32, #tpu.memory_space<vmem>>
        %dma_start3A_253 = tpu.memref_squeeze %dma_start3A_252 : memref<1x64xi32, #tpu.memory_space<vmem>> -> memref<64xi32, #tpu.memory_space<vmem>>
        %dma_start3A_254 = arith.constant 0 : i32
        %dma_start3A_255 = arith.constant 0 : i32
        %dma_start3A_256 = tpu.memref_slice %arg2[%dma_start3A_254, %dma_start3A_255] : memref<10240x128xf32, #tpu.memory_space<hbm>> -> memref<10240x128xf32, #tpu.memory_space<hbm>>
        tpu.enqueue_indirect_dma source(%dma_start3A_256 : memref<10240x128xf32, #tpu.memory_space<hbm>>) target(%arg12 : memref<64x128xf32, #tpu.memory_space<vmem>>) offsets(%dma_start3A_253 : memref<64xi32, #tpu.memory_space<vmem>>) semaphore(%arg17 : memref<!tpu.dma_semaphore, #tpu.memory_space<semaphore_mem>>)
      } else {
      }
    }
    %scan3A_48 = arith.constant 10 : i32
    %barrier3A_49 = arith.constant 0 : index
    tpu.barrier barrier_id(%barrier3A_49)
    "tpu.region"() ({
      %run_scoped3A = tpu.sem_alloc : memref<!tpu.dma_semaphore, #tpu.memory_space<semaphore_mem>>
      %dma_start3A_50 = arith.constant 0 : i32
      %dma_start3A_51 = tpu.memref_slice %arg6[%arg0, %mul3A_2, %dma_start3A_50] : memref<2x10240x128xf32, #tpu.memory_space<hbm>> -> memref<1x640x128xf32, #tpu.memory_space<hbm>>
      %dma_start3A_52 = tpu.memref_squeeze %dma_start3A_51 : memref<1x640x128xf32, #tpu.memory_space<hbm>> -> memref<640x128xf32, #tpu.memory_space<hbm>>
      %dma_start3A_53 = arith.constant 0 : i32
      %dma_start3A_54 = tpu.memref_slice %arg13[%mul3A_2, %dma_start3A_53] : memref<10240x128xf32, #tpu.memory_space<vmem_shared>> -> memref<640x128xf32, #tpu.memory_space<vmem_shared>>
      tpu.enqueue_dma source(%dma_start3A_54 : memref<640x128xf32, #tpu.memory_space<vmem_shared>>) target(%dma_start3A_52 : memref<640x128xf32, #tpu.memory_space<hbm>>) target_semaphore(%run_scoped3A : memref<!tpu.dma_semaphore, #tpu.memory_space<semaphore_mem>>)
      %dma_wait3A = arith.constant 0 : i32
      %dma_wait3A_55 = tpu.memref_slice %arg6[%arg0, %mul3A_2, %dma_wait3A] : memref<2x10240x128xf32, #tpu.memory_space<hbm>> -> memref<1x640x128xf32, #tpu.memory_space<hbm>>
      %dma_wait3A_56 = tpu.memref_squeeze %dma_wait3A_55 : memref<1x640x128xf32, #tpu.memory_space<hbm>> -> memref<640x128xf32, #tpu.memory_space<hbm>>
      %dma_wait3A_57 = arith.constant 0 : i32
      %dma_wait3A_58 = tpu.memref_slice %arg13[%mul3A_2, %dma_wait3A_57] : memref<10240x128xf32, #tpu.memory_space<vmem_shared>> -> memref<640x128xf32, #tpu.memory_space<vmem_shared>>
      tpu.wait_dma2 semaphore(%run_scoped3A : memref<!tpu.dma_semaphore, #tpu.memory_space<semaphore_mem>>) src(%dma_wait3A_58 : memref<640x128xf32, #tpu.memory_space<vmem_shared>>) dst(%dma_wait3A_56 : memref<640x128xf32, #tpu.memory_space<hbm>>)
      tpu.yield
    }) : () -> ()
    return
  }
}

#map = affine_map<(d0, d1) -> (0, 0)>
#map1 = affine_map<(d0, d1) -> (0, 0, 0)>
module attributes {stable_mosaic.version = 14 : i64} {
  func.func @_sc_scatter(%arg0: i32, %arg1: i32, %arg2: memref<10240x128xf32, #tpu.memory_space<hbm>>, %arg3: memref<32x80x128xi32, #tpu.memory_space<hbm>>, %arg4: memref<32x160x64xi32, #tpu.memory_space<hbm>>, %arg5: memref<10240x128xf32, #tpu.memory_space<hbm>>, %arg6: memref<2x10240x128xf32, #tpu.memory_space<hbm>>, %arg7: memref<80x128xi32, #tpu.memory_space<vmem>>, %arg8: memref<40x64xi32, #tpu.memory_space<vmem>>, %arg9: memref<64x128xf32, #tpu.memory_space<vmem>>, %arg10: memref<64x128xf32, #tpu.memory_space<vmem>>, %arg11: memref<64x128xf32, #tpu.memory_space<vmem>>, %arg12: memref<64x128xf32, #tpu.memory_space<vmem>>, %arg13: memref<10240x128xf32, #tpu.memory_space<vmem_shared>>, %arg14: memref<!tpu.dma_semaphore, #tpu.memory_space<semaphore_mem>>, %arg15: memref<!tpu.dma_semaphore, #tpu.memory_space<semaphore_mem>>, %arg16: memref<!tpu.dma_semaphore, #tpu.memory_space<semaphore_mem>>, %arg17: memref<!tpu.dma_semaphore, #tpu.memory_space<semaphore_mem>>) attributes {dimension_semantics = [#tpu.dimension_semantics<core_parallel>, #tpu.dimension_semantics<subcore_parallel>], iteration_bounds = array<i64: 2, 16>, scalar_prefetch = 0 : i64, scratch_operands = 11 : i64, tpu.core_type = #tpu.core_type<sc_vector_subcore>, window_params = [{transform_indices = #map}, {transform_indices = #map1}, {transform_indices = #map1}, {transform_indices = #map}, {transform_indices = #map1}]} {
    %mul3A = arith.constant 2 : i32
    %mul3A_0 = arith.muli %arg1, %mul3A : i32
    %add3A = arith.addi %mul3A_0, %arg0 : i32
    %mul3A_1 = arith.constant 640 : i32
    %mul3A_2 = arith.muli %arg1, %mul3A_1 : i32
    "tpu.region"() ({
      %run_scoped3A = tpu.sem_alloc : memref<!tpu.dma_semaphore, #tpu.memory_space<semaphore_mem>>
      %dma_start3A_50 = arith.constant 0 : i32
      %dma_start3A_51 = arith.constant 0 : i32
      %dma_start3A_52 = tpu.memref_slice %arg3[%add3A, %dma_start3A_50, %dma_start3A_51] : memref<32x80x128xi32, #tpu.memory_space<hbm>> -> memref<1x80x128xi32, #tpu.memory_space<hbm>>
      %dma_start3A_53 = tpu.memref_squeeze %dma_start3A_52 : memref<1x80x128xi32, #tpu.memory_space<hbm>> -> memref<80x128xi32, #tpu.memory_space<hbm>>
      %dma_start3A_54 = arith.constant 0 : i32
      %dma_start3A_55 = arith.constant 0 : i32
      %dma_start3A_56 = tpu.memref_slice %arg3[%add3A, %dma_start3A_54, %dma_start3A_55] : memref<32x80x128xi32, #tpu.memory_space<hbm>> -> memref<1x80x128xi32, #tpu.memory_space<hbm>>
      %dma_start3A_57 = tpu.memref_squeeze %dma_start3A_56 : memref<1x80x128xi32, #tpu.memory_space<hbm>> -> memref<80x128xi32, #tpu.memory_space<hbm>>
      tpu.enqueue_dma source(%dma_start3A_57 : memref<80x128xi32, #tpu.memory_space<hbm>>) target(%arg7 : memref<80x128xi32, #tpu.memory_space<vmem>>) target_semaphore(%run_scoped3A : memref<!tpu.dma_semaphore, #tpu.memory_space<semaphore_mem>>)
      %dma_wait3A = arith.constant 0 : i32
      %dma_wait3A_58 = arith.constant 0 : i32
      %dma_wait3A_59 = tpu.memref_slice %arg3[%add3A, %dma_wait3A, %dma_wait3A_58] : memref<32x80x128xi32, #tpu.memory_space<hbm>> -> memref<1x80x128xi32, #tpu.memory_space<hbm>>
      %dma_wait3A_60 = tpu.memref_squeeze %dma_wait3A_59 : memref<1x80x128xi32, #tpu.memory_space<hbm>> -> memref<80x128xi32, #tpu.memory_space<hbm>>
      %dma_wait3A_61 = arith.constant 0 : i32
      %dma_wait3A_62 = arith.constant 0 : i32
      %dma_wait3A_63 = tpu.memref_slice %arg3[%add3A, %dma_wait3A_61, %dma_wait3A_62] : memref<32x80x128xi32, #tpu.memory_space<hbm>> -> memref<1x80x128xi32, #tpu.memory_space<hbm>>
      %dma_wait3A_64 = tpu.memref_squeeze %dma_wait3A_63 : memref<1x80x128xi32, #tpu.memory_space<hbm>> -> memref<80x128xi32, #tpu.memory_space<hbm>>
      tpu.wait_dma2 semaphore(%run_scoped3A : memref<!tpu.dma_semaphore, #tpu.memory_space<semaphore_mem>>) src(%dma_wait3A_64 : memref<80x128xi32, #tpu.memory_space<hbm>>) dst(%arg7 : memref<80x128xi32, #tpu.memory_space<vmem>>)
      tpu.yield
    }) : () -> ()
    "tpu.region"() ({
      %run_scoped3A = tpu.sem_alloc : memref<!tpu.dma_semaphore, #tpu.memory_space<semaphore_mem>>
      %dma_start3A_50 = arith.constant 0 : i32
      %dma_start3A_51 = tpu.memref_slice %arg13[%mul3A_2, %dma_start3A_50] : memref<10240x128xf32, #tpu.memory_space<vmem_shared>> -> memref<640x128xf32, #tpu.memory_space<vmem_shared>>
      %dma_start3A_52 = arith.constant 0 : i32
      %dma_start3A_53 = tpu.memref_slice %arg5[%mul3A_2, %dma_start3A_52] : memref<10240x128xf32, #tpu.memory_space<hbm>> -> memref<640x128xf32, #tpu.memory_space<hbm>>
      tpu.enqueue_dma source(%dma_start3A_53 : memref<640x128xf32, #tpu.memory_space<hbm>>) target(%dma_start3A_51 : memref<640x128xf32, #tpu.memory_space<vmem_shared>>) target_semaphore(%run_scoped3A : memref<!tpu.dma_semaphore, #tpu.memory_space<semaphore_mem>>)
      %dma_wait3A = arith.constant 0 : i32
      %dma_wait3A_54 = tpu.memref_slice %arg13[%mul3A_2, %dma_wait3A] : memref<10240x128xf32, #tpu.memory_space<vmem_shared>> -> memref<640x128xf32, #tpu.memory_space<vmem_shared>>
      %dma_wait3A_55 = arith.constant 0 : i32
      %dma_wait3A_56 = tpu.memref_slice %arg5[%mul3A_2, %dma_wait3A_55] : memref<10240x128xf32, #tpu.memory_space<hbm>> -> memref<640x128xf32, #tpu.memory_space<hbm>>
      tpu.wait_dma2 semaphore(%run_scoped3A : memref<!tpu.dma_semaphore, #tpu.memory_space<semaphore_mem>>) src(%dma_wait3A_56 : memref<640x128xf32, #tpu.memory_space<hbm>>) dst(%dma_wait3A_54 : memref<640x128xf32, #tpu.memory_space<vmem_shared>>)
      tpu.yield
    }) : () -> ()
    %barrier3A = arith.constant 0 : index
    tpu.barrier barrier_id(%barrier3A)
    %dma_start3A = arith.constant 0 : i32
    %dma_start3A_3 = arith.constant 0 : i32
    %dma_start3A_4 = tpu.memref_slice %arg7[%dma_start3A, %dma_start3A_3] : memref<80x128xi32, #tpu.memory_space<vmem>> -> memref<1x64xi32, #tpu.memory_space<vmem>>
    %dma_start3A_5 = tpu.memref_squeeze %dma_start3A_4 : memref<1x64xi32, #tpu.memory_space<vmem>> -> memref<64xi32, #tpu.memory_space<vmem>>
    %dma_start3A_6 = arith.constant 0 : i32
    %dma_start3A_7 = arith.constant 0 : i32
    %dma_start3A_8 = tpu.memref_slice %arg2[%dma_start3A_6, %dma_start3A_7] : memref<10240x128xf32, #tpu.memory_space<hbm>> -> memref<10240x128xf32, #tpu.memory_space<hbm>>
    tpu.enqueue_indirect_dma source(%dma_start3A_8 : memref<10240x128xf32, #tpu.memory_space<hbm>>) target(%arg9 : memref<64x128xf32, #tpu.memory_space<vmem>>) offsets(%dma_start3A_5 : memref<64xi32, #tpu.memory_space<vmem>>) semaphore(%arg14 : memref<!tpu.dma_semaphore, #tpu.memory_space<semaphore_mem>>)
    %dma_start3A_9 = arith.constant 0 : i32
    %dma_start3A_10 = arith.constant 64 : i32
    %dma_start3A_11 = tpu.memref_slice %arg7[%dma_start3A_9, %dma_start3A_10] : memref<80x128xi32, #tpu.memory_space<vmem>> -> memref<1x64xi32, #tpu.memory_space<vmem>>
    %dma_start3A_12 = tpu.memref_squeeze %dma_start3A_11 : memref<1x64xi32, #tpu.memory_space<vmem>> -> memref<64xi32, #tpu.memory_space<vmem>>
    %dma_start3A_13 = arith.constant 0 : i32
    %dma_start3A_14 = arith.constant 0 : i32
    %dma_start3A_15 = tpu.memref_slice %arg2[%dma_start3A_13, %dma_start3A_14] : memref<10240x128xf32, #tpu.memory_space<hbm>> -> memref<10240x128xf32, #tpu.memory_space<hbm>>
    tpu.enqueue_indirect_dma source(%dma_start3A_15 : memref<10240x128xf32, #tpu.memory_space<hbm>>) target(%arg10 : memref<64x128xf32, #tpu.memory_space<vmem>>) offsets(%dma_start3A_12 : memref<64xi32, #tpu.memory_space<vmem>>) semaphore(%arg15 : memref<!tpu.dma_semaphore, #tpu.memory_space<semaphore_mem>>)
    %dma_start3A_16 = arith.constant 1 : i32
    %dma_start3A_17 = arith.constant 0 : i32
    %dma_start3A_18 = tpu.memref_slice %arg7[%dma_start3A_16, %dma_start3A_17] : memref<80x128xi32, #tpu.memory_space<vmem>> -> memref<1x64xi32, #tpu.memory_space<vmem>>
    %dma_start3A_19 = tpu.memref_squeeze %dma_start3A_18 : memref<1x64xi32, #tpu.memory_space<vmem>> -> memref<64xi32, #tpu.memory_space<vmem>>
    %dma_start3A_20 = arith.constant 0 : i32
    %dma_start3A_21 = arith.constant 0 : i32
    %dma_start3A_22 = tpu.memref_slice %arg2[%dma_start3A_20, %dma_start3A_21] : memref<10240x128xf32, #tpu.memory_space<hbm>> -> memref<10240x128xf32, #tpu.memory_space<hbm>>
    tpu.enqueue_indirect_dma source(%dma_start3A_22 : memref<10240x128xf32, #tpu.memory_space<hbm>>) target(%arg11 : memref<64x128xf32, #tpu.memory_space<vmem>>) offsets(%dma_start3A_19 : memref<64xi32, #tpu.memory_space<vmem>>) semaphore(%arg16 : memref<!tpu.dma_semaphore, #tpu.memory_space<semaphore_mem>>)
    %dma_start3A_23 = arith.constant 1 : i32
    %dma_start3A_24 = arith.constant 64 : i32
    %dma_start3A_25 = tpu.memref_slice %arg7[%dma_start3A_23, %dma_start3A_24] : memref<80x128xi32, #tpu.memory_space<vmem>> -> memref<1x64xi32, #tpu.memory_space<vmem>>
    %dma_start3A_26 = tpu.memref_squeeze %dma_start3A_25 : memref<1x64xi32, #tpu.memory_space<vmem>> -> memref<64xi32, #tpu.memory_space<vmem>>
    %dma_start3A_27 = arith.constant 0 : i32
    %dma_start3A_28 = arith.constant 0 : i32
    %dma_start3A_29 = tpu.memref_slice %arg2[%dma_start3A_27, %dma_start3A_28] : memref<10240x128xf32, #tpu.memory_space<hbm>> -> memref<10240x128xf32, #tpu.memory_space<hbm>>
    tpu.enqueue_indirect_dma source(%dma_start3A_29 : memref<10240x128xf32, #tpu.memory_space<hbm>>) target(%arg12 : memref<64x128xf32, #tpu.memory_space<vmem>>) offsets(%dma_start3A_26 : memref<64xi32, #tpu.memory_space<vmem>>) semaphore(%arg17 : memref<!tpu.dma_semaphore, #tpu.memory_space<semaphore_mem>>)
    "tpu.region"() ({
      %run_scoped3A = tpu.sem_alloc : memref<!tpu.dma_semaphore, #tpu.memory_space<semaphore_mem>>
      %dma_start3A_50 = arith.constant 0 : i32
      %dma_start3A_51 = arith.constant 0 : i32
      %dma_start3A_52 = tpu.memref_slice %arg4[%add3A, %dma_start3A_50, %dma_start3A_51] : memref<32x160x64xi32, #tpu.memory_space<hbm>> -> memref<1x40x64xi32, #tpu.memory_space<hbm>>
      %dma_start3A_53 = tpu.memref_squeeze %dma_start3A_52 : memref<1x40x64xi32, #tpu.memory_space<hbm>> -> memref<40x64xi32, #tpu.memory_space<hbm>>
      %dma_start3A_54 = arith.constant 0 : i32
      %dma_start3A_55 = arith.constant 0 : i32
      %dma_start3A_56 = tpu.memref_slice %arg4[%add3A, %dma_start3A_54, %dma_start3A_55] : memref<32x160x64xi32, #tpu.memory_space<hbm>> -> memref<1x40x64xi32, #tpu.memory_space<hbm>>
      %dma_start3A_57 = tpu.memref_squeeze %dma_start3A_56 : memref<1x40x64xi32, #tpu.memory_space<hbm>> -> memref<40x64xi32, #tpu.memory_space<hbm>>
      tpu.enqueue_dma source(%dma_start3A_57 : memref<40x64xi32, #tpu.memory_space<hbm>>) target(%arg8 : memref<40x64xi32, #tpu.memory_space<vmem>>) target_semaphore(%run_scoped3A : memref<!tpu.dma_semaphore, #tpu.memory_space<semaphore_mem>>)
      %dma_wait3A = arith.constant 0 : i32
      %dma_wait3A_58 = arith.constant 0 : i32
      %dma_wait3A_59 = tpu.memref_slice %arg4[%add3A, %dma_wait3A, %dma_wait3A_58] : memref<32x160x64xi32, #tpu.memory_space<hbm>> -> memref<1x40x64xi32, #tpu.memory_space<hbm>>
      %dma_wait3A_60 = tpu.memref_squeeze %dma_wait3A_59 : memref<1x40x64xi32, #tpu.memory_space<hbm>> -> memref<40x64xi32, #tpu.memory_space<hbm>>
      %dma_wait3A_61 = arith.constant 0 : i32
      %dma_wait3A_62 = arith.constant 0 : i32
      %dma_wait3A_63 = tpu.memref_slice %arg4[%add3A, %dma_wait3A_61, %dma_wait3A_62] : memref<32x160x64xi32, #tpu.memory_space<hbm>> -> memref<1x40x64xi32, #tpu.memory_space<hbm>>
      %dma_wait3A_64 = tpu.memref_squeeze %dma_wait3A_63 : memref<1x40x64xi32, #tpu.memory_space<hbm>> -> memref<40x64xi32, #tpu.memory_space<hbm>>
      tpu.wait_dma2 semaphore(%run_scoped3A : memref<!tpu.dma_semaphore, #tpu.memory_space<semaphore_mem>>) src(%dma_wait3A_64 : memref<40x64xi32, #tpu.memory_space<hbm>>) dst(%arg8 : memref<40x64xi32, #tpu.memory_space<vmem>>)
      tpu.yield
    }) : () -> ()
    %scan3A = arith.constant 0 : i32
    %scan3A_30 = arith.constant 10 : i32
    %scan3A_31 = arith.addi %scan3A, %scan3A_30 : i32
    %scan3A_32 = arith.constant 1 : i32
    scf.for %scan3A_50 = %scan3A to %scan3A_31 step %scan3A_32  : i32 {
      %mul3A_51 = arith.constant 4 : i32
      %mul3A_52 = arith.muli %scan3A_50, %mul3A_51 : i32
      %add3A_53 = arith.constant 0 : i32
      %add3A_54 = arith.addi %add3A_53, %mul3A_52 : i32
      %add3A_55 = arith.constant 0 : i32
      %add3A_56 = arith.addi %add3A_54, %add3A_55 : i32
      %mul3A_57 = arith.constant 4 : i32
      %mul3A_58 = arith.muli %scan3A_50, %mul3A_57 : i32
      %add3A_59 = arith.constant 0 : i32
      %add3A_60 = arith.addi %mul3A_58, %add3A_59 : i32
      %jit3A = arith.constant 2 : i32
      %div3A = arith.divsi %add3A_56, %jit3A : i32
      %sign3A = arith.constant 0 : i32
      %sign3A_61 = arith.cmpi sgt, %add3A_56, %sign3A : i32
      %sign3A_62 = arith.extui %sign3A_61 : i1 to i32
      %sign3A_63 = arith.constant 0 : i32
      %sign3A_64 = arith.cmpi slt, %add3A_56, %sign3A_63 : i32
      %sign3A_65 = arith.extui %sign3A_64 : i1 to i32
      %sign3A_66 = arith.subi %sign3A_62, %sign3A_65 : i32
      %sign3A_67 = arith.constant 0 : i32
      %sign3A_68 = arith.cmpi sgt, %jit3A, %sign3A_67 : i32
      %sign3A_69 = arith.extui %sign3A_68 : i1 to i32
      %sign3A_70 = arith.constant 0 : i32
      %sign3A_71 = arith.cmpi slt, %jit3A, %sign3A_70 : i32
      %sign3A_72 = arith.extui %sign3A_71 : i1 to i32
      %sign3A_73 = arith.subi %sign3A_69, %sign3A_72 : i32
      %ne3A = arith.cmpi ne, %sign3A_66, %sign3A_73 : i32
      %rem3A = arith.remsi %add3A_56, %jit3A : i32
      %ne3A_74 = arith.constant 0 : i32
      %ne3A_75 = arith.cmpi ne, %rem3A, %ne3A_74 : i32
      %and3A = arith.andi %ne3A, %ne3A_75 : i1
      %sub3A = arith.constant 1 : i32
      %sub3A_76 = arith.subi %div3A, %sub3A : i32
      %select_n3A = arith.select %and3A, %sub3A_76, %div3A : i32
      %dma_wait3A = arith.constant 0 : i32
      %dma_wait3A_77 = tpu.memref_slice %arg7[%select_n3A, %dma_wait3A] : memref<80x128xi32, #tpu.memory_space<vmem>> -> memref<1x64xi32, #tpu.memory_space<vmem>>
      %dma_wait3A_78 = tpu.memref_squeeze %dma_wait3A_77 : memref<1x64xi32, #tpu.memory_space<vmem>> -> memref<64xi32, #tpu.memory_space<vmem>>
      %dma_wait3A_79 = arith.constant 0 : i32
      %dma_wait3A_80 = arith.constant 0 : i32
      %dma_wait3A_81 = tpu.memref_slice %arg2[%dma_wait3A_79, %dma_wait3A_80] : memref<10240x128xf32, #tpu.memory_space<hbm>> -> memref<10240x128xf32, #tpu.memory_space<hbm>>
      tpu.wait_indirect_dma semaphore(%arg14 : memref<!tpu.dma_semaphore, #tpu.memory_space<semaphore_mem>>) src(%dma_wait3A_81 : memref<10240x128xf32, #tpu.memory_space<hbm>>) dst(%arg9 : memref<64x128xf32, #tpu.memory_space<vmem>>)
      "tpu.region"() ({
        %run_scoped3A = tpu.sem_alloc : memref<!tpu.dma_semaphore, #tpu.memory_space<semaphore_mem>>
        %dma_start3A_227 = arith.constant 0 : i32
        %dma_start3A_228 = tpu.memref_slice %arg8[%add3A_60, %dma_start3A_227] : memref<40x64xi32, #tpu.memory_space<vmem>> -> memref<1x64xi32, #tpu.memory_space<vmem>>
        %dma_start3A_229 = tpu.memref_squeeze %dma_start3A_228 : memref<1x64xi32, #tpu.memory_space<vmem>> -> memref<64xi32, #tpu.memory_space<vmem>>
        %dma_start3A_230 = arith.constant 0 : i32
        %dma_start3A_231 = arith.constant 0 : i32
        %dma_start3A_232 = tpu.memref_slice %arg13[%dma_start3A_230, %dma_start3A_231] : memref<10240x128xf32, #tpu.memory_space<vmem_shared>> -> memref<10240x128xf32, #tpu.memory_space<vmem_shared>>
        tpu.enqueue_indirect_dma source(%arg9 : memref<64x128xf32, #tpu.memory_space<vmem>>) target(%dma_start3A_232 : memref<10240x128xf32, #tpu.memory_space<vmem_shared>>) offsets(%dma_start3A_229 : memref<64xi32, #tpu.memory_space<vmem>>) semaphore(%run_scoped3A : memref<!tpu.dma_semaphore, #tpu.memory_space<semaphore_mem>>) {add = true}
        %dma_wait3A_233 = arith.constant 0 : i32
        %dma_wait3A_234 = tpu.memref_slice %arg8[%add3A_60, %dma_wait3A_233] : memref<40x64xi32, #tpu.memory_space<vmem>> -> memref<1x64xi32, #tpu.memory_space<vmem>>
        %dma_wait3A_235 = tpu.memref_squeeze %dma_wait3A_234 : memref<1x64xi32, #tpu.memory_space<vmem>> -> memref<64xi32, #tpu.memory_space<vmem>>
        %dma_wait3A_236 = arith.constant 0 : i32
        %dma_wait3A_237 = arith.constant 0 : i32
        %dma_wait3A_238 = tpu.memref_slice %arg13[%dma_wait3A_236, %dma_wait3A_237] : memref<10240x128xf32, #tpu.memory_space<vmem_shared>> -> memref<10240x128xf32, #tpu.memory_space<vmem_shared>>
        tpu.wait_indirect_dma semaphore(%run_scoped3A : memref<!tpu.dma_semaphore, #tpu.memory_space<semaphore_mem>>) src(%arg9 : memref<64x128xf32, #tpu.memory_space<vmem>>) dst(%dma_wait3A_238 : memref<10240x128xf32, #tpu.memory_space<vmem_shared>>)
        tpu.yield
      }) : () -> ()
      %add3A_82 = arith.constant 4 : i32
      %add3A_83 = arith.addi %add3A_56, %add3A_82 : i32
      %lt3A = arith.constant 160 : i32
      %lt3A_84 = arith.cmpi slt, %add3A_83, %lt3A : i32
      %convert_element_type3A = arith.extui %lt3A_84 : i1 to i32
      %cond3A = arith.constant 0 : i32
      %cond3A_85 = arith.cmpi ne, %convert_element_type3A, %cond3A : i32
      scf.if %cond3A_85 {
        %jit3A_227 = arith.constant 2 : i32
        %div3A_228 = arith.divsi %add3A_83, %jit3A_227 : i32
        %sign3A_229 = arith.constant 0 : i32
        %sign3A_230 = arith.cmpi sgt, %add3A_83, %sign3A_229 : i32
        %sign3A_231 = arith.extui %sign3A_230 : i1 to i32
        %sign3A_232 = arith.constant 0 : i32
        %sign3A_233 = arith.cmpi slt, %add3A_83, %sign3A_232 : i32
        %sign3A_234 = arith.extui %sign3A_233 : i1 to i32
        %sign3A_235 = arith.subi %sign3A_231, %sign3A_234 : i32
        %sign3A_236 = arith.constant 0 : i32
        %sign3A_237 = arith.cmpi sgt, %jit3A_227, %sign3A_236 : i32
        %sign3A_238 = arith.extui %sign3A_237 : i1 to i32
        %sign3A_239 = arith.constant 0 : i32
        %sign3A_240 = arith.cmpi slt, %jit3A_227, %sign3A_239 : i32
        %sign3A_241 = arith.extui %sign3A_240 : i1 to i32
        %sign3A_242 = arith.subi %sign3A_238, %sign3A_241 : i32
        %ne3A_243 = arith.cmpi ne, %sign3A_235, %sign3A_242 : i32
        %rem3A_244 = arith.remsi %add3A_83, %jit3A_227 : i32
        %ne3A_245 = arith.constant 0 : i32
        %ne3A_246 = arith.cmpi ne, %rem3A_244, %ne3A_245 : i32
        %and3A_247 = arith.andi %ne3A_243, %ne3A_246 : i1
        %sub3A_248 = arith.constant 1 : i32
        %sub3A_249 = arith.subi %div3A_228, %sub3A_248 : i32
        %select_n3A_250 = arith.select %and3A_247, %sub3A_249, %div3A_228 : i32
        %dma_start3A_251 = arith.constant 0 : i32
        %dma_start3A_252 = tpu.memref_slice %arg7[%select_n3A_250, %dma_start3A_251] : memref<80x128xi32, #tpu.memory_space<vmem>> -> memref<1x64xi32, #tpu.memory_space<vmem>>
        %dma_start3A_253 = tpu.memref_squeeze %dma_start3A_252 : memref<1x64xi32, #tpu.memory_space<vmem>> -> memref<64xi32, #tpu.memory_space<vmem>>
        %dma_start3A_254 = arith.constant 0 : i32
        %dma_start3A_255 = arith.constant 0 : i32
        %dma_start3A_256 = tpu.memref_slice %arg2[%dma_start3A_254, %dma_start3A_255] : memref<10240x128xf32, #tpu.memory_space<hbm>> -> memref<10240x128xf32, #tpu.memory_space<hbm>>
        tpu.enqueue_indirect_dma source(%dma_start3A_256 : memref<10240x128xf32, #tpu.memory_space<hbm>>) target(%arg9 : memref<64x128xf32, #tpu.memory_space<vmem>>) offsets(%dma_start3A_253 : memref<64xi32, #tpu.memory_space<vmem>>) semaphore(%arg14 : memref<!tpu.dma_semaphore, #tpu.memory_space<semaphore_mem>>)
      } else {
      }
      %mul3A_86 = arith.constant 4 : i32
      %mul3A_87 = arith.muli %scan3A_50, %mul3A_86 : i32
      %add3A_88 = arith.constant 0 : i32
      %add3A_89 = arith.addi %add3A_88, %mul3A_87 : i32
      %add3A_90 = arith.constant 1 : i32
      %add3A_91 = arith.addi %add3A_89, %add3A_90 : i32
      %mul3A_92 = arith.constant 4 : i32
      %mul3A_93 = arith.muli %scan3A_50, %mul3A_92 : i32
      %add3A_94 = arith.constant 1 : i32
      %add3A_95 = arith.addi %mul3A_93, %add3A_94 : i32
      %jit3A_96 = arith.constant 2 : i32
      %div3A_97 = arith.divsi %add3A_91, %jit3A_96 : i32
      %sign3A_98 = arith.constant 0 : i32
      %sign3A_99 = arith.cmpi sgt, %add3A_91, %sign3A_98 : i32
      %sign3A_100 = arith.extui %sign3A_99 : i1 to i32
      %sign3A_101 = arith.constant 0 : i32
      %sign3A_102 = arith.cmpi slt, %add3A_91, %sign3A_101 : i32
      %sign3A_103 = arith.extui %sign3A_102 : i1 to i32
      %sign3A_104 = arith.subi %sign3A_100, %sign3A_103 : i32
      %sign3A_105 = arith.constant 0 : i32
      %sign3A_106 = arith.cmpi sgt, %jit3A_96, %sign3A_105 : i32
      %sign3A_107 = arith.extui %sign3A_106 : i1 to i32
      %sign3A_108 = arith.constant 0 : i32
      %sign3A_109 = arith.cmpi slt, %jit3A_96, %sign3A_108 : i32
      %sign3A_110 = arith.extui %sign3A_109 : i1 to i32
      %sign3A_111 = arith.subi %sign3A_107, %sign3A_110 : i32
      %ne3A_112 = arith.cmpi ne, %sign3A_104, %sign3A_111 : i32
      %rem3A_113 = arith.remsi %add3A_91, %jit3A_96 : i32
      %ne3A_114 = arith.constant 0 : i32
      %ne3A_115 = arith.cmpi ne, %rem3A_113, %ne3A_114 : i32
      %and3A_116 = arith.andi %ne3A_112, %ne3A_115 : i1
      %sub3A_117 = arith.constant 1 : i32
      %sub3A_118 = arith.subi %div3A_97, %sub3A_117 : i32
      %select_n3A_119 = arith.select %and3A_116, %sub3A_118, %div3A_97 : i32
      %dma_wait3A_120 = arith.constant 64 : i32
      %dma_wait3A_121 = tpu.memref_slice %arg7[%select_n3A_119, %dma_wait3A_120] : memref<80x128xi32, #tpu.memory_space<vmem>> -> memref<1x64xi32, #tpu.memory_space<vmem>>
      %dma_wait3A_122 = tpu.memref_squeeze %dma_wait3A_121 : memref<1x64xi32, #tpu.memory_space<vmem>> -> memref<64xi32, #tpu.memory_space<vmem>>
      %dma_wait3A_123 = arith.constant 0 : i32
      %dma_wait3A_124 = arith.constant 0 : i32
      %dma_wait3A_125 = tpu.memref_slice %arg2[%dma_wait3A_123, %dma_wait3A_124] : memref<10240x128xf32, #tpu.memory_space<hbm>> -> memref<10240x128xf32, #tpu.memory_space<hbm>>
      tpu.wait_indirect_dma semaphore(%arg15 : memref<!tpu.dma_semaphore, #tpu.memory_space<semaphore_mem>>) src(%dma_wait3A_125 : memref<10240x128xf32, #tpu.memory_space<hbm>>) dst(%arg10 : memref<64x128xf32, #tpu.memory_space<vmem>>)
      "tpu.region"() ({
        %run_scoped3A = tpu.sem_alloc : memref<!tpu.dma_semaphore, #tpu.memory_space<semaphore_mem>>
        %dma_start3A_227 = arith.constant 0 : i32
        %dma_start3A_228 = tpu.memref_slice %arg8[%add3A_95, %dma_start3A_227] : memref<40x64xi32, #tpu.memory_space<vmem>> -> memref<1x64xi32, #tpu.memory_space<vmem>>
        %dma_start3A_229 = tpu.memref_squeeze %dma_start3A_228 : memref<1x64xi32, #tpu.memory_space<vmem>> -> memref<64xi32, #tpu.memory_space<vmem>>
        %dma_start3A_230 = arith.constant 0 : i32
        %dma_start3A_231 = arith.constant 0 : i32
        %dma_start3A_232 = tpu.memref_slice %arg13[%dma_start3A_230, %dma_start3A_231] : memref<10240x128xf32, #tpu.memory_space<vmem_shared>> -> memref<10240x128xf32, #tpu.memory_space<vmem_shared>>
        tpu.enqueue_indirect_dma source(%arg10 : memref<64x128xf32, #tpu.memory_space<vmem>>) target(%dma_start3A_232 : memref<10240x128xf32, #tpu.memory_space<vmem_shared>>) offsets(%dma_start3A_229 : memref<64xi32, #tpu.memory_space<vmem>>) semaphore(%run_scoped3A : memref<!tpu.dma_semaphore, #tpu.memory_space<semaphore_mem>>) {add = true}
        %dma_wait3A_233 = arith.constant 0 : i32
        %dma_wait3A_234 = tpu.memref_slice %arg8[%add3A_95, %dma_wait3A_233] : memref<40x64xi32, #tpu.memory_space<vmem>> -> memref<1x64xi32, #tpu.memory_space<vmem>>
        %dma_wait3A_235 = tpu.memref_squeeze %dma_wait3A_234 : memref<1x64xi32, #tpu.memory_space<vmem>> -> memref<64xi32, #tpu.memory_space<vmem>>
        %dma_wait3A_236 = arith.constant 0 : i32
        %dma_wait3A_237 = arith.constant 0 : i32
        %dma_wait3A_238 = tpu.memref_slice %arg13[%dma_wait3A_236, %dma_wait3A_237] : memref<10240x128xf32, #tpu.memory_space<vmem_shared>> -> memref<10240x128xf32, #tpu.memory_space<vmem_shared>>
        tpu.wait_indirect_dma semaphore(%run_scoped3A : memref<!tpu.dma_semaphore, #tpu.memory_space<semaphore_mem>>) src(%arg10 : memref<64x128xf32, #tpu.memory_space<vmem>>) dst(%dma_wait3A_238 : memref<10240x128xf32, #tpu.memory_space<vmem_shared>>)
        tpu.yield
      }) : () -> ()
      %add3A_126 = arith.constant 4 : i32
      %add3A_127 = arith.addi %add3A_91, %add3A_126 : i32
      %lt3A_128 = arith.constant 160 : i32
      %lt3A_129 = arith.cmpi slt, %add3A_127, %lt3A_128 : i32
      %convert_element_type3A_130 = arith.extui %lt3A_129 : i1 to i32
      %cond3A_131 = arith.constant 0 : i32
      %cond3A_132 = arith.cmpi ne, %convert_element_type3A_130, %cond3A_131 : i32
      scf.if %cond3A_132 {
        %jit3A_227 = arith.constant 2 : i32
        %div3A_228 = arith.divsi %add3A_127, %jit3A_227 : i32
        %sign3A_229 = arith.constant 0 : i32
        %sign3A_230 = arith.cmpi sgt, %add3A_127, %sign3A_229 : i32
        %sign3A_231 = arith.extui %sign3A_230 : i1 to i32
        %sign3A_232 = arith.constant 0 : i32
        %sign3A_233 = arith.cmpi slt, %add3A_127, %sign3A_232 : i32
        %sign3A_234 = arith.extui %sign3A_233 : i1 to i32
        %sign3A_235 = arith.subi %sign3A_231, %sign3A_234 : i32
        %sign3A_236 = arith.constant 0 : i32
        %sign3A_237 = arith.cmpi sgt, %jit3A_227, %sign3A_236 : i32
        %sign3A_238 = arith.extui %sign3A_237 : i1 to i32
        %sign3A_239 = arith.constant 0 : i32
        %sign3A_240 = arith.cmpi slt, %jit3A_227, %sign3A_239 : i32
        %sign3A_241 = arith.extui %sign3A_240 : i1 to i32
        %sign3A_242 = arith.subi %sign3A_238, %sign3A_241 : i32
        %ne3A_243 = arith.cmpi ne, %sign3A_235, %sign3A_242 : i32
        %rem3A_244 = arith.remsi %add3A_127, %jit3A_227 : i32
        %ne3A_245 = arith.constant 0 : i32
        %ne3A_246 = arith.cmpi ne, %rem3A_244, %ne3A_245 : i32
        %and3A_247 = arith.andi %ne3A_243, %ne3A_246 : i1
        %sub3A_248 = arith.constant 1 : i32
        %sub3A_249 = arith.subi %div3A_228, %sub3A_248 : i32
        %select_n3A_250 = arith.select %and3A_247, %sub3A_249, %div3A_228 : i32
        %dma_start3A_251 = arith.constant 64 : i32
        %dma_start3A_252 = tpu.memref_slice %arg7[%select_n3A_250, %dma_start3A_251] : memref<80x128xi32, #tpu.memory_space<vmem>> -> memref<1x64xi32, #tpu.memory_space<vmem>>
        %dma_start3A_253 = tpu.memref_squeeze %dma_start3A_252 : memref<1x64xi32, #tpu.memory_space<vmem>> -> memref<64xi32, #tpu.memory_space<vmem>>
        %dma_start3A_254 = arith.constant 0 : i32
        %dma_start3A_255 = arith.constant 0 : i32
        %dma_start3A_256 = tpu.memref_slice %arg2[%dma_start3A_254, %dma_start3A_255] : memref<10240x128xf32, #tpu.memory_space<hbm>> -> memref<10240x128xf32, #tpu.memory_space<hbm>>
        tpu.enqueue_indirect_dma source(%dma_start3A_256 : memref<10240x128xf32, #tpu.memory_space<hbm>>) target(%arg10 : memref<64x128xf32, #tpu.memory_space<vmem>>) offsets(%dma_start3A_253 : memref<64xi32, #tpu.memory_space<vmem>>) semaphore(%arg15 : memref<!tpu.dma_semaphore, #tpu.memory_space<semaphore_mem>>)
      } else {
      }
      %mul3A_133 = arith.constant 4 : i32
      %mul3A_134 = arith.muli %scan3A_50, %mul3A_133 : i32
      %add3A_135 = arith.constant 0 : i32
      %add3A_136 = arith.addi %add3A_135, %mul3A_134 : i32
      %add3A_137 = arith.constant 2 : i32
      %add3A_138 = arith.addi %add3A_136, %add3A_137 : i32
      %mul3A_139 = arith.constant 4 : i32
      %mul3A_140 = arith.muli %scan3A_50, %mul3A_139 : i32
      %add3A_141 = arith.constant 2 : i32
      %add3A_142 = arith.addi %mul3A_140, %add3A_141 : i32
      %jit3A_143 = arith.constant 2 : i32
      %div3A_144 = arith.divsi %add3A_138, %jit3A_143 : i32
      %sign3A_145 = arith.constant 0 : i32
      %sign3A_146 = arith.cmpi sgt, %add3A_138, %sign3A_145 : i32
      %sign3A_147 = arith.extui %sign3A_146 : i1 to i32
      %sign3A_148 = arith.constant 0 : i32
      %sign3A_149 = arith.cmpi slt, %add3A_138, %sign3A_148 : i32
      %sign3A_150 = arith.extui %sign3A_149 : i1 to i32
      %sign3A_151 = arith.subi %sign3A_147, %sign3A_150 : i32
      %sign3A_152 = arith.constant 0 : i32
      %sign3A_153 = arith.cmpi sgt, %jit3A_143, %sign3A_152 : i32
      %sign3A_154 = arith.extui %sign3A_153 : i1 to i32
      %sign3A_155 = arith.constant 0 : i32
      %sign3A_156 = arith.cmpi slt, %jit3A_143, %sign3A_155 : i32
      %sign3A_157 = arith.extui %sign3A_156 : i1 to i32
      %sign3A_158 = arith.subi %sign3A_154, %sign3A_157 : i32
      %ne3A_159 = arith.cmpi ne, %sign3A_151, %sign3A_158 : i32
      %rem3A_160 = arith.remsi %add3A_138, %jit3A_143 : i32
      %ne3A_161 = arith.constant 0 : i32
      %ne3A_162 = arith.cmpi ne, %rem3A_160, %ne3A_161 : i32
      %and3A_163 = arith.andi %ne3A_159, %ne3A_162 : i1
      %sub3A_164 = arith.constant 1 : i32
      %sub3A_165 = arith.subi %div3A_144, %sub3A_164 : i32
      %select_n3A_166 = arith.select %and3A_163, %sub3A_165, %div3A_144 : i32
      %dma_wait3A_167 = arith.constant 0 : i32
      %dma_wait3A_168 = tpu.memref_slice %arg7[%select_n3A_166, %dma_wait3A_167] : memref<80x128xi32, #tpu.memory_space<vmem>> -> memref<1x64xi32, #tpu.memory_space<vmem>>
      %dma_wait3A_169 = tpu.memref_squeeze %dma_wait3A_168 : memref<1x64xi32, #tpu.memory_space<vmem>> -> memref<64xi32, #tpu.memory_space<vmem>>
      %dma_wait3A_170 = arith.constant 0 : i32
      %dma_wait3A_171 = arith.constant 0 : i32
      %dma_wait3A_172 = tpu.memref_slice %arg2[%dma_wait3A_170, %dma_wait3A_171] : memref<10240x128xf32, #tpu.memory_space<hbm>> -> memref<10240x128xf32, #tpu.memory_space<hbm>>
      tpu.wait_indirect_dma semaphore(%arg16 : memref<!tpu.dma_semaphore, #tpu.memory_space<semaphore_mem>>) src(%dma_wait3A_172 : memref<10240x128xf32, #tpu.memory_space<hbm>>) dst(%arg11 : memref<64x128xf32, #tpu.memory_space<vmem>>)
      "tpu.region"() ({
        %run_scoped3A = tpu.sem_alloc : memref<!tpu.dma_semaphore, #tpu.memory_space<semaphore_mem>>
        %dma_start3A_227 = arith.constant 0 : i32
        %dma_start3A_228 = tpu.memref_slice %arg8[%add3A_142, %dma_start3A_227] : memref<40x64xi32, #tpu.memory_space<vmem>> -> memref<1x64xi32, #tpu.memory_space<vmem>>
        %dma_start3A_229 = tpu.memref_squeeze %dma_start3A_228 : memref<1x64xi32, #tpu.memory_space<vmem>> -> memref<64xi32, #tpu.memory_space<vmem>>
        %dma_start3A_230 = arith.constant 0 : i32
        %dma_start3A_231 = arith.constant 0 : i32
        %dma_start3A_232 = tpu.memref_slice %arg13[%dma_start3A_230, %dma_start3A_231] : memref<10240x128xf32, #tpu.memory_space<vmem_shared>> -> memref<10240x128xf32, #tpu.memory_space<vmem_shared>>
        tpu.enqueue_indirect_dma source(%arg11 : memref<64x128xf32, #tpu.memory_space<vmem>>) target(%dma_start3A_232 : memref<10240x128xf32, #tpu.memory_space<vmem_shared>>) offsets(%dma_start3A_229 : memref<64xi32, #tpu.memory_space<vmem>>) semaphore(%run_scoped3A : memref<!tpu.dma_semaphore, #tpu.memory_space<semaphore_mem>>) {add = true}
        %dma_wait3A_233 = arith.constant 0 : i32
        %dma_wait3A_234 = tpu.memref_slice %arg8[%add3A_142, %dma_wait3A_233] : memref<40x64xi32, #tpu.memory_space<vmem>> -> memref<1x64xi32, #tpu.memory_space<vmem>>
        %dma_wait3A_235 = tpu.memref_squeeze %dma_wait3A_234 : memref<1x64xi32, #tpu.memory_space<vmem>> -> memref<64xi32, #tpu.memory_space<vmem>>
        %dma_wait3A_236 = arith.constant 0 : i32
        %dma_wait3A_237 = arith.constant 0 : i32
        %dma_wait3A_238 = tpu.memref_slice %arg13[%dma_wait3A_236, %dma_wait3A_237] : memref<10240x128xf32, #tpu.memory_space<vmem_shared>> -> memref<10240x128xf32, #tpu.memory_space<vmem_shared>>
        tpu.wait_indirect_dma semaphore(%run_scoped3A : memref<!tpu.dma_semaphore, #tpu.memory_space<semaphore_mem>>) src(%arg11 : memref<64x128xf32, #tpu.memory_space<vmem>>) dst(%dma_wait3A_238 : memref<10240x128xf32, #tpu.memory_space<vmem_shared>>)
        tpu.yield
      }) : () -> ()
      %add3A_173 = arith.constant 4 : i32
      %add3A_174 = arith.addi %add3A_138, %add3A_173 : i32
      %lt3A_175 = arith.constant 160 : i32
      %lt3A_176 = arith.cmpi slt, %add3A_174, %lt3A_175 : i32
      %convert_element_type3A_177 = arith.extui %lt3A_176 : i1 to i32
      %cond3A_178 = arith.constant 0 : i32
      %cond3A_179 = arith.cmpi ne, %convert_element_type3A_177, %cond3A_178 : i32
      scf.if %cond3A_179 {
        %jit3A_227 = arith.constant 2 : i32
        %div3A_228 = arith.divsi %add3A_174, %jit3A_227 : i32
        %sign3A_229 = arith.constant 0 : i32
        %sign3A_230 = arith.cmpi sgt, %add3A_174, %sign3A_229 : i32
        %sign3A_231 = arith.extui %sign3A_230 : i1 to i32
        %sign3A_232 = arith.constant 0 : i32
        %sign3A_233 = arith.cmpi slt, %add3A_174, %sign3A_232 : i32
        %sign3A_234 = arith.extui %sign3A_233 : i1 to i32
        %sign3A_235 = arith.subi %sign3A_231, %sign3A_234 : i32
        %sign3A_236 = arith.constant 0 : i32
        %sign3A_237 = arith.cmpi sgt, %jit3A_227, %sign3A_236 : i32
        %sign3A_238 = arith.extui %sign3A_237 : i1 to i32
        %sign3A_239 = arith.constant 0 : i32
        %sign3A_240 = arith.cmpi slt, %jit3A_227, %sign3A_239 : i32
        %sign3A_241 = arith.extui %sign3A_240 : i1 to i32
        %sign3A_242 = arith.subi %sign3A_238, %sign3A_241 : i32
        %ne3A_243 = arith.cmpi ne, %sign3A_235, %sign3A_242 : i32
        %rem3A_244 = arith.remsi %add3A_174, %jit3A_227 : i32
        %ne3A_245 = arith.constant 0 : i32
        %ne3A_246 = arith.cmpi ne, %rem3A_244, %ne3A_245 : i32
        %and3A_247 = arith.andi %ne3A_243, %ne3A_246 : i1
        %sub3A_248 = arith.constant 1 : i32
        %sub3A_249 = arith.subi %div3A_228, %sub3A_248 : i32
        %select_n3A_250 = arith.select %and3A_247, %sub3A_249, %div3A_228 : i32
        %dma_start3A_251 = arith.constant 0 : i32
        %dma_start3A_252 = tpu.memref_slice %arg7[%select_n3A_250, %dma_start3A_251] : memref<80x128xi32, #tpu.memory_space<vmem>> -> memref<1x64xi32, #tpu.memory_space<vmem>>
        %dma_start3A_253 = tpu.memref_squeeze %dma_start3A_252 : memref<1x64xi32, #tpu.memory_space<vmem>> -> memref<64xi32, #tpu.memory_space<vmem>>
        %dma_start3A_254 = arith.constant 0 : i32
        %dma_start3A_255 = arith.constant 0 : i32
        %dma_start3A_256 = tpu.memref_slice %arg2[%dma_start3A_254, %dma_start3A_255] : memref<10240x128xf32, #tpu.memory_space<hbm>> -> memref<10240x128xf32, #tpu.memory_space<hbm>>
        tpu.enqueue_indirect_dma source(%dma_start3A_256 : memref<10240x128xf32, #tpu.memory_space<hbm>>) target(%arg11 : memref<64x128xf32, #tpu.memory_space<vmem>>) offsets(%dma_start3A_253 : memref<64xi32, #tpu.memory_space<vmem>>) semaphore(%arg16 : memref<!tpu.dma_semaphore, #tpu.memory_space<semaphore_mem>>)
      } else {
      }
      %mul3A_180 = arith.constant 4 : i32
      %mul3A_181 = arith.muli %scan3A_50, %mul3A_180 : i32
      %add3A_182 = arith.constant 0 : i32
      %add3A_183 = arith.addi %add3A_182, %mul3A_181 : i32
      %add3A_184 = arith.constant 3 : i32
      %add3A_185 = arith.addi %add3A_183, %add3A_184 : i32
      %mul3A_186 = arith.constant 4 : i32
      %mul3A_187 = arith.muli %scan3A_50, %mul3A_186 : i32
      %add3A_188 = arith.constant 3 : i32
      %add3A_189 = arith.addi %mul3A_187, %add3A_188 : i32
      %jit3A_190 = arith.constant 2 : i32
      %div3A_191 = arith.divsi %add3A_185, %jit3A_190 : i32
      %sign3A_192 = arith.constant 0 : i32
      %sign3A_193 = arith.cmpi sgt, %add3A_185, %sign3A_192 : i32
      %sign3A_194 = arith.extui %sign3A_193 : i1 to i32
      %sign3A_195 = arith.constant 0 : i32
      %sign3A_196 = arith.cmpi slt, %add3A_185, %sign3A_195 : i32
      %sign3A_197 = arith.extui %sign3A_196 : i1 to i32
      %sign3A_198 = arith.subi %sign3A_194, %sign3A_197 : i32
      %sign3A_199 = arith.constant 0 : i32
      %sign3A_200 = arith.cmpi sgt, %jit3A_190, %sign3A_199 : i32
      %sign3A_201 = arith.extui %sign3A_200 : i1 to i32
      %sign3A_202 = arith.constant 0 : i32
      %sign3A_203 = arith.cmpi slt, %jit3A_190, %sign3A_202 : i32
      %sign3A_204 = arith.extui %sign3A_203 : i1 to i32
      %sign3A_205 = arith.subi %sign3A_201, %sign3A_204 : i32
      %ne3A_206 = arith.cmpi ne, %sign3A_198, %sign3A_205 : i32
      %rem3A_207 = arith.remsi %add3A_185, %jit3A_190 : i32
      %ne3A_208 = arith.constant 0 : i32
      %ne3A_209 = arith.cmpi ne, %rem3A_207, %ne3A_208 : i32
      %and3A_210 = arith.andi %ne3A_206, %ne3A_209 : i1
      %sub3A_211 = arith.constant 1 : i32
      %sub3A_212 = arith.subi %div3A_191, %sub3A_211 : i32
      %select_n3A_213 = arith.select %and3A_210, %sub3A_212, %div3A_191 : i32
      %dma_wait3A_214 = arith.constant 64 : i32
      %dma_wait3A_215 = tpu.memref_slice %arg7[%select_n3A_213, %dma_wait3A_214] : memref<80x128xi32, #tpu.memory_space<vmem>> -> memref<1x64xi32, #tpu.memory_space<vmem>>
      %dma_wait3A_216 = tpu.memref_squeeze %dma_wait3A_215 : memref<1x64xi32, #tpu.memory_space<vmem>> -> memref<64xi32, #tpu.memory_space<vmem>>
      %dma_wait3A_217 = arith.constant 0 : i32
      %dma_wait3A_218 = arith.constant 0 : i32
      %dma_wait3A_219 = tpu.memref_slice %arg2[%dma_wait3A_217, %dma_wait3A_218] : memref<10240x128xf32, #tpu.memory_space<hbm>> -> memref<10240x128xf32, #tpu.memory_space<hbm>>
      tpu.wait_indirect_dma semaphore(%arg17 : memref<!tpu.dma_semaphore, #tpu.memory_space<semaphore_mem>>) src(%dma_wait3A_219 : memref<10240x128xf32, #tpu.memory_space<hbm>>) dst(%arg12 : memref<64x128xf32, #tpu.memory_space<vmem>>)
      "tpu.region"() ({
        %run_scoped3A = tpu.sem_alloc : memref<!tpu.dma_semaphore, #tpu.memory_space<semaphore_mem>>
        %dma_start3A_227 = arith.constant 0 : i32
        %dma_start3A_228 = tpu.memref_slice %arg8[%add3A_189, %dma_start3A_227] : memref<40x64xi32, #tpu.memory_space<vmem>> -> memref<1x64xi32, #tpu.memory_space<vmem>>
        %dma_start3A_229 = tpu.memref_squeeze %dma_start3A_228 : memref<1x64xi32, #tpu.memory_space<vmem>> -> memref<64xi32, #tpu.memory_space<vmem>>
        %dma_start3A_230 = arith.constant 0 : i32
        %dma_start3A_231 = arith.constant 0 : i32
        %dma_start3A_232 = tpu.memref_slice %arg13[%dma_start3A_230, %dma_start3A_231] : memref<10240x128xf32, #tpu.memory_space<vmem_shared>> -> memref<10240x128xf32, #tpu.memory_space<vmem_shared>>
        tpu.enqueue_indirect_dma source(%arg12 : memref<64x128xf32, #tpu.memory_space<vmem>>) target(%dma_start3A_232 : memref<10240x128xf32, #tpu.memory_space<vmem_shared>>) offsets(%dma_start3A_229 : memref<64xi32, #tpu.memory_space<vmem>>) semaphore(%run_scoped3A : memref<!tpu.dma_semaphore, #tpu.memory_space<semaphore_mem>>) {add = true}
        %dma_wait3A_233 = arith.constant 0 : i32
        %dma_wait3A_234 = tpu.memref_slice %arg8[%add3A_189, %dma_wait3A_233] : memref<40x64xi32, #tpu.memory_space<vmem>> -> memref<1x64xi32, #tpu.memory_space<vmem>>
        %dma_wait3A_235 = tpu.memref_squeeze %dma_wait3A_234 : memref<1x64xi32, #tpu.memory_space<vmem>> -> memref<64xi32, #tpu.memory_space<vmem>>
        %dma_wait3A_236 = arith.constant 0 : i32
        %dma_wait3A_237 = arith.constant 0 : i32
        %dma_wait3A_238 = tpu.memref_slice %arg13[%dma_wait3A_236, %dma_wait3A_237] : memref<10240x128xf32, #tpu.memory_space<vmem_shared>> -> memref<10240x128xf32, #tpu.memory_space<vmem_shared>>
        tpu.wait_indirect_dma semaphore(%run_scoped3A : memref<!tpu.dma_semaphore, #tpu.memory_space<semaphore_mem>>) src(%arg12 : memref<64x128xf32, #tpu.memory_space<vmem>>) dst(%dma_wait3A_238 : memref<10240x128xf32, #tpu.memory_space<vmem_shared>>)
        tpu.yield
      }) : () -> ()
      %add3A_220 = arith.constant 4 : i32
      %add3A_221 = arith.addi %add3A_185, %add3A_220 : i32
      %lt3A_222 = arith.constant 160 : i32
      %lt3A_223 = arith.cmpi slt, %add3A_221, %lt3A_222 : i32
      %convert_element_type3A_224 = arith.extui %lt3A_223 : i1 to i32
      %cond3A_225 = arith.constant 0 : i32
      %cond3A_226 = arith.cmpi ne, %convert_element_type3A_224, %cond3A_225 : i32
      scf.if %cond3A_226 {
        %jit3A_227 = arith.constant 2 : i32
        %div3A_228 = arith.divsi %add3A_221, %jit3A_227 : i32
        %sign3A_229 = arith.constant 0 : i32
        %sign3A_230 = arith.cmpi sgt, %add3A_221, %sign3A_229 : i32
        %sign3A_231 = arith.extui %sign3A_230 : i1 to i32
        %sign3A_232 = arith.constant 0 : i32
        %sign3A_233 = arith.cmpi slt, %add3A_221, %sign3A_232 : i32
        %sign3A_234 = arith.extui %sign3A_233 : i1 to i32
        %sign3A_235 = arith.subi %sign3A_231, %sign3A_234 : i32
        %sign3A_236 = arith.constant 0 : i32
        %sign3A_237 = arith.cmpi sgt, %jit3A_227, %sign3A_236 : i32
        %sign3A_238 = arith.extui %sign3A_237 : i1 to i32
        %sign3A_239 = arith.constant 0 : i32
        %sign3A_240 = arith.cmpi slt, %jit3A_227, %sign3A_239 : i32
        %sign3A_241 = arith.extui %sign3A_240 : i1 to i32
        %sign3A_242 = arith.subi %sign3A_238, %sign3A_241 : i32
        %ne3A_243 = arith.cmpi ne, %sign3A_235, %sign3A_242 : i32
        %rem3A_244 = arith.remsi %add3A_221, %jit3A_227 : i32
        %ne3A_245 = arith.constant 0 : i32
        %ne3A_246 = arith.cmpi ne, %rem3A_244, %ne3A_245 : i32
        %and3A_247 = arith.andi %ne3A_243, %ne3A_246 : i1
        %sub3A_248 = arith.constant 1 : i32
        %sub3A_249 = arith.subi %div3A_228, %sub3A_248 : i32
        %select_n3A_250 = arith.select %and3A_247, %sub3A_249, %div3A_228 : i32
        %dma_start3A_251 = arith.constant 64 : i32
        %dma_start3A_252 = tpu.memref_slice %arg7[%select_n3A_250, %dma_start3A_251] : memref<80x128xi32, #tpu.memory_space<vmem>> -> memref<1x64xi32, #tpu.memory_space<vmem>>
        %dma_start3A_253 = tpu.memref_squeeze %dma_start3A_252 : memref<1x64xi32, #tpu.memory_space<vmem>> -> memref<64xi32, #tpu.memory_space<vmem>>
        %dma_start3A_254 = arith.constant 0 : i32
        %dma_start3A_255 = arith.constant 0 : i32
        %dma_start3A_256 = tpu.memref_slice %arg2[%dma_start3A_254, %dma_start3A_255] : memref<10240x128xf32, #tpu.memory_space<hbm>> -> memref<10240x128xf32, #tpu.memory_space<hbm>>
        tpu.enqueue_indirect_dma source(%dma_start3A_256 : memref<10240x128xf32, #tpu.memory_space<hbm>>) target(%arg12 : memref<64x128xf32, #tpu.memory_space<vmem>>) offsets(%dma_start3A_253 : memref<64xi32, #tpu.memory_space<vmem>>) semaphore(%arg17 : memref<!tpu.dma_semaphore, #tpu.memory_space<semaphore_mem>>)
      } else {
      }
    }
    %scan3A_33 = arith.constant 10 : i32
    "tpu.region"() ({
      %run_scoped3A = tpu.sem_alloc : memref<!tpu.dma_semaphore, #tpu.memory_space<semaphore_mem>>
      %dma_start3A_50 = arith.constant 40 : i32
      %dma_start3A_51 = arith.constant 0 : i32
      %dma_start3A_52 = tpu.memref_slice %arg4[%add3A, %dma_start3A_50, %dma_start3A_51] : memref<32x160x64xi32, #tpu.memory_space<hbm>> -> memref<1x40x64xi32, #tpu.memory_space<hbm>>
      %dma_start3A_53 = tpu.memref_squeeze %dma_start3A_52 : memref<1x40x64xi32, #tpu.memory_space<hbm>> -> memref<40x64xi32, #tpu.memory_space<hbm>>
      %dma_start3A_54 = arith.constant 40 : i32
      %dma_start3A_55 = arith.constant 0 : i32
      %dma_start3A_56 = tpu.memref_slice %arg4[%add3A, %dma_start3A_54, %dma_start3A_55] : memref<32x160x64xi32, #tpu.memory_space<hbm>> -> memref<1x40x64xi32, #tpu.memory_space<hbm>>
      %dma_start3A_57 = tpu.memref_squeeze %dma_start3A_56 : memref<1x40x64xi32, #tpu.memory_space<hbm>> -> memref<40x64xi32, #tpu.memory_space<hbm>>
      tpu.enqueue_dma source(%dma_start3A_57 : memref<40x64xi32, #tpu.memory_space<hbm>>) target(%arg8 : memref<40x64xi32, #tpu.memory_space<vmem>>) target_semaphore(%run_scoped3A : memref<!tpu.dma_semaphore, #tpu.memory_space<semaphore_mem>>)
      %dma_wait3A = arith.constant 40 : i32
      %dma_wait3A_58 = arith.constant 0 : i32
      %dma_wait3A_59 = tpu.memref_slice %arg4[%add3A, %dma_wait3A, %dma_wait3A_58] : memref<32x160x64xi32, #tpu.memory_space<hbm>> -> memref<1x40x64xi32, #tpu.memory_space<hbm>>
      %dma_wait3A_60 = tpu.memref_squeeze %dma_wait3A_59 : memref<1x40x64xi32, #tpu.memory_space<hbm>> -> memref<40x64xi32, #tpu.memory_space<hbm>>
      %dma_wait3A_61 = arith.constant 40 : i32
      %dma_wait3A_62 = arith.constant 0 : i32
      %dma_wait3A_63 = tpu.memref_slice %arg4[%add3A, %dma_wait3A_61, %dma_wait3A_62] : memref<32x160x64xi32, #tpu.memory_space<hbm>> -> memref<1x40x64xi32, #tpu.memory_space<hbm>>
      %dma_wait3A_64 = tpu.memref_squeeze %dma_wait3A_63 : memref<1x40x64xi32, #tpu.memory_space<hbm>> -> memref<40x64xi32, #tpu.memory_space<hbm>>
      tpu.wait_dma2 semaphore(%run_scoped3A : memref<!tpu.dma_semaphore, #tpu.memory_space<semaphore_mem>>) src(%dma_wait3A_64 : memref<40x64xi32, #tpu.memory_space<hbm>>) dst(%arg8 : memref<40x64xi32, #tpu.memory_space<vmem>>)
      tpu.yield
    }) : () -> ()
    %scan3A_34 = arith.constant 0 : i32
    %scan3A_35 = arith.constant 10 : i32
    %scan3A_36 = arith.addi %scan3A_34, %scan3A_35 : i32
    %scan3A_37 = arith.constant 1 : i32
    scf.for %scan3A_50 = %scan3A_34 to %scan3A_36 step %scan3A_37  : i32 {
      %mul3A_51 = arith.constant 4 : i32
      %mul3A_52 = arith.muli %scan3A_50, %mul3A_51 : i32
      %add3A_53 = arith.constant 40 : i32
      %add3A_54 = arith.addi %add3A_53, %mul3A_52 : i32
      %add3A_55 = arith.constant 0 : i32
      %add3A_56 = arith.addi %add3A_54, %add3A_55 : i32
      %mul3A_57 = arith.constant 4 : i32
      %mul3A_58 = arith.muli %scan3A_50, %mul3A_57 : i32
      %add3A_59 = arith.constant 0 : i32
      %add3A_60 = arith.addi %mul3A_58, %add3A_59 : i32
      %jit3A = arith.constant 2 : i32
      %div3A = arith.divsi %add3A_56, %jit3A : i32
      %sign3A = arith.constant 0 : i32
      %sign3A_61 = arith.cmpi sgt, %add3A_56, %sign3A : i32
      %sign3A_62 = arith.extui %sign3A_61 : i1 to i32
      %sign3A_63 = arith.constant 0 : i32
      %sign3A_64 = arith.cmpi slt, %add3A_56, %sign3A_63 : i32
      %sign3A_65 = arith.extui %sign3A_64 : i1 to i32
      %sign3A_66 = arith.subi %sign3A_62, %sign3A_65 : i32
      %sign3A_67 = arith.constant 0 : i32
      %sign3A_68 = arith.cmpi sgt, %jit3A, %sign3A_67 : i32
      %sign3A_69 = arith.extui %sign3A_68 : i1 to i32
      %sign3A_70 = arith.constant 0 : i32
      %sign3A_71 = arith.cmpi slt, %jit3A, %sign3A_70 : i32
      %sign3A_72 = arith.extui %sign3A_71 : i1 to i32
      %sign3A_73 = arith.subi %sign3A_69, %sign3A_72 : i32
      %ne3A = arith.cmpi ne, %sign3A_66, %sign3A_73 : i32
      %rem3A = arith.remsi %add3A_56, %jit3A : i32
      %ne3A_74 = arith.constant 0 : i32
      %ne3A_75 = arith.cmpi ne, %rem3A, %ne3A_74 : i32
      %and3A = arith.andi %ne3A, %ne3A_75 : i1
      %sub3A = arith.constant 1 : i32
      %sub3A_76 = arith.subi %div3A, %sub3A : i32
      %select_n3A = arith.select %and3A, %sub3A_76, %div3A : i32
      %dma_wait3A = arith.constant 0 : i32
      %dma_wait3A_77 = tpu.memref_slice %arg7[%select_n3A, %dma_wait3A] : memref<80x128xi32, #tpu.memory_space<vmem>> -> memref<1x64xi32, #tpu.memory_space<vmem>>
      %dma_wait3A_78 = tpu.memref_squeeze %dma_wait3A_77 : memref<1x64xi32, #tpu.memory_space<vmem>> -> memref<64xi32, #tpu.memory_space<vmem>>
      %dma_wait3A_79 = arith.constant 0 : i32
      %dma_wait3A_80 = arith.constant 0 : i32
      %dma_wait3A_81 = tpu.memref_slice %arg2[%dma_wait3A_79, %dma_wait3A_80] : memref<10240x128xf32, #tpu.memory_space<hbm>> -> memref<10240x128xf32, #tpu.memory_space<hbm>>
      tpu.wait_indirect_dma semaphore(%arg14 : memref<!tpu.dma_semaphore, #tpu.memory_space<semaphore_mem>>) src(%dma_wait3A_81 : memref<10240x128xf32, #tpu.memory_space<hbm>>) dst(%arg9 : memref<64x128xf32, #tpu.memory_space<vmem>>)
      "tpu.region"() ({
        %run_scoped3A = tpu.sem_alloc : memref<!tpu.dma_semaphore, #tpu.memory_space<semaphore_mem>>
        %dma_start3A_227 = arith.constant 0 : i32
        %dma_start3A_228 = tpu.memref_slice %arg8[%add3A_60, %dma_start3A_227] : memref<40x64xi32, #tpu.memory_space<vmem>> -> memref<1x64xi32, #tpu.memory_space<vmem>>
        %dma_start3A_229 = tpu.memref_squeeze %dma_start3A_228 : memref<1x64xi32, #tpu.memory_space<vmem>> -> memref<64xi32, #tpu.memory_space<vmem>>
        %dma_start3A_230 = arith.constant 0 : i32
        %dma_start3A_231 = arith.constant 0 : i32
        %dma_start3A_232 = tpu.memref_slice %arg13[%dma_start3A_230, %dma_start3A_231] : memref<10240x128xf32, #tpu.memory_space<vmem_shared>> -> memref<10240x128xf32, #tpu.memory_space<vmem_shared>>
        tpu.enqueue_indirect_dma source(%arg9 : memref<64x128xf32, #tpu.memory_space<vmem>>) target(%dma_start3A_232 : memref<10240x128xf32, #tpu.memory_space<vmem_shared>>) offsets(%dma_start3A_229 : memref<64xi32, #tpu.memory_space<vmem>>) semaphore(%run_scoped3A : memref<!tpu.dma_semaphore, #tpu.memory_space<semaphore_mem>>) {add = true}
        %dma_wait3A_233 = arith.constant 0 : i32
        %dma_wait3A_234 = tpu.memref_slice %arg8[%add3A_60, %dma_wait3A_233] : memref<40x64xi32, #tpu.memory_space<vmem>> -> memref<1x64xi32, #tpu.memory_space<vmem>>
        %dma_wait3A_235 = tpu.memref_squeeze %dma_wait3A_234 : memref<1x64xi32, #tpu.memory_space<vmem>> -> memref<64xi32, #tpu.memory_space<vmem>>
        %dma_wait3A_236 = arith.constant 0 : i32
        %dma_wait3A_237 = arith.constant 0 : i32
        %dma_wait3A_238 = tpu.memref_slice %arg13[%dma_wait3A_236, %dma_wait3A_237] : memref<10240x128xf32, #tpu.memory_space<vmem_shared>> -> memref<10240x128xf32, #tpu.memory_space<vmem_shared>>
        tpu.wait_indirect_dma semaphore(%run_scoped3A : memref<!tpu.dma_semaphore, #tpu.memory_space<semaphore_mem>>) src(%arg9 : memref<64x128xf32, #tpu.memory_space<vmem>>) dst(%dma_wait3A_238 : memref<10240x128xf32, #tpu.memory_space<vmem_shared>>)
        tpu.yield
      }) : () -> ()
      %add3A_82 = arith.constant 4 : i32
      %add3A_83 = arith.addi %add3A_56, %add3A_82 : i32
      %lt3A = arith.constant 160 : i32
      %lt3A_84 = arith.cmpi slt, %add3A_83, %lt3A : i32
      %convert_element_type3A = arith.extui %lt3A_84 : i1 to i32
      %cond3A = arith.constant 0 : i32
      %cond3A_85 = arith.cmpi ne, %convert_element_type3A, %cond3A : i32
      scf.if %cond3A_85 {
        %jit3A_227 = arith.constant 2 : i32
        %div3A_228 = arith.divsi %add3A_83, %jit3A_227 : i32
        %sign3A_229 = arith.constant 0 : i32
        %sign3A_230 = arith.cmpi sgt, %add3A_83, %sign3A_229 : i32
        %sign3A_231 = arith.extui %sign3A_230 : i1 to i32
        %sign3A_232 = arith.constant 0 : i32
        %sign3A_233 = arith.cmpi slt, %add3A_83, %sign3A_232 : i32
        %sign3A_234 = arith.extui %sign3A_233 : i1 to i32
        %sign3A_235 = arith.subi %sign3A_231, %sign3A_234 : i32
        %sign3A_236 = arith.constant 0 : i32
        %sign3A_237 = arith.cmpi sgt, %jit3A_227, %sign3A_236 : i32
        %sign3A_238 = arith.extui %sign3A_237 : i1 to i32
        %sign3A_239 = arith.constant 0 : i32
        %sign3A_240 = arith.cmpi slt, %jit3A_227, %sign3A_239 : i32
        %sign3A_241 = arith.extui %sign3A_240 : i1 to i32
        %sign3A_242 = arith.subi %sign3A_238, %sign3A_241 : i32
        %ne3A_243 = arith.cmpi ne, %sign3A_235, %sign3A_242 : i32
        %rem3A_244 = arith.remsi %add3A_83, %jit3A_227 : i32
        %ne3A_245 = arith.constant 0 : i32
        %ne3A_246 = arith.cmpi ne, %rem3A_244, %ne3A_245 : i32
        %and3A_247 = arith.andi %ne3A_243, %ne3A_246 : i1
        %sub3A_248 = arith.constant 1 : i32
        %sub3A_249 = arith.subi %div3A_228, %sub3A_248 : i32
        %select_n3A_250 = arith.select %and3A_247, %sub3A_249, %div3A_228 : i32
        %dma_start3A_251 = arith.constant 0 : i32
        %dma_start3A_252 = tpu.memref_slice %arg7[%select_n3A_250, %dma_start3A_251] : memref<80x128xi32, #tpu.memory_space<vmem>> -> memref<1x64xi32, #tpu.memory_space<vmem>>
        %dma_start3A_253 = tpu.memref_squeeze %dma_start3A_252 : memref<1x64xi32, #tpu.memory_space<vmem>> -> memref<64xi32, #tpu.memory_space<vmem>>
        %dma_start3A_254 = arith.constant 0 : i32
        %dma_start3A_255 = arith.constant 0 : i32
        %dma_start3A_256 = tpu.memref_slice %arg2[%dma_start3A_254, %dma_start3A_255] : memref<10240x128xf32, #tpu.memory_space<hbm>> -> memref<10240x128xf32, #tpu.memory_space<hbm>>
        tpu.enqueue_indirect_dma source(%dma_start3A_256 : memref<10240x128xf32, #tpu.memory_space<hbm>>) target(%arg9 : memref<64x128xf32, #tpu.memory_space<vmem>>) offsets(%dma_start3A_253 : memref<64xi32, #tpu.memory_space<vmem>>) semaphore(%arg14 : memref<!tpu.dma_semaphore, #tpu.memory_space<semaphore_mem>>)
      } else {
      }
      %mul3A_86 = arith.constant 4 : i32
      %mul3A_87 = arith.muli %scan3A_50, %mul3A_86 : i32
      %add3A_88 = arith.constant 40 : i32
      %add3A_89 = arith.addi %add3A_88, %mul3A_87 : i32
      %add3A_90 = arith.constant 1 : i32
      %add3A_91 = arith.addi %add3A_89, %add3A_90 : i32
      %mul3A_92 = arith.constant 4 : i32
      %mul3A_93 = arith.muli %scan3A_50, %mul3A_92 : i32
      %add3A_94 = arith.constant 1 : i32
      %add3A_95 = arith.addi %mul3A_93, %add3A_94 : i32
      %jit3A_96 = arith.constant 2 : i32
      %div3A_97 = arith.divsi %add3A_91, %jit3A_96 : i32
      %sign3A_98 = arith.constant 0 : i32
      %sign3A_99 = arith.cmpi sgt, %add3A_91, %sign3A_98 : i32
      %sign3A_100 = arith.extui %sign3A_99 : i1 to i32
      %sign3A_101 = arith.constant 0 : i32
      %sign3A_102 = arith.cmpi slt, %add3A_91, %sign3A_101 : i32
      %sign3A_103 = arith.extui %sign3A_102 : i1 to i32
      %sign3A_104 = arith.subi %sign3A_100, %sign3A_103 : i32
      %sign3A_105 = arith.constant 0 : i32
      %sign3A_106 = arith.cmpi sgt, %jit3A_96, %sign3A_105 : i32
      %sign3A_107 = arith.extui %sign3A_106 : i1 to i32
      %sign3A_108 = arith.constant 0 : i32
      %sign3A_109 = arith.cmpi slt, %jit3A_96, %sign3A_108 : i32
      %sign3A_110 = arith.extui %sign3A_109 : i1 to i32
      %sign3A_111 = arith.subi %sign3A_107, %sign3A_110 : i32
      %ne3A_112 = arith.cmpi ne, %sign3A_104, %sign3A_111 : i32
      %rem3A_113 = arith.remsi %add3A_91, %jit3A_96 : i32
      %ne3A_114 = arith.constant 0 : i32
      %ne3A_115 = arith.cmpi ne, %rem3A_113, %ne3A_114 : i32
      %and3A_116 = arith.andi %ne3A_112, %ne3A_115 : i1
      %sub3A_117 = arith.constant 1 : i32
      %sub3A_118 = arith.subi %div3A_97, %sub3A_117 : i32
      %select_n3A_119 = arith.select %and3A_116, %sub3A_118, %div3A_97 : i32
      %dma_wait3A_120 = arith.constant 64 : i32
      %dma_wait3A_121 = tpu.memref_slice %arg7[%select_n3A_119, %dma_wait3A_120] : memref<80x128xi32, #tpu.memory_space<vmem>> -> memref<1x64xi32, #tpu.memory_space<vmem>>
      %dma_wait3A_122 = tpu.memref_squeeze %dma_wait3A_121 : memref<1x64xi32, #tpu.memory_space<vmem>> -> memref<64xi32, #tpu.memory_space<vmem>>
      %dma_wait3A_123 = arith.constant 0 : i32
      %dma_wait3A_124 = arith.constant 0 : i32
      %dma_wait3A_125 = tpu.memref_slice %arg2[%dma_wait3A_123, %dma_wait3A_124] : memref<10240x128xf32, #tpu.memory_space<hbm>> -> memref<10240x128xf32, #tpu.memory_space<hbm>>
      tpu.wait_indirect_dma semaphore(%arg15 : memref<!tpu.dma_semaphore, #tpu.memory_space<semaphore_mem>>) src(%dma_wait3A_125 : memref<10240x128xf32, #tpu.memory_space<hbm>>) dst(%arg10 : memref<64x128xf32, #tpu.memory_space<vmem>>)
      "tpu.region"() ({
        %run_scoped3A = tpu.sem_alloc : memref<!tpu.dma_semaphore, #tpu.memory_space<semaphore_mem>>
        %dma_start3A_227 = arith.constant 0 : i32
        %dma_start3A_228 = tpu.memref_slice %arg8[%add3A_95, %dma_start3A_227] : memref<40x64xi32, #tpu.memory_space<vmem>> -> memref<1x64xi32, #tpu.memory_space<vmem>>
        %dma_start3A_229 = tpu.memref_squeeze %dma_start3A_228 : memref<1x64xi32, #tpu.memory_space<vmem>> -> memref<64xi32, #tpu.memory_space<vmem>>
        %dma_start3A_230 = arith.constant 0 : i32
        %dma_start3A_231 = arith.constant 0 : i32
        %dma_start3A_232 = tpu.memref_slice %arg13[%dma_start3A_230, %dma_start3A_231] : memref<10240x128xf32, #tpu.memory_space<vmem_shared>> -> memref<10240x128xf32, #tpu.memory_space<vmem_shared>>
        tpu.enqueue_indirect_dma source(%arg10 : memref<64x128xf32, #tpu.memory_space<vmem>>) target(%dma_start3A_232 : memref<10240x128xf32, #tpu.memory_space<vmem_shared>>) offsets(%dma_start3A_229 : memref<64xi32, #tpu.memory_space<vmem>>) semaphore(%run_scoped3A : memref<!tpu.dma_semaphore, #tpu.memory_space<semaphore_mem>>) {add = true}
        %dma_wait3A_233 = arith.constant 0 : i32
        %dma_wait3A_234 = tpu.memref_slice %arg8[%add3A_95, %dma_wait3A_233] : memref<40x64xi32, #tpu.memory_space<vmem>> -> memref<1x64xi32, #tpu.memory_space<vmem>>
        %dma_wait3A_235 = tpu.memref_squeeze %dma_wait3A_234 : memref<1x64xi32, #tpu.memory_space<vmem>> -> memref<64xi32, #tpu.memory_space<vmem>>
        %dma_wait3A_236 = arith.constant 0 : i32
        %dma_wait3A_237 = arith.constant 0 : i32
        %dma_wait3A_238 = tpu.memref_slice %arg13[%dma_wait3A_236, %dma_wait3A_237] : memref<10240x128xf32, #tpu.memory_space<vmem_shared>> -> memref<10240x128xf32, #tpu.memory_space<vmem_shared>>
        tpu.wait_indirect_dma semaphore(%run_scoped3A : memref<!tpu.dma_semaphore, #tpu.memory_space<semaphore_mem>>) src(%arg10 : memref<64x128xf32, #tpu.memory_space<vmem>>) dst(%dma_wait3A_238 : memref<10240x128xf32, #tpu.memory_space<vmem_shared>>)
        tpu.yield
      }) : () -> ()
      %add3A_126 = arith.constant 4 : i32
      %add3A_127 = arith.addi %add3A_91, %add3A_126 : i32
      %lt3A_128 = arith.constant 160 : i32
      %lt3A_129 = arith.cmpi slt, %add3A_127, %lt3A_128 : i32
      %convert_element_type3A_130 = arith.extui %lt3A_129 : i1 to i32
      %cond3A_131 = arith.constant 0 : i32
      %cond3A_132 = arith.cmpi ne, %convert_element_type3A_130, %cond3A_131 : i32
      scf.if %cond3A_132 {
        %jit3A_227 = arith.constant 2 : i32
        %div3A_228 = arith.divsi %add3A_127, %jit3A_227 : i32
        %sign3A_229 = arith.constant 0 : i32
        %sign3A_230 = arith.cmpi sgt, %add3A_127, %sign3A_229 : i32
        %sign3A_231 = arith.extui %sign3A_230 : i1 to i32
        %sign3A_232 = arith.constant 0 : i32
        %sign3A_233 = arith.cmpi slt, %add3A_127, %sign3A_232 : i32
        %sign3A_234 = arith.extui %sign3A_233 : i1 to i32
        %sign3A_235 = arith.subi %sign3A_231, %sign3A_234 : i32
        %sign3A_236 = arith.constant 0 : i32
        %sign3A_237 = arith.cmpi sgt, %jit3A_227, %sign3A_236 : i32
        %sign3A_238 = arith.extui %sign3A_237 : i1 to i32
        %sign3A_239 = arith.constant 0 : i32
        %sign3A_240 = arith.cmpi slt, %jit3A_227, %sign3A_239 : i32
        %sign3A_241 = arith.extui %sign3A_240 : i1 to i32
        %sign3A_242 = arith.subi %sign3A_238, %sign3A_241 : i32
        %ne3A_243 = arith.cmpi ne, %sign3A_235, %sign3A_242 : i32
        %rem3A_244 = arith.remsi %add3A_127, %jit3A_227 : i32
        %ne3A_245 = arith.constant 0 : i32
        %ne3A_246 = arith.cmpi ne, %rem3A_244, %ne3A_245 : i32
        %and3A_247 = arith.andi %ne3A_243, %ne3A_246 : i1
        %sub3A_248 = arith.constant 1 : i32
        %sub3A_249 = arith.subi %div3A_228, %sub3A_248 : i32
        %select_n3A_250 = arith.select %and3A_247, %sub3A_249, %div3A_228 : i32
        %dma_start3A_251 = arith.constant 64 : i32
        %dma_start3A_252 = tpu.memref_slice %arg7[%select_n3A_250, %dma_start3A_251] : memref<80x128xi32, #tpu.memory_space<vmem>> -> memref<1x64xi32, #tpu.memory_space<vmem>>
        %dma_start3A_253 = tpu.memref_squeeze %dma_start3A_252 : memref<1x64xi32, #tpu.memory_space<vmem>> -> memref<64xi32, #tpu.memory_space<vmem>>
        %dma_start3A_254 = arith.constant 0 : i32
        %dma_start3A_255 = arith.constant 0 : i32
        %dma_start3A_256 = tpu.memref_slice %arg2[%dma_start3A_254, %dma_start3A_255] : memref<10240x128xf32, #tpu.memory_space<hbm>> -> memref<10240x128xf32, #tpu.memory_space<hbm>>
        tpu.enqueue_indirect_dma source(%dma_start3A_256 : memref<10240x128xf32, #tpu.memory_space<hbm>>) target(%arg10 : memref<64x128xf32, #tpu.memory_space<vmem>>) offsets(%dma_start3A_253 : memref<64xi32, #tpu.memory_space<vmem>>) semaphore(%arg15 : memref<!tpu.dma_semaphore, #tpu.memory_space<semaphore_mem>>)
      } else {
      }
      %mul3A_133 = arith.constant 4 : i32
      %mul3A_134 = arith.muli %scan3A_50, %mul3A_133 : i32
      %add3A_135 = arith.constant 40 : i32
      %add3A_136 = arith.addi %add3A_135, %mul3A_134 : i32
      %add3A_137 = arith.constant 2 : i32
      %add3A_138 = arith.addi %add3A_136, %add3A_137 : i32
      %mul3A_139 = arith.constant 4 : i32
      %mul3A_140 = arith.muli %scan3A_50, %mul3A_139 : i32
      %add3A_141 = arith.constant 2 : i32
      %add3A_142 = arith.addi %mul3A_140, %add3A_141 : i32
      %jit3A_143 = arith.constant 2 : i32
      %div3A_144 = arith.divsi %add3A_138, %jit3A_143 : i32
      %sign3A_145 = arith.constant 0 : i32
      %sign3A_146 = arith.cmpi sgt, %add3A_138, %sign3A_145 : i32
      %sign3A_147 = arith.extui %sign3A_146 : i1 to i32
      %sign3A_148 = arith.constant 0 : i32
      %sign3A_149 = arith.cmpi slt, %add3A_138, %sign3A_148 : i32
      %sign3A_150 = arith.extui %sign3A_149 : i1 to i32
      %sign3A_151 = arith.subi %sign3A_147, %sign3A_150 : i32
      %sign3A_152 = arith.constant 0 : i32
      %sign3A_153 = arith.cmpi sgt, %jit3A_143, %sign3A_152 : i32
      %sign3A_154 = arith.extui %sign3A_153 : i1 to i32
      %sign3A_155 = arith.constant 0 : i32
      %sign3A_156 = arith.cmpi slt, %jit3A_143, %sign3A_155 : i32
      %sign3A_157 = arith.extui %sign3A_156 : i1 to i32
      %sign3A_158 = arith.subi %sign3A_154, %sign3A_157 : i32
      %ne3A_159 = arith.cmpi ne, %sign3A_151, %sign3A_158 : i32
      %rem3A_160 = arith.remsi %add3A_138, %jit3A_143 : i32
      %ne3A_161 = arith.constant 0 : i32
      %ne3A_162 = arith.cmpi ne, %rem3A_160, %ne3A_161 : i32
      %and3A_163 = arith.andi %ne3A_159, %ne3A_162 : i1
      %sub3A_164 = arith.constant 1 : i32
      %sub3A_165 = arith.subi %div3A_144, %sub3A_164 : i32
      %select_n3A_166 = arith.select %and3A_163, %sub3A_165, %div3A_144 : i32
      %dma_wait3A_167 = arith.constant 0 : i32
      %dma_wait3A_168 = tpu.memref_slice %arg7[%select_n3A_166, %dma_wait3A_167] : memref<80x128xi32, #tpu.memory_space<vmem>> -> memref<1x64xi32, #tpu.memory_space<vmem>>
      %dma_wait3A_169 = tpu.memref_squeeze %dma_wait3A_168 : memref<1x64xi32, #tpu.memory_space<vmem>> -> memref<64xi32, #tpu.memory_space<vmem>>
      %dma_wait3A_170 = arith.constant 0 : i32
      %dma_wait3A_171 = arith.constant 0 : i32
      %dma_wait3A_172 = tpu.memref_slice %arg2[%dma_wait3A_170, %dma_wait3A_171] : memref<10240x128xf32, #tpu.memory_space<hbm>> -> memref<10240x128xf32, #tpu.memory_space<hbm>>
      tpu.wait_indirect_dma semaphore(%arg16 : memref<!tpu.dma_semaphore, #tpu.memory_space<semaphore_mem>>) src(%dma_wait3A_172 : memref<10240x128xf32, #tpu.memory_space<hbm>>) dst(%arg11 : memref<64x128xf32, #tpu.memory_space<vmem>>)
      "tpu.region"() ({
        %run_scoped3A = tpu.sem_alloc : memref<!tpu.dma_semaphore, #tpu.memory_space<semaphore_mem>>
        %dma_start3A_227 = arith.constant 0 : i32
        %dma_start3A_228 = tpu.memref_slice %arg8[%add3A_142, %dma_start3A_227] : memref<40x64xi32, #tpu.memory_space<vmem>> -> memref<1x64xi32, #tpu.memory_space<vmem>>
        %dma_start3A_229 = tpu.memref_squeeze %dma_start3A_228 : memref<1x64xi32, #tpu.memory_space<vmem>> -> memref<64xi32, #tpu.memory_space<vmem>>
        %dma_start3A_230 = arith.constant 0 : i32
        %dma_start3A_231 = arith.constant 0 : i32
        %dma_start3A_232 = tpu.memref_slice %arg13[%dma_start3A_230, %dma_start3A_231] : memref<10240x128xf32, #tpu.memory_space<vmem_shared>> -> memref<10240x128xf32, #tpu.memory_space<vmem_shared>>
        tpu.enqueue_indirect_dma source(%arg11 : memref<64x128xf32, #tpu.memory_space<vmem>>) target(%dma_start3A_232 : memref<10240x128xf32, #tpu.memory_space<vmem_shared>>) offsets(%dma_start3A_229 : memref<64xi32, #tpu.memory_space<vmem>>) semaphore(%run_scoped3A : memref<!tpu.dma_semaphore, #tpu.memory_space<semaphore_mem>>) {add = true}
        %dma_wait3A_233 = arith.constant 0 : i32
        %dma_wait3A_234 = tpu.memref_slice %arg8[%add3A_142, %dma_wait3A_233] : memref<40x64xi32, #tpu.memory_space<vmem>> -> memref<1x64xi32, #tpu.memory_space<vmem>>
        %dma_wait3A_235 = tpu.memref_squeeze %dma_wait3A_234 : memref<1x64xi32, #tpu.memory_space<vmem>> -> memref<64xi32, #tpu.memory_space<vmem>>
        %dma_wait3A_236 = arith.constant 0 : i32
        %dma_wait3A_237 = arith.constant 0 : i32
        %dma_wait3A_238 = tpu.memref_slice %arg13[%dma_wait3A_236, %dma_wait3A_237] : memref<10240x128xf32, #tpu.memory_space<vmem_shared>> -> memref<10240x128xf32, #tpu.memory_space<vmem_shared>>
        tpu.wait_indirect_dma semaphore(%run_scoped3A : memref<!tpu.dma_semaphore, #tpu.memory_space<semaphore_mem>>) src(%arg11 : memref<64x128xf32, #tpu.memory_space<vmem>>) dst(%dma_wait3A_238 : memref<10240x128xf32, #tpu.memory_space<vmem_shared>>)
        tpu.yield
      }) : () -> ()
      %add3A_173 = arith.constant 4 : i32
      %add3A_174 = arith.addi %add3A_138, %add3A_173 : i32
      %lt3A_175 = arith.constant 160 : i32
      %lt3A_176 = arith.cmpi slt, %add3A_174, %lt3A_175 : i32
      %convert_element_type3A_177 = arith.extui %lt3A_176 : i1 to i32
      %cond3A_178 = arith.constant 0 : i32
      %cond3A_179 = arith.cmpi ne, %convert_element_type3A_177, %cond3A_178 : i32
      scf.if %cond3A_179 {
        %jit3A_227 = arith.constant 2 : i32
        %div3A_228 = arith.divsi %add3A_174, %jit3A_227 : i32
        %sign3A_229 = arith.constant 0 : i32
        %sign3A_230 = arith.cmpi sgt, %add3A_174, %sign3A_229 : i32
        %sign3A_231 = arith.extui %sign3A_230 : i1 to i32
        %sign3A_232 = arith.constant 0 : i32
        %sign3A_233 = arith.cmpi slt, %add3A_174, %sign3A_232 : i32
        %sign3A_234 = arith.extui %sign3A_233 : i1 to i32
        %sign3A_235 = arith.subi %sign3A_231, %sign3A_234 : i32
        %sign3A_236 = arith.constant 0 : i32
        %sign3A_237 = arith.cmpi sgt, %jit3A_227, %sign3A_236 : i32
        %sign3A_238 = arith.extui %sign3A_237 : i1 to i32
        %sign3A_239 = arith.constant 0 : i32
        %sign3A_240 = arith.cmpi slt, %jit3A_227, %sign3A_239 : i32
        %sign3A_241 = arith.extui %sign3A_240 : i1 to i32
        %sign3A_242 = arith.subi %sign3A_238, %sign3A_241 : i32
        %ne3A_243 = arith.cmpi ne, %sign3A_235, %sign3A_242 : i32
        %rem3A_244 = arith.remsi %add3A_174, %jit3A_227 : i32
        %ne3A_245 = arith.constant 0 : i32
        %ne3A_246 = arith.cmpi ne, %rem3A_244, %ne3A_245 : i32
        %and3A_247 = arith.andi %ne3A_243, %ne3A_246 : i1
        %sub3A_248 = arith.constant 1 : i32
        %sub3A_249 = arith.subi %div3A_228, %sub3A_248 : i32
        %select_n3A_250 = arith.select %and3A_247, %sub3A_249, %div3A_228 : i32
        %dma_start3A_251 = arith.constant 0 : i32
        %dma_start3A_252 = tpu.memref_slice %arg7[%select_n3A_250, %dma_start3A_251] : memref<80x128xi32, #tpu.memory_space<vmem>> -> memref<1x64xi32, #tpu.memory_space<vmem>>
        %dma_start3A_253 = tpu.memref_squeeze %dma_start3A_252 : memref<1x64xi32, #tpu.memory_space<vmem>> -> memref<64xi32, #tpu.memory_space<vmem>>
        %dma_start3A_254 = arith.constant 0 : i32
        %dma_start3A_255 = arith.constant 0 : i32
        %dma_start3A_256 = tpu.memref_slice %arg2[%dma_start3A_254, %dma_start3A_255] : memref<10240x128xf32, #tpu.memory_space<hbm>> -> memref<10240x128xf32, #tpu.memory_space<hbm>>
        tpu.enqueue_indirect_dma source(%dma_start3A_256 : memref<10240x128xf32, #tpu.memory_space<hbm>>) target(%arg11 : memref<64x128xf32, #tpu.memory_space<vmem>>) offsets(%dma_start3A_253 : memref<64xi32, #tpu.memory_space<vmem>>) semaphore(%arg16 : memref<!tpu.dma_semaphore, #tpu.memory_space<semaphore_mem>>)
      } else {
      }
      %mul3A_180 = arith.constant 4 : i32
      %mul3A_181 = arith.muli %scan3A_50, %mul3A_180 : i32
      %add3A_182 = arith.constant 40 : i32
      %add3A_183 = arith.addi %add3A_182, %mul3A_181 : i32
      %add3A_184 = arith.constant 3 : i32
      %add3A_185 = arith.addi %add3A_183, %add3A_184 : i32
      %mul3A_186 = arith.constant 4 : i32
      %mul3A_187 = arith.muli %scan3A_50, %mul3A_186 : i32
      %add3A_188 = arith.constant 3 : i32
      %add3A_189 = arith.addi %mul3A_187, %add3A_188 : i32
      %jit3A_190 = arith.constant 2 : i32
      %div3A_191 = arith.divsi %add3A_185, %jit3A_190 : i32
      %sign3A_192 = arith.constant 0 : i32
      %sign3A_193 = arith.cmpi sgt, %add3A_185, %sign3A_192 : i32
      %sign3A_194 = arith.extui %sign3A_193 : i1 to i32
      %sign3A_195 = arith.constant 0 : i32
      %sign3A_196 = arith.cmpi slt, %add3A_185, %sign3A_195 : i32
      %sign3A_197 = arith.extui %sign3A_196 : i1 to i32
      %sign3A_198 = arith.subi %sign3A_194, %sign3A_197 : i32
      %sign3A_199 = arith.constant 0 : i32
      %sign3A_200 = arith.cmpi sgt, %jit3A_190, %sign3A_199 : i32
      %sign3A_201 = arith.extui %sign3A_200 : i1 to i32
      %sign3A_202 = arith.constant 0 : i32
      %sign3A_203 = arith.cmpi slt, %jit3A_190, %sign3A_202 : i32
      %sign3A_204 = arith.extui %sign3A_203 : i1 to i32
      %sign3A_205 = arith.subi %sign3A_201, %sign3A_204 : i32
      %ne3A_206 = arith.cmpi ne, %sign3A_198, %sign3A_205 : i32
      %rem3A_207 = arith.remsi %add3A_185, %jit3A_190 : i32
      %ne3A_208 = arith.constant 0 : i32
      %ne3A_209 = arith.cmpi ne, %rem3A_207, %ne3A_208 : i32
      %and3A_210 = arith.andi %ne3A_206, %ne3A_209 : i1
      %sub3A_211 = arith.constant 1 : i32
      %sub3A_212 = arith.subi %div3A_191, %sub3A_211 : i32
      %select_n3A_213 = arith.select %and3A_210, %sub3A_212, %div3A_191 : i32
      %dma_wait3A_214 = arith.constant 64 : i32
      %dma_wait3A_215 = tpu.memref_slice %arg7[%select_n3A_213, %dma_wait3A_214] : memref<80x128xi32, #tpu.memory_space<vmem>> -> memref<1x64xi32, #tpu.memory_space<vmem>>
      %dma_wait3A_216 = tpu.memref_squeeze %dma_wait3A_215 : memref<1x64xi32, #tpu.memory_space<vmem>> -> memref<64xi32, #tpu.memory_space<vmem>>
      %dma_wait3A_217 = arith.constant 0 : i32
      %dma_wait3A_218 = arith.constant 0 : i32
      %dma_wait3A_219 = tpu.memref_slice %arg2[%dma_wait3A_217, %dma_wait3A_218] : memref<10240x128xf32, #tpu.memory_space<hbm>> -> memref<10240x128xf32, #tpu.memory_space<hbm>>
      tpu.wait_indirect_dma semaphore(%arg17 : memref<!tpu.dma_semaphore, #tpu.memory_space<semaphore_mem>>) src(%dma_wait3A_219 : memref<10240x128xf32, #tpu.memory_space<hbm>>) dst(%arg12 : memref<64x128xf32, #tpu.memory_space<vmem>>)
      "tpu.region"() ({
        %run_scoped3A = tpu.sem_alloc : memref<!tpu.dma_semaphore, #tpu.memory_space<semaphore_mem>>
        %dma_start3A_227 = arith.constant 0 : i32
        %dma_start3A_228 = tpu.memref_slice %arg8[%add3A_189, %dma_start3A_227] : memref<40x64xi32, #tpu.memory_space<vmem>> -> memref<1x64xi32, #tpu.memory_space<vmem>>
        %dma_start3A_229 = tpu.memref_squeeze %dma_start3A_228 : memref<1x64xi32, #tpu.memory_space<vmem>> -> memref<64xi32, #tpu.memory_space<vmem>>
        %dma_start3A_230 = arith.constant 0 : i32
        %dma_start3A_231 = arith.constant 0 : i32
        %dma_start3A_232 = tpu.memref_slice %arg13[%dma_start3A_230, %dma_start3A_231] : memref<10240x128xf32, #tpu.memory_space<vmem_shared>> -> memref<10240x128xf32, #tpu.memory_space<vmem_shared>>
        tpu.enqueue_indirect_dma source(%arg12 : memref<64x128xf32, #tpu.memory_space<vmem>>) target(%dma_start3A_232 : memref<10240x128xf32, #tpu.memory_space<vmem_shared>>) offsets(%dma_start3A_229 : memref<64xi32, #tpu.memory_space<vmem>>) semaphore(%run_scoped3A : memref<!tpu.dma_semaphore, #tpu.memory_space<semaphore_mem>>) {add = true}
        %dma_wait3A_233 = arith.constant 0 : i32
        %dma_wait3A_234 = tpu.memref_slice %arg8[%add3A_189, %dma_wait3A_233] : memref<40x64xi32, #tpu.memory_space<vmem>> -> memref<1x64xi32, #tpu.memory_space<vmem>>
        %dma_wait3A_235 = tpu.memref_squeeze %dma_wait3A_234 : memref<1x64xi32, #tpu.memory_space<vmem>> -> memref<64xi32, #tpu.memory_space<vmem>>
        %dma_wait3A_236 = arith.constant 0 : i32
        %dma_wait3A_237 = arith.constant 0 : i32
        %dma_wait3A_238 = tpu.memref_slice %arg13[%dma_wait3A_236, %dma_wait3A_237] : memref<10240x128xf32, #tpu.memory_space<vmem_shared>> -> memref<10240x128xf32, #tpu.memory_space<vmem_shared>>
        tpu.wait_indirect_dma semaphore(%run_scoped3A : memref<!tpu.dma_semaphore, #tpu.memory_space<semaphore_mem>>) src(%arg12 : memref<64x128xf32, #tpu.memory_space<vmem>>) dst(%dma_wait3A_238 : memref<10240x128xf32, #tpu.memory_space<vmem_shared>>)
        tpu.yield
      }) : () -> ()
      %add3A_220 = arith.constant 4 : i32
      %add3A_221 = arith.addi %add3A_185, %add3A_220 : i32
      %lt3A_222 = arith.constant 160 : i32
      %lt3A_223 = arith.cmpi slt, %add3A_221, %lt3A_222 : i32
      %convert_element_type3A_224 = arith.extui %lt3A_223 : i1 to i32
      %cond3A_225 = arith.constant 0 : i32
      %cond3A_226 = arith.cmpi ne, %convert_element_type3A_224, %cond3A_225 : i32
      scf.if %cond3A_226 {
        %jit3A_227 = arith.constant 2 : i32
        %div3A_228 = arith.divsi %add3A_221, %jit3A_227 : i32
        %sign3A_229 = arith.constant 0 : i32
        %sign3A_230 = arith.cmpi sgt, %add3A_221, %sign3A_229 : i32
        %sign3A_231 = arith.extui %sign3A_230 : i1 to i32
        %sign3A_232 = arith.constant 0 : i32
        %sign3A_233 = arith.cmpi slt, %add3A_221, %sign3A_232 : i32
        %sign3A_234 = arith.extui %sign3A_233 : i1 to i32
        %sign3A_235 = arith.subi %sign3A_231, %sign3A_234 : i32
        %sign3A_236 = arith.constant 0 : i32
        %sign3A_237 = arith.cmpi sgt, %jit3A_227, %sign3A_236 : i32
        %sign3A_238 = arith.extui %sign3A_237 : i1 to i32
        %sign3A_239 = arith.constant 0 : i32
        %sign3A_240 = arith.cmpi slt, %jit3A_227, %sign3A_239 : i32
        %sign3A_241 = arith.extui %sign3A_240 : i1 to i32
        %sign3A_242 = arith.subi %sign3A_238, %sign3A_241 : i32
        %ne3A_243 = arith.cmpi ne, %sign3A_235, %sign3A_242 : i32
        %rem3A_244 = arith.remsi %add3A_221, %jit3A_227 : i32
        %ne3A_245 = arith.constant 0 : i32
        %ne3A_246 = arith.cmpi ne, %rem3A_244, %ne3A_245 : i32
        %and3A_247 = arith.andi %ne3A_243, %ne3A_246 : i1
        %sub3A_248 = arith.constant 1 : i32
        %sub3A_249 = arith.subi %div3A_228, %sub3A_248 : i32
        %select_n3A_250 = arith.select %and3A_247, %sub3A_249, %div3A_228 : i32
        %dma_start3A_251 = arith.constant 64 : i32
        %dma_start3A_252 = tpu.memref_slice %arg7[%select_n3A_250, %dma_start3A_251] : memref<80x128xi32, #tpu.memory_space<vmem>> -> memref<1x64xi32, #tpu.memory_space<vmem>>
        %dma_start3A_253 = tpu.memref_squeeze %dma_start3A_252 : memref<1x64xi32, #tpu.memory_space<vmem>> -> memref<64xi32, #tpu.memory_space<vmem>>
        %dma_start3A_254 = arith.constant 0 : i32
        %dma_start3A_255 = arith.constant 0 : i32
        %dma_start3A_256 = tpu.memref_slice %arg2[%dma_start3A_254, %dma_start3A_255] : memref<10240x128xf32, #tpu.memory_space<hbm>> -> memref<10240x128xf32, #tpu.memory_space<hbm>>
        tpu.enqueue_indirect_dma source(%dma_start3A_256 : memref<10240x128xf32, #tpu.memory_space<hbm>>) target(%arg12 : memref<64x128xf32, #tpu.memory_space<vmem>>) offsets(%dma_start3A_253 : memref<64xi32, #tpu.memory_space<vmem>>) semaphore(%arg17 : memref<!tpu.dma_semaphore, #tpu.memory_space<semaphore_mem>>)
      } else {
      }
    }
    %scan3A_38 = arith.constant 10 : i32
    "tpu.region"() ({
      %run_scoped3A = tpu.sem_alloc : memref<!tpu.dma_semaphore, #tpu.memory_space<semaphore_mem>>
      %dma_start3A_50 = arith.constant 80 : i32
      %dma_start3A_51 = arith.constant 0 : i32
      %dma_start3A_52 = tpu.memref_slice %arg4[%add3A, %dma_start3A_50, %dma_start3A_51] : memref<32x160x64xi32, #tpu.memory_space<hbm>> -> memref<1x40x64xi32, #tpu.memory_space<hbm>>
      %dma_start3A_53 = tpu.memref_squeeze %dma_start3A_52 : memref<1x40x64xi32, #tpu.memory_space<hbm>> -> memref<40x64xi32, #tpu.memory_space<hbm>>
      %dma_start3A_54 = arith.constant 80 : i32
      %dma_start3A_55 = arith.constant 0 : i32
      %dma_start3A_56 = tpu.memref_slice %arg4[%add3A, %dma_start3A_54, %dma_start3A_55] : memref<32x160x64xi32, #tpu.memory_space<hbm>> -> memref<1x40x64xi32, #tpu.memory_space<hbm>>
      %dma_start3A_57 = tpu.memref_squeeze %dma_start3A_56 : memref<1x40x64xi32, #tpu.memory_space<hbm>> -> memref<40x64xi32, #tpu.memory_space<hbm>>
      tpu.enqueue_dma source(%dma_start3A_57 : memref<40x64xi32, #tpu.memory_space<hbm>>) target(%arg8 : memref<40x64xi32, #tpu.memory_space<vmem>>) target_semaphore(%run_scoped3A : memref<!tpu.dma_semaphore, #tpu.memory_space<semaphore_mem>>)
      %dma_wait3A = arith.constant 80 : i32
      %dma_wait3A_58 = arith.constant 0 : i32
      %dma_wait3A_59 = tpu.memref_slice %arg4[%add3A, %dma_wait3A, %dma_wait3A_58] : memref<32x160x64xi32, #tpu.memory_space<hbm>> -> memref<1x40x64xi32, #tpu.memory_space<hbm>>
      %dma_wait3A_60 = tpu.memref_squeeze %dma_wait3A_59 : memref<1x40x64xi32, #tpu.memory_space<hbm>> -> memref<40x64xi32, #tpu.memory_space<hbm>>
      %dma_wait3A_61 = arith.constant 80 : i32
      %dma_wait3A_62 = arith.constant 0 : i32
      %dma_wait3A_63 = tpu.memref_slice %arg4[%add3A, %dma_wait3A_61, %dma_wait3A_62] : memref<32x160x64xi32, #tpu.memory_space<hbm>> -> memref<1x40x64xi32, #tpu.memory_space<hbm>>
      %dma_wait3A_64 = tpu.memref_squeeze %dma_wait3A_63 : memref<1x40x64xi32, #tpu.memory_space<hbm>> -> memref<40x64xi32, #tpu.memory_space<hbm>>
      tpu.wait_dma2 semaphore(%run_scoped3A : memref<!tpu.dma_semaphore, #tpu.memory_space<semaphore_mem>>) src(%dma_wait3A_64 : memref<40x64xi32, #tpu.memory_space<hbm>>) dst(%arg8 : memref<40x64xi32, #tpu.memory_space<vmem>>)
      tpu.yield
    }) : () -> ()
    %scan3A_39 = arith.constant 0 : i32
    %scan3A_40 = arith.constant 10 : i32
    %scan3A_41 = arith.addi %scan3A_39, %scan3A_40 : i32
    %scan3A_42 = arith.constant 1 : i32
    scf.for %scan3A_50 = %scan3A_39 to %scan3A_41 step %scan3A_42  : i32 {
      %mul3A_51 = arith.constant 4 : i32
      %mul3A_52 = arith.muli %scan3A_50, %mul3A_51 : i32
      %add3A_53 = arith.constant 80 : i32
      %add3A_54 = arith.addi %add3A_53, %mul3A_52 : i32
      %add3A_55 = arith.constant 0 : i32
      %add3A_56 = arith.addi %add3A_54, %add3A_55 : i32
      %mul3A_57 = arith.constant 4 : i32
      %mul3A_58 = arith.muli %scan3A_50, %mul3A_57 : i32
      %add3A_59 = arith.constant 0 : i32
      %add3A_60 = arith.addi %mul3A_58, %add3A_59 : i32
      %jit3A = arith.constant 2 : i32
      %div3A = arith.divsi %add3A_56, %jit3A : i32
      %sign3A = arith.constant 0 : i32
      %sign3A_61 = arith.cmpi sgt, %add3A_56, %sign3A : i32
      %sign3A_62 = arith.extui %sign3A_61 : i1 to i32
      %sign3A_63 = arith.constant 0 : i32
      %sign3A_64 = arith.cmpi slt, %add3A_56, %sign3A_63 : i32
      %sign3A_65 = arith.extui %sign3A_64 : i1 to i32
      %sign3A_66 = arith.subi %sign3A_62, %sign3A_65 : i32
      %sign3A_67 = arith.constant 0 : i32
      %sign3A_68 = arith.cmpi sgt, %jit3A, %sign3A_67 : i32
      %sign3A_69 = arith.extui %sign3A_68 : i1 to i32
      %sign3A_70 = arith.constant 0 : i32
      %sign3A_71 = arith.cmpi slt, %jit3A, %sign3A_70 : i32
      %sign3A_72 = arith.extui %sign3A_71 : i1 to i32
      %sign3A_73 = arith.subi %sign3A_69, %sign3A_72 : i32
      %ne3A = arith.cmpi ne, %sign3A_66, %sign3A_73 : i32
      %rem3A = arith.remsi %add3A_56, %jit3A : i32
      %ne3A_74 = arith.constant 0 : i32
      %ne3A_75 = arith.cmpi ne, %rem3A, %ne3A_74 : i32
      %and3A = arith.andi %ne3A, %ne3A_75 : i1
      %sub3A = arith.constant 1 : i32
      %sub3A_76 = arith.subi %div3A, %sub3A : i32
      %select_n3A = arith.select %and3A, %sub3A_76, %div3A : i32
      %dma_wait3A = arith.constant 0 : i32
      %dma_wait3A_77 = tpu.memref_slice %arg7[%select_n3A, %dma_wait3A] : memref<80x128xi32, #tpu.memory_space<vmem>> -> memref<1x64xi32, #tpu.memory_space<vmem>>
      %dma_wait3A_78 = tpu.memref_squeeze %dma_wait3A_77 : memref<1x64xi32, #tpu.memory_space<vmem>> -> memref<64xi32, #tpu.memory_space<vmem>>
      %dma_wait3A_79 = arith.constant 0 : i32
      %dma_wait3A_80 = arith.constant 0 : i32
      %dma_wait3A_81 = tpu.memref_slice %arg2[%dma_wait3A_79, %dma_wait3A_80] : memref<10240x128xf32, #tpu.memory_space<hbm>> -> memref<10240x128xf32, #tpu.memory_space<hbm>>
      tpu.wait_indirect_dma semaphore(%arg14 : memref<!tpu.dma_semaphore, #tpu.memory_space<semaphore_mem>>) src(%dma_wait3A_81 : memref<10240x128xf32, #tpu.memory_space<hbm>>) dst(%arg9 : memref<64x128xf32, #tpu.memory_space<vmem>>)
      "tpu.region"() ({
        %run_scoped3A = tpu.sem_alloc : memref<!tpu.dma_semaphore, #tpu.memory_space<semaphore_mem>>
        %dma_start3A_227 = arith.constant 0 : i32
        %dma_start3A_228 = tpu.memref_slice %arg8[%add3A_60, %dma_start3A_227] : memref<40x64xi32, #tpu.memory_space<vmem>> -> memref<1x64xi32, #tpu.memory_space<vmem>>
        %dma_start3A_229 = tpu.memref_squeeze %dma_start3A_228 : memref<1x64xi32, #tpu.memory_space<vmem>> -> memref<64xi32, #tpu.memory_space<vmem>>
        %dma_start3A_230 = arith.constant 0 : i32
        %dma_start3A_231 = arith.constant 0 : i32
        %dma_start3A_232 = tpu.memref_slice %arg13[%dma_start3A_230, %dma_start3A_231] : memref<10240x128xf32, #tpu.memory_space<vmem_shared>> -> memref<10240x128xf32, #tpu.memory_space<vmem_shared>>
        tpu.enqueue_indirect_dma source(%arg9 : memref<64x128xf32, #tpu.memory_space<vmem>>) target(%dma_start3A_232 : memref<10240x128xf32, #tpu.memory_space<vmem_shared>>) offsets(%dma_start3A_229 : memref<64xi32, #tpu.memory_space<vmem>>) semaphore(%run_scoped3A : memref<!tpu.dma_semaphore, #tpu.memory_space<semaphore_mem>>) {add = true}
        %dma_wait3A_233 = arith.constant 0 : i32
        %dma_wait3A_234 = tpu.memref_slice %arg8[%add3A_60, %dma_wait3A_233] : memref<40x64xi32, #tpu.memory_space<vmem>> -> memref<1x64xi32, #tpu.memory_space<vmem>>
        %dma_wait3A_235 = tpu.memref_squeeze %dma_wait3A_234 : memref<1x64xi32, #tpu.memory_space<vmem>> -> memref<64xi32, #tpu.memory_space<vmem>>
        %dma_wait3A_236 = arith.constant 0 : i32
        %dma_wait3A_237 = arith.constant 0 : i32
        %dma_wait3A_238 = tpu.memref_slice %arg13[%dma_wait3A_236, %dma_wait3A_237] : memref<10240x128xf32, #tpu.memory_space<vmem_shared>> -> memref<10240x128xf32, #tpu.memory_space<vmem_shared>>
        tpu.wait_indirect_dma semaphore(%run_scoped3A : memref<!tpu.dma_semaphore, #tpu.memory_space<semaphore_mem>>) src(%arg9 : memref<64x128xf32, #tpu.memory_space<vmem>>) dst(%dma_wait3A_238 : memref<10240x128xf32, #tpu.memory_space<vmem_shared>>)
        tpu.yield
      }) : () -> ()
      %add3A_82 = arith.constant 4 : i32
      %add3A_83 = arith.addi %add3A_56, %add3A_82 : i32
      %lt3A = arith.constant 160 : i32
      %lt3A_84 = arith.cmpi slt, %add3A_83, %lt3A : i32
      %convert_element_type3A = arith.extui %lt3A_84 : i1 to i32
      %cond3A = arith.constant 0 : i32
      %cond3A_85 = arith.cmpi ne, %convert_element_type3A, %cond3A : i32
      scf.if %cond3A_85 {
        %jit3A_227 = arith.constant 2 : i32
        %div3A_228 = arith.divsi %add3A_83, %jit3A_227 : i32
        %sign3A_229 = arith.constant 0 : i32
        %sign3A_230 = arith.cmpi sgt, %add3A_83, %sign3A_229 : i32
        %sign3A_231 = arith.extui %sign3A_230 : i1 to i32
        %sign3A_232 = arith.constant 0 : i32
        %sign3A_233 = arith.cmpi slt, %add3A_83, %sign3A_232 : i32
        %sign3A_234 = arith.extui %sign3A_233 : i1 to i32
        %sign3A_235 = arith.subi %sign3A_231, %sign3A_234 : i32
        %sign3A_236 = arith.constant 0 : i32
        %sign3A_237 = arith.cmpi sgt, %jit3A_227, %sign3A_236 : i32
        %sign3A_238 = arith.extui %sign3A_237 : i1 to i32
        %sign3A_239 = arith.constant 0 : i32
        %sign3A_240 = arith.cmpi slt, %jit3A_227, %sign3A_239 : i32
        %sign3A_241 = arith.extui %sign3A_240 : i1 to i32
        %sign3A_242 = arith.subi %sign3A_238, %sign3A_241 : i32
        %ne3A_243 = arith.cmpi ne, %sign3A_235, %sign3A_242 : i32
        %rem3A_244 = arith.remsi %add3A_83, %jit3A_227 : i32
        %ne3A_245 = arith.constant 0 : i32
        %ne3A_246 = arith.cmpi ne, %rem3A_244, %ne3A_245 : i32
        %and3A_247 = arith.andi %ne3A_243, %ne3A_246 : i1
        %sub3A_248 = arith.constant 1 : i32
        %sub3A_249 = arith.subi %div3A_228, %sub3A_248 : i32
        %select_n3A_250 = arith.select %and3A_247, %sub3A_249, %div3A_228 : i32
        %dma_start3A_251 = arith.constant 0 : i32
        %dma_start3A_252 = tpu.memref_slice %arg7[%select_n3A_250, %dma_start3A_251] : memref<80x128xi32, #tpu.memory_space<vmem>> -> memref<1x64xi32, #tpu.memory_space<vmem>>
        %dma_start3A_253 = tpu.memref_squeeze %dma_start3A_252 : memref<1x64xi32, #tpu.memory_space<vmem>> -> memref<64xi32, #tpu.memory_space<vmem>>
        %dma_start3A_254 = arith.constant 0 : i32
        %dma_start3A_255 = arith.constant 0 : i32
        %dma_start3A_256 = tpu.memref_slice %arg2[%dma_start3A_254, %dma_start3A_255] : memref<10240x128xf32, #tpu.memory_space<hbm>> -> memref<10240x128xf32, #tpu.memory_space<hbm>>
        tpu.enqueue_indirect_dma source(%dma_start3A_256 : memref<10240x128xf32, #tpu.memory_space<hbm>>) target(%arg9 : memref<64x128xf32, #tpu.memory_space<vmem>>) offsets(%dma_start3A_253 : memref<64xi32, #tpu.memory_space<vmem>>) semaphore(%arg14 : memref<!tpu.dma_semaphore, #tpu.memory_space<semaphore_mem>>)
      } else {
      }
      %mul3A_86 = arith.constant 4 : i32
      %mul3A_87 = arith.muli %scan3A_50, %mul3A_86 : i32
      %add3A_88 = arith.constant 80 : i32
      %add3A_89 = arith.addi %add3A_88, %mul3A_87 : i32
      %add3A_90 = arith.constant 1 : i32
      %add3A_91 = arith.addi %add3A_89, %add3A_90 : i32
      %mul3A_92 = arith.constant 4 : i32
      %mul3A_93 = arith.muli %scan3A_50, %mul3A_92 : i32
      %add3A_94 = arith.constant 1 : i32
      %add3A_95 = arith.addi %mul3A_93, %add3A_94 : i32
      %jit3A_96 = arith.constant 2 : i32
      %div3A_97 = arith.divsi %add3A_91, %jit3A_96 : i32
      %sign3A_98 = arith.constant 0 : i32
      %sign3A_99 = arith.cmpi sgt, %add3A_91, %sign3A_98 : i32
      %sign3A_100 = arith.extui %sign3A_99 : i1 to i32
      %sign3A_101 = arith.constant 0 : i32
      %sign3A_102 = arith.cmpi slt, %add3A_91, %sign3A_101 : i32
      %sign3A_103 = arith.extui %sign3A_102 : i1 to i32
      %sign3A_104 = arith.subi %sign3A_100, %sign3A_103 : i32
      %sign3A_105 = arith.constant 0 : i32
      %sign3A_106 = arith.cmpi sgt, %jit3A_96, %sign3A_105 : i32
      %sign3A_107 = arith.extui %sign3A_106 : i1 to i32
      %sign3A_108 = arith.constant 0 : i32
      %sign3A_109 = arith.cmpi slt, %jit3A_96, %sign3A_108 : i32
      %sign3A_110 = arith.extui %sign3A_109 : i1 to i32
      %sign3A_111 = arith.subi %sign3A_107, %sign3A_110 : i32
      %ne3A_112 = arith.cmpi ne, %sign3A_104, %sign3A_111 : i32
      %rem3A_113 = arith.remsi %add3A_91, %jit3A_96 : i32
      %ne3A_114 = arith.constant 0 : i32
      %ne3A_115 = arith.cmpi ne, %rem3A_113, %ne3A_114 : i32
      %and3A_116 = arith.andi %ne3A_112, %ne3A_115 : i1
      %sub3A_117 = arith.constant 1 : i32
      %sub3A_118 = arith.subi %div3A_97, %sub3A_117 : i32
      %select_n3A_119 = arith.select %and3A_116, %sub3A_118, %div3A_97 : i32
      %dma_wait3A_120 = arith.constant 64 : i32
      %dma_wait3A_121 = tpu.memref_slice %arg7[%select_n3A_119, %dma_wait3A_120] : memref<80x128xi32, #tpu.memory_space<vmem>> -> memref<1x64xi32, #tpu.memory_space<vmem>>
      %dma_wait3A_122 = tpu.memref_squeeze %dma_wait3A_121 : memref<1x64xi32, #tpu.memory_space<vmem>> -> memref<64xi32, #tpu.memory_space<vmem>>
      %dma_wait3A_123 = arith.constant 0 : i32
      %dma_wait3A_124 = arith.constant 0 : i32
      %dma_wait3A_125 = tpu.memref_slice %arg2[%dma_wait3A_123, %dma_wait3A_124] : memref<10240x128xf32, #tpu.memory_space<hbm>> -> memref<10240x128xf32, #tpu.memory_space<hbm>>
      tpu.wait_indirect_dma semaphore(%arg15 : memref<!tpu.dma_semaphore, #tpu.memory_space<semaphore_mem>>) src(%dma_wait3A_125 : memref<10240x128xf32, #tpu.memory_space<hbm>>) dst(%arg10 : memref<64x128xf32, #tpu.memory_space<vmem>>)
      "tpu.region"() ({
        %run_scoped3A = tpu.sem_alloc : memref<!tpu.dma_semaphore, #tpu.memory_space<semaphore_mem>>
        %dma_start3A_227 = arith.constant 0 : i32
        %dma_start3A_228 = tpu.memref_slice %arg8[%add3A_95, %dma_start3A_227] : memref<40x64xi32, #tpu.memory_space<vmem>> -> memref<1x64xi32, #tpu.memory_space<vmem>>
        %dma_start3A_229 = tpu.memref_squeeze %dma_start3A_228 : memref<1x64xi32, #tpu.memory_space<vmem>> -> memref<64xi32, #tpu.memory_space<vmem>>
        %dma_start3A_230 = arith.constant 0 : i32
        %dma_start3A_231 = arith.constant 0 : i32
        %dma_start3A_232 = tpu.memref_slice %arg13[%dma_start3A_230, %dma_start3A_231] : memref<10240x128xf32, #tpu.memory_space<vmem_shared>> -> memref<10240x128xf32, #tpu.memory_space<vmem_shared>>
        tpu.enqueue_indirect_dma source(%arg10 : memref<64x128xf32, #tpu.memory_space<vmem>>) target(%dma_start3A_232 : memref<10240x128xf32, #tpu.memory_space<vmem_shared>>) offsets(%dma_start3A_229 : memref<64xi32, #tpu.memory_space<vmem>>) semaphore(%run_scoped3A : memref<!tpu.dma_semaphore, #tpu.memory_space<semaphore_mem>>) {add = true}
        %dma_wait3A_233 = arith.constant 0 : i32
        %dma_wait3A_234 = tpu.memref_slice %arg8[%add3A_95, %dma_wait3A_233] : memref<40x64xi32, #tpu.memory_space<vmem>> -> memref<1x64xi32, #tpu.memory_space<vmem>>
        %dma_wait3A_235 = tpu.memref_squeeze %dma_wait3A_234 : memref<1x64xi32, #tpu.memory_space<vmem>> -> memref<64xi32, #tpu.memory_space<vmem>>
        %dma_wait3A_236 = arith.constant 0 : i32
        %dma_wait3A_237 = arith.constant 0 : i32
        %dma_wait3A_238 = tpu.memref_slice %arg13[%dma_wait3A_236, %dma_wait3A_237] : memref<10240x128xf32, #tpu.memory_space<vmem_shared>> -> memref<10240x128xf32, #tpu.memory_space<vmem_shared>>
        tpu.wait_indirect_dma semaphore(%run_scoped3A : memref<!tpu.dma_semaphore, #tpu.memory_space<semaphore_mem>>) src(%arg10 : memref<64x128xf32, #tpu.memory_space<vmem>>) dst(%dma_wait3A_238 : memref<10240x128xf32, #tpu.memory_space<vmem_shared>>)
        tpu.yield
      }) : () -> ()
      %add3A_126 = arith.constant 4 : i32
      %add3A_127 = arith.addi %add3A_91, %add3A_126 : i32
      %lt3A_128 = arith.constant 160 : i32
      %lt3A_129 = arith.cmpi slt, %add3A_127, %lt3A_128 : i32
      %convert_element_type3A_130 = arith.extui %lt3A_129 : i1 to i32
      %cond3A_131 = arith.constant 0 : i32
      %cond3A_132 = arith.cmpi ne, %convert_element_type3A_130, %cond3A_131 : i32
      scf.if %cond3A_132 {
        %jit3A_227 = arith.constant 2 : i32
        %div3A_228 = arith.divsi %add3A_127, %jit3A_227 : i32
        %sign3A_229 = arith.constant 0 : i32
        %sign3A_230 = arith.cmpi sgt, %add3A_127, %sign3A_229 : i32
        %sign3A_231 = arith.extui %sign3A_230 : i1 to i32
        %sign3A_232 = arith.constant 0 : i32
        %sign3A_233 = arith.cmpi slt, %add3A_127, %sign3A_232 : i32
        %sign3A_234 = arith.extui %sign3A_233 : i1 to i32
        %sign3A_235 = arith.subi %sign3A_231, %sign3A_234 : i32
        %sign3A_236 = arith.constant 0 : i32
        %sign3A_237 = arith.cmpi sgt, %jit3A_227, %sign3A_236 : i32
        %sign3A_238 = arith.extui %sign3A_237 : i1 to i32
        %sign3A_239 = arith.constant 0 : i32
        %sign3A_240 = arith.cmpi slt, %jit3A_227, %sign3A_239 : i32
        %sign3A_241 = arith.extui %sign3A_240 : i1 to i32
        %sign3A_242 = arith.subi %sign3A_238, %sign3A_241 : i32
        %ne3A_243 = arith.cmpi ne, %sign3A_235, %sign3A_242 : i32
        %rem3A_244 = arith.remsi %add3A_127, %jit3A_227 : i32
        %ne3A_245 = arith.constant 0 : i32
        %ne3A_246 = arith.cmpi ne, %rem3A_244, %ne3A_245 : i32
        %and3A_247 = arith.andi %ne3A_243, %ne3A_246 : i1
        %sub3A_248 = arith.constant 1 : i32
        %sub3A_249 = arith.subi %div3A_228, %sub3A_248 : i32
        %select_n3A_250 = arith.select %and3A_247, %sub3A_249, %div3A_228 : i32
        %dma_start3A_251 = arith.constant 64 : i32
        %dma_start3A_252 = tpu.memref_slice %arg7[%select_n3A_250, %dma_start3A_251] : memref<80x128xi32, #tpu.memory_space<vmem>> -> memref<1x64xi32, #tpu.memory_space<vmem>>
        %dma_start3A_253 = tpu.memref_squeeze %dma_start3A_252 : memref<1x64xi32, #tpu.memory_space<vmem>> -> memref<64xi32, #tpu.memory_space<vmem>>
        %dma_start3A_254 = arith.constant 0 : i32
        %dma_start3A_255 = arith.constant 0 : i32
        %dma_start3A_256 = tpu.memref_slice %arg2[%dma_start3A_254, %dma_start3A_255] : memref<10240x128xf32, #tpu.memory_space<hbm>> -> memref<10240x128xf32, #tpu.memory_space<hbm>>
        tpu.enqueue_indirect_dma source(%dma_start3A_256 : memref<10240x128xf32, #tpu.memory_space<hbm>>) target(%arg10 : memref<64x128xf32, #tpu.memory_space<vmem>>) offsets(%dma_start3A_253 : memref<64xi32, #tpu.memory_space<vmem>>) semaphore(%arg15 : memref<!tpu.dma_semaphore, #tpu.memory_space<semaphore_mem>>)
      } else {
      }
      %mul3A_133 = arith.constant 4 : i32
      %mul3A_134 = arith.muli %scan3A_50, %mul3A_133 : i32
      %add3A_135 = arith.constant 80 : i32
      %add3A_136 = arith.addi %add3A_135, %mul3A_134 : i32
      %add3A_137 = arith.constant 2 : i32
      %add3A_138 = arith.addi %add3A_136, %add3A_137 : i32
      %mul3A_139 = arith.constant 4 : i32
      %mul3A_140 = arith.muli %scan3A_50, %mul3A_139 : i32
      %add3A_141 = arith.constant 2 : i32
      %add3A_142 = arith.addi %mul3A_140, %add3A_141 : i32
      %jit3A_143 = arith.constant 2 : i32
      %div3A_144 = arith.divsi %add3A_138, %jit3A_143 : i32
      %sign3A_145 = arith.constant 0 : i32
      %sign3A_146 = arith.cmpi sgt, %add3A_138, %sign3A_145 : i32
      %sign3A_147 = arith.extui %sign3A_146 : i1 to i32
      %sign3A_148 = arith.constant 0 : i32
      %sign3A_149 = arith.cmpi slt, %add3A_138, %sign3A_148 : i32
      %sign3A_150 = arith.extui %sign3A_149 : i1 to i32
      %sign3A_151 = arith.subi %sign3A_147, %sign3A_150 : i32
      %sign3A_152 = arith.constant 0 : i32
      %sign3A_153 = arith.cmpi sgt, %jit3A_143, %sign3A_152 : i32
      %sign3A_154 = arith.extui %sign3A_153 : i1 to i32
      %sign3A_155 = arith.constant 0 : i32
      %sign3A_156 = arith.cmpi slt, %jit3A_143, %sign3A_155 : i32
      %sign3A_157 = arith.extui %sign3A_156 : i1 to i32
      %sign3A_158 = arith.subi %sign3A_154, %sign3A_157 : i32
      %ne3A_159 = arith.cmpi ne, %sign3A_151, %sign3A_158 : i32
      %rem3A_160 = arith.remsi %add3A_138, %jit3A_143 : i32
      %ne3A_161 = arith.constant 0 : i32
      %ne3A_162 = arith.cmpi ne, %rem3A_160, %ne3A_161 : i32
      %and3A_163 = arith.andi %ne3A_159, %ne3A_162 : i1
      %sub3A_164 = arith.constant 1 : i32
      %sub3A_165 = arith.subi %div3A_144, %sub3A_164 : i32
      %select_n3A_166 = arith.select %and3A_163, %sub3A_165, %div3A_144 : i32
      %dma_wait3A_167 = arith.constant 0 : i32
      %dma_wait3A_168 = tpu.memref_slice %arg7[%select_n3A_166, %dma_wait3A_167] : memref<80x128xi32, #tpu.memory_space<vmem>> -> memref<1x64xi32, #tpu.memory_space<vmem>>
      %dma_wait3A_169 = tpu.memref_squeeze %dma_wait3A_168 : memref<1x64xi32, #tpu.memory_space<vmem>> -> memref<64xi32, #tpu.memory_space<vmem>>
      %dma_wait3A_170 = arith.constant 0 : i32
      %dma_wait3A_171 = arith.constant 0 : i32
      %dma_wait3A_172 = tpu.memref_slice %arg2[%dma_wait3A_170, %dma_wait3A_171] : memref<10240x128xf32, #tpu.memory_space<hbm>> -> memref<10240x128xf32, #tpu.memory_space<hbm>>
      tpu.wait_indirect_dma semaphore(%arg16 : memref<!tpu.dma_semaphore, #tpu.memory_space<semaphore_mem>>) src(%dma_wait3A_172 : memref<10240x128xf32, #tpu.memory_space<hbm>>) dst(%arg11 : memref<64x128xf32, #tpu.memory_space<vmem>>)
      "tpu.region"() ({
        %run_scoped3A = tpu.sem_alloc : memref<!tpu.dma_semaphore, #tpu.memory_space<semaphore_mem>>
        %dma_start3A_227 = arith.constant 0 : i32
        %dma_start3A_228 = tpu.memref_slice %arg8[%add3A_142, %dma_start3A_227] : memref<40x64xi32, #tpu.memory_space<vmem>> -> memref<1x64xi32, #tpu.memory_space<vmem>>
        %dma_start3A_229 = tpu.memref_squeeze %dma_start3A_228 : memref<1x64xi32, #tpu.memory_space<vmem>> -> memref<64xi32, #tpu.memory_space<vmem>>
        %dma_start3A_230 = arith.constant 0 : i32
        %dma_start3A_231 = arith.constant 0 : i32
        %dma_start3A_232 = tpu.memref_slice %arg13[%dma_start3A_230, %dma_start3A_231] : memref<10240x128xf32, #tpu.memory_space<vmem_shared>> -> memref<10240x128xf32, #tpu.memory_space<vmem_shared>>
        tpu.enqueue_indirect_dma source(%arg11 : memref<64x128xf32, #tpu.memory_space<vmem>>) target(%dma_start3A_232 : memref<10240x128xf32, #tpu.memory_space<vmem_shared>>) offsets(%dma_start3A_229 : memref<64xi32, #tpu.memory_space<vmem>>) semaphore(%run_scoped3A : memref<!tpu.dma_semaphore, #tpu.memory_space<semaphore_mem>>) {add = true}
        %dma_wait3A_233 = arith.constant 0 : i32
        %dma_wait3A_234 = tpu.memref_slice %arg8[%add3A_142, %dma_wait3A_233] : memref<40x64xi32, #tpu.memory_space<vmem>> -> memref<1x64xi32, #tpu.memory_space<vmem>>
        %dma_wait3A_235 = tpu.memref_squeeze %dma_wait3A_234 : memref<1x64xi32, #tpu.memory_space<vmem>> -> memref<64xi32, #tpu.memory_space<vmem>>
        %dma_wait3A_236 = arith.constant 0 : i32
        %dma_wait3A_237 = arith.constant 0 : i32
        %dma_wait3A_238 = tpu.memref_slice %arg13[%dma_wait3A_236, %dma_wait3A_237] : memref<10240x128xf32, #tpu.memory_space<vmem_shared>> -> memref<10240x128xf32, #tpu.memory_space<vmem_shared>>
        tpu.wait_indirect_dma semaphore(%run_scoped3A : memref<!tpu.dma_semaphore, #tpu.memory_space<semaphore_mem>>) src(%arg11 : memref<64x128xf32, #tpu.memory_space<vmem>>) dst(%dma_wait3A_238 : memref<10240x128xf32, #tpu.memory_space<vmem_shared>>)
        tpu.yield
      }) : () -> ()
      %add3A_173 = arith.constant 4 : i32
      %add3A_174 = arith.addi %add3A_138, %add3A_173 : i32
      %lt3A_175 = arith.constant 160 : i32
      %lt3A_176 = arith.cmpi slt, %add3A_174, %lt3A_175 : i32
      %convert_element_type3A_177 = arith.extui %lt3A_176 : i1 to i32
      %cond3A_178 = arith.constant 0 : i32
      %cond3A_179 = arith.cmpi ne, %convert_element_type3A_177, %cond3A_178 : i32
      scf.if %cond3A_179 {
        %jit3A_227 = arith.constant 2 : i32
        %div3A_228 = arith.divsi %add3A_174, %jit3A_227 : i32
        %sign3A_229 = arith.constant 0 : i32
        %sign3A_230 = arith.cmpi sgt, %add3A_174, %sign3A_229 : i32
        %sign3A_231 = arith.extui %sign3A_230 : i1 to i32
        %sign3A_232 = arith.constant 0 : i32
        %sign3A_233 = arith.cmpi slt, %add3A_174, %sign3A_232 : i32
        %sign3A_234 = arith.extui %sign3A_233 : i1 to i32
        %sign3A_235 = arith.subi %sign3A_231, %sign3A_234 : i32
        %sign3A_236 = arith.constant 0 : i32
        %sign3A_237 = arith.cmpi sgt, %jit3A_227, %sign3A_236 : i32
        %sign3A_238 = arith.extui %sign3A_237 : i1 to i32
        %sign3A_239 = arith.constant 0 : i32
        %sign3A_240 = arith.cmpi slt, %jit3A_227, %sign3A_239 : i32
        %sign3A_241 = arith.extui %sign3A_240 : i1 to i32
        %sign3A_242 = arith.subi %sign3A_238, %sign3A_241 : i32
        %ne3A_243 = arith.cmpi ne, %sign3A_235, %sign3A_242 : i32
        %rem3A_244 = arith.remsi %add3A_174, %jit3A_227 : i32
        %ne3A_245 = arith.constant 0 : i32
        %ne3A_246 = arith.cmpi ne, %rem3A_244, %ne3A_245 : i32
        %and3A_247 = arith.andi %ne3A_243, %ne3A_246 : i1
        %sub3A_248 = arith.constant 1 : i32
        %sub3A_249 = arith.subi %div3A_228, %sub3A_248 : i32
        %select_n3A_250 = arith.select %and3A_247, %sub3A_249, %div3A_228 : i32
        %dma_start3A_251 = arith.constant 0 : i32
        %dma_start3A_252 = tpu.memref_slice %arg7[%select_n3A_250, %dma_start3A_251] : memref<80x128xi32, #tpu.memory_space<vmem>> -> memref<1x64xi32, #tpu.memory_space<vmem>>
        %dma_start3A_253 = tpu.memref_squeeze %dma_start3A_252 : memref<1x64xi32, #tpu.memory_space<vmem>> -> memref<64xi32, #tpu.memory_space<vmem>>
        %dma_start3A_254 = arith.constant 0 : i32
        %dma_start3A_255 = arith.constant 0 : i32
        %dma_start3A_256 = tpu.memref_slice %arg2[%dma_start3A_254, %dma_start3A_255] : memref<10240x128xf32, #tpu.memory_space<hbm>> -> memref<10240x128xf32, #tpu.memory_space<hbm>>
        tpu.enqueue_indirect_dma source(%dma_start3A_256 : memref<10240x128xf32, #tpu.memory_space<hbm>>) target(%arg11 : memref<64x128xf32, #tpu.memory_space<vmem>>) offsets(%dma_start3A_253 : memref<64xi32, #tpu.memory_space<vmem>>) semaphore(%arg16 : memref<!tpu.dma_semaphore, #tpu.memory_space<semaphore_mem>>)
      } else {
      }
      %mul3A_180 = arith.constant 4 : i32
      %mul3A_181 = arith.muli %scan3A_50, %mul3A_180 : i32
      %add3A_182 = arith.constant 80 : i32
      %add3A_183 = arith.addi %add3A_182, %mul3A_181 : i32
      %add3A_184 = arith.constant 3 : i32
      %add3A_185 = arith.addi %add3A_183, %add3A_184 : i32
      %mul3A_186 = arith.constant 4 : i32
      %mul3A_187 = arith.muli %scan3A_50, %mul3A_186 : i32
      %add3A_188 = arith.constant 3 : i32
      %add3A_189 = arith.addi %mul3A_187, %add3A_188 : i32
      %jit3A_190 = arith.constant 2 : i32
      %div3A_191 = arith.divsi %add3A_185, %jit3A_190 : i32
      %sign3A_192 = arith.constant 0 : i32
      %sign3A_193 = arith.cmpi sgt, %add3A_185, %sign3A_192 : i32
      %sign3A_194 = arith.extui %sign3A_193 : i1 to i32
      %sign3A_195 = arith.constant 0 : i32
      %sign3A_196 = arith.cmpi slt, %add3A_185, %sign3A_195 : i32
      %sign3A_197 = arith.extui %sign3A_196 : i1 to i32
      %sign3A_198 = arith.subi %sign3A_194, %sign3A_197 : i32
      %sign3A_199 = arith.constant 0 : i32
      %sign3A_200 = arith.cmpi sgt, %jit3A_190, %sign3A_199 : i32
      %sign3A_201 = arith.extui %sign3A_200 : i1 to i32
      %sign3A_202 = arith.constant 0 : i32
      %sign3A_203 = arith.cmpi slt, %jit3A_190, %sign3A_202 : i32
      %sign3A_204 = arith.extui %sign3A_203 : i1 to i32
      %sign3A_205 = arith.subi %sign3A_201, %sign3A_204 : i32
      %ne3A_206 = arith.cmpi ne, %sign3A_198, %sign3A_205 : i32
      %rem3A_207 = arith.remsi %add3A_185, %jit3A_190 : i32
      %ne3A_208 = arith.constant 0 : i32
      %ne3A_209 = arith.cmpi ne, %rem3A_207, %ne3A_208 : i32
      %and3A_210 = arith.andi %ne3A_206, %ne3A_209 : i1
      %sub3A_211 = arith.constant 1 : i32
      %sub3A_212 = arith.subi %div3A_191, %sub3A_211 : i32
      %select_n3A_213 = arith.select %and3A_210, %sub3A_212, %div3A_191 : i32
      %dma_wait3A_214 = arith.constant 64 : i32
      %dma_wait3A_215 = tpu.memref_slice %arg7[%select_n3A_213, %dma_wait3A_214] : memref<80x128xi32, #tpu.memory_space<vmem>> -> memref<1x64xi32, #tpu.memory_space<vmem>>
      %dma_wait3A_216 = tpu.memref_squeeze %dma_wait3A_215 : memref<1x64xi32, #tpu.memory_space<vmem>> -> memref<64xi32, #tpu.memory_space<vmem>>
      %dma_wait3A_217 = arith.constant 0 : i32
      %dma_wait3A_218 = arith.constant 0 : i32
      %dma_wait3A_219 = tpu.memref_slice %arg2[%dma_wait3A_217, %dma_wait3A_218] : memref<10240x128xf32, #tpu.memory_space<hbm>> -> memref<10240x128xf32, #tpu.memory_space<hbm>>
      tpu.wait_indirect_dma semaphore(%arg17 : memref<!tpu.dma_semaphore, #tpu.memory_space<semaphore_mem>>) src(%dma_wait3A_219 : memref<10240x128xf32, #tpu.memory_space<hbm>>) dst(%arg12 : memref<64x128xf32, #tpu.memory_space<vmem>>)
      "tpu.region"() ({
        %run_scoped3A = tpu.sem_alloc : memref<!tpu.dma_semaphore, #tpu.memory_space<semaphore_mem>>
        %dma_start3A_227 = arith.constant 0 : i32
        %dma_start3A_228 = tpu.memref_slice %arg8[%add3A_189, %dma_start3A_227] : memref<40x64xi32, #tpu.memory_space<vmem>> -> memref<1x64xi32, #tpu.memory_space<vmem>>
        %dma_start3A_229 = tpu.memref_squeeze %dma_start3A_228 : memref<1x64xi32, #tpu.memory_space<vmem>> -> memref<64xi32, #tpu.memory_space<vmem>>
        %dma_start3A_230 = arith.constant 0 : i32
        %dma_start3A_231 = arith.constant 0 : i32
        %dma_start3A_232 = tpu.memref_slice %arg13[%dma_start3A_230, %dma_start3A_231] : memref<10240x128xf32, #tpu.memory_space<vmem_shared>> -> memref<10240x128xf32, #tpu.memory_space<vmem_shared>>
        tpu.enqueue_indirect_dma source(%arg12 : memref<64x128xf32, #tpu.memory_space<vmem>>) target(%dma_start3A_232 : memref<10240x128xf32, #tpu.memory_space<vmem_shared>>) offsets(%dma_start3A_229 : memref<64xi32, #tpu.memory_space<vmem>>) semaphore(%run_scoped3A : memref<!tpu.dma_semaphore, #tpu.memory_space<semaphore_mem>>) {add = true}
        %dma_wait3A_233 = arith.constant 0 : i32
        %dma_wait3A_234 = tpu.memref_slice %arg8[%add3A_189, %dma_wait3A_233] : memref<40x64xi32, #tpu.memory_space<vmem>> -> memref<1x64xi32, #tpu.memory_space<vmem>>
        %dma_wait3A_235 = tpu.memref_squeeze %dma_wait3A_234 : memref<1x64xi32, #tpu.memory_space<vmem>> -> memref<64xi32, #tpu.memory_space<vmem>>
        %dma_wait3A_236 = arith.constant 0 : i32
        %dma_wait3A_237 = arith.constant 0 : i32
        %dma_wait3A_238 = tpu.memref_slice %arg13[%dma_wait3A_236, %dma_wait3A_237] : memref<10240x128xf32, #tpu.memory_space<vmem_shared>> -> memref<10240x128xf32, #tpu.memory_space<vmem_shared>>
        tpu.wait_indirect_dma semaphore(%run_scoped3A : memref<!tpu.dma_semaphore, #tpu.memory_space<semaphore_mem>>) src(%arg12 : memref<64x128xf32, #tpu.memory_space<vmem>>) dst(%dma_wait3A_238 : memref<10240x128xf32, #tpu.memory_space<vmem_shared>>)
        tpu.yield
      }) : () -> ()
      %add3A_220 = arith.constant 4 : i32
      %add3A_221 = arith.addi %add3A_185, %add3A_220 : i32
      %lt3A_222 = arith.constant 160 : i32
      %lt3A_223 = arith.cmpi slt, %add3A_221, %lt3A_222 : i32
      %convert_element_type3A_224 = arith.extui %lt3A_223 : i1 to i32
      %cond3A_225 = arith.constant 0 : i32
      %cond3A_226 = arith.cmpi ne, %convert_element_type3A_224, %cond3A_225 : i32
      scf.if %cond3A_226 {
        %jit3A_227 = arith.constant 2 : i32
        %div3A_228 = arith.divsi %add3A_221, %jit3A_227 : i32
        %sign3A_229 = arith.constant 0 : i32
        %sign3A_230 = arith.cmpi sgt, %add3A_221, %sign3A_229 : i32
        %sign3A_231 = arith.extui %sign3A_230 : i1 to i32
        %sign3A_232 = arith.constant 0 : i32
        %sign3A_233 = arith.cmpi slt, %add3A_221, %sign3A_232 : i32
        %sign3A_234 = arith.extui %sign3A_233 : i1 to i32
        %sign3A_235 = arith.subi %sign3A_231, %sign3A_234 : i32
        %sign3A_236 = arith.constant 0 : i32
        %sign3A_237 = arith.cmpi sgt, %jit3A_227, %sign3A_236 : i32
        %sign3A_238 = arith.extui %sign3A_237 : i1 to i32
        %sign3A_239 = arith.constant 0 : i32
        %sign3A_240 = arith.cmpi slt, %jit3A_227, %sign3A_239 : i32
        %sign3A_241 = arith.extui %sign3A_240 : i1 to i32
        %sign3A_242 = arith.subi %sign3A_238, %sign3A_241 : i32
        %ne3A_243 = arith.cmpi ne, %sign3A_235, %sign3A_242 : i32
        %rem3A_244 = arith.remsi %add3A_221, %jit3A_227 : i32
        %ne3A_245 = arith.constant 0 : i32
        %ne3A_246 = arith.cmpi ne, %rem3A_244, %ne3A_245 : i32
        %and3A_247 = arith.andi %ne3A_243, %ne3A_246 : i1
        %sub3A_248 = arith.constant 1 : i32
        %sub3A_249 = arith.subi %div3A_228, %sub3A_248 : i32
        %select_n3A_250 = arith.select %and3A_247, %sub3A_249, %div3A_228 : i32
        %dma_start3A_251 = arith.constant 64 : i32
        %dma_start3A_252 = tpu.memref_slice %arg7[%select_n3A_250, %dma_start3A_251] : memref<80x128xi32, #tpu.memory_space<vmem>> -> memref<1x64xi32, #tpu.memory_space<vmem>>
        %dma_start3A_253 = tpu.memref_squeeze %dma_start3A_252 : memref<1x64xi32, #tpu.memory_space<vmem>> -> memref<64xi32, #tpu.memory_space<vmem>>
        %dma_start3A_254 = arith.constant 0 : i32
        %dma_start3A_255 = arith.constant 0 : i32
        %dma_start3A_256 = tpu.memref_slice %arg2[%dma_start3A_254, %dma_start3A_255] : memref<10240x128xf32, #tpu.memory_space<hbm>> -> memref<10240x128xf32, #tpu.memory_space<hbm>>
        tpu.enqueue_indirect_dma source(%dma_start3A_256 : memref<10240x128xf32, #tpu.memory_space<hbm>>) target(%arg12 : memref<64x128xf32, #tpu.memory_space<vmem>>) offsets(%dma_start3A_253 : memref<64xi32, #tpu.memory_space<vmem>>) semaphore(%arg17 : memref<!tpu.dma_semaphore, #tpu.memory_space<semaphore_mem>>)
      } else {
      }
    }
    %scan3A_43 = arith.constant 10 : i32
    "tpu.region"() ({
      %run_scoped3A = tpu.sem_alloc : memref<!tpu.dma_semaphore, #tpu.memory_space<semaphore_mem>>
      %dma_start3A_50 = arith.constant 120 : i32
      %dma_start3A_51 = arith.constant 0 : i32
      %dma_start3A_52 = tpu.memref_slice %arg4[%add3A, %dma_start3A_50, %dma_start3A_51] : memref<32x160x64xi32, #tpu.memory_space<hbm>> -> memref<1x40x64xi32, #tpu.memory_space<hbm>>
      %dma_start3A_53 = tpu.memref_squeeze %dma_start3A_52 : memref<1x40x64xi32, #tpu.memory_space<hbm>> -> memref<40x64xi32, #tpu.memory_space<hbm>>
      %dma_start3A_54 = arith.constant 120 : i32
      %dma_start3A_55 = arith.constant 0 : i32
      %dma_start3A_56 = tpu.memref_slice %arg4[%add3A, %dma_start3A_54, %dma_start3A_55] : memref<32x160x64xi32, #tpu.memory_space<hbm>> -> memref<1x40x64xi32, #tpu.memory_space<hbm>>
      %dma_start3A_57 = tpu.memref_squeeze %dma_start3A_56 : memref<1x40x64xi32, #tpu.memory_space<hbm>> -> memref<40x64xi32, #tpu.memory_space<hbm>>
      tpu.enqueue_dma source(%dma_start3A_57 : memref<40x64xi32, #tpu.memory_space<hbm>>) target(%arg8 : memref<40x64xi32, #tpu.memory_space<vmem>>) target_semaphore(%run_scoped3A : memref<!tpu.dma_semaphore, #tpu.memory_space<semaphore_mem>>)
      %dma_wait3A = arith.constant 120 : i32
      %dma_wait3A_58 = arith.constant 0 : i32
      %dma_wait3A_59 = tpu.memref_slice %arg4[%add3A, %dma_wait3A, %dma_wait3A_58] : memref<32x160x64xi32, #tpu.memory_space<hbm>> -> memref<1x40x64xi32, #tpu.memory_space<hbm>>
      %dma_wait3A_60 = tpu.memref_squeeze %dma_wait3A_59 : memref<1x40x64xi32, #tpu.memory_space<hbm>> -> memref<40x64xi32, #tpu.memory_space<hbm>>
      %dma_wait3A_61 = arith.constant 120 : i32
      %dma_wait3A_62 = arith.constant 0 : i32
      %dma_wait3A_63 = tpu.memref_slice %arg4[%add3A, %dma_wait3A_61, %dma_wait3A_62] : memref<32x160x64xi32, #tpu.memory_space<hbm>> -> memref<1x40x64xi32, #tpu.memory_space<hbm>>
      %dma_wait3A_64 = tpu.memref_squeeze %dma_wait3A_63 : memref<1x40x64xi32, #tpu.memory_space<hbm>> -> memref<40x64xi32, #tpu.memory_space<hbm>>
      tpu.wait_dma2 semaphore(%run_scoped3A : memref<!tpu.dma_semaphore, #tpu.memory_space<semaphore_mem>>) src(%dma_wait3A_64 : memref<40x64xi32, #tpu.memory_space<hbm>>) dst(%arg8 : memref<40x64xi32, #tpu.memory_space<vmem>>)
      tpu.yield
    }) : () -> ()
    %scan3A_44 = arith.constant 0 : i32
    %scan3A_45 = arith.constant 10 : i32
    %scan3A_46 = arith.addi %scan3A_44, %scan3A_45 : i32
    %scan3A_47 = arith.constant 1 : i32
    scf.for %scan3A_50 = %scan3A_44 to %scan3A_46 step %scan3A_47  : i32 {
      %mul3A_51 = arith.constant 4 : i32
      %mul3A_52 = arith.muli %scan3A_50, %mul3A_51 : i32
      %add3A_53 = arith.constant 120 : i32
      %add3A_54 = arith.addi %add3A_53, %mul3A_52 : i32
      %add3A_55 = arith.constant 0 : i32
      %add3A_56 = arith.addi %add3A_54, %add3A_55 : i32
      %mul3A_57 = arith.constant 4 : i32
      %mul3A_58 = arith.muli %scan3A_50, %mul3A_57 : i32
      %add3A_59 = arith.constant 0 : i32
      %add3A_60 = arith.addi %mul3A_58, %add3A_59 : i32
      %jit3A = arith.constant 2 : i32
      %div3A = arith.divsi %add3A_56, %jit3A : i32
      %sign3A = arith.constant 0 : i32
      %sign3A_61 = arith.cmpi sgt, %add3A_56, %sign3A : i32
      %sign3A_62 = arith.extui %sign3A_61 : i1 to i32
      %sign3A_63 = arith.constant 0 : i32
      %sign3A_64 = arith.cmpi slt, %add3A_56, %sign3A_63 : i32
      %sign3A_65 = arith.extui %sign3A_64 : i1 to i32
      %sign3A_66 = arith.subi %sign3A_62, %sign3A_65 : i32
      %sign3A_67 = arith.constant 0 : i32
      %sign3A_68 = arith.cmpi sgt, %jit3A, %sign3A_67 : i32
      %sign3A_69 = arith.extui %sign3A_68 : i1 to i32
      %sign3A_70 = arith.constant 0 : i32
      %sign3A_71 = arith.cmpi slt, %jit3A, %sign3A_70 : i32
      %sign3A_72 = arith.extui %sign3A_71 : i1 to i32
      %sign3A_73 = arith.subi %sign3A_69, %sign3A_72 : i32
      %ne3A = arith.cmpi ne, %sign3A_66, %sign3A_73 : i32
      %rem3A = arith.remsi %add3A_56, %jit3A : i32
      %ne3A_74 = arith.constant 0 : i32
      %ne3A_75 = arith.cmpi ne, %rem3A, %ne3A_74 : i32
      %and3A = arith.andi %ne3A, %ne3A_75 : i1
      %sub3A = arith.constant 1 : i32
      %sub3A_76 = arith.subi %div3A, %sub3A : i32
      %select_n3A = arith.select %and3A, %sub3A_76, %div3A : i32
      %dma_wait3A = arith.constant 0 : i32
      %dma_wait3A_77 = tpu.memref_slice %arg7[%select_n3A, %dma_wait3A] : memref<80x128xi32, #tpu.memory_space<vmem>> -> memref<1x64xi32, #tpu.memory_space<vmem>>
      %dma_wait3A_78 = tpu.memref_squeeze %dma_wait3A_77 : memref<1x64xi32, #tpu.memory_space<vmem>> -> memref<64xi32, #tpu.memory_space<vmem>>
      %dma_wait3A_79 = arith.constant 0 : i32
      %dma_wait3A_80 = arith.constant 0 : i32
      %dma_wait3A_81 = tpu.memref_slice %arg2[%dma_wait3A_79, %dma_wait3A_80] : memref<10240x128xf32, #tpu.memory_space<hbm>> -> memref<10240x128xf32, #tpu.memory_space<hbm>>
      tpu.wait_indirect_dma semaphore(%arg14 : memref<!tpu.dma_semaphore, #tpu.memory_space<semaphore_mem>>) src(%dma_wait3A_81 : memref<10240x128xf32, #tpu.memory_space<hbm>>) dst(%arg9 : memref<64x128xf32, #tpu.memory_space<vmem>>)
      "tpu.region"() ({
        %run_scoped3A = tpu.sem_alloc : memref<!tpu.dma_semaphore, #tpu.memory_space<semaphore_mem>>
        %dma_start3A_227 = arith.constant 0 : i32
        %dma_start3A_228 = tpu.memref_slice %arg8[%add3A_60, %dma_start3A_227] : memref<40x64xi32, #tpu.memory_space<vmem>> -> memref<1x64xi32, #tpu.memory_space<vmem>>
        %dma_start3A_229 = tpu.memref_squeeze %dma_start3A_228 : memref<1x64xi32, #tpu.memory_space<vmem>> -> memref<64xi32, #tpu.memory_space<vmem>>
        %dma_start3A_230 = arith.constant 0 : i32
        %dma_start3A_231 = arith.constant 0 : i32
        %dma_start3A_232 = tpu.memref_slice %arg13[%dma_start3A_230, %dma_start3A_231] : memref<10240x128xf32, #tpu.memory_space<vmem_shared>> -> memref<10240x128xf32, #tpu.memory_space<vmem_shared>>
        tpu.enqueue_indirect_dma source(%arg9 : memref<64x128xf32, #tpu.memory_space<vmem>>) target(%dma_start3A_232 : memref<10240x128xf32, #tpu.memory_space<vmem_shared>>) offsets(%dma_start3A_229 : memref<64xi32, #tpu.memory_space<vmem>>) semaphore(%run_scoped3A : memref<!tpu.dma_semaphore, #tpu.memory_space<semaphore_mem>>) {add = true}
        %dma_wait3A_233 = arith.constant 0 : i32
        %dma_wait3A_234 = tpu.memref_slice %arg8[%add3A_60, %dma_wait3A_233] : memref<40x64xi32, #tpu.memory_space<vmem>> -> memref<1x64xi32, #tpu.memory_space<vmem>>
        %dma_wait3A_235 = tpu.memref_squeeze %dma_wait3A_234 : memref<1x64xi32, #tpu.memory_space<vmem>> -> memref<64xi32, #tpu.memory_space<vmem>>
        %dma_wait3A_236 = arith.constant 0 : i32
        %dma_wait3A_237 = arith.constant 0 : i32
        %dma_wait3A_238 = tpu.memref_slice %arg13[%dma_wait3A_236, %dma_wait3A_237] : memref<10240x128xf32, #tpu.memory_space<vmem_shared>> -> memref<10240x128xf32, #tpu.memory_space<vmem_shared>>
        tpu.wait_indirect_dma semaphore(%run_scoped3A : memref<!tpu.dma_semaphore, #tpu.memory_space<semaphore_mem>>) src(%arg9 : memref<64x128xf32, #tpu.memory_space<vmem>>) dst(%dma_wait3A_238 : memref<10240x128xf32, #tpu.memory_space<vmem_shared>>)
        tpu.yield
      }) : () -> ()
      %add3A_82 = arith.constant 4 : i32
      %add3A_83 = arith.addi %add3A_56, %add3A_82 : i32
      %lt3A = arith.constant 160 : i32
      %lt3A_84 = arith.cmpi slt, %add3A_83, %lt3A : i32
      %convert_element_type3A = arith.extui %lt3A_84 : i1 to i32
      %cond3A = arith.constant 0 : i32
      %cond3A_85 = arith.cmpi ne, %convert_element_type3A, %cond3A : i32
      scf.if %cond3A_85 {
        %jit3A_227 = arith.constant 2 : i32
        %div3A_228 = arith.divsi %add3A_83, %jit3A_227 : i32
        %sign3A_229 = arith.constant 0 : i32
        %sign3A_230 = arith.cmpi sgt, %add3A_83, %sign3A_229 : i32
        %sign3A_231 = arith.extui %sign3A_230 : i1 to i32
        %sign3A_232 = arith.constant 0 : i32
        %sign3A_233 = arith.cmpi slt, %add3A_83, %sign3A_232 : i32
        %sign3A_234 = arith.extui %sign3A_233 : i1 to i32
        %sign3A_235 = arith.subi %sign3A_231, %sign3A_234 : i32
        %sign3A_236 = arith.constant 0 : i32
        %sign3A_237 = arith.cmpi sgt, %jit3A_227, %sign3A_236 : i32
        %sign3A_238 = arith.extui %sign3A_237 : i1 to i32
        %sign3A_239 = arith.constant 0 : i32
        %sign3A_240 = arith.cmpi slt, %jit3A_227, %sign3A_239 : i32
        %sign3A_241 = arith.extui %sign3A_240 : i1 to i32
        %sign3A_242 = arith.subi %sign3A_238, %sign3A_241 : i32
        %ne3A_243 = arith.cmpi ne, %sign3A_235, %sign3A_242 : i32
        %rem3A_244 = arith.remsi %add3A_83, %jit3A_227 : i32
        %ne3A_245 = arith.constant 0 : i32
        %ne3A_246 = arith.cmpi ne, %rem3A_244, %ne3A_245 : i32
        %and3A_247 = arith.andi %ne3A_243, %ne3A_246 : i1
        %sub3A_248 = arith.constant 1 : i32
        %sub3A_249 = arith.subi %div3A_228, %sub3A_248 : i32
        %select_n3A_250 = arith.select %and3A_247, %sub3A_249, %div3A_228 : i32
        %dma_start3A_251 = arith.constant 0 : i32
        %dma_start3A_252 = tpu.memref_slice %arg7[%select_n3A_250, %dma_start3A_251] : memref<80x128xi32, #tpu.memory_space<vmem>> -> memref<1x64xi32, #tpu.memory_space<vmem>>
        %dma_start3A_253 = tpu.memref_squeeze %dma_start3A_252 : memref<1x64xi32, #tpu.memory_space<vmem>> -> memref<64xi32, #tpu.memory_space<vmem>>
        %dma_start3A_254 = arith.constant 0 : i32
        %dma_start3A_255 = arith.constant 0 : i32
        %dma_start3A_256 = tpu.memref_slice %arg2[%dma_start3A_254, %dma_start3A_255] : memref<10240x128xf32, #tpu.memory_space<hbm>> -> memref<10240x128xf32, #tpu.memory_space<hbm>>
        tpu.enqueue_indirect_dma source(%dma_start3A_256 : memref<10240x128xf32, #tpu.memory_space<hbm>>) target(%arg9 : memref<64x128xf32, #tpu.memory_space<vmem>>) offsets(%dma_start3A_253 : memref<64xi32, #tpu.memory_space<vmem>>) semaphore(%arg14 : memref<!tpu.dma_semaphore, #tpu.memory_space<semaphore_mem>>)
      } else {
      }
      %mul3A_86 = arith.constant 4 : i32
      %mul3A_87 = arith.muli %scan3A_50, %mul3A_86 : i32
      %add3A_88 = arith.constant 120 : i32
      %add3A_89 = arith.addi %add3A_88, %mul3A_87 : i32
      %add3A_90 = arith.constant 1 : i32
      %add3A_91 = arith.addi %add3A_89, %add3A_90 : i32
      %mul3A_92 = arith.constant 4 : i32
      %mul3A_93 = arith.muli %scan3A_50, %mul3A_92 : i32
      %add3A_94 = arith.constant 1 : i32
      %add3A_95 = arith.addi %mul3A_93, %add3A_94 : i32
      %jit3A_96 = arith.constant 2 : i32
      %div3A_97 = arith.divsi %add3A_91, %jit3A_96 : i32
      %sign3A_98 = arith.constant 0 : i32
      %sign3A_99 = arith.cmpi sgt, %add3A_91, %sign3A_98 : i32
      %sign3A_100 = arith.extui %sign3A_99 : i1 to i32
      %sign3A_101 = arith.constant 0 : i32
      %sign3A_102 = arith.cmpi slt, %add3A_91, %sign3A_101 : i32
      %sign3A_103 = arith.extui %sign3A_102 : i1 to i32
      %sign3A_104 = arith.subi %sign3A_100, %sign3A_103 : i32
      %sign3A_105 = arith.constant 0 : i32
      %sign3A_106 = arith.cmpi sgt, %jit3A_96, %sign3A_105 : i32
      %sign3A_107 = arith.extui %sign3A_106 : i1 to i32
      %sign3A_108 = arith.constant 0 : i32
      %sign3A_109 = arith.cmpi slt, %jit3A_96, %sign3A_108 : i32
      %sign3A_110 = arith.extui %sign3A_109 : i1 to i32
      %sign3A_111 = arith.subi %sign3A_107, %sign3A_110 : i32
      %ne3A_112 = arith.cmpi ne, %sign3A_104, %sign3A_111 : i32
      %rem3A_113 = arith.remsi %add3A_91, %jit3A_96 : i32
      %ne3A_114 = arith.constant 0 : i32
      %ne3A_115 = arith.cmpi ne, %rem3A_113, %ne3A_114 : i32
      %and3A_116 = arith.andi %ne3A_112, %ne3A_115 : i1
      %sub3A_117 = arith.constant 1 : i32
      %sub3A_118 = arith.subi %div3A_97, %sub3A_117 : i32
      %select_n3A_119 = arith.select %and3A_116, %sub3A_118, %div3A_97 : i32
      %dma_wait3A_120 = arith.constant 64 : i32
      %dma_wait3A_121 = tpu.memref_slice %arg7[%select_n3A_119, %dma_wait3A_120] : memref<80x128xi32, #tpu.memory_space<vmem>> -> memref<1x64xi32, #tpu.memory_space<vmem>>
      %dma_wait3A_122 = tpu.memref_squeeze %dma_wait3A_121 : memref<1x64xi32, #tpu.memory_space<vmem>> -> memref<64xi32, #tpu.memory_space<vmem>>
      %dma_wait3A_123 = arith.constant 0 : i32
      %dma_wait3A_124 = arith.constant 0 : i32
      %dma_wait3A_125 = tpu.memref_slice %arg2[%dma_wait3A_123, %dma_wait3A_124] : memref<10240x128xf32, #tpu.memory_space<hbm>> -> memref<10240x128xf32, #tpu.memory_space<hbm>>
      tpu.wait_indirect_dma semaphore(%arg15 : memref<!tpu.dma_semaphore, #tpu.memory_space<semaphore_mem>>) src(%dma_wait3A_125 : memref<10240x128xf32, #tpu.memory_space<hbm>>) dst(%arg10 : memref<64x128xf32, #tpu.memory_space<vmem>>)
      "tpu.region"() ({
        %run_scoped3A = tpu.sem_alloc : memref<!tpu.dma_semaphore, #tpu.memory_space<semaphore_mem>>
        %dma_start3A_227 = arith.constant 0 : i32
        %dma_start3A_228 = tpu.memref_slice %arg8[%add3A_95, %dma_start3A_227] : memref<40x64xi32, #tpu.memory_space<vmem>> -> memref<1x64xi32, #tpu.memory_space<vmem>>
        %dma_start3A_229 = tpu.memref_squeeze %dma_start3A_228 : memref<1x64xi32, #tpu.memory_space<vmem>> -> memref<64xi32, #tpu.memory_space<vmem>>
        %dma_start3A_230 = arith.constant 0 : i32
        %dma_start3A_231 = arith.constant 0 : i32
        %dma_start3A_232 = tpu.memref_slice %arg13[%dma_start3A_230, %dma_start3A_231] : memref<10240x128xf32, #tpu.memory_space<vmem_shared>> -> memref<10240x128xf32, #tpu.memory_space<vmem_shared>>
        tpu.enqueue_indirect_dma source(%arg10 : memref<64x128xf32, #tpu.memory_space<vmem>>) target(%dma_start3A_232 : memref<10240x128xf32, #tpu.memory_space<vmem_shared>>) offsets(%dma_start3A_229 : memref<64xi32, #tpu.memory_space<vmem>>) semaphore(%run_scoped3A : memref<!tpu.dma_semaphore, #tpu.memory_space<semaphore_mem>>) {add = true}
        %dma_wait3A_233 = arith.constant 0 : i32
        %dma_wait3A_234 = tpu.memref_slice %arg8[%add3A_95, %dma_wait3A_233] : memref<40x64xi32, #tpu.memory_space<vmem>> -> memref<1x64xi32, #tpu.memory_space<vmem>>
        %dma_wait3A_235 = tpu.memref_squeeze %dma_wait3A_234 : memref<1x64xi32, #tpu.memory_space<vmem>> -> memref<64xi32, #tpu.memory_space<vmem>>
        %dma_wait3A_236 = arith.constant 0 : i32
        %dma_wait3A_237 = arith.constant 0 : i32
        %dma_wait3A_238 = tpu.memref_slice %arg13[%dma_wait3A_236, %dma_wait3A_237] : memref<10240x128xf32, #tpu.memory_space<vmem_shared>> -> memref<10240x128xf32, #tpu.memory_space<vmem_shared>>
        tpu.wait_indirect_dma semaphore(%run_scoped3A : memref<!tpu.dma_semaphore, #tpu.memory_space<semaphore_mem>>) src(%arg10 : memref<64x128xf32, #tpu.memory_space<vmem>>) dst(%dma_wait3A_238 : memref<10240x128xf32, #tpu.memory_space<vmem_shared>>)
        tpu.yield
      }) : () -> ()
      %add3A_126 = arith.constant 4 : i32
      %add3A_127 = arith.addi %add3A_91, %add3A_126 : i32
      %lt3A_128 = arith.constant 160 : i32
      %lt3A_129 = arith.cmpi slt, %add3A_127, %lt3A_128 : i32
      %convert_element_type3A_130 = arith.extui %lt3A_129 : i1 to i32
      %cond3A_131 = arith.constant 0 : i32
      %cond3A_132 = arith.cmpi ne, %convert_element_type3A_130, %cond3A_131 : i32
      scf.if %cond3A_132 {
        %jit3A_227 = arith.constant 2 : i32
        %div3A_228 = arith.divsi %add3A_127, %jit3A_227 : i32
        %sign3A_229 = arith.constant 0 : i32
        %sign3A_230 = arith.cmpi sgt, %add3A_127, %sign3A_229 : i32
        %sign3A_231 = arith.extui %sign3A_230 : i1 to i32
        %sign3A_232 = arith.constant 0 : i32
        %sign3A_233 = arith.cmpi slt, %add3A_127, %sign3A_232 : i32
        %sign3A_234 = arith.extui %sign3A_233 : i1 to i32
        %sign3A_235 = arith.subi %sign3A_231, %sign3A_234 : i32
        %sign3A_236 = arith.constant 0 : i32
        %sign3A_237 = arith.cmpi sgt, %jit3A_227, %sign3A_236 : i32
        %sign3A_238 = arith.extui %sign3A_237 : i1 to i32
        %sign3A_239 = arith.constant 0 : i32
        %sign3A_240 = arith.cmpi slt, %jit3A_227, %sign3A_239 : i32
        %sign3A_241 = arith.extui %sign3A_240 : i1 to i32
        %sign3A_242 = arith.subi %sign3A_238, %sign3A_241 : i32
        %ne3A_243 = arith.cmpi ne, %sign3A_235, %sign3A_242 : i32
        %rem3A_244 = arith.remsi %add3A_127, %jit3A_227 : i32
        %ne3A_245 = arith.constant 0 : i32
        %ne3A_246 = arith.cmpi ne, %rem3A_244, %ne3A_245 : i32
        %and3A_247 = arith.andi %ne3A_243, %ne3A_246 : i1
        %sub3A_248 = arith.constant 1 : i32
        %sub3A_249 = arith.subi %div3A_228, %sub3A_248 : i32
        %select_n3A_250 = arith.select %and3A_247, %sub3A_249, %div3A_228 : i32
        %dma_start3A_251 = arith.constant 64 : i32
        %dma_start3A_252 = tpu.memref_slice %arg7[%select_n3A_250, %dma_start3A_251] : memref<80x128xi32, #tpu.memory_space<vmem>> -> memref<1x64xi32, #tpu.memory_space<vmem>>
        %dma_start3A_253 = tpu.memref_squeeze %dma_start3A_252 : memref<1x64xi32, #tpu.memory_space<vmem>> -> memref<64xi32, #tpu.memory_space<vmem>>
        %dma_start3A_254 = arith.constant 0 : i32
        %dma_start3A_255 = arith.constant 0 : i32
        %dma_start3A_256 = tpu.memref_slice %arg2[%dma_start3A_254, %dma_start3A_255] : memref<10240x128xf32, #tpu.memory_space<hbm>> -> memref<10240x128xf32, #tpu.memory_space<hbm>>
        tpu.enqueue_indirect_dma source(%dma_start3A_256 : memref<10240x128xf32, #tpu.memory_space<hbm>>) target(%arg10 : memref<64x128xf32, #tpu.memory_space<vmem>>) offsets(%dma_start3A_253 : memref<64xi32, #tpu.memory_space<vmem>>) semaphore(%arg15 : memref<!tpu.dma_semaphore, #tpu.memory_space<semaphore_mem>>)
      } else {
      }
      %mul3A_133 = arith.constant 4 : i32
      %mul3A_134 = arith.muli %scan3A_50, %mul3A_133 : i32
      %add3A_135 = arith.constant 120 : i32
      %add3A_136 = arith.addi %add3A_135, %mul3A_134 : i32
      %add3A_137 = arith.constant 2 : i32
      %add3A_138 = arith.addi %add3A_136, %add3A_137 : i32
      %mul3A_139 = arith.constant 4 : i32
      %mul3A_140 = arith.muli %scan3A_50, %mul3A_139 : i32
      %add3A_141 = arith.constant 2 : i32
      %add3A_142 = arith.addi %mul3A_140, %add3A_141 : i32
      %jit3A_143 = arith.constant 2 : i32
      %div3A_144 = arith.divsi %add3A_138, %jit3A_143 : i32
      %sign3A_145 = arith.constant 0 : i32
      %sign3A_146 = arith.cmpi sgt, %add3A_138, %sign3A_145 : i32
      %sign3A_147 = arith.extui %sign3A_146 : i1 to i32
      %sign3A_148 = arith.constant 0 : i32
      %sign3A_149 = arith.cmpi slt, %add3A_138, %sign3A_148 : i32
      %sign3A_150 = arith.extui %sign3A_149 : i1 to i32
      %sign3A_151 = arith.subi %sign3A_147, %sign3A_150 : i32
      %sign3A_152 = arith.constant 0 : i32
      %sign3A_153 = arith.cmpi sgt, %jit3A_143, %sign3A_152 : i32
      %sign3A_154 = arith.extui %sign3A_153 : i1 to i32
      %sign3A_155 = arith.constant 0 : i32
      %sign3A_156 = arith.cmpi slt, %jit3A_143, %sign3A_155 : i32
      %sign3A_157 = arith.extui %sign3A_156 : i1 to i32
      %sign3A_158 = arith.subi %sign3A_154, %sign3A_157 : i32
      %ne3A_159 = arith.cmpi ne, %sign3A_151, %sign3A_158 : i32
      %rem3A_160 = arith.remsi %add3A_138, %jit3A_143 : i32
      %ne3A_161 = arith.constant 0 : i32
      %ne3A_162 = arith.cmpi ne, %rem3A_160, %ne3A_161 : i32
      %and3A_163 = arith.andi %ne3A_159, %ne3A_162 : i1
      %sub3A_164 = arith.constant 1 : i32
      %sub3A_165 = arith.subi %div3A_144, %sub3A_164 : i32
      %select_n3A_166 = arith.select %and3A_163, %sub3A_165, %div3A_144 : i32
      %dma_wait3A_167 = arith.constant 0 : i32
      %dma_wait3A_168 = tpu.memref_slice %arg7[%select_n3A_166, %dma_wait3A_167] : memref<80x128xi32, #tpu.memory_space<vmem>> -> memref<1x64xi32, #tpu.memory_space<vmem>>
      %dma_wait3A_169 = tpu.memref_squeeze %dma_wait3A_168 : memref<1x64xi32, #tpu.memory_space<vmem>> -> memref<64xi32, #tpu.memory_space<vmem>>
      %dma_wait3A_170 = arith.constant 0 : i32
      %dma_wait3A_171 = arith.constant 0 : i32
      %dma_wait3A_172 = tpu.memref_slice %arg2[%dma_wait3A_170, %dma_wait3A_171] : memref<10240x128xf32, #tpu.memory_space<hbm>> -> memref<10240x128xf32, #tpu.memory_space<hbm>>
      tpu.wait_indirect_dma semaphore(%arg16 : memref<!tpu.dma_semaphore, #tpu.memory_space<semaphore_mem>>) src(%dma_wait3A_172 : memref<10240x128xf32, #tpu.memory_space<hbm>>) dst(%arg11 : memref<64x128xf32, #tpu.memory_space<vmem>>)
      "tpu.region"() ({
        %run_scoped3A = tpu.sem_alloc : memref<!tpu.dma_semaphore, #tpu.memory_space<semaphore_mem>>
        %dma_start3A_227 = arith.constant 0 : i32
        %dma_start3A_228 = tpu.memref_slice %arg8[%add3A_142, %dma_start3A_227] : memref<40x64xi32, #tpu.memory_space<vmem>> -> memref<1x64xi32, #tpu.memory_space<vmem>>
        %dma_start3A_229 = tpu.memref_squeeze %dma_start3A_228 : memref<1x64xi32, #tpu.memory_space<vmem>> -> memref<64xi32, #tpu.memory_space<vmem>>
        %dma_start3A_230 = arith.constant 0 : i32
        %dma_start3A_231 = arith.constant 0 : i32
        %dma_start3A_232 = tpu.memref_slice %arg13[%dma_start3A_230, %dma_start3A_231] : memref<10240x128xf32, #tpu.memory_space<vmem_shared>> -> memref<10240x128xf32, #tpu.memory_space<vmem_shared>>
        tpu.enqueue_indirect_dma source(%arg11 : memref<64x128xf32, #tpu.memory_space<vmem>>) target(%dma_start3A_232 : memref<10240x128xf32, #tpu.memory_space<vmem_shared>>) offsets(%dma_start3A_229 : memref<64xi32, #tpu.memory_space<vmem>>) semaphore(%run_scoped3A : memref<!tpu.dma_semaphore, #tpu.memory_space<semaphore_mem>>) {add = true}
        %dma_wait3A_233 = arith.constant 0 : i32
        %dma_wait3A_234 = tpu.memref_slice %arg8[%add3A_142, %dma_wait3A_233] : memref<40x64xi32, #tpu.memory_space<vmem>> -> memref<1x64xi32, #tpu.memory_space<vmem>>
        %dma_wait3A_235 = tpu.memref_squeeze %dma_wait3A_234 : memref<1x64xi32, #tpu.memory_space<vmem>> -> memref<64xi32, #tpu.memory_space<vmem>>
        %dma_wait3A_236 = arith.constant 0 : i32
        %dma_wait3A_237 = arith.constant 0 : i32
        %dma_wait3A_238 = tpu.memref_slice %arg13[%dma_wait3A_236, %dma_wait3A_237] : memref<10240x128xf32, #tpu.memory_space<vmem_shared>> -> memref<10240x128xf32, #tpu.memory_space<vmem_shared>>
        tpu.wait_indirect_dma semaphore(%run_scoped3A : memref<!tpu.dma_semaphore, #tpu.memory_space<semaphore_mem>>) src(%arg11 : memref<64x128xf32, #tpu.memory_space<vmem>>) dst(%dma_wait3A_238 : memref<10240x128xf32, #tpu.memory_space<vmem_shared>>)
        tpu.yield
      }) : () -> ()
      %add3A_173 = arith.constant 4 : i32
      %add3A_174 = arith.addi %add3A_138, %add3A_173 : i32
      %lt3A_175 = arith.constant 160 : i32
      %lt3A_176 = arith.cmpi slt, %add3A_174, %lt3A_175 : i32
      %convert_element_type3A_177 = arith.extui %lt3A_176 : i1 to i32
      %cond3A_178 = arith.constant 0 : i32
      %cond3A_179 = arith.cmpi ne, %convert_element_type3A_177, %cond3A_178 : i32
      scf.if %cond3A_179 {
        %jit3A_227 = arith.constant 2 : i32
        %div3A_228 = arith.divsi %add3A_174, %jit3A_227 : i32
        %sign3A_229 = arith.constant 0 : i32
        %sign3A_230 = arith.cmpi sgt, %add3A_174, %sign3A_229 : i32
        %sign3A_231 = arith.extui %sign3A_230 : i1 to i32
        %sign3A_232 = arith.constant 0 : i32
        %sign3A_233 = arith.cmpi slt, %add3A_174, %sign3A_232 : i32
        %sign3A_234 = arith.extui %sign3A_233 : i1 to i32
        %sign3A_235 = arith.subi %sign3A_231, %sign3A_234 : i32
        %sign3A_236 = arith.constant 0 : i32
        %sign3A_237 = arith.cmpi sgt, %jit3A_227, %sign3A_236 : i32
        %sign3A_238 = arith.extui %sign3A_237 : i1 to i32
        %sign3A_239 = arith.constant 0 : i32
        %sign3A_240 = arith.cmpi slt, %jit3A_227, %sign3A_239 : i32
        %sign3A_241 = arith.extui %sign3A_240 : i1 to i32
        %sign3A_242 = arith.subi %sign3A_238, %sign3A_241 : i32
        %ne3A_243 = arith.cmpi ne, %sign3A_235, %sign3A_242 : i32
        %rem3A_244 = arith.remsi %add3A_174, %jit3A_227 : i32
        %ne3A_245 = arith.constant 0 : i32
        %ne3A_246 = arith.cmpi ne, %rem3A_244, %ne3A_245 : i32
        %and3A_247 = arith.andi %ne3A_243, %ne3A_246 : i1
        %sub3A_248 = arith.constant 1 : i32
        %sub3A_249 = arith.subi %div3A_228, %sub3A_248 : i32
        %select_n3A_250 = arith.select %and3A_247, %sub3A_249, %div3A_228 : i32
        %dma_start3A_251 = arith.constant 0 : i32
        %dma_start3A_252 = tpu.memref_slice %arg7[%select_n3A_250, %dma_start3A_251] : memref<80x128xi32, #tpu.memory_space<vmem>> -> memref<1x64xi32, #tpu.memory_space<vmem>>
        %dma_start3A_253 = tpu.memref_squeeze %dma_start3A_252 : memref<1x64xi32, #tpu.memory_space<vmem>> -> memref<64xi32, #tpu.memory_space<vmem>>
        %dma_start3A_254 = arith.constant 0 : i32
        %dma_start3A_255 = arith.constant 0 : i32
        %dma_start3A_256 = tpu.memref_slice %arg2[%dma_start3A_254, %dma_start3A_255] : memref<10240x128xf32, #tpu.memory_space<hbm>> -> memref<10240x128xf32, #tpu.memory_space<hbm>>
        tpu.enqueue_indirect_dma source(%dma_start3A_256 : memref<10240x128xf32, #tpu.memory_space<hbm>>) target(%arg11 : memref<64x128xf32, #tpu.memory_space<vmem>>) offsets(%dma_start3A_253 : memref<64xi32, #tpu.memory_space<vmem>>) semaphore(%arg16 : memref<!tpu.dma_semaphore, #tpu.memory_space<semaphore_mem>>)
      } else {
      }
      %mul3A_180 = arith.constant 4 : i32
      %mul3A_181 = arith.muli %scan3A_50, %mul3A_180 : i32
      %add3A_182 = arith.constant 120 : i32
      %add3A_183 = arith.addi %add3A_182, %mul3A_181 : i32
      %add3A_184 = arith.constant 3 : i32
      %add3A_185 = arith.addi %add3A_183, %add3A_184 : i32
      %mul3A_186 = arith.constant 4 : i32
      %mul3A_187 = arith.muli %scan3A_50, %mul3A_186 : i32
      %add3A_188 = arith.constant 3 : i32
      %add3A_189 = arith.addi %mul3A_187, %add3A_188 : i32
      %jit3A_190 = arith.constant 2 : i32
      %div3A_191 = arith.divsi %add3A_185, %jit3A_190 : i32
      %sign3A_192 = arith.constant 0 : i32
      %sign3A_193 = arith.cmpi sgt, %add3A_185, %sign3A_192 : i32
      %sign3A_194 = arith.extui %sign3A_193 : i1 to i32
      %sign3A_195 = arith.constant 0 : i32
      %sign3A_196 = arith.cmpi slt, %add3A_185, %sign3A_195 : i32
      %sign3A_197 = arith.extui %sign3A_196 : i1 to i32
      %sign3A_198 = arith.subi %sign3A_194, %sign3A_197 : i32
      %sign3A_199 = arith.constant 0 : i32
      %sign3A_200 = arith.cmpi sgt, %jit3A_190, %sign3A_199 : i32
      %sign3A_201 = arith.extui %sign3A_200 : i1 to i32
      %sign3A_202 = arith.constant 0 : i32
      %sign3A_203 = arith.cmpi slt, %jit3A_190, %sign3A_202 : i32
      %sign3A_204 = arith.extui %sign3A_203 : i1 to i32
      %sign3A_205 = arith.subi %sign3A_201, %sign3A_204 : i32
      %ne3A_206 = arith.cmpi ne, %sign3A_198, %sign3A_205 : i32
      %rem3A_207 = arith.remsi %add3A_185, %jit3A_190 : i32
      %ne3A_208 = arith.constant 0 : i32
      %ne3A_209 = arith.cmpi ne, %rem3A_207, %ne3A_208 : i32
      %and3A_210 = arith.andi %ne3A_206, %ne3A_209 : i1
      %sub3A_211 = arith.constant 1 : i32
      %sub3A_212 = arith.subi %div3A_191, %sub3A_211 : i32
      %select_n3A_213 = arith.select %and3A_210, %sub3A_212, %div3A_191 : i32
      %dma_wait3A_214 = arith.constant 64 : i32
      %dma_wait3A_215 = tpu.memref_slice %arg7[%select_n3A_213, %dma_wait3A_214] : memref<80x128xi32, #tpu.memory_space<vmem>> -> memref<1x64xi32, #tpu.memory_space<vmem>>
      %dma_wait3A_216 = tpu.memref_squeeze %dma_wait3A_215 : memref<1x64xi32, #tpu.memory_space<vmem>> -> memref<64xi32, #tpu.memory_space<vmem>>
      %dma_wait3A_217 = arith.constant 0 : i32
      %dma_wait3A_218 = arith.constant 0 : i32
      %dma_wait3A_219 = tpu.memref_slice %arg2[%dma_wait3A_217, %dma_wait3A_218] : memref<10240x128xf32, #tpu.memory_space<hbm>> -> memref<10240x128xf32, #tpu.memory_space<hbm>>
      tpu.wait_indirect_dma semaphore(%arg17 : memref<!tpu.dma_semaphore, #tpu.memory_space<semaphore_mem>>) src(%dma_wait3A_219 : memref<10240x128xf32, #tpu.memory_space<hbm>>) dst(%arg12 : memref<64x128xf32, #tpu.memory_space<vmem>>)
      "tpu.region"() ({
        %run_scoped3A = tpu.sem_alloc : memref<!tpu.dma_semaphore, #tpu.memory_space<semaphore_mem>>
        %dma_start3A_227 = arith.constant 0 : i32
        %dma_start3A_228 = tpu.memref_slice %arg8[%add3A_189, %dma_start3A_227] : memref<40x64xi32, #tpu.memory_space<vmem>> -> memref<1x64xi32, #tpu.memory_space<vmem>>
        %dma_start3A_229 = tpu.memref_squeeze %dma_start3A_228 : memref<1x64xi32, #tpu.memory_space<vmem>> -> memref<64xi32, #tpu.memory_space<vmem>>
        %dma_start3A_230 = arith.constant 0 : i32
        %dma_start3A_231 = arith.constant 0 : i32
        %dma_start3A_232 = tpu.memref_slice %arg13[%dma_start3A_230, %dma_start3A_231] : memref<10240x128xf32, #tpu.memory_space<vmem_shared>> -> memref<10240x128xf32, #tpu.memory_space<vmem_shared>>
        tpu.enqueue_indirect_dma source(%arg12 : memref<64x128xf32, #tpu.memory_space<vmem>>) target(%dma_start3A_232 : memref<10240x128xf32, #tpu.memory_space<vmem_shared>>) offsets(%dma_start3A_229 : memref<64xi32, #tpu.memory_space<vmem>>) semaphore(%run_scoped3A : memref<!tpu.dma_semaphore, #tpu.memory_space<semaphore_mem>>) {add = true}
        %dma_wait3A_233 = arith.constant 0 : i32
        %dma_wait3A_234 = tpu.memref_slice %arg8[%add3A_189, %dma_wait3A_233] : memref<40x64xi32, #tpu.memory_space<vmem>> -> memref<1x64xi32, #tpu.memory_space<vmem>>
        %dma_wait3A_235 = tpu.memref_squeeze %dma_wait3A_234 : memref<1x64xi32, #tpu.memory_space<vmem>> -> memref<64xi32, #tpu.memory_space<vmem>>
        %dma_wait3A_236 = arith.constant 0 : i32
        %dma_wait3A_237 = arith.constant 0 : i32
        %dma_wait3A_238 = tpu.memref_slice %arg13[%dma_wait3A_236, %dma_wait3A_237] : memref<10240x128xf32, #tpu.memory_space<vmem_shared>> -> memref<10240x128xf32, #tpu.memory_space<vmem_shared>>
        tpu.wait_indirect_dma semaphore(%run_scoped3A : memref<!tpu.dma_semaphore, #tpu.memory_space<semaphore_mem>>) src(%arg12 : memref<64x128xf32, #tpu.memory_space<vmem>>) dst(%dma_wait3A_238 : memref<10240x128xf32, #tpu.memory_space<vmem_shared>>)
        tpu.yield
      }) : () -> ()
      %add3A_220 = arith.constant 4 : i32
      %add3A_221 = arith.addi %add3A_185, %add3A_220 : i32
      %lt3A_222 = arith.constant 160 : i32
      %lt3A_223 = arith.cmpi slt, %add3A_221, %lt3A_222 : i32
      %convert_element_type3A_224 = arith.extui %lt3A_223 : i1 to i32
      %cond3A_225 = arith.constant 0 : i32
      %cond3A_226 = arith.cmpi ne, %convert_element_type3A_224, %cond3A_225 : i32
      scf.if %cond3A_226 {
        %jit3A_227 = arith.constant 2 : i32
        %div3A_228 = arith.divsi %add3A_221, %jit3A_227 : i32
        %sign3A_229 = arith.constant 0 : i32
        %sign3A_230 = arith.cmpi sgt, %add3A_221, %sign3A_229 : i32
        %sign3A_231 = arith.extui %sign3A_230 : i1 to i32
        %sign3A_232 = arith.constant 0 : i32
        %sign3A_233 = arith.cmpi slt, %add3A_221, %sign3A_232 : i32
        %sign3A_234 = arith.extui %sign3A_233 : i1 to i32
        %sign3A_235 = arith.subi %sign3A_231, %sign3A_234 : i32
        %sign3A_236 = arith.constant 0 : i32
        %sign3A_237 = arith.cmpi sgt, %jit3A_227, %sign3A_236 : i32
        %sign3A_238 = arith.extui %sign3A_237 : i1 to i32
        %sign3A_239 = arith.constant 0 : i32
        %sign3A_240 = arith.cmpi slt, %jit3A_227, %sign3A_239 : i32
        %sign3A_241 = arith.extui %sign3A_240 : i1 to i32
        %sign3A_242 = arith.subi %sign3A_238, %sign3A_241 : i32
        %ne3A_243 = arith.cmpi ne, %sign3A_235, %sign3A_242 : i32
        %rem3A_244 = arith.remsi %add3A_221, %jit3A_227 : i32
        %ne3A_245 = arith.constant 0 : i32
        %ne3A_246 = arith.cmpi ne, %rem3A_244, %ne3A_245 : i32
        %and3A_247 = arith.andi %ne3A_243, %ne3A_246 : i1
        %sub3A_248 = arith.constant 1 : i32
        %sub3A_249 = arith.subi %div3A_228, %sub3A_248 : i32
        %select_n3A_250 = arith.select %and3A_247, %sub3A_249, %div3A_228 : i32
        %dma_start3A_251 = arith.constant 64 : i32
        %dma_start3A_252 = tpu.memref_slice %arg7[%select_n3A_250, %dma_start3A_251] : memref<80x128xi32, #tpu.memory_space<vmem>> -> memref<1x64xi32, #tpu.memory_space<vmem>>
        %dma_start3A_253 = tpu.memref_squeeze %dma_start3A_252 : memref<1x64xi32, #tpu.memory_space<vmem>> -> memref<64xi32, #tpu.memory_space<vmem>>
        %dma_start3A_254 = arith.constant 0 : i32
        %dma_start3A_255 = arith.constant 0 : i32
        %dma_start3A_256 = tpu.memref_slice %arg2[%dma_start3A_254, %dma_start3A_255] : memref<10240x128xf32, #tpu.memory_space<hbm>> -> memref<10240x128xf32, #tpu.memory_space<hbm>>
        tpu.enqueue_indirect_dma source(%dma_start3A_256 : memref<10240x128xf32, #tpu.memory_space<hbm>>) target(%arg12 : memref<64x128xf32, #tpu.memory_space<vmem>>) offsets(%dma_start3A_253 : memref<64xi32, #tpu.memory_space<vmem>>) semaphore(%arg17 : memref<!tpu.dma_semaphore, #tpu.memory_space<semaphore_mem>>)
      } else {
      }
    }
    %scan3A_48 = arith.constant 10 : i32
    %barrier3A_49 = arith.constant 0 : index
    tpu.barrier barrier_id(%barrier3A_49)
    "tpu.region"() ({
      %run_scoped3A = tpu.sem_alloc : memref<!tpu.dma_semaphore, #tpu.memory_space<semaphore_mem>>
      %dma_start3A_50 = arith.constant 0 : i32
      %dma_start3A_51 = tpu.memref_slice %arg6[%arg0, %mul3A_2, %dma_start3A_50] : memref<2x10240x128xf32, #tpu.memory_space<hbm>> -> memref<1x640x128xf32, #tpu.memory_space<hbm>>
      %dma_start3A_52 = tpu.memref_squeeze %dma_start3A_51 : memref<1x640x128xf32, #tpu.memory_space<hbm>> -> memref<640x128xf32, #tpu.memory_space<hbm>>
      %dma_start3A_53 = arith.constant 0 : i32
      %dma_start3A_54 = tpu.memref_slice %arg13[%mul3A_2, %dma_start3A_53] : memref<10240x128xf32, #tpu.memory_space<vmem_shared>> -> memref<640x128xf32, #tpu.memory_space<vmem_shared>>
      tpu.enqueue_dma source(%dma_start3A_54 : memref<640x128xf32, #tpu.memory_space<vmem_shared>>) target(%dma_start3A_52 : memref<640x128xf32, #tpu.memory_space<hbm>>) target_semaphore(%run_scoped3A : memref<!tpu.dma_semaphore, #tpu.memory_space<semaphore_mem>>)
      %dma_wait3A = arith.constant 0 : i32
      %dma_wait3A_55 = tpu.memref_slice %arg6[%arg0, %mul3A_2, %dma_wait3A] : memref<2x10240x128xf32, #tpu.memory_space<hbm>> -> memref<1x640x128xf32, #tpu.memory_space<hbm>>
      %dma_wait3A_56 = tpu.memref_squeeze %dma_wait3A_55 : memref<1x640x128xf32, #tpu.memory_space<hbm>> -> memref<640x128xf32, #tpu.memory_space<hbm>>
      %dma_wait3A_57 = arith.constant 0 : i32
      %dma_wait3A_58 = tpu.memref_slice %arg13[%mul3A_2, %dma_wait3A_57] : memref<10240x128xf32, #tpu.memory_space<vmem_shared>> -> memref<640x128xf32, #tpu.memory_space<vmem_shared>>
      tpu.wait_dma2 semaphore(%run_scoped3A : memref<!tpu.dma_semaphore, #tpu.memory_space<semaphore_mem>>) src(%dma_wait3A_58 : memref<640x128xf32, #tpu.memory_space<vmem_shared>>) dst(%dma_wait3A_56 : memref<640x128xf32, #tpu.memory_space<hbm>>)
      tpu.yield
    }) : () -> ()
    return
  }
}

#map = affine_map<(d0, d1) -> (0, 0, 0)>
#map1 = affine_map<(d0, d1) -> (0, 0)>
module attributes {stable_mosaic.version = 14 : i64} {
  func.func @_sc_degree(%arg0: i32, %arg1: i32, %arg2: memref<32x80x128xi32, #tpu.memory_space<hbm>>, %arg3: memref<128x128xf32, #tpu.memory_space<hbm>>, %arg4: memref<10240x128xf32, #tpu.memory_space<hbm>>, %arg5: memref<2x10240x128xf32, #tpu.memory_space<hbm>>, %arg6: memref<80x128xi32, #tpu.memory_space<vmem>>, %arg7: memref<128x128xf32, #tpu.memory_space<vmem>>, %arg8: memref<10240x128xf32, #tpu.memory_space<vmem_shared>>) attributes {dimension_semantics = [#tpu.dimension_semantics<core_parallel>, #tpu.dimension_semantics<subcore_parallel>], iteration_bounds = array<i64: 2, 16>, scalar_prefetch = 0 : i64, scratch_operands = 3 : i64, tpu.core_type = #tpu.core_type<sc_vector_subcore>, window_params = [{transform_indices = #map}, {transform_indices = #map1}, {transform_indices = #map1}, {transform_indices = #map}]} {
    %mul3A = arith.constant 2 : i32
    %mul3A_0 = arith.muli %arg1, %mul3A : i32
    %add3A = arith.addi %mul3A_0, %arg0 : i32
    "tpu.region"() ({
      %run_scoped3A = tpu.sem_alloc : memref<!tpu.dma_semaphore, #tpu.memory_space<semaphore_mem>>
      %dma_start3A = arith.constant 0 : i32
      %dma_start3A_8 = arith.constant 0 : i32
      %dma_start3A_9 = tpu.memref_slice %arg2[%add3A, %dma_start3A, %dma_start3A_8] : memref<32x80x128xi32, #tpu.memory_space<hbm>> -> memref<1x80x128xi32, #tpu.memory_space<hbm>>
      %dma_start3A_10 = tpu.memref_squeeze %dma_start3A_9 : memref<1x80x128xi32, #tpu.memory_space<hbm>> -> memref<80x128xi32, #tpu.memory_space<hbm>>
      %dma_start3A_11 = arith.constant 0 : i32
      %dma_start3A_12 = arith.constant 0 : i32
      %dma_start3A_13 = tpu.memref_slice %arg2[%add3A, %dma_start3A_11, %dma_start3A_12] : memref<32x80x128xi32, #tpu.memory_space<hbm>> -> memref<1x80x128xi32, #tpu.memory_space<hbm>>
      %dma_start3A_14 = tpu.memref_squeeze %dma_start3A_13 : memref<1x80x128xi32, #tpu.memory_space<hbm>> -> memref<80x128xi32, #tpu.memory_space<hbm>>
      tpu.enqueue_dma source(%dma_start3A_14 : memref<80x128xi32, #tpu.memory_space<hbm>>) target(%arg6 : memref<80x128xi32, #tpu.memory_space<vmem>>) target_semaphore(%run_scoped3A : memref<!tpu.dma_semaphore, #tpu.memory_space<semaphore_mem>>)
      %dma_wait3A = arith.constant 0 : i32
      %dma_wait3A_15 = arith.constant 0 : i32
      %dma_wait3A_16 = tpu.memref_slice %arg2[%add3A, %dma_wait3A, %dma_wait3A_15] : memref<32x80x128xi32, #tpu.memory_space<hbm>> -> memref<1x80x128xi32, #tpu.memory_space<hbm>>
      %dma_wait3A_17 = tpu.memref_squeeze %dma_wait3A_16 : memref<1x80x128xi32, #tpu.memory_space<hbm>> -> memref<80x128xi32, #tpu.memory_space<hbm>>
      %dma_wait3A_18 = arith.constant 0 : i32
      %dma_wait3A_19 = arith.constant 0 : i32
      %dma_wait3A_20 = tpu.memref_slice %arg2[%add3A, %dma_wait3A_18, %dma_wait3A_19] : memref<32x80x128xi32, #tpu.memory_space<hbm>> -> memref<1x80x128xi32, #tpu.memory_space<hbm>>
      %dma_wait3A_21 = tpu.memref_squeeze %dma_wait3A_20 : memref<1x80x128xi32, #tpu.memory_space<hbm>> -> memref<80x128xi32, #tpu.memory_space<hbm>>
      tpu.wait_dma2 semaphore(%run_scoped3A : memref<!tpu.dma_semaphore, #tpu.memory_space<semaphore_mem>>) src(%dma_wait3A_21 : memref<80x128xi32, #tpu.memory_space<hbm>>) dst(%arg6 : memref<80x128xi32, #tpu.memory_space<vmem>>)
      tpu.yield
    }) : () -> ()
    "tpu.region"() ({
      %run_scoped3A = tpu.sem_alloc : memref<!tpu.dma_semaphore, #tpu.memory_space<semaphore_mem>>
      tpu.enqueue_dma source(%arg3 : memref<128x128xf32, #tpu.memory_space<hbm>>) target(%arg7 : memref<128x128xf32, #tpu.memory_space<vmem>>) target_semaphore(%run_scoped3A : memref<!tpu.dma_semaphore, #tpu.memory_space<semaphore_mem>>)
      tpu.wait_dma2 semaphore(%run_scoped3A : memref<!tpu.dma_semaphore, #tpu.memory_space<semaphore_mem>>) src(%arg3 : memref<128x128xf32, #tpu.memory_space<hbm>>) dst(%arg7 : memref<128x128xf32, #tpu.memory_space<vmem>>)
      tpu.yield
    }) : () -> ()
    %mul3A_1 = arith.constant 640 : i32
    %mul3A_2 = arith.muli %arg1, %mul3A_1 : i32
    "tpu.region"() ({
      %run_scoped3A = tpu.sem_alloc : memref<!tpu.dma_semaphore, #tpu.memory_space<semaphore_mem>>
      %dma_start3A = arith.constant 0 : i32
      %dma_start3A_8 = tpu.memref_slice %arg8[%mul3A_2, %dma_start3A] : memref<10240x128xf32, #tpu.memory_space<vmem_shared>> -> memref<640x128xf32, #tpu.memory_space<vmem_shared>>
      %dma_start3A_9 = arith.constant 0 : i32
      %dma_start3A_10 = tpu.memref_slice %arg4[%mul3A_2, %dma_start3A_9] : memref<10240x128xf32, #tpu.memory_space<hbm>> -> memref<640x128xf32, #tpu.memory_space<hbm>>
      tpu.enqueue_dma source(%dma_start3A_10 : memref<640x128xf32, #tpu.memory_space<hbm>>) target(%dma_start3A_8 : memref<640x128xf32, #tpu.memory_space<vmem_shared>>) target_semaphore(%run_scoped3A : memref<!tpu.dma_semaphore, #tpu.memory_space<semaphore_mem>>)
      %dma_wait3A = arith.constant 0 : i32
      %dma_wait3A_11 = tpu.memref_slice %arg8[%mul3A_2, %dma_wait3A] : memref<10240x128xf32, #tpu.memory_space<vmem_shared>> -> memref<640x128xf32, #tpu.memory_space<vmem_shared>>
      %dma_wait3A_12 = arith.constant 0 : i32
      %dma_wait3A_13 = tpu.memref_slice %arg4[%mul3A_2, %dma_wait3A_12] : memref<10240x128xf32, #tpu.memory_space<hbm>> -> memref<640x128xf32, #tpu.memory_space<hbm>>
      tpu.wait_dma2 semaphore(%run_scoped3A : memref<!tpu.dma_semaphore, #tpu.memory_space<semaphore_mem>>) src(%dma_wait3A_13 : memref<640x128xf32, #tpu.memory_space<hbm>>) dst(%dma_wait3A_11 : memref<640x128xf32, #tpu.memory_space<vmem_shared>>)
      tpu.yield
    }) : () -> ()
    %barrier3A = arith.constant 0 : index
    tpu.barrier barrier_id(%barrier3A)
    %scan3A = arith.constant 0 : i32
    %scan3A_3 = arith.constant 80 : i32
    %scan3A_4 = arith.addi %scan3A, %scan3A_3 : i32
    %scan3A_5 = arith.constant 1 : i32
    scf.for %scan3A_8 = %scan3A to %scan3A_4 step %scan3A_5  : i32 {
      "tpu.region"() ({
        %run_scoped3A = tpu.sem_alloc : memref<!tpu.dma_semaphore, #tpu.memory_space<semaphore_mem>>
        %dma_start3A = arith.constant 0 : i32
        %dma_start3A_9 = tpu.memref_slice %arg6[%scan3A_8, %dma_start3A] : memref<80x128xi32, #tpu.memory_space<vmem>> -> memref<1x128xi32, #tpu.memory_space<vmem>>
        %dma_start3A_10 = tpu.memref_squeeze %dma_start3A_9 : memref<1x128xi32, #tpu.memory_space<vmem>> -> memref<128xi32, #tpu.memory_space<vmem>>
        %dma_start3A_11 = arith.constant 0 : i32
        %dma_start3A_12 = arith.constant 0 : i32
        %dma_start3A_13 = tpu.memref_slice %arg8[%dma_start3A_11, %dma_start3A_12] : memref<10240x128xf32, #tpu.memory_space<vmem_shared>> -> memref<10240x128xf32, #tpu.memory_space<vmem_shared>>
        tpu.enqueue_indirect_dma source(%arg7 : memref<128x128xf32, #tpu.memory_space<vmem>>) target(%dma_start3A_13 : memref<10240x128xf32, #tpu.memory_space<vmem_shared>>) offsets(%dma_start3A_10 : memref<128xi32, #tpu.memory_space<vmem>>) semaphore(%run_scoped3A : memref<!tpu.dma_semaphore, #tpu.memory_space<semaphore_mem>>) {add = true}
        %dma_wait3A = arith.constant 0 : i32
        %dma_wait3A_14 = tpu.memref_slice %arg6[%scan3A_8, %dma_wait3A] : memref<80x128xi32, #tpu.memory_space<vmem>> -> memref<1x128xi32, #tpu.memory_space<vmem>>
        %dma_wait3A_15 = tpu.memref_squeeze %dma_wait3A_14 : memref<1x128xi32, #tpu.memory_space<vmem>> -> memref<128xi32, #tpu.memory_space<vmem>>
        %dma_wait3A_16 = arith.constant 0 : i32
        %dma_wait3A_17 = arith.constant 0 : i32
        %dma_wait3A_18 = tpu.memref_slice %arg8[%dma_wait3A_16, %dma_wait3A_17] : memref<10240x128xf32, #tpu.memory_space<vmem_shared>> -> memref<10240x128xf32, #tpu.memory_space<vmem_shared>>
        tpu.wait_indirect_dma semaphore(%run_scoped3A : memref<!tpu.dma_semaphore, #tpu.memory_space<semaphore_mem>>) src(%arg7 : memref<128x128xf32, #tpu.memory_space<vmem>>) dst(%dma_wait3A_18 : memref<10240x128xf32, #tpu.memory_space<vmem_shared>>)
        tpu.yield
      }) : () -> ()
    }
    %scan3A_6 = arith.constant 80 : i32
    %barrier3A_7 = arith.constant 0 : index
    tpu.barrier barrier_id(%barrier3A_7)
    "tpu.region"() ({
      %run_scoped3A = tpu.sem_alloc : memref<!tpu.dma_semaphore, #tpu.memory_space<semaphore_mem>>
      %dma_start3A = arith.constant 0 : i32
      %dma_start3A_8 = tpu.memref_slice %arg5[%arg0, %mul3A_2, %dma_start3A] : memref<2x10240x128xf32, #tpu.memory_space<hbm>> -> memref<1x640x128xf32, #tpu.memory_space<hbm>>
      %dma_start3A_9 = tpu.memref_squeeze %dma_start3A_8 : memref<1x640x128xf32, #tpu.memory_space<hbm>> -> memref<640x128xf32, #tpu.memory_space<hbm>>
      %dma_start3A_10 = arith.constant 0 : i32
      %dma_start3A_11 = tpu.memref_slice %arg8[%mul3A_2, %dma_start3A_10] : memref<10240x128xf32, #tpu.memory_space<vmem_shared>> -> memref<640x128xf32, #tpu.memory_space<vmem_shared>>
      tpu.enqueue_dma source(%dma_start3A_11 : memref<640x128xf32, #tpu.memory_space<vmem_shared>>) target(%dma_start3A_9 : memref<640x128xf32, #tpu.memory_space<hbm>>) target_semaphore(%run_scoped3A : memref<!tpu.dma_semaphore, #tpu.memory_space<semaphore_mem>>)
      %dma_wait3A = arith.constant 0 : i32
      %dma_wait3A_12 = tpu.memref_slice %arg5[%arg0, %mul3A_2, %dma_wait3A] : memref<2x10240x128xf32, #tpu.memory_space<hbm>> -> memref<1x640x128xf32, #tpu.memory_space<hbm>>
      %dma_wait3A_13 = tpu.memref_squeeze %dma_wait3A_12 : memref<1x640x128xf32, #tpu.memory_space<hbm>> -> memref<640x128xf32, #tpu.memory_space<hbm>>
      %dma_wait3A_14 = arith.constant 0 : i32
      %dma_wait3A_15 = tpu.memref_slice %arg8[%mul3A_2, %dma_wait3A_14] : memref<10240x128xf32, #tpu.memory_space<vmem_shared>> -> memref<640x128xf32, #tpu.memory_space<vmem_shared>>
      tpu.wait_dma2 semaphore(%run_scoped3A : memref<!tpu.dma_semaphore, #tpu.memory_space<semaphore_mem>>) src(%dma_wait3A_15 : memref<640x128xf32, #tpu.memory_space<vmem_shared>>) dst(%dma_wait3A_13 : memref<640x128xf32, #tpu.memory_space<hbm>>)
      tpu.yield
    }) : () -> ()
    return
  }
}

module attributes {stable_mosaic.version = 14 : i64} {
  func.func @_tc_a_body(%arg0: i32, %arg1: memref<1280x128xf32, #tpu.memory_space<vmem>>, %arg2: memref<128x128xf32, #tpu.memory_space<vmem>>, %arg3: memref<1280x1xf32, #tpu.memory_space<vmem>>, %arg4: memref<1280x128xf32, #tpu.memory_space<vmem>>) attributes {dimension_semantics = [#tpu.dimension_semantics<arbitrary>], iteration_bounds = array<i64: 8>, scalar_prefetch = 0 : i64, scratch_operands = 0 : i64, tpu.core_type = #tpu.core_type<tc>, window_params = [{transform_indices = @transform_0, window_bounds = array<i64: 1280, 128>}, {pipeline_mode = #tpu.pipeline_mode<synchronous>, transform_indices = @transform_1, window_bounds = array<i64: 128, 128>}, {transform_indices = @transform_2, window_bounds = array<i64: 1280, 1>}, {transform_indices = @transform_3, window_bounds = array<i64: 1280, 128>}]} {
    %get3A = arith.constant 0 : index
    %get3A_0 = arith.constant 0 : index
    %get3A_1 = vector.load %arg1[%get3A, %get3A_0] : memref<1280x128xf32, #tpu.memory_space<vmem>>, vector<1280x128xf32>
    %get3A_2 = arith.constant 0 : index
    %get3A_3 = arith.constant 0 : index
    %get3A_4 = vector.load %arg2[%get3A_2, %get3A_3] : memref<128x128xf32, #tpu.memory_space<vmem>>, vector<128x128xf32>
    %dot_general3A = arith.constant dense<0.000000e+00> : vector<1280x128xf32>
    %dot_general3A_5 = tpu.matmul %get3A_1, %get3A_4, %dot_general3A {dimension_numbers = #tpu.dot_dimension_numbers<[1], [0], [0], [1], [0, 0, 1, 1], [], []>, transpose_lhs_hint = false} : vector<1280x128xf32>, vector<128x128xf32>, vector<1280x128xf32> -> vector<1280x128xf32>
    %get3A_6 = arith.constant 0 : index
    %get3A_7 = arith.constant 0 : index
    %get3A_8 = vector.load %arg3[%get3A_6, %get3A_7] : memref<1280x1xf32, #tpu.memory_space<vmem>>, vector<1280x1xf32>
    %add3A = arith.constant 1.000000e+00 : f32
    %add3A_9 = vector.broadcast %add3A : f32 to vector<1280x1xf32>
    %add3A_10 = arith.addf %get3A_8, %add3A_9 : vector<1280x1xf32>
    %rsqrt3A = math.rsqrt %add3A_10 : vector<1280x1xf32>
    %mul3A = vector.broadcast %rsqrt3A : vector<1280x1xf32> to vector<1280x128xf32>
    %mul3A_11 = arith.mulf %dot_general3A_5, %mul3A : vector<1280x128xf32>
    %swap3A = arith.constant 0 : index
    %swap3A_12 = arith.constant 0 : index
    %swap3A_13 = vector.load %arg4[%swap3A, %swap3A_12] : memref<1280x128xf32, #tpu.memory_space<vmem>>, vector<1280x128xf32>
    tpu.vector_store %arg4[%swap3A, %swap3A_12], %mul3A_11 {strides = array<i32>} : memref<1280x128xf32, #tpu.memory_space<vmem>>, vector<1280x128xf32>,
    return
  }
  func.func @transform_0(%arg0: i32) -> (i32, i32) {
    %c0_i32 = arith.constant 0 : i32
    %c0_i32_0 = arith.constant 0 : i32
    return %arg0, %c0_i32 : i32, i32
  }
  func.func @transform_1(%arg0: i32) -> (i32, i32) {
    %c0_i32 = arith.constant 0 : i32
    %c0_i32_0 = arith.constant 0 : i32
    %c0_i32_1 = arith.constant 0 : i32
    return %c0_i32, %c0_i32_0 : i32, i32
  }
  func.func @transform_2(%arg0: i32) -> (i32, i32) {
    %c0_i32 = arith.constant 0 : i32
    %c0_i32_0 = arith.constant 0 : i32
    return %arg0, %c0_i32 : i32, i32
  }
  func.func @transform_3(%arg0: i32) -> (i32, i32) {
    %c0_i32 = arith.constant 0 : i32
    %c0_i32_0 = arith.constant 0 : i32
    return %arg0, %c0_i32 : i32, i32
  }
}

module attributes {stable_mosaic.version = 14 : i64} {
  func.func @_tc_b_body(%arg0: i32, %arg1: memref<2x1280x128xf32, #tpu.memory_space<vmem>>, %arg2: memref<1280x128xf32, #tpu.memory_space<vmem>>, %arg3: memref<1x128xf32, #tpu.memory_space<vmem>>, %arg4: memref<128x128xf32, #tpu.memory_space<vmem>>, %arg5: memref<1280x1xf32, #tpu.memory_space<vmem>>, %arg6: memref<1280x128xf32, #tpu.memory_space<vmem>>) attributes {dimension_semantics = [#tpu.dimension_semantics<arbitrary>], iteration_bounds = array<i64: 8>, scalar_prefetch = 0 : i64, scratch_operands = 0 : i64, tpu.core_type = #tpu.core_type<tc>, window_params = [{transform_indices = @transform_0, window_bounds = array<i64: 2, 1280, 128>}, {transform_indices = @transform_1, window_bounds = array<i64: 1280, 128>}, {pipeline_mode = #tpu.pipeline_mode<synchronous>, transform_indices = @transform_2, window_bounds = array<i64: 1, 128>}, {pipeline_mode = #tpu.pipeline_mode<synchronous>, transform_indices = @transform_3, window_bounds = array<i64: 128, 128>}, {transform_indices = @transform_4, window_bounds = array<i64: 1280, 1>}, {transform_indices = @transform_5, window_bounds = array<i64: 1280, 128>}]} {
    %get3A = arith.constant 0 : index
    %get3A_0 = arith.constant 0 : index
    %get3A_1 = vector.load %arg5[%get3A, %get3A_0] : memref<1280x1xf32, #tpu.memory_space<vmem>>, vector<1280x1xf32>
    %add3A = arith.constant 1.000000e+00 : f32
    %add3A_2 = vector.broadcast %add3A : f32 to vector<1280x1xf32>
    %add3A_3 = arith.addf %get3A_1, %add3A_2 : vector<1280x1xf32>
    %rsqrt3A = math.rsqrt %add3A_3 : vector<1280x1xf32>
    %get3A_4 = arith.constant 0 : index
    %get3A_5 = arith.constant 0 : index
    %get3A_6 = arith.constant 0 : index
    %get3A_7 = vector.load %arg1[%get3A_4, %get3A_5, %get3A_6] : memref<2x1280x128xf32, #tpu.memory_space<vmem>>, vector<1x1280x128xf32>
    %get3A_8 = vector.shape_cast %get3A_7 : vector<1x1280x128xf32> to vector<1280x128xf32>
    %get3A_9 = arith.constant 1 : index
    %get3A_10 = arith.constant 0 : index
    %get3A_11 = arith.constant 0 : index
    %get3A_12 = vector.load %arg1[%get3A_9, %get3A_10, %get3A_11] : memref<2x1280x128xf32, #tpu.memory_space<vmem>>, vector<1x1280x128xf32>
    %get3A_13 = vector.shape_cast %get3A_12 : vector<1x1280x128xf32> to vector<1280x128xf32>
    %add3A_14 = arith.addf %get3A_8, %get3A_13 : vector<1280x128xf32>
    %get3A_15 = arith.constant 0 : index
    %get3A_16 = arith.constant 0 : index
    %get3A_17 = vector.load %arg2[%get3A_15, %get3A_16] : memref<1280x128xf32, #tpu.memory_space<vmem>>, vector<1280x128xf32>
    %add3A_18 = arith.addf %add3A_14, %get3A_17 : vector<1280x128xf32>
    %mul3A = vector.broadcast %rsqrt3A : vector<1280x1xf32> to vector<1280x128xf32>
    %mul3A_19 = arith.mulf %add3A_18, %mul3A : vector<1280x128xf32>
    %get3A_20 = arith.constant 0 : index
    %get3A_21 = arith.constant 0 : index
    %get3A_22 = vector.load %arg3[%get3A_20, %get3A_21] : memref<1x128xf32, #tpu.memory_space<vmem>>, vector<1x128xf32>
    %add3A_23 = vector.broadcast %get3A_22 : vector<1x128xf32> to vector<1280x128xf32>
    %add3A_24 = arith.addf %mul3A_19, %add3A_23 : vector<1280x128xf32>
    %mul3A_25 = arith.mulf %add3A_24, %add3A_24 : vector<1280x128xf32>
    %reduce_sum3A = arith.constant dense<0.000000e+00> : vector<1280xf32>
    %reduce_sum3A_26 = vector.multi_reduction <add>, %mul3A_25, %reduce_sum3A [1] : vector<1280x128xf32> to vector<1280xf32>
    %broadcast_in_dim3A = vector.shape_cast %reduce_sum3A_26 : vector<1280xf32> to vector<1280x1xf32>
    %sqrt3A = math.sqrt %broadcast_in_dim3A : vector<1280x1xf32>
    %max3A = arith.constant 9.99999996E-13 : f32
    %max3A_27 = vector.broadcast %max3A : f32 to vector<1280x1xf32>
    %max3A_28 = arith.maximumf %sqrt3A, %max3A_27 : vector<1280x1xf32>
    %div3A = vector.broadcast %max3A_28 : vector<1280x1xf32> to vector<1280x128xf32>
    %div3A_29 = arith.divf %add3A_24, %div3A : vector<1280x128xf32>
    %get3A_30 = arith.constant 0 : index
    %get3A_31 = arith.constant 0 : index
    %get3A_32 = vector.load %arg4[%get3A_30, %get3A_31] : memref<128x128xf32, #tpu.memory_space<vmem>>, vector<128x128xf32>
    %dot_general3A = arith.constant dense<0.000000e+00> : vector<1280x128xf32>
    %dot_general3A_33 = tpu.matmul %div3A_29, %get3A_32, %dot_general3A {dimension_numbers = #tpu.dot_dimension_numbers<[1], [0], [0], [1], [0, 0, 1, 1], [], []>, transpose_lhs_hint = false} : vector<1280x128xf32>, vector<128x128xf32>, vector<1280x128xf32> -> vector<1280x128xf32>
    %mul3A_34 = vector.broadcast %rsqrt3A : vector<1280x1xf32> to vector<1280x128xf32>
    %mul3A_35 = arith.mulf %dot_general3A_33, %mul3A_34 : vector<1280x128xf32>
    %swap3A = arith.constant 0 : index
    %swap3A_36 = arith.constant 0 : index
    %swap3A_37 = vector.load %arg6[%swap3A, %swap3A_36] : memref<1280x128xf32, #tpu.memory_space<vmem>>, vector<1280x128xf32>
    tpu.vector_store %arg6[%swap3A, %swap3A_36], %mul3A_35 {strides = array<i32>} : memref<1280x128xf32, #tpu.memory_space<vmem>>, vector<1280x128xf32>,
    return
  }
  func.func @transform_0(%arg0: i32) -> (i32, i32, i32) {
    %c0_i32 = arith.constant 0 : i32
    %c0_i32_0 = arith.constant 0 : i32
    %c0_i32_1 = arith.constant 0 : i32
    return %c0_i32, %arg0, %c0_i32_0 : i32, i32, i32
  }
  func.func @transform_1(%arg0: i32) -> (i32, i32) {
    %c0_i32 = arith.constant 0 : i32
    %c0_i32_0 = arith.constant 0 : i32
    return %arg0, %c0_i32 : i32, i32
  }
  func.func @transform_2(%arg0: i32) -> (i32, i32) {
    %c0_i32 = arith.constant 0 : i32
    %c0_i32_0 = arith.constant 0 : i32
    %c0_i32_1 = arith.constant 0 : i32
    return %c0_i32, %c0_i32_0 : i32, i32
  }
  func.func @transform_3(%arg0: i32) -> (i32, i32) {
    %c0_i32 = arith.constant 0 : i32
    %c0_i32_0 = arith.constant 0 : i32
    %c0_i32_1 = arith.constant 0 : i32
    return %c0_i32, %c0_i32_0 : i32, i32
  }
  func.func @transform_4(%arg0: i32) -> (i32, i32) {
    %c0_i32 = arith.constant 0 : i32
    %c0_i32_0 = arith.constant 0 : i32
    return %arg0, %c0_i32 : i32, i32
  }
  func.func @transform_5(%arg0: i32) -> (i32, i32) {
    %c0_i32 = arith.constant 0 : i32
    %c0_i32_0 = arith.constant 0 : i32
    return %arg0, %c0_i32 : i32, i32
  }
}

module attributes {stable_mosaic.version = 14 : i64} {
  func.func @_tc_c_body(%arg0: i32, %arg1: memref<2x1280x128xf32, #tpu.memory_space<vmem>>, %arg2: memref<1280x128xf32, #tpu.memory_space<vmem>>, %arg3: memref<1x128xf32, #tpu.memory_space<vmem>>, %arg4: memref<1280x128xf32, #tpu.memory_space<vmem>>, %arg5: memref<1280x1xf32, #tpu.memory_space<vmem>>, %arg6: memref<1280x128xf32, #tpu.memory_space<vmem>>) attributes {dimension_semantics = [#tpu.dimension_semantics<arbitrary>], iteration_bounds = array<i64: 8>, scalar_prefetch = 0 : i64, scratch_operands = 0 : i64, tpu.core_type = #tpu.core_type<tc>, window_params = [{transform_indices = @transform_0, window_bounds = array<i64: 2, 1280, 128>}, {transform_indices = @transform_1, window_bounds = array<i64: 1280, 128>}, {pipeline_mode = #tpu.pipeline_mode<synchronous>, transform_indices = @transform_2, window_bounds = array<i64: 1, 128>}, {transform_indices = @transform_3, window_bounds = array<i64: 1280, 128>}, {transform_indices = @transform_4, window_bounds = array<i64: 1280, 1>}, {transform_indices = @transform_5, window_bounds = array<i64: 1280, 128>}]} {
    %get3A = arith.constant 0 : index
    %get3A_0 = arith.constant 0 : index
    %get3A_1 = vector.load %arg5[%get3A, %get3A_0] : memref<1280x1xf32, #tpu.memory_space<vmem>>, vector<1280x1xf32>
    %add3A = arith.constant 1.000000e+00 : f32
    %add3A_2 = vector.broadcast %add3A : f32 to vector<1280x1xf32>
    %add3A_3 = arith.addf %get3A_1, %add3A_2 : vector<1280x1xf32>
    %rsqrt3A = math.rsqrt %add3A_3 : vector<1280x1xf32>
    %get3A_4 = arith.constant 0 : index
    %get3A_5 = arith.constant 0 : index
    %get3A_6 = arith.constant 0 : index
    %get3A_7 = vector.load %arg1[%get3A_4, %get3A_5, %get3A_6] : memref<2x1280x128xf32, #tpu.memory_space<vmem>>, vector<1x1280x128xf32>
    %get3A_8 = vector.shape_cast %get3A_7 : vector<1x1280x128xf32> to vector<1280x128xf32>
    %get3A_9 = arith.constant 1 : index
    %get3A_10 = arith.constant 0 : index
    %get3A_11 = arith.constant 0 : index
    %get3A_12 = vector.load %arg1[%get3A_9, %get3A_10, %get3A_11] : memref<2x1280x128xf32, #tpu.memory_space<vmem>>, vector<1x1280x128xf32>
    %get3A_13 = vector.shape_cast %get3A_12 : vector<1x1280x128xf32> to vector<1280x128xf32>
    %add3A_14 = arith.addf %get3A_8, %get3A_13 : vector<1280x128xf32>
    %get3A_15 = arith.constant 0 : index
    %get3A_16 = arith.constant 0 : index
    %get3A_17 = vector.load %arg2[%get3A_15, %get3A_16] : memref<1280x128xf32, #tpu.memory_space<vmem>>, vector<1280x128xf32>
    %add3A_18 = arith.addf %add3A_14, %get3A_17 : vector<1280x128xf32>
    %mul3A = vector.broadcast %rsqrt3A : vector<1280x1xf32> to vector<1280x128xf32>
    %mul3A_19 = arith.mulf %add3A_18, %mul3A : vector<1280x128xf32>
    %get3A_20 = arith.constant 0 : index
    %get3A_21 = arith.constant 0 : index
    %get3A_22 = vector.load %arg3[%get3A_20, %get3A_21] : memref<1x128xf32, #tpu.memory_space<vmem>>, vector<1x128xf32>
    %add3A_23 = vector.broadcast %get3A_22 : vector<1x128xf32> to vector<1280x128xf32>
    %add3A_24 = arith.addf %mul3A_19, %add3A_23 : vector<1280x128xf32>
    %get3A_25 = arith.constant 0 : index
    %get3A_26 = arith.constant 0 : index
    %get3A_27 = vector.load %arg4[%get3A_25, %get3A_26] : memref<1280x128xf32, #tpu.memory_space<vmem>>, vector<1280x128xf32>
    %add3A_28 = arith.addf %add3A_24, %get3A_27 : vector<1280x128xf32>
    %swap3A = arith.constant 0 : index
    %swap3A_29 = arith.constant 0 : index
    %swap3A_30 = vector.load %arg6[%swap3A, %swap3A_29] : memref<1280x128xf32, #tpu.memory_space<vmem>>, vector<1280x128xf32>
    tpu.vector_store %arg6[%swap3A, %swap3A_29], %add3A_28 {strides = array<i32>} : memref<1280x128xf32, #tpu.memory_space<vmem>>, vector<1280x128xf32>,
    return
  }
  func.func @transform_0(%arg0: i32) -> (i32, i32, i32) {
    %c0_i32 = arith.constant 0 : i32
    %c0_i32_0 = arith.constant 0 : i32
    %c0_i32_1 = arith.constant 0 : i32
    return %c0_i32, %arg0, %c0_i32_0 : i32, i32, i32
  }
  func.func @transform_1(%arg0: i32) -> (i32, i32) {
    %c0_i32 = arith.constant 0 : i32
    %c0_i32_0 = arith.constant 0 : i32
    return %arg0, %c0_i32 : i32, i32
  }
  func.func @transform_2(%arg0: i32) -> (i32, i32) {
    %c0_i32 = arith.constant 0 : i32
    %c0_i32_0 = arith.constant 0 : i32
    %c0_i32_1 = arith.constant 0 : i32
    return %c0_i32, %c0_i32_0 : i32, i32
  }
  func.func @transform_3(%arg0: i32) -> (i32, i32) {
    %c0_i32 = arith.constant 0 : i32
    %c0_i32_0 = arith.constant 0 : i32
    return %arg0, %c0_i32 : i32, i32
  }
  func.func @transform_4(%arg0: i32) -> (i32, i32) {
    %c0_i32 = arith.constant 0 : i32
    %c0_i32_0 = arith.constant 0 : i32
    return %arg0, %c0_i32 : i32, i32
  }
  func.func @transform_5(%arg0: i32) -> (i32, i32) {
    %c0_i32 = arith.constant 0 : i32
    %c0_i32_0 = arith.constant 0 : i32
    return %arg0, %c0_i32 : i32, i32
  }
}

</mosaic_0001>

<sc_bundles>
// kernel: kernel.11.cloned.1.call-start
scs
__scs_entry_jumppad:
0x0: {  	(pc) =	sbr.rel $0x88, $3  }
0x1: {  	(tag) =	ssettag $0x0;
	lr =	simm.s32 $0x1  }
0x2: {  	[smem:$0x3F9B] =	sst lr;
	_ =	strace $0xD0000000  }
0x3: {  	_ = 	snop  }
0x4: {  	_ = 	snop  }
0x5: {  	_ = 	snop  }
0x6: {  	_ = 	snop  }
0x7: {  	_ = 	snop  }
__scs_overlays_trampoline_lowered:
0x8: {  	[smem:$0x3FAA] =	sst s0  }
0x9: {  	[smem:$0x3FAB] =	sst s1  }
0xa: {  	[smem:$0x3FAC] =	sst s2  }
0xb: {  	[smem:$0x3FAD] =	sst s3  }
0xc: {  	[smem:$0x3FAE] =	sst s4  }
0xd: {  	[smem:$0x3FAF] =	sst s5  }
0xe: {  	[smem:$0x3FB0] =	sst s6  }
0xf: {  	[smem:$0x3FB1] =	sst s7  }
0x10: {  	[smem:$0x3FB2] =	sst s8  }
0x11: {  	[smem:$0x3FB3] =	sst s9;
	s0 =	simm.s32 @!p0 $0x0  }
0x12: {  	s1 =	sld [smem:$0x3F99];
	s0 =	simm.s32 @p0 $0x1  }
0x13: {  	[smem:$0x3FB4] =	sst s0;
	s0 =	simm.s32 @!p1 $0x0  }
0x14: {  	s2 =	sld [smem:$0x3F98];
	s0 =	simm.s32 @p1 $0x1  }
0x15: {  	[smem:$0x3FB5] =	sst s0;
	s0 =	simm.s32 @!p2 $0x0  }
0x16: {  	s3 =	sld [smem:$0x3FDB];
	s0 =	simm.s32 @p2 $0x1  }
0x17: {  	s4 =	simm.s32 $0x1BF5;
	[smem:$0x3FB7] =	sst s0  }
0x18: {  	s0 =	sld [smem:$0x3F9A];
	_ =	swait.ge [sflag:s4], $0x0  }
0x19: {  	s7 =	sld [smem:$0x3F9B]  }
0x1a: {  	s8 =	sadd.s32 $0xFFFFE003, lr  }
0x1b: {  	s9 =	sadd.s32 $0xFFFFFEF7, lr;
	s5 =	simm.s32 $0xFFFFFFFF;
	p2 =	slt.u32 s8, $0xFFFFF086  }
0x1c: {  	p1 =	slt.u32 s9, $0xF7A;
	s5 =	simm.s32 @!p2 $0x0  }
0x1d: {  	s5 =	simm.s32 @p1 $0x1;
	p0 =	seq.s32 s7, s2  }
0x1e: {  	s7 =	smul.u32 @!p0 $0xF7A, s2;
	p2 =	seq.s32 @!p0 s5, $0x0  }
0x1f: {  	s9 =	smul.u32 $0xF7A, s1;
	s8 =	simm.s32 @!p0 $0x1BF5;
	p2 =	por !p2, p0  }
0x20: {  	[sflag:s8] =	ssyncset.s32 @!p0 $0xFFFFF086;
	s6 =	sadd.s32 @!p0 s3, s7;
	s7 =	simm.s32 @!p0 $0x108  }
0x21: {  	s3 =	sadd.s32 s3, s9;
	s6 =	sadd.s32 @!p0 $0x88, s6;
	s7 =	simm.s32 @p2 $0x1082  }
0x22: {  	[simem:s7], [sflag:s8] =	dma.local @!p0 [hbm:s6], $0xF7A  }
0x23: {  	s9 =	sor.u32 $0xD0000000, s2;
	s6 =	simm.s32 $0x108;
	_ =	swait.ge @!p0 [sflag:s8], $0x0  }
0x24: {  	s3 =	sadd.s32 $0x88, s3;
	s6 =	simm.s32 @!p1 $0x1082;
	[sflag:s4] =	ssyncset.s32 $0xFFFFF086  }
0x25: {  	[simem:s6], [sflag:s4] =	dma.local [hbm:s3], $0xF7A  }
0x26: {  	[smem:$0x3F9B] =	sst s1;
	(tag) =	ssettag s2;
	_ =	strace s9  }
0x27: {  	s1 =	sld [smem:$0x3FAB]  }
0x28: {  	s2 =	sld [smem:$0x3FAC]  }
0x29: {  	s4 =	sld [smem:$0x3FAE]  }
0x2a: {  	p0 =	seq.s32 s5, $0x0;
	s5 =	sld [smem:$0x3FAF]  }
0x2b: {  	s6 =	sld [smem:$0x3FB0]  }
0x2c: {  	s7 =	sld [smem:$0x3FB1]  }
0x2d: {  	s3 =	simm.s32 $0x108;
	s8 =	sld [smem:$0x3FB2]  }
0x2e: {  	s3 =	simm.s32 @!p0 $0x1082;
	s9 =	sld [smem:$0x3FB3]  }
0x2f: {  	lr =	sadd.s32 s0, s3;
	s0 =	sld [smem:$0x3FAA]  }
0x30: {  	s3 =	sld [smem:$0x3FAD]  }
0x31: {  	[smem:$0x3FB6] =	sst s10  }
0x32: {  	s10 =	sld [smem:$0x3FB4];
	_ =	sdelay $0x3  }
0x33: {  	p0 =	seq.s32 s10, $0x1;
	s10 =	sld [smem:$0x3FB6];
	_ =	sdelay $0x3  }
0x34: {  	[smem:$0x3FB6] =	sst s10  }
0x35: {  	s10 =	sld [smem:$0x3FB5];
	_ =	sdelay $0x3  }
0x36: {  	p1 =	seq.s32 s10, $0x1;
	s10 =	sld [smem:$0x3FB6];
	_ =	sdelay $0x3  }
0x37: {  	[smem:$0x3FB6] =	sst s10  }
0x38: {  	s10 =	sld [smem:$0x3FB7]  }
0x39: {  	_ = 	snop;
	(pc) =	sbr.ind lr, $3  }
0x3a: {  	_ = 	snop  }
0x3b: {  	_ = 	snop  }
0x3c: {  	p2 =	seq.s32 s10, $0x1;
	s10 =	sld [smem:$0x3FB6]  }
0x3d: {  	_ =	shalt  }
0x3e: {  	_ =	shalt  }
0x3f: {  	_ =	shalt  }
0x40: {  	_ =	shalt  }
0x41: {  	_ =	shalt  }
0x42: {  	_ =	shalt  }
0x43: {  	_ =	shalt  }
0x44: {  	_ =	shalt  }
0x45: {  	_ =	shalt  }
0x46: {  	_ =	shalt  }
0x47: {  	_ =	shalt  }
0x48: {  	_ =	shalt  }
0x49: {  	_ =	shalt  }
0x4a: {  	_ =	shalt  }
0x4b: {  	_ =	shalt  }
0x4c: {  	_ =	shalt  }
0x4d: {  	_ =	shalt  }
0x4e: {  	_ =	shalt  }
0x4f: {  	_ =	shalt  }
0x50: {  	_ =	shalt  }
0x51: {  	_ =	shalt  }
0x52: {  	_ =	shalt  }
0x53: {  	_ =	shalt  }
0x54: {  	_ =	shalt  }
0x55: {  	_ =	shalt  }
0x56: {  	_ =	shalt  }
0x57: {  	_ =	shalt  }
0x58: {  	_ =	shalt  }
0x59: {  	_ =	shalt  }
0x5a: {  	_ =	shalt  }
0x5b: {  	_ =	shalt  }
0x5c: {  	_ =	shalt  }
0x5d: {  	_ =	shalt  }
0x5e: {  	_ =	shalt  }
0x5f: {  	_ =	shalt  }
0x60: {  	_ =	shalt  }
0x61: {  	_ =	shalt  }
0x62: {  	_ =	shalt  }
0x63: {  	_ =	shalt  }
0x64: {  	_ =	shalt  }
0x65: {  	_ =	shalt  }
0x66: {  	_ =	shalt  }
0x67: {  	_ =	shalt  }
0x68: {  	_ =	shalt  }
0x69: {  	_ =	shalt  }
0x6a: {  	_ =	shalt  }
0x6b: {  	_ =	shalt  }
0x6c: {  	_ =	shalt  }
0x6d: {  	_ =	shalt  }
0x6e: {  	_ =	shalt  }
0x6f: {  	_ =	shalt  }
0x70: {  	_ =	shalt  }
0x71: {  	_ =	shalt  }
0x72: {  	_ =	shalt  }
0x73: {  	_ =	shalt  }
0x74: {  	_ =	shalt  }
0x75: {  	_ =	shalt  }
0x76: {  	_ =	shalt  }
0x77: {  	_ =	shalt  }
0x78: {  	_ =	shalt  }
0x79: {  	_ =	shalt  }
0x7a: {  	_ =	shalt  }
0x7b: {  	_ =	shalt  }
0x7c: {  	_ =	shalt  }
0x7d: {  	_ =	shalt  }
0x7e: {  	_ =	shalt  }
0x7f: {  	_ =	shalt  }
0x80: {  	_ =	shalt  }
0x81: {  	_ =	shalt  }
0x82: {  	_ =	shalt  }
0x83: {  	_ =	shalt  }
0x84: {  	_ =	shalt  }
0x85: {  	_ =	shalt  }
0x86: {  	_ =	shalt  }
0x87: {  	_ =	shalt  }
.Lfunc_end0:
.L_simem_size_0:
called_computation.1_lowered:
.L_overlay_start_0:
0x88: {  	s2 =	sld [smem:$0x3FD9]  }
0x89: {  	s3 =	sld [smem:$0x3FFE];
	_ =	sdelay $0x1  }
0x8a: {  	s1 =	srdreg.scid  }
0x8b: {  	s0 =	sand.u32 $0x1, s1  }
0x8c: {  	s17 =	sshll.u32 s0, $0xA;
	s2 =	sadd.s32 s3, s2  }
0x8d: {  	s2 =	sadd.s32 s2, s17  }
0x8e: {  	[smem:$0x3FC2] =	sst s2  }
0x8f: {  	_ = 	snop  }
0x90: {  	s2 =	sld [smem:$0x3FD0];
	(tm) =	ssettm $0x1  }
0x91: {  	s18 =	sld [smem:$0x3FFB];
	_ =	sdelay $0x3  }
0x92: {  	_ =	strace s18  }
0x93: {  	s3 =	sld [smem:$0x3FFC];
	_ =	sdelay $0x3  }
0x94: {  	_ =	strace s3  }
0x95: {  	s3 =	sld [smem:$0x3FFD];
	_ =	sdelay $0x3  }
0x96: {  	_ =	strace s3  }
0x97: {  	_ =	strace $0x8FFFFFFF  }
0x98: {  	s19 =	sld [smem:$0x3FDB];
	_ =	sdelay $0x1  }
0x99: {  	s4 =	simm.s32 $_scs_section_size  }
0x9a: {  	s5 =	simm.s32 $_size__tile_overlayer_lowered;
	s6 =	simm.s32 $_tile_overlayer_lowered  }
0x9b: {  	s22 =	simm.s32 $0x1BFF;
	s21 =	sshll.u32 s6, $0x1;
	s3 =	sadd.s32 s4, s19  }
0x9c: {  	s7 =	simm.s32 $0x0;
	s20 =	sshll.u32 s5, $0x1;
	s5 =	sadd.s32 s21, s3  }
0x9d: {  	[timem:s7], [sflag:s22] =	dma.local [hbm:s5], s20  }
0x9e: {  	_ =	swait.ge [sflag:s22], s20  }
0x9f: {  	s4 =	ssub.s32 $0x0, s20;
	[sflag:s22] =	ssyncset.done $0x0  }
0xa0: {  	[sflag:s22] =	ssyncadd.s32 s4;
	_ =	sdelay $0x1  }
0xa1: {  	s23 =	simm.s32 $0x1B8B  }
0xa2: {  	_ =	swait.ge [sflag:s23], $0x1  }
0xa3: {  	[sflag:s23] =	ssyncset.done $0x0  }
0xa4: {  	s25 =	simm.s32 $0x1B8E;
	s24 =	sld [smem:$0x3FFE];
	[sflag:s23] =	ssyncadd.s32 $0xFFFFFFFF  }
0xa5: {  	s26 =	simm.s32 $execute0_lowered;
	[smem:$0x3FD2] =	sst s25  }
0xa6: {  	s5 =	sshll.u32 s26, $0x1;
	_ =	strace $0x80000049;
	[dreg:$0x1] =	wrdreg $0xFFFFFFFF  }
0xa7: {  	s28 =	simm.s32 $_size_execute0_lowered;
	s3 =	sadd.s32 s3, s5;
	[dreg:$0x0] =	wrdreg $0x0  }
0xa8: {  	s5 =	sshll.u32 s28, $0x1;
	[dreg:$0x2] =	wrdreg s3  }
0xa9: {  	[dreg:$0x3] =	wrdreg s5  }
0xaa: {  	[dreg:$0x4] =	wrdreg $0xC0  }
0xab: {  	_ =	task [dreg:s7], $0x5FFFF  }
0xac: {  	[dreg:$0x1] =	wrdreg $0xFFFFFFFF  }
0xad: {  	[dreg:$0x0] =	wrdreg $0x60  }
0xae: {  	[dreg:$0x2] =	wrdreg s24  }
0xaf: {  	[dreg:$0x3] =	wrdreg s2  }
0xb0: {  	[dreg:$0x4] =	wrdreg $0xBC000  }
0xb1: {  	[dreg:$0x5] =	wrdreg $0x9  }
0xb2: {  	_ =	task.clear_ibuf [dreg:s7], $0x6FFFF;
	_ =	strace $0x90000049  }
0xb3: {  	s29 =	simm.s32 $0x9;
	_ =	strace $0x8000004B  }
0xb4: {  	_ =	swait.ge [sflag:s29], $0x1  }
0xb5: {  	[sflag:s29] =	ssyncadd.s32 $0xFFFFFFFF  }
0xb6: {  	_ =	strace $0x9000004B  }
0xb7: {  	_ =	sfence  }
0xb8: {  	s30 =	sld [smem:$0x0];
	_ =	sdelay $0x2  }
0xb9: {  	s31 =	sshll.u32 s1, $0xD;
	s1 =	sshrl.u32 s1, $0x2  }
0xba: {  	s3 =	sand.u32 $0x4000, s31;
	s1 =	sadd.s32 s1, s30  }
0xbb: {  	s0 =	sor.u32 s3, s0;
	s1 =	sshll.u32 s1, $0x11  }
0xbc: {  	s0 =	sor.u32 s1, s0  }
0xbd: {  	s0 =	sadd.s32 $0x8F2B, s0  }
0xbe: {  	[sflag:s0] =	ssyncadd.remote.s32 $0x1  }
0xbf: {  	_ =	sfence.sel $0xFFFF  }
0xc0: {  	[dreg:$0x0] =	wrdreg $0xFFFFFFFF;
	(pc) =	sbr.abs _section_cstart, $3  }
0xc1: {  	[dreg:$0x1] =	wrdreg $0xFFFFFFFF  }
0xc2: {  	_ =	task.clear_ibuf [dreg:s7], $0x2FFFF;
	_ =	strace $0x9FFFFFFF  }
0xc3: {  	(tm) =	ssettm $0x7FFFFFFF  }
tec
execute0_lowered:
.L_overlay_start_1:
0x0: {  	(tag) =	ssettag $0x1  }
0x1: {  	s0 =	srdreg.scid;
	s1 =	rddreg [dreg:$0x0]  }
0x2: {  	s12 =	stileid.u32;
	s6 =	rddreg [dreg:$0x1];
	s3 =	simm.s32 $0x0  }
0x3: {  	s13 =	simm.s32 $0x5;
	s16 =	simm.s32 $0x40;
	s17 =	simm.s32 $0x3C00  }
0x4: {  	s18 =	simm.s32 $0x5C00;
	s20 =	simm.s32 $0x7C00;
	s22 =	simm.s32 $0x9C00  }
0x5: {  	s23 =	simm.s32 $0x2800;
	s24 =	simm.s32 $0x1;
	s28 =	simm.s32 $0x4  }
0x6: {  	s0 =	sand.u32 $0x1, s0;
	s2 =	sshll.u32 s12, $0x1;
	s8 =	smul.u32 $0x14000, s12  }
0x7: {  	[smem:$0x7FF] =	sst s3;
	s4 =	sadd.s32 $0x34C00, s1;
	s25 =	smul.u32 $0x50000, s12  }
0x8: {  	s31 =	sshll.u32 s12, $0x6;
	s5 =	sor.u32 s0, s2;
	s2 =	rddreg [dreg:$0x2]  }
0x9: {  	s9 =	smul.u32 $0x140000, s0;
	_ =	strace $0x8000004A;
	s0 =	ssub.s32 $0x2, s0  }
0xa: {  	s14 =	sor.u32 $0x1C05, s31;
	s7 =	smul.u32 $0x500, s5;
	s10 =	sshrl.u32 s8, $0x3  }
0xb: {  	s5 =	smul.u32 $0x5000, s5;
	s26 =	sshrl.u32 s0, $0x1;
	s29 =	sshrl.u32 s25, $0x2  }
0xc: {  	s25 =	simm.s32 $0x2;
	s8 =	sadd.s32 s8, s9;
	s10 =	sadd.s32 s10, s1  }
0xd: {  	s0 =	ssub.s32 s0, s26;
	s15 =	sadd.s32 s29, s2;
	s26 =	simm.s32 $0x3  }
0xe: {  	s7 =	sadd.s32 s7, s1;
	s8 =	sshrl.u32 s8, $0x3;
	s30 =	sshrl.u32 s5, $0x3  }
0xf: {  	s12 =	smax.u32 s0, $0x1;
	s15 =	sshrl.u32 s15, $0x3;
	s0 =	simm.s32 $0x0  }
0x10: {  	s1 =	sadd.s32 s8, s1;
	s5 =	sadd.s32 $0x84C00, s7;
	s6 =	sadd.s32 s6, s30  }
0x11: {  	s7 =	sadd.s32 $0xCC00, s10;
	s8 =	sadd.s32 $0x280, s6;
	s9 =	sadd.s32 $0x500, s6  }
0x12: {  	s10 =	sadd.s32 $0x780, s6;
	s11 =	sadd.s32 $0x8EC00, s1;
	s1 =	simm.s32 $0x3B80  }
.LBB2_1:
0x13: {  	[tilespmem:s3], [sflag:$0x5] =	stream.linear.gather [hbm4b:s5+s3], $0x2800, $0x38;
	[tilespmem:$0x1FC00] =	vst v63  }
0x14: {  	_ =	swait.ge [sflag:s13], $0x2800  }
0x15: {  	[sflag:s13] =	ssyncset.done $0x0  }
0x16: {  	[sflag:s13] =	ssyncadd.s32 $0xFFFFD800  }
0x17: {  	[spmem:s15], [sflag:s14] =	dma.local [hbm:s7], $0x2800  }
0x18: {  	_ =	swait.ge [sflag:s13], $0x2800  }
0x19: {  	[sflag:s13] =	ssyncset.done $0x0  }
0x1a: {  	[sflag:s13] =	ssyncadd.s32 $0xFFFFD800  }
0x1b: {  	[bflag:$0x0] =	sbarrier.arrive $0xFFFF  }
0x1c: {  	[tilespmem:s17], [sflag:$0x1] =	stream.indirect.gather [hbm4b:s4+s16], $0x80, s3, s16, $0xb8;
	[tilespmem:$0x1FC00] =	vst v63  }
0x1d: {  	_ = 	snop  }
0x1e: {  	[tilespmem:s18], [sflag:$0x2] =	stream.indirect.gather [hbm4b:s4+s16], $0x80, s16, s16, $0xb8;
	[tilespmem:$0x1FC00] =	vst v63  }
0x1f: {  	s19 =	simm.s32 $0x80  }
0x20: {  	[tilespmem:s20], [sflag:$0x3] =	stream.indirect.gather [hbm4b:s4+s16], $0x80, s19, s16, $0xb8;
	[tilespmem:$0x1FC00] =	vst v63  }
0x21: {  	s30 =	simm.s32 $0xC0  }
0x22: {  	[tilespmem:s22], [sflag:$0x4] =	stream.indirect.gather [hbm4b:s4+s16], $0x80, s30, s16, $0xb8;
	[tilespmem:$0x1FC00] =	vst v63  }
0x23: {  	_ = 	snop  }
0x24: {  	[tilespmem:s23], [sflag:$0x5] =	stream.linear.gather [hbm4b:s6+s3], $0x1400, $0x38;
	[tilespmem:$0x1FC00] =	vst v63  }
0x25: {  	_ =	swait.ge [sflag:s13], $0x1400  }
0x26: {  	[sflag:s13] =	ssyncset.done $0x0  }
0x27: {  	[sflag:s13] =	ssyncadd.s32 $0xFFFFEC00  }
0x28: {  	_ =	swait.ge [sflag:s24], $0x2000  }
0x29: {  	[sflag:s24] =	ssyncset.done $0x0  }
0x2a: {  	s31 =	simm.s32 $0x2800;
	[sflag:s24] =	ssyncadd.s32 $0xFFFFE000  }
0x2b: {  	[spmem:s2] =	stream.indirect.scatter.add.f32 [tilespmem:s17], [sflag:$0x5], $0x80, s31, s16, $0xb8;
	[tilespmem:$0x1FC00] =	vst v63  }
0x2c: {  	_ =	swait.ge [sflag:s13], $0x2000  }
0x2d: {  	[sflag:s13] =	ssyncset.done $0x0  }
0x2e: {  	s21 =	simm.s32 $0x100;
	[sflag:s13] =	ssyncadd.s32 $0xFFFFE000  }
0x2f: {  	[tilespmem:s17], [sflag:$0x1] =	stream.indirect.gather [hbm4b:s4+s16], $0x80, s21, s16, $0xb8;
	[tilespmem:$0x1FC00] =	vst v63  }
0x30: {  	_ =	swait.ge [sflag:s25], $0x2000  }
0x31: {  	[sflag:s25] =	ssyncset.done $0x0  }
0x32: {  	s30 =	simm.s32 $0x2880;
	[sflag:s25] =	ssyncadd.s32 $0xFFFFE000  }
0x33: {  	[spmem:s2] =	stream.indirect.scatter.add.f32 [tilespmem:s18], [sflag:$0x5], $0x80, s30, s16, $0xb8;
	[tilespmem:$0x1FC00] =	vst v63  }
0x34: {  	_ =	swait.ge [sflag:s13], $0x2000  }
0x35: {  	[sflag:s13] =	ssyncset.done $0x0  }
0x36: {  	s31 =	simm.s32 $0x140;
	[sflag:s13] =	ssyncadd.s32 $0xFFFFE000  }
0x37: {  	[tilespmem:s18], [sflag:$0x2] =	stream.indirect.gather [hbm4b:s4+s16], $0x80, s31, s16, $0xb8;
	[tilespmem:$0x1FC00] =	vst v63  }
0x38: {  	_ =	swait.ge [sflag:s26], $0x2000  }
0x39: {  	[sflag:s26] =	ssyncset.done $0x0  }
0x3a: {  	s21 =	simm.s32 $0x2900;
	[sflag:s26] =	ssyncadd.s32 $0xFFFFE000  }
0x3b: {  	[spmem:s2] =	stream.indirect.scatter.add.f32 [tilespmem:s20], [sflag:$0x5], $0x80, s21, s16, $0xb8;
	[tilespmem:$0x1FC00] =	vst v63  }
0x3c: {  	_ =	swait.ge [sflag:s13], $0x2000  }
0x3d: {  	[sflag:s13] =	ssyncset.done $0x0  }
0x3e: {  	s30 =	simm.s32 $0x180;
	[sflag:s13] =	ssyncadd.s32 $0xFFFFE000  }
0x3f: {  	[tilespmem:s20], [sflag:$0x3] =	stream.indirect.gather [hbm4b:s4+s16], $0x80, s30, s16, $0xb8;
	[tilespmem:$0x1FC00] =	vst v63  }
0x40: {  	_ =	swait.ge [sflag:s28], $0x2000  }
0x41: {  	[sflag:s28] =	ssyncset.done $0x0  }
0x42: {  	s31 =	simm.s32 $0x2980;
	[sflag:s28] =	ssyncadd.s32 $0xFFFFE000  }
0x43: {  	[spmem:s2] =	stream.indirect.scatter.add.f32 [tilespmem:s22], [sflag:$0x5], $0x80, s31, s16, $0xb8;
	[tilespmem:$0x1FC00] =	vst v63  }
0x44: {  	_ =	swait.ge [sflag:s13], $0x2000  }
0x45: {  	s29 =	simm.s32 $0x2C0;
	[sflag:s13] =	ssyncset.done $0x0  }
0x46: {  	s19 =	simm.s32 $0x1C0;
	s21 =	simm.s32 $0x800;
	[sflag:s13] =	ssyncadd.s32 $0xFFFFE000  }
.LBB2_2:
0x47: {  	[tilespmem:s22], [sflag:$0x4] =	stream.indirect.gather [hbm4b:s4+s16], $0x80, s19, s16, $0xb8;
	[tilespmem:$0x1FC00] =	vst v63  }
0x48: {  	s30 =	smov.u32 s21;
	s19 =	smov.u32 s29  }
0x49: {  	p0 =	sne.s32 s21, $0x4800;
	s21 =	sadd.s32 $0x800, s21;
	_ =	swait.ge [sflag:s24], $0x2000  }
0x4a: {  	s30 =	sshra.s32 s30, $0x2;
	[sflag:s24] =	ssyncset.done $0x0  }
0x4b: {  	s31 =	sadd.s32 $0x2800, s30;
	[sflag:s24] =	ssyncadd.s32 $0xFFFFE000  }
0x4c: {  	[spmem:s2] =	stream.indirect.scatter.add.f32 [tilespmem:s17], [sflag:$0x5], $0x80, s31, s16, $0xb8;
	[tilespmem:$0x1FC00] =	vst v63  }
0x4d: {  	_ =	swait.ge [sflag:s13], $0x2000  }
0x4e: {  	[sflag:s13] =	ssyncset.done $0x0  }
0x4f: {  	s31 =	sadd.s32 $0xFFFFFF40, s29;
	[sflag:s13] =	ssyncadd.s32 $0xFFFFE000  }
0x50: {  	[tilespmem:s17], [sflag:$0x1] =	stream.indirect.gather [hbm4b:s4+s16], $0x80, s31, s16, $0xb8;
	[tilespmem:$0x1FC00] =	vst v63  }
0x51: {  	_ =	swait.ge [sflag:s25], $0x2000  }
0x52: {  	[sflag:s25] =	ssyncset.done $0x0  }
0x53: {  	s31 =	sadd.s32 $0x2880, s30;
	[sflag:s25] =	ssyncadd.s32 $0xFFFFE000  }
0x54: {  	[spmem:s2] =	stream.indirect.scatter.add.f32 [tilespmem:s18], [sflag:$0x5], $0x80, s31, s16, $0xb8;
	[tilespmem:$0x1FC00] =	vst v63  }
0x55: {  	_ =	swait.ge [sflag:s13], $0x2000  }
0x56: {  	[sflag:s13] =	ssyncset.done $0x0  }
0x57: {  	s31 =	sadd.s32 $0xFFFFFF80, s29;
	[sflag:s13] =	ssyncadd.s32 $0xFFFFE000  }
0x58: {  	[tilespmem:s18], [sflag:$0x2] =	stream.indirect.gather [hbm4b:s4+s16], $0x80, s31, s16, $0xb8;
	[tilespmem:$0x1FC00] =	vst v63  }
0x59: {  	_ =	swait.ge [sflag:s26], $0x2000  }
0x5a: {  	[sflag:s26] =	ssyncset.done $0x0  }
0x5b: {  	s31 =	sadd.s32 $0x2900, s30;
	[sflag:s26] =	ssyncadd.s32 $0xFFFFE000  }
0x5c: {  	[spmem:s2] =	stream.indirect.scatter.add.f32 [tilespmem:s20], [sflag:$0x5], $0x80, s31, s16, $0xb8;
	[tilespmem:$0x1FC00] =	vst v63  }
0x5d: {  	_ =	swait.ge [sflag:s13], $0x2000  }
0x5e: {  	[sflag:s13] =	ssyncset.done $0x0  }
0x5f: {  	s31 =	sadd.s32 $0xFFFFFFC0, s29;
	[sflag:s13] =	ssyncadd.s32 $0xFFFFE000  }
0x60: {  	[tilespmem:s20], [sflag:$0x3] =	stream.indirect.gather [hbm4b:s4+s16], $0x80, s31, s16, $0xb8;
	[tilespmem:$0x1FC00] =	vst v63  }
0x61: {  	_ =	swait.ge [sflag:s28], $0x2000  }
0x62: {  	[sflag:s28] =	ssyncset.done $0x0  }
.Ltmp0:
0x63: {  	s30 =	sadd.s32 $0x2980, s30;
	[sflag:s28] =	ssyncadd.s32 $0xFFFFE000;
	(pc) =	sbr.rel @p0 .LBB2_2-.Ltmp0, $4  }
0x64: {  	[spmem:s2] =	stream.indirect.scatter.add.f32 [tilespmem:s22], [sflag:$0x5], $0x80, s30, s16, $0xb8;
	[tilespmem:$0x1FC00] =	vst v63  }
0x65: {  	_ =	swait.ge [sflag:s13], $0x2000  }
0x66: {  	[sflag:s13] =	ssyncset.done $0x0  }
0x67: {  	s29 =	sadd.s32 $0x100, s29;
	[sflag:s13] =	ssyncadd.s32 $0xFFFFE000  }
0x68: {  	[tilespmem:s22], [sflag:$0x4] =	stream.indirect.gather [hbm4b:s4+s16], $0x80, s19, s16, $0xb8;
	[tilespmem:$0x1FC00] =	vst v63  }
0x69: {  	s30 =	simm.s32 $0x0  }
0x6a: {  	[tilespmem:s23], [sflag:$0x5] =	stream.linear.gather [hbm4b:s8+s30], $0x1400, $0x38;
	[tilespmem:$0x1FC00] =	vst v63  }
0x6b: {  	_ =	swait.ge [sflag:s13], $0x1400  }
0x6c: {  	[sflag:s13] =	ssyncset.done $0x0  }
0x6d: {  	[sflag:s13] =	ssyncadd.s32 $0xFFFFEC00  }
0x6e: {  	_ =	swait.ge [sflag:s24], $0x2000  }
0x6f: {  	[sflag:s24] =	ssyncset.done $0x0  }
0x70: {  	s31 =	simm.s32 $0x2800;
	[sflag:s24] =	ssyncadd.s32 $0xFFFFE000  }
0x71: {  	[spmem:s2] =	stream.indirect.scatter.add.f32 [tilespmem:s17], [sflag:$0x5], $0x80, s31, s16, $0xb8;
	[tilespmem:$0x1FC00] =	vst v63  }
0x72: {  	_ =	swait.ge [sflag:s13], $0x2000  }
0x73: {  	[sflag:s13] =	ssyncset.done $0x0  }
0x74: {  	s21 =	simm.s32 $0xB00;
	[sflag:s13] =	ssyncadd.s32 $0xFFFFE000  }
0x75: {  	[tilespmem:s17], [sflag:$0x1] =	stream.indirect.gather [hbm4b:s4+s16], $0x80, s21, s16, $0xb8;
	[tilespmem:$0x1FC00] =	vst v63  }
0x76: {  	_ =	swait.ge [sflag:s25], $0x2000  }
0x77: {  	[sflag:s25] =	ssyncset.done $0x0  }
0x78: {  	s30 =	simm.s32 $0x2880;
	[sflag:s25] =	ssyncadd.s32 $0xFFFFE000  }
0x79: {  	[spmem:s2] =	stream.indirect.scatter.add.f32 [tilespmem:s18], [sflag:$0x5], $0x80, s30, s16, $0xb8;
	[tilespmem:$0x1FC00] =	vst v63  }
0x7a: {  	_ =	swait.ge [sflag:s13], $0x2000  }
0x7b: {  	[sflag:s13] =	ssyncset.done $0x0  }
0x7c: {  	s31 =	simm.s32 $0xB40;
	[sflag:s13] =	ssyncadd.s32 $0xFFFFE000  }
0x7d: {  	[tilespmem:s18], [sflag:$0x2] =	stream.indirect.gather [hbm4b:s4+s16], $0x80, s31, s16, $0xb8;
	[tilespmem:$0x1FC00] =	vst v63  }
0x7e: {  	_ =	swait.ge [sflag:s26], $0x2000  }
0x7f: {  	[sflag:s26] =	ssyncset.done $0x0  }
0x80: {  	s21 =	simm.s32 $0x2900;
	[sflag:s26] =	ssyncadd.s32 $0xFFFFE000  }
0x81: {  	[spmem:s2] =	stream.indirect.scatter.add.f32 [tilespmem:s20], [sflag:$0x5], $0x80, s21, s16, $0xb8;
	[tilespmem:$0x1FC00] =	vst v63  }
0x82: {  	_ =	swait.ge [sflag:s13], $0x2000  }
0x83: {  	[sflag:s13] =	ssyncset.done $0x0  }
0x84: {  	s30 =	simm.s32 $0xB80;
	[sflag:s13] =	ssyncadd.s32 $0xFFFFE000  }
0x85: {  	[tilespmem:s20], [sflag:$0x3] =	stream.indirect.gather [hbm4b:s4+s16], $0x80, s30, s16, $0xb8;
	[tilespmem:$0x1FC00] =	vst v63  }
0x86: {  	_ =	swait.ge [sflag:s28], $0x2000  }
0x87: {  	[sflag:s28] =	ssyncset.done $0x0  }
0x88: {  	s31 =	simm.s32 $0x2980;
	[sflag:s28] =	ssyncadd.s32 $0xFFFFE000  }
0x89: {  	[spmem:s2] =	stream.indirect.scatter.add.f32 [tilespmem:s22], [sflag:$0x5], $0x80, s31, s16, $0xb8;
	[tilespmem:$0x1FC00] =	vst v63  }
0x8a: {  	_ =	swait.ge [sflag:s13], $0x2000  }
0x8b: {  	s19 =	simm.s32 $0xBC0;
	[sflag:s13] =	ssyncset.done $0x0  }
0x8c: {  	s29 =	simm.s32 $0xCC0;
	s21 =	simm.s32 $0x800;
	[sflag:s13] =	ssyncadd.s32 $0xFFFFE000  }
.LBB2_4:
0x8d: {  	[tilespmem:s22], [sflag:$0x4] =	stream.indirect.gather [hbm4b:s4+s16], $0x80, s19, s16, $0xb8;
	[tilespmem:$0x1FC00] =	vst v63  }
0x8e: {  	s30 =	smov.u32 s21;
	s19 =	smov.u32 s29  }
0x8f: {  	p0 =	sne.s32 s21, $0x4800;
	s21 =	sadd.s32 $0x800, s21;
	_ =	swait.ge [sflag:s24], $0x2000  }
0x90: {  	s30 =	sshra.s32 s30, $0x2;
	[sflag:s24] =	ssyncset.done $0x0  }
0x91: {  	s31 =	sadd.s32 $0x2800, s30;
	[sflag:s24] =	ssyncadd.s32 $0xFFFFE000  }
0x92: {  	[spmem:s2] =	stream.indirect.scatter.add.f32 [tilespmem:s17], [sflag:$0x5], $0x80, s31, s16, $0xb8;
	[tilespmem:$0x1FC00] =	vst v63  }
0x93: {  	_ =	swait.ge [sflag:s13], $0x2000  }
0x94: {  	[sflag:s13] =	ssyncset.done $0x0  }
0x95: {  	s31 =	sadd.s32 $0xFFFFFF40, s29;
	[sflag:s13] =	ssyncadd.s32 $0xFFFFE000  }
0x96: {  	[tilespmem:s17], [sflag:$0x1] =	stream.indirect.gather [hbm4b:s4+s16], $0x80, s31, s16, $0xb8;
	[tilespmem:$0x1FC00] =	vst v63  }
0x97: {  	_ =	swait.ge [sflag:s25], $0x2000  }
0x98: {  	[sflag:s25] =	ssyncset.done $0x0  }
0x99: {  	s31 =	sadd.s32 $0x2880, s30;
	[sflag:s25] =	ssyncadd.s32 $0xFFFFE000  }
0x9a: {  	[spmem:s2] =	stream.indirect.scatter.add.f32 [tilespmem:s18], [sflag:$0x5], $0x80, s31, s16, $0xb8;
	[tilespmem:$0x1FC00] =	vst v63  }
0x9b: {  	_ =	swait.ge [sflag:s13], $0x2000  }
0x9c: {  	[sflag:s13] =	ssyncset.done $0x0  }
0x9d: {  	s31 =	sadd.s32 $0xFFFFFF80, s29;
	[sflag:s13] =	ssyncadd.s32 $0xFFFFE000  }
0x9e: {  	[tilespmem:s18], [sflag:$0x2] =	stream.indirect.gather [hbm4b:s4+s16], $0x80, s31, s16, $0xb8;
	[tilespmem:$0x1FC00] =	vst v63  }
0x9f: {  	_ =	swait.ge [sflag:s26], $0x2000  }
0xa0: {  	[sflag:s26] =	ssyncset.done $0x0  }
0xa1: {  	s31 =	sadd.s32 $0x2900, s30;
	[sflag:s26] =	ssyncadd.s32 $0xFFFFE000  }
0xa2: {  	[spmem:s2] =	stream.indirect.scatter.add.f32 [tilespmem:s20], [sflag:$0x5], $0x80, s31, s16, $0xb8;
	[tilespmem:$0x1FC00] =	vst v63  }
0xa3: {  	_ =	swait.ge [sflag:s13], $0x2000  }
0xa4: {  	[sflag:s13] =	ssyncset.done $0x0  }
0xa5: {  	s31 =	sadd.s32 $0xFFFFFFC0, s29;
	[sflag:s13] =	ssyncadd.s32 $0xFFFFE000  }
0xa6: {  	[tilespmem:s20], [sflag:$0x3] =	stream.indirect.gather [hbm4b:s4+s16], $0x80, s31, s16, $0xb8;
	[tilespmem:$0x1FC00] =	vst v63  }
0xa7: {  	_ =	swait.ge [sflag:s28], $0x2000  }
0xa8: {  	[sflag:s28] =	ssyncset.done $0x0  }
.Ltmp1:
0xa9: {  	s30 =	sadd.s32 $0x2980, s30;
	[sflag:s28] =	ssyncadd.s32 $0xFFFFE000;
	(pc) =	sbr.rel @p0 .LBB2_4-.Ltmp1, $4  }
0xaa: {  	[spmem:s2] =	stream.indirect.scatter.add.f32 [tilespmem:s22], [sflag:$0x5], $0x80, s30, s16, $0xb8;
	[tilespmem:$0x1FC00] =	vst v63  }
0xab: {  	_ =	swait.ge [sflag:s13], $0x2000  }
0xac: {  	[sflag:s13] =	ssyncset.done $0x0  }
0xad: {  	s29 =	sadd.s32 $0x100, s29;
	[sflag:s13] =	ssyncadd.s32 $0xFFFFE000  }
0xae: {  	[tilespmem:s22], [sflag:$0x4] =	stream.indirect.gather [hbm4b:s4+s16], $0x80, s19, s16, $0xb8;
	[tilespmem:$0x1FC00] =	vst v63  }
0xaf: {  	s30 =	simm.s32 $0x0  }
0xb0: {  	[tilespmem:s23], [sflag:$0x5] =	stream.linear.gather [hbm4b:s9+s30], $0x1400, $0x38;
	[tilespmem:$0x1FC00] =	vst v63  }
0xb1: {  	_ =	swait.ge [sflag:s13], $0x1400  }
0xb2: {  	[sflag:s13] =	ssyncset.done $0x0  }
0xb3: {  	[sflag:s13] =	ssyncadd.s32 $0xFFFFEC00  }
0xb4: {  	_ =	swait.ge [sflag:s24], $0x2000  }
0xb5: {  	[sflag:s24] =	ssyncset.done $0x0  }
0xb6: {  	s31 =	simm.s32 $0x2800;
	[sflag:s24] =	ssyncadd.s32 $0xFFFFE000  }
0xb7: {  	[spmem:s2] =	stream.indirect.scatter.add.f32 [tilespmem:s17], [sflag:$0x5], $0x80, s31, s16, $0xb8;
	[tilespmem:$0x1FC00] =	vst v63  }
0xb8: {  	_ =	swait.ge [sflag:s13], $0x2000  }
0xb9: {  	[sflag:s13] =	ssyncset.done $0x0  }
0xba: {  	s21 =	simm.s32 $0x1500;
	[sflag:s13] =	ssyncadd.s32 $0xFFFFE000  }
0xbb: {  	[tilespmem:s17], [sflag:$0x1] =	stream.indirect.gather [hbm4b:s4+s16], $0x80, s21, s16, $0xb8;
	[tilespmem:$0x1FC00] =	vst v63  }
0xbc: {  	_ =	swait.ge [sflag:s25], $0x2000  }
0xbd: {  	[sflag:s25] =	ssyncset.done $0x0  }
0xbe: {  	s30 =	simm.s32 $0x2880;
	[sflag:s25] =	ssyncadd.s32 $0xFFFFE000  }
0xbf: {  	[spmem:s2] =	stream.indirect.scatter.add.f32 [tilespmem:s18], [sflag:$0x5], $0x80, s30, s16, $0xb8;
	[tilespmem:$0x1FC00] =	vst v63  }
0xc0: {  	_ =	swait.ge [sflag:s13], $0x2000  }
0xc1: {  	[sflag:s13] =	ssyncset.done $0x0  }
0xc2: {  	s31 =	simm.s32 $0x1540;
	[sflag:s13] =	ssyncadd.s32 $0xFFFFE000  }
0xc3: {  	[tilespmem:s18], [sflag:$0x2] =	stream.indirect.gather [hbm4b:s4+s16], $0x80, s31, s16, $0xb8;
	[tilespmem:$0x1FC00] =	vst v63  }
0xc4: {  	_ =	swait.ge [sflag:s26], $0x2000  }
0xc5: {  	[sflag:s26] =	ssyncset.done $0x0  }
0xc6: {  	s21 =	simm.s32 $0x2900;
	[sflag:s26] =	ssyncadd.s32 $0xFFFFE000  }
0xc7: {  	[spmem:s2] =	stream.indirect.scatter.add.f32 [tilespmem:s20], [sflag:$0x5], $0x80, s21, s16, $0xb8;
	[tilespmem:$0x1FC00] =	vst v63  }
0xc8: {  	_ =	swait.ge [sflag:s13], $0x2000  }
0xc9: {  	[sflag:s13] =	ssyncset.done $0x0  }
0xca: {  	s30 =	simm.s32 $0x1580;
	[sflag:s13] =	ssyncadd.s32 $0xFFFFE000  }
0xcb: {  	[tilespmem:s20], [sflag:$0x3] =	stream.indirect.gather [hbm4b:s4+s16], $0x80, s30, s16, $0xb8;
	[tilespmem:$0x1FC00] =	vst v63  }
0xcc: {  	_ =	swait.ge [sflag:s28], $0x2000  }
0xcd: {  	[sflag:s28] =	ssyncset.done $0x0  }
0xce: {  	s31 =	simm.s32 $0x2980;
	[sflag:s28] =	ssyncadd.s32 $0xFFFFE000  }
0xcf: {  	[spmem:s2] =	stream.indirect.scatter.add.f32 [tilespmem:s22], [sflag:$0x5], $0x80, s31, s16, $0xb8;
	[tilespmem:$0x1FC00] =	vst v63  }
0xd0: {  	_ =	swait.ge [sflag:s13], $0x2000  }
0xd1: {  	s19 =	simm.s32 $0x15C0;
	[sflag:s13] =	ssyncset.done $0x0  }
0xd2: {  	s29 =	simm.s32 $0x16C0;
	s21 =	simm.s32 $0x800;
	[sflag:s13] =	ssyncadd.s32 $0xFFFFE000  }
.LBB2_6:
0xd3: {  	[tilespmem:s22], [sflag:$0x4] =	stream.indirect.gather [hbm4b:s4+s16], $0x80, s19, s16, $0xb8;
	[tilespmem:$0x1FC00] =	vst v63  }
0xd4: {  	s30 =	smov.u32 s21;
	s19 =	smov.u32 s29  }
0xd5: {  	p0 =	sne.s32 s21, $0x4800;
	s21 =	sadd.s32 $0x800, s21;
	_ =	swait.ge [sflag:s24], $0x2000  }
0xd6: {  	s30 =	sshra.s32 s30, $0x2;
	[sflag:s24] =	ssyncset.done $0x0  }
0xd7: {  	s31 =	sadd.s32 $0x2800, s30;
	[sflag:s24] =	ssyncadd.s32 $0xFFFFE000  }
0xd8: {  	[spmem:s2] =	stream.indirect.scatter.add.f32 [tilespmem:s17], [sflag:$0x5], $0x80, s31, s16, $0xb8;
	[tilespmem:$0x1FC00] =	vst v63  }
0xd9: {  	_ =	swait.ge [sflag:s13], $0x2000  }
0xda: {  	[sflag:s13] =	ssyncset.done $0x0  }
0xdb: {  	s31 =	sadd.s32 $0xFFFFFF40, s29;
	[sflag:s13] =	ssyncadd.s32 $0xFFFFE000  }
0xdc: {  	[tilespmem:s17], [sflag:$0x1] =	stream.indirect.gather [hbm4b:s4+s16], $0x80, s31, s16, $0xb8;
	[tilespmem:$0x1FC00] =	vst v63  }
0xdd: {  	_ =	swait.ge [sflag:s25], $0x2000  }
0xde: {  	[sflag:s25] =	ssyncset.done $0x0  }
0xdf: {  	s31 =	sadd.s32 $0x2880, s30;
	[sflag:s25] =	ssyncadd.s32 $0xFFFFE000  }
0xe0: {  	[spmem:s2] =	stream.indirect.scatter.add.f32 [tilespmem:s18], [sflag:$0x5], $0x80, s31, s16, $0xb8;
	[tilespmem:$0x1FC00] =	vst v63  }
0xe1: {  	_ =	swait.ge [sflag:s13], $0x2000  }
0xe2: {  	[sflag:s13] =	ssyncset.done $0x0  }
0xe3: {  	s31 =	sadd.s32 $0xFFFFFF80, s29;
	[sflag:s13] =	ssyncadd.s32 $0xFFFFE000  }
0xe4: {  	[tilespmem:s18], [sflag:$0x2] =	stream.indirect.gather [hbm4b:s4+s16], $0x80, s31, s16, $0xb8;
	[tilespmem:$0x1FC00] =	vst v63  }
0xe5: {  	_ =	swait.ge [sflag:s26], $0x2000  }
0xe6: {  	[sflag:s26] =	ssyncset.done $0x0  }
0xe7: {  	s31 =	sadd.s32 $0x2900, s30;
	[sflag:s26] =	ssyncadd.s32 $0xFFFFE000  }
0xe8: {  	[spmem:s2] =	stream.indirect.scatter.add.f32 [tilespmem:s20], [sflag:$0x5], $0x80, s31, s16, $0xb8;
	[tilespmem:$0x1FC00] =	vst v63  }
0xe9: {  	_ =	swait.ge [sflag:s13], $0x2000  }
0xea: {  	[sflag:s13] =	ssyncset.done $0x0  }
0xeb: {  	s31 =	sadd.s32 $0xFFFFFFC0, s29;
	[sflag:s13] =	ssyncadd.s32 $0xFFFFE000  }
0xec: {  	[tilespmem:s20], [sflag:$0x3] =	stream.indirect.gather [hbm4b:s4+s16], $0x80, s31, s16, $0xb8;
	[tilespmem:$0x1FC00] =	vst v63  }
0xed: {  	_ =	swait.ge [sflag:s28], $0x2000  }
0xee: {  	[sflag:s28] =	ssyncset.done $0x0  }
.Ltmp2:
0xef: {  	s30 =	sadd.s32 $0x2980, s30;
	[sflag:s28] =	ssyncadd.s32 $0xFFFFE000;
	(pc) =	sbr.rel @p0 .LBB2_6-.Ltmp2, $4  }
0xf0: {  	[spmem:s2] =	stream.indirect.scatter.add.f32 [tilespmem:s22], [sflag:$0x5], $0x80, s30, s16, $0xb8;
	[tilespmem:$0x1FC00] =	vst v63  }
0xf1: {  	_ =	swait.ge [sflag:s13], $0x2000  }
0xf2: {  	[sflag:s13] =	ssyncset.done $0x0  }
0xf3: {  	s29 =	sadd.s32 $0x100, s29;
	[sflag:s13] =	ssyncadd.s32 $0xFFFFE000  }
0xf4: {  	[tilespmem:s22], [sflag:$0x4] =	stream.indirect.gather [hbm4b:s4+s16], $0x80, s19, s16, $0xb8;
	[tilespmem:$0x1FC00] =	vst v63  }
0xf5: {  	s30 =	simm.s32 $0x0  }
0xf6: {  	[tilespmem:s23], [sflag:$0x5] =	stream.linear.gather [hbm4b:s10+s30], $0x1400, $0x38;
	[tilespmem:$0x1FC00] =	vst v63  }
0xf7: {  	_ =	swait.ge [sflag:s13], $0x1400  }
0xf8: {  	[sflag:s13] =	ssyncset.done $0x0  }
0xf9: {  	[sflag:s13] =	ssyncadd.s32 $0xFFFFEC00  }
0xfa: {  	_ =	swait.ge [sflag:s24], $0x2000  }
0xfb: {  	[sflag:s24] =	ssyncset.done $0x0  }
0xfc: {  	s31 =	simm.s32 $0x2800;
	[sflag:s24] =	ssyncadd.s32 $0xFFFFE000  }
0xfd: {  	[spmem:s2] =	stream.indirect.scatter.add.f32 [tilespmem:s17], [sflag:$0x5], $0x80, s31, s16, $0xb8;
	[tilespmem:$0x1FC00] =	vst v63  }
0xfe: {  	_ =	swait.ge [sflag:s13], $0x2000  }
0xff: {  	[sflag:s13] =	ssyncset.done $0x0  }
0x100: {  	s21 =	simm.s32 $0x1F00;
	[sflag:s13] =	ssyncadd.s32 $0xFFFFE000  }
0x101: {  	[tilespmem:s17], [sflag:$0x1] =	stream.indirect.gather [hbm4b:s4+s16], $0x80, s21, s16, $0xb8;
	[tilespmem:$0x1FC00] =	vst v63  }
0x102: {  	_ =	swait.ge [sflag:s25], $0x2000  }
0x103: {  	[sflag:s25] =	ssyncset.done $0x0  }
0x104: {  	s30 =	simm.s32 $0x2880;
	[sflag:s25] =	ssyncadd.s32 $0xFFFFE000  }
0x105: {  	[spmem:s2] =	stream.indirect.scatter.add.f32 [tilespmem:s18], [sflag:$0x5], $0x80, s30, s16, $0xb8;
	[tilespmem:$0x1FC00] =	vst v63  }
0x106: {  	_ =	swait.ge [sflag:s13], $0x2000  }
0x107: {  	[sflag:s13] =	ssyncset.done $0x0  }
0x108: {  	s31 =	simm.s32 $0x1F40;
	[sflag:s13] =	ssyncadd.s32 $0xFFFFE000  }
0x109: {  	[tilespmem:s18], [sflag:$0x2] =	stream.indirect.gather [hbm4b:s4+s16], $0x80, s31, s16, $0xb8;
	[tilespmem:$0x1FC00] =	vst v63  }
0x10a: {  	_ =	swait.ge [sflag:s26], $0x2000  }
0x10b: {  	[sflag:s26] =	ssyncset.done $0x0  }
0x10c: {  	s21 =	simm.s32 $0x2900;
	[sflag:s26] =	ssyncadd.s32 $0xFFFFE000  }
0x10d: {  	[spmem:s2] =	stream.indirect.scatter.add.f32 [tilespmem:s20], [sflag:$0x5], $0x80, s21, s16, $0xb8;
	[tilespmem:$0x1FC00] =	vst v63  }
0x10e: {  	_ =	swait.ge [sflag:s13], $0x2000  }
0x10f: {  	[sflag:s13] =	ssyncset.done $0x0  }
0x110: {  	s30 =	simm.s32 $0x1F80;
	[sflag:s13] =	ssyncadd.s32 $0xFFFFE000  }
0x111: {  	[tilespmem:s20], [sflag:$0x3] =	stream.indirect.gather [hbm4b:s4+s16], $0x80, s30, s16, $0xb8;
	[tilespmem:$0x1FC00] =	vst v63  }
0x112: {  	_ =	swait.ge [sflag:s28], $0x2000  }
0x113: {  	[sflag:s28] =	ssyncset.done $0x0  }
0x114: {  	s31 =	simm.s32 $0x2980;
	[sflag:s28] =	ssyncadd.s32 $0xFFFFE000  }
0x115: {  	[spmem:s2] =	stream.indirect.scatter.add.f32 [tilespmem:s22], [sflag:$0x5], $0x80, s31, s16, $0xb8;
	[tilespmem:$0x1FC00] =	vst v63  }
0x116: {  	_ =	swait.ge [sflag:s13], $0x2000  }
0x117: {  	s19 =	simm.s32 $0x1FC0;
	[sflag:s13] =	ssyncset.done $0x0  }
0x118: {  	s29 =	simm.s32 $0x20C0;
	s21 =	simm.s32 $0x800;
	[sflag:s13] =	ssyncadd.s32 $0xFFFFE000  }
.LBB2_8:
0x119: {  	[tilespmem:s22], [sflag:$0x4] =	stream.indirect.gather [hbm4b:s4+s16], $0x80, s19, s16, $0xb8;
	[tilespmem:$0x1FC00] =	vst v63  }
0x11a: {  	s30 =	smov.u32 s21;
	s19 =	smov.u32 s29  }
0x11b: {  	p0 =	sne.s32 s21, $0x4000;
	s21 =	sadd.s32 $0x800, s21;
	_ =	swait.ge [sflag:s24], $0x2000  }
0x11c: {  	s30 =	sshra.s32 s30, $0x2;
	[sflag:s24] =	ssyncset.done $0x0  }
0x11d: {  	s31 =	sadd.s32 $0x2800, s30;
	[sflag:s24] =	ssyncadd.s32 $0xFFFFE000  }
0x11e: {  	[spmem:s2] =	stream.indirect.scatter.add.f32 [tilespmem:s17], [sflag:$0x5], $0x80, s31, s16, $0xb8;
	[tilespmem:$0x1FC00] =	vst v63  }
0x11f: {  	_ =	swait.ge [sflag:s13], $0x2000  }
0x120: {  	[sflag:s13] =	ssyncset.done $0x0  }
0x121: {  	s31 =	sadd.s32 $0xFFFFFF40, s29;
	[sflag:s13] =	ssyncadd.s32 $0xFFFFE000  }
0x122: {  	[tilespmem:s17], [sflag:$0x1] =	stream.indirect.gather [hbm4b:s4+s16], $0x80, s31, s16, $0xb8;
	[tilespmem:$0x1FC00] =	vst v63  }
0x123: {  	_ =	swait.ge [sflag:s25], $0x2000  }
0x124: {  	[sflag:s25] =	ssyncset.done $0x0  }
0x125: {  	s31 =	sadd.s32 $0x2880, s30;
	[sflag:s25] =	ssyncadd.s32 $0xFFFFE000  }
0x126: {  	[spmem:s2] =	stream.indirect.scatter.add.f32 [tilespmem:s18], [sflag:$0x5], $0x80, s31, s16, $0xb8;
	[tilespmem:$0x1FC00] =	vst v63  }
0x127: {  	_ =	swait.ge [sflag:s13], $0x2000  }
0x128: {  	[sflag:s13] =	ssyncset.done $0x0  }
0x129: {  	s31 =	sadd.s32 $0xFFFFFF80, s29;
	[sflag:s13] =	ssyncadd.s32 $0xFFFFE000  }
0x12a: {  	[tilespmem:s18], [sflag:$0x2] =	stream.indirect.gather [hbm4b:s4+s16], $0x80, s31, s16, $0xb8;
	[tilespmem:$0x1FC00] =	vst v63  }
0x12b: {  	_ =	swait.ge [sflag:s26], $0x2000  }
0x12c: {  	[sflag:s26] =	ssyncset.done $0x0  }
0x12d: {  	s31 =	sadd.s32 $0x2900, s30;
	[sflag:s26] =	ssyncadd.s32 $0xFFFFE000  }
0x12e: {  	[spmem:s2] =	stream.indirect.scatter.add.f32 [tilespmem:s20], [sflag:$0x5], $0x80, s31, s16, $0xb8;
	[tilespmem:$0x1FC00] =	vst v63  }
0x12f: {  	_ =	swait.ge [sflag:s13], $0x2000  }
0x130: {  	[sflag:s13] =	ssyncset.done $0x0  }
0x131: {  	s31 =	sadd.s32 $0xFFFFFFC0, s29;
	[sflag:s13] =	ssyncadd.s32 $0xFFFFE000  }
0x132: {  	[tilespmem:s20], [sflag:$0x3] =	stream.indirect.gather [hbm4b:s4+s16], $0x80, s31, s16, $0xb8;
	[tilespmem:$0x1FC00] =	vst v63  }
0x133: {  	_ =	swait.ge [sflag:s28], $0x2000  }
0x134: {  	[sflag:s28] =	ssyncset.done $0x0  }
.Ltmp3:
0x135: {  	s30 =	sadd.s32 $0x2980, s30;
	[sflag:s28] =	ssyncadd.s32 $0xFFFFE000;
	(pc) =	sbr.rel @p0 .LBB2_8-.Ltmp3, $4  }
0x136: {  	[spmem:s2] =	stream.indirect.scatter.add.f32 [tilespmem:s22], [sflag:$0x5], $0x80, s30, s16, $0xb8;
	[tilespmem:$0x1FC00] =	vst v63  }
0x137: {  	_ =	swait.ge [sflag:s13], $0x2000  }
0x138: {  	[sflag:s13] =	ssyncset.done $0x0  }
0x139: {  	s29 =	sadd.s32 $0x100, s29;
	[sflag:s13] =	ssyncadd.s32 $0xFFFFE000  }
0x13a: {  	[tilespmem:s22], [sflag:$0x4] =	stream.indirect.gather [hbm4b:s4+s16], $0x80, s19, s16, $0xb8;
	[tilespmem:$0x1FC00] =	vst v63  }
0x13b: {  	_ =	swait.ge [sflag:s24], $0x2000  }
0x13c: {  	[sflag:s24] =	ssyncset.done $0x0  }
0x13d: {  	s29 =	simm.s32 $0x3A00;
	[sflag:s24] =	ssyncadd.s32 $0xFFFFE000  }
0x13e: {  	[spmem:s2] =	stream.indirect.scatter.add.f32 [tilespmem:s17], [sflag:$0x5], $0x80, s29, s16, $0xb8;
	[tilespmem:$0x1FC00] =	vst v63  }
0x13f: {  	_ =	swait.ge [sflag:s13], $0x2000  }
0x140: {  	[sflag:s13] =	ssyncset.done $0x0  }
0x141: {  	[sflag:s13] =	ssyncadd.s32 $0xFFFFE000  }
0x142: {  	_ =	swait.ge [sflag:s25], $0x2000  }
0x143: {  	[sflag:s25] =	ssyncset.done $0x0  }
0x144: {  	s30 =	simm.s32 $0x3A80;
	[sflag:s25] =	ssyncadd.s32 $0xFFFFE000  }
0x145: {  	[spmem:s2] =	stream.indirect.scatter.add.f32 [tilespmem:s18], [sflag:$0x5], $0x80, s30, s16, $0xb8;
	[tilespmem:$0x1FC00] =	vst v63  }
0x146: {  	_ =	swait.ge [sflag:s13], $0x2000  }
0x147: {  	[sflag:s13] =	ssyncset.done $0x0  }
0x148: {  	[sflag:s13] =	ssyncadd.s32 $0xFFFFE000  }
0x149: {  	_ =	swait.ge [sflag:s26], $0x2000  }
0x14a: {  	[sflag:s26] =	ssyncset.done $0x0  }
0x14b: {  	s31 =	simm.s32 $0x3B00;
	[sflag:s26] =	ssyncadd.s32 $0xFFFFE000  }
0x14c: {  	[spmem:s2] =	stream.indirect.scatter.add.f32 [tilespmem:s20], [sflag:$0x5], $0x80, s31, s16, $0xb8;
	[tilespmem:$0x1FC00] =	vst v63  }
0x14d: {  	_ =	swait.ge [sflag:s13], $0x2000  }
0x14e: {  	[sflag:s13] =	ssyncset.done $0x0  }
0x14f: {  	[sflag:s13] =	ssyncadd.s32 $0xFFFFE000  }
0x150: {  	_ =	swait.ge [sflag:s28], $0x2000  }
0x151: {  	[sflag:s28] =	ssyncset.done $0x0  }
0x152: {  	[sflag:s28] =	ssyncadd.s32 $0xFFFFE000  }
0x153: {  	[spmem:s2] =	stream.indirect.scatter.add.f32 [tilespmem:s22], [sflag:$0x5], $0x80, s1, s16, $0xb8;
	[tilespmem:$0x1FC00] =	vst v63  }
0x154: {  	_ =	swait.ge [sflag:s13], $0x2000  }
0x155: {  	s0 =	sadd.s32 $0x1, s0;
	[sflag:s13] =	ssyncset.done $0x0  }
0x156: {  	p0 =	sne.s32 s0, s12;
	[sflag:s13] =	ssyncadd.s32 $0xFFFFE000  }
.Ltmp4:
0x157: {  	[bflag:$0x0] =	sbarrier.arrive $0xFFFF;
	(pc) =	sbr.rel @p0 .LBB2_1-.Ltmp4, $4  }
0x158: {  	[hbm:s11], [sflag:s14] =	dma.local [spmem:s15], $0x2800  }
0x159: {  	_ =	swait.ge [sflag:s13], $0x2800  }
0x15a: {  	[sflag:s13] =	ssyncset.done $0x0  }
0x15b: {  	[sflag:s13] =	ssyncadd.s32 $0xFFFFD800  }
0x15c: {  	_ =	sfence.sel $0x180000  }
0x15d: {  	[bflag:$0x0] =	sbarrier.arrive $0xFFFF  }
0x15e: {  	_ =	strace $0x9000004A  }
0x15f: {  	s0 =	stileid.u32;
	[bflag:$0x2] =	sbarrier.arrive $0xFFFF  }
0x160: {  	p0 =	sne.s32 s0, $0x0;
	s0 =	rddreg [dreg:$0x3]  }
0x161: {  	s0 =	sadd.s32 @!p0 $0x100000, s0  }
0x162: {  	[sflag:s0] =	ssyncadd.tile.s32 @!p0 $0x1;
	_ =	shalt  }
.Lfunc_end2:
_tile_overlayer_lowered:
.L_overlay_start_2:
0x163: {  	(tag) =	ssettag $0x2  }
0x164: {  	s0 =	rddreg [dreg:$0x0];
	s2 =	stileid.u32  }
0x165: {  	s1 =	rddreg [dreg:$0x1];
	p0 =	sne.s32 s2, $0x0  }
0x166: {  	s3 =	rddreg [dreg:$0x2];
	[bflag:$0x3] =	sbarrier.arrive $0xFFFF;
	s2 =	simm.s32 @!p0 $0x1C05  }
0x167: {  	[timem:s3], [sflag:s2] =	dma.local @!p0 [hbm:s0], s1  }
0x168: {  	s0 =	simm.s32 @!p0 $0x5  }
0x169: {  	_ =	swait.ge @!p0 [sflag:s0], s1  }
0x16a: {  	s1 =	ssub.s32 @!p0 $0x0, s1;
	[sflag:s0] =	ssyncset.done @!p0 $0x0  }
0x16b: {  	[sflag:s0] =	ssyncadd.s32 @!p0 s1  }
0x16c: {  	[bflag:$0x3] =	sbarrier.arrive $0xFFFF  }
0x16d: {  	_ =	shalt  }

// kernel: kernel.14.cloned.1.call-start
scs
__scs_entry_jumppad:
0x0: {  	(pc) =	sbr.rel $0x88, $3  }
0x1: {  	(tag) =	ssettag $0x0;
	lr =	simm.s32 $0x1  }
0x2: {  	[smem:$0x3F9B] =	sst lr;
	_ =	strace $0xD0000000  }
0x3: {  	_ = 	snop  }
0x4: {  	_ = 	snop  }
0x5: {  	_ = 	snop  }
0x6: {  	_ = 	snop  }
0x7: {  	_ = 	snop  }
__scs_overlays_trampoline_lowered:
0x8: {  	[smem:$0x3FAA] =	sst s0  }
0x9: {  	[smem:$0x3FAB] =	sst s1  }
0xa: {  	[smem:$0x3FAC] =	sst s2  }
0xb: {  	[smem:$0x3FAD] =	sst s3  }
0xc: {  	[smem:$0x3FAE] =	sst s4  }
0xd: {  	[smem:$0x3FAF] =	sst s5  }
0xe: {  	[smem:$0x3FB0] =	sst s6  }
0xf: {  	[smem:$0x3FB1] =	sst s7  }
0x10: {  	[smem:$0x3FB2] =	sst s8  }
0x11: {  	[smem:$0x3FB3] =	sst s9;
	s0 =	simm.s32 @!p0 $0x0  }
0x12: {  	s1 =	sld [smem:$0x3F99];
	s0 =	simm.s32 @p0 $0x1  }
0x13: {  	[smem:$0x3FB4] =	sst s0;
	s0 =	simm.s32 @!p1 $0x0  }
0x14: {  	s2 =	sld [smem:$0x3F98];
	s0 =	simm.s32 @p1 $0x1  }
0x15: {  	[smem:$0x3FB5] =	sst s0;
	s0 =	simm.s32 @!p2 $0x0  }
0x16: {  	s3 =	sld [smem:$0x3FDB];
	s0 =	simm.s32 @p2 $0x1  }
0x17: {  	s4 =	simm.s32 $0x1BF5;
	[smem:$0x3FB7] =	sst s0  }
0x18: {  	s0 =	sld [smem:$0x3F9A];
	_ =	swait.ge [sflag:s4], $0x0  }
0x19: {  	s7 =	sld [smem:$0x3F9B]  }
0x1a: {  	s8 =	sadd.s32 $0xFFFFE003, lr  }
0x1b: {  	s9 =	sadd.s32 $0xFFFFFEF7, lr;
	s5 =	simm.s32 $0xFFFFFFFF;
	p2 =	slt.u32 s8, $0xFFFFF086  }
0x1c: {  	p1 =	slt.u32 s9, $0xF7A;
	s5 =	simm.s32 @!p2 $0x0  }
0x1d: {  	s5 =	simm.s32 @p1 $0x1;
	p0 =	seq.s32 s7, s2  }
0x1e: {  	s7 =	smul.u32 @!p0 $0xF7A, s2;
	p2 =	seq.s32 @!p0 s5, $0x0  }
0x1f: {  	s9 =	smul.u32 $0xF7A, s1;
	s8 =	simm.s32 @!p0 $0x1BF5;
	p2 =	por !p2, p0  }
0x20: {  	[sflag:s8] =	ssyncset.s32 @!p0 $0xFFFFF086;
	s6 =	sadd.s32 @!p0 s3, s7;
	s7 =	simm.s32 @!p0 $0x108  }
0x21: {  	s3 =	sadd.s32 s3, s9;
	s6 =	sadd.s32 @!p0 $0x88, s6;
	s7 =	simm.s32 @p2 $0x1082  }
0x22: {  	[simem:s7], [sflag:s8] =	dma.local @!p0 [hbm:s6], $0xF7A  }
0x23: {  	s9 =	sor.u32 $0xD0000000, s2;
	s6 =	simm.s32 $0x108;
	_ =	swait.ge @!p0 [sflag:s8], $0x0  }
0x24: {  	s3 =	sadd.s32 $0x88, s3;
	s6 =	simm.s32 @!p1 $0x1082;
	[sflag:s4] =	ssyncset.s32 $0xFFFFF086  }
0x25: {  	[simem:s6], [sflag:s4] =	dma.local [hbm:s3], $0xF7A  }
0x26: {  	[smem:$0x3F9B] =	sst s1;
	(tag) =	ssettag s2;
	_ =	strace s9  }
0x27: {  	s1 =	sld [smem:$0x3FAB]  }
0x28: {  	s2 =	sld [smem:$0x3FAC]  }
0x29: {  	s4 =	sld [smem:$0x3FAE]  }
0x2a: {  	p0 =	seq.s32 s5, $0x0;
	s5 =	sld [smem:$0x3FAF]  }
0x2b: {  	s6 =	sld [smem:$0x3FB0]  }
0x2c: {  	s7 =	sld [smem:$0x3FB1]  }
0x2d: {  	s3 =	simm.s32 $0x108;
	s8 =	sld [smem:$0x3FB2]  }
0x2e: {  	s3 =	simm.s32 @!p0 $0x1082;
	s9 =	sld [smem:$0x3FB3]  }
0x2f: {  	lr =	sadd.s32 s0, s3;
	s0 =	sld [smem:$0x3FAA]  }
0x30: {  	s3 =	sld [smem:$0x3FAD]  }
0x31: {  	[smem:$0x3FB6] =	sst s10  }
0x32: {  	s10 =	sld [smem:$0x3FB4];
	_ =	sdelay $0x3  }
0x33: {  	p0 =	seq.s32 s10, $0x1;
	s10 =	sld [smem:$0x3FB6];
	_ =	sdelay $0x3  }
0x34: {  	[smem:$0x3FB6] =	sst s10  }
0x35: {  	s10 =	sld [smem:$0x3FB5];
	_ =	sdelay $0x3  }
0x36: {  	p1 =	seq.s32 s10, $0x1;
	s10 =	sld [smem:$0x3FB6];
	_ =	sdelay $0x3  }
0x37: {  	[smem:$0x3FB6] =	sst s10  }
0x38: {  	s10 =	sld [smem:$0x3FB7]  }
0x39: {  	_ = 	snop;
	(pc) =	sbr.ind lr, $3  }
0x3a: {  	_ = 	snop  }
0x3b: {  	_ = 	snop  }
0x3c: {  	p2 =	seq.s32 s10, $0x1;
	s10 =	sld [smem:$0x3FB6]  }
0x3d: {  	_ =	shalt  }
0x3e: {  	_ =	shalt  }
0x3f: {  	_ =	shalt  }
0x40: {  	_ =	shalt  }
0x41: {  	_ =	shalt  }
0x42: {  	_ =	shalt  }
0x43: {  	_ =	shalt  }
0x44: {  	_ =	shalt  }
0x45: {  	_ =	shalt  }
0x46: {  	_ =	shalt  }
0x47: {  	_ =	shalt  }
0x48: {  	_ =	shalt  }
0x49: {  	_ =	shalt  }
0x4a: {  	_ =	shalt  }
0x4b: {  	_ =	shalt  }
0x4c: {  	_ =	shalt  }
0x4d: {  	_ =	shalt  }
0x4e: {  	_ =	shalt  }
0x4f: {  	_ =	shalt  }
0x50: {  	_ =	shalt  }
0x51: {  	_ =	shalt  }
0x52: {  	_ =	shalt  }
0x53: {  	_ =	shalt  }
0x54: {  	_ =	shalt  }
0x55: {  	_ =	shalt  }
0x56: {  	_ =	shalt  }
0x57: {  	_ =	shalt  }
0x58: {  	_ =	shalt  }
0x59: {  	_ =	shalt  }
0x5a: {  	_ =	shalt  }
0x5b: {  	_ =	shalt  }
0x5c: {  	_ =	shalt  }
0x5d: {  	_ =	shalt  }
0x5e: {  	_ =	shalt  }
0x5f: {  	_ =	shalt  }
0x60: {  	_ =	shalt  }
0x61: {  	_ =	shalt  }
0x62: {  	_ =	shalt  }
0x63: {  	_ =	shalt  }
0x64: {  	_ =	shalt  }
0x65: {  	_ =	shalt  }
0x66: {  	_ =	shalt  }
0x67: {  	_ =	shalt  }
0x68: {  	_ =	shalt  }
0x69: {  	_ =	shalt  }
0x6a: {  	_ =	shalt  }
0x6b: {  	_ =	shalt  }
0x6c: {  	_ =	shalt  }
0x6d: {  	_ =	shalt  }
0x6e: {  	_ =	shalt  }
0x6f: {  	_ =	shalt  }
0x70: {  	_ =	shalt  }
0x71: {  	_ =	shalt  }
0x72: {  	_ =	shalt  }
0x73: {  	_ =	shalt  }
0x74: {  	_ =	shalt  }
0x75: {  	_ =	shalt  }
0x76: {  	_ =	shalt  }
0x77: {  	_ =	shalt  }
0x78: {  	_ =	shalt  }
0x79: {  	_ =	shalt  }
0x7a: {  	_ =	shalt  }
0x7b: {  	_ =	shalt  }
0x7c: {  	_ =	shalt  }
0x7d: {  	_ =	shalt  }
0x7e: {  	_ =	shalt  }
0x7f: {  	_ =	shalt  }
0x80: {  	_ =	shalt  }
0x81: {  	_ =	shalt  }
0x82: {  	_ =	shalt  }
0x83: {  	_ =	shalt  }
0x84: {  	_ =	shalt  }
0x85: {  	_ =	shalt  }
0x86: {  	_ =	shalt  }
0x87: {  	_ =	shalt  }
.Lfunc_end0:
.L_simem_size_0:
called_computation.2_lowered:
.L_overlay_start_0:
0x88: {  	s2 =	sld [smem:$0x3FD9]  }
0x89: {  	s3 =	sld [smem:$0x3FFE];
	_ =	sdelay $0x1  }
0x8a: {  	s1 =	srdreg.scid  }
0x8b: {  	s0 =	sand.u32 $0x1, s1  }
0x8c: {  	s17 =	sshll.u32 s0, $0xA;
	s2 =	sadd.s32 s3, s2  }
0x8d: {  	s2 =	sadd.s32 s2, s17  }
0x8e: {  	[smem:$0x3FC2] =	sst s2  }
0x8f: {  	_ = 	snop  }
0x90: {  	s2 =	sld [smem:$0x3FD0];
	(tm) =	ssettm $0x1  }
0x91: {  	s18 =	sld [smem:$0x3FFB];
	_ =	sdelay $0x3  }
0x92: {  	_ =	strace s18  }
0x93: {  	s3 =	sld [smem:$0x3FFC];
	_ =	sdelay $0x3  }
0x94: {  	_ =	strace s3  }
0x95: {  	s3 =	sld [smem:$0x3FFD];
	_ =	sdelay $0x3  }
0x96: {  	_ =	strace s3  }
0x97: {  	_ =	strace $0x8FFFFFFF  }
0x98: {  	s19 =	sld [smem:$0x3FDB];
	_ =	sdelay $0x1  }
0x99: {  	s4 =	simm.s32 $_scs_section_size  }
0x9a: {  	s5 =	simm.s32 $_size__tile_overlayer_lowered;
	s6 =	simm.s32 $_tile_overlayer_lowered  }
0x9b: {  	s22 =	simm.s32 $0x1BFF;
	s21 =	sshll.u32 s6, $0x1;
	s3 =	sadd.s32 s4, s19  }
0x9c: {  	s7 =	simm.s32 $0x0;
	s20 =	sshll.u32 s5, $0x1;
	s5 =	sadd.s32 s21, s3  }
0x9d: {  	[timem:s7], [sflag:s22] =	dma.local [hbm:s5], s20  }
0x9e: {  	_ =	swait.ge [sflag:s22], s20  }
0x9f: {  	s4 =	ssub.s32 $0x0, s20;
	[sflag:s22] =	ssyncset.done $0x0  }
0xa0: {  	[sflag:s22] =	ssyncadd.s32 s4;
	_ =	sdelay $0x1  }
0xa1: {  	s23 =	simm.s32 $0x1B8B  }
0xa2: {  	_ =	swait.ge [sflag:s23], $0x1  }
0xa3: {  	[sflag:s23] =	ssyncset.done $0x0  }
0xa4: {  	s25 =	simm.s32 $0x1B8E;
	s24 =	sld [smem:$0x3FFE];
	[sflag:s23] =	ssyncadd.s32 $0xFFFFFFFF  }
0xa5: {  	s26 =	simm.s32 $execute0_lowered;
	[smem:$0x3FD2] =	sst s25  }
0xa6: {  	s5 =	sshll.u32 s26, $0x1;
	_ =	strace $0x8000004C;
	[dreg:$0x1] =	wrdreg $0xFFFFFFFF  }
0xa7: {  	s28 =	simm.s32 $_size_execute0_lowered;
	s3 =	sadd.s32 s3, s5;
	[dreg:$0x0] =	wrdreg $0x0  }
0xa8: {  	s5 =	sshll.u32 s28, $0x1;
	[dreg:$0x2] =	wrdreg s3  }
0xa9: {  	[dreg:$0x3] =	wrdreg s5  }
0xaa: {  	[dreg:$0x4] =	wrdreg $0xC0  }
0xab: {  	_ =	task [dreg:s7], $0x5FFFF  }
0xac: {  	[dreg:$0x1] =	wrdreg $0xFFFFFFFF  }
0xad: {  	[dreg:$0x0] =	wrdreg $0x60  }
0xae: {  	[dreg:$0x2] =	wrdreg s24  }
0xaf: {  	[dreg:$0x3] =	wrdreg s2  }
0xb0: {  	[dreg:$0x4] =	wrdreg $0xBC000  }
0xb1: {  	[dreg:$0x5] =	wrdreg $0x9  }
0xb2: {  	_ =	task.clear_ibuf [dreg:s7], $0x6FFFF;
	_ =	strace $0x9000004C  }
0xb3: {  	s29 =	simm.s32 $0x9;
	_ =	strace $0x8000004E  }
0xb4: {  	_ =	swait.ge [sflag:s29], $0x1  }
0xb5: {  	[sflag:s29] =	ssyncadd.s32 $0xFFFFFFFF  }
0xb6: {  	_ =	strace $0x9000004E  }
0xb7: {  	_ =	sfence  }
0xb8: {  	s30 =	sld [smem:$0x0];
	_ =	sdelay $0x2  }
0xb9: {  	s31 =	sshll.u32 s1, $0xD;
	s1 =	sshrl.u32 s1, $0x2  }
0xba: {  	s3 =	sand.u32 $0x4000, s31;
	s1 =	sadd.s32 s1, s30  }
0xbb: {  	s0 =	sor.u32 s3, s0;
	s1 =	sshll.u32 s1, $0x11  }
0xbc: {  	s0 =	sor.u32 s1, s0  }
0xbd: {  	s0 =	sadd.s32 $0x8F2B, s0  }
0xbe: {  	[sflag:s0] =	ssyncadd.remote.s32 $0x1  }
0xbf: {  	_ =	sfence.sel $0xFFFF  }
0xc0: {  	[dreg:$0x0] =	wrdreg $0xFFFFFFFF;
	(pc) =	sbr.abs _section_cstart, $3  }
0xc1: {  	[dreg:$0x1] =	wrdreg $0xFFFFFFFF  }
0xc2: {  	_ =	task.clear_ibuf [dreg:s7], $0x2FFFF;
	_ =	strace $0x9FFFFFFF  }
0xc3: {  	(tm) =	ssettm $0x7FFFFFFF  }
tec
execute0_lowered:
.L_overlay_start_1:
0x0: {  	(tag) =	ssettag $0x1  }
0x1: {  	s0 =	srdreg.scid;
	s1 =	rddreg [dreg:$0x0]  }
0x2: {  	s12 =	stileid.u32;
	s6 =	rddreg [dreg:$0x1];
	s3 =	simm.s32 $0x0  }
0x3: {  	s13 =	simm.s32 $0x5;
	s16 =	simm.s32 $0x40;
	s17 =	simm.s32 $0x3C00  }
0x4: {  	s18 =	simm.s32 $0x5C00;
	s20 =	simm.s32 $0x7C00;
	s22 =	simm.s32 $0x9C00  }
0x5: {  	s23 =	simm.s32 $0x2800;
	s24 =	simm.s32 $0x1;
	s28 =	simm.s32 $0x4  }
0x6: {  	s0 =	sand.u32 $0x1, s0;
	s2 =	sshll.u32 s12, $0x1;
	s8 =	smul.u32 $0x14000, s12  }
0x7: {  	[smem:$0x7FF] =	sst s3;
	s4 =	sadd.s32 $0x34C00, s1;
	s25 =	smul.u32 $0x50000, s12  }
0x8: {  	s31 =	sshll.u32 s12, $0x6;
	s5 =	sor.u32 s0, s2;
	s2 =	rddreg [dreg:$0x2]  }
0x9: {  	s9 =	smul.u32 $0x140000, s0;
	_ =	strace $0x8000004D;
	s0 =	ssub.s32 $0x2, s0  }
0xa: {  	s14 =	sor.u32 $0x1C05, s31;
	s7 =	smul.u32 $0x500, s5;
	s10 =	sshrl.u32 s8, $0x3  }
0xb: {  	s5 =	smul.u32 $0x5000, s5;
	s26 =	sshrl.u32 s0, $0x1;
	s29 =	sshrl.u32 s25, $0x2  }
0xc: {  	s25 =	simm.s32 $0x2;
	s8 =	sadd.s32 s8, s9;
	s10 =	sadd.s32 s10, s1  }
0xd: {  	s0 =	ssub.s32 s0, s26;
	s15 =	sadd.s32 s29, s2;
	s26 =	simm.s32 $0x3  }
0xe: {  	s7 =	sadd.s32 s7, s1;
	s8 =	sshrl.u32 s8, $0x3;
	s30 =	sshrl.u32 s5, $0x3  }
0xf: {  	s12 =	smax.u32 s0, $0x1;
	s15 =	sshrl.u32 s15, $0x3;
	s0 =	simm.s32 $0x0  }
0x10: {  	s1 =	sadd.s32 s8, s1;
	s5 =	sadd.s32 $0x84C00, s7;
	s6 =	sadd.s32 s6, s30  }
0x11: {  	s7 =	sadd.s32 $0xCC00, s10;
	s8 =	sadd.s32 $0x280, s6;
	s9 =	sadd.s32 $0x500, s6  }
0x12: {  	s10 =	sadd.s32 $0x780, s6;
	s11 =	sadd.s32 $0x8EC00, s1;
	s1 =	simm.s32 $0x3B80  }
.LBB2_1:
0x13: {  	[tilespmem:s3], [sflag:$0x5] =	stream.linear.gather [hbm4b:s5+s3], $0x2800, $0x38;
	[tilespmem:$0x1FC00] =	vst v63  }
0x14: {  	_ =	swait.ge [sflag:s13], $0x2800  }
0x15: {  	[sflag:s13] =	ssyncset.done $0x0  }
0x16: {  	[sflag:s13] =	ssyncadd.s32 $0xFFFFD800  }
0x17: {  	[spmem:s15], [sflag:s14] =	dma.local [hbm:s7], $0x2800  }
0x18: {  	_ =	swait.ge [sflag:s13], $0x2800  }
0x19: {  	[sflag:s13] =	ssyncset.done $0x0  }
0x1a: {  	[sflag:s13] =	ssyncadd.s32 $0xFFFFD800  }
0x1b: {  	[bflag:$0x0] =	sbarrier.arrive $0xFFFF  }
0x1c: {  	[tilespmem:s17], [sflag:$0x1] =	stream.indirect.gather [hbm4b:s4+s16], $0x80, s3, s16, $0xb8;
	[tilespmem:$0x1FC00] =	vst v63  }
0x1d: {  	_ = 	snop  }
0x1e: {  	[tilespmem:s18], [sflag:$0x2] =	stream.indirect.gather [hbm4b:s4+s16], $0x80, s16, s16, $0xb8;
	[tilespmem:$0x1FC00] =	vst v63  }
0x1f: {  	s19 =	simm.s32 $0x80  }
0x20: {  	[tilespmem:s20], [sflag:$0x3] =	stream.indirect.gather [hbm4b:s4+s16], $0x80, s19, s16, $0xb8;
	[tilespmem:$0x1FC00] =	vst v63  }
0x21: {  	s30 =	simm.s32 $0xC0  }
0x22: {  	[tilespmem:s22], [sflag:$0x4] =	stream.indirect.gather [hbm4b:s4+s16], $0x80, s30, s16, $0xb8;
	[tilespmem:$0x1FC00] =	vst v63  }
0x23: {  	_ = 	snop  }
0x24: {  	[tilespmem:s23], [sflag:$0x5] =	stream.linear.gather [hbm4b:s6+s3], $0x1400, $0x38;
	[tilespmem:$0x1FC00] =	vst v63  }
0x25: {  	_ =	swait.ge [sflag:s13], $0x1400  }
0x26: {  	[sflag:s13] =	ssyncset.done $0x0  }
0x27: {  	[sflag:s13] =	ssyncadd.s32 $0xFFFFEC00  }
0x28: {  	_ =	swait.ge [sflag:s24], $0x2000  }
0x29: {  	[sflag:s24] =	ssyncset.done $0x0  }
0x2a: {  	s31 =	simm.s32 $0x2800;
	[sflag:s24] =	ssyncadd.s32 $0xFFFFE000  }
0x2b: {  	[spmem:s2] =	stream.indirect.scatter.add.f32 [tilespmem:s17], [sflag:$0x5], $0x80, s31, s16, $0xb8;
	[tilespmem:$0x1FC00] =	vst v63  }
0x2c: {  	_ =	swait.ge [sflag:s13], $0x2000  }
0x2d: {  	[sflag:s13] =	ssyncset.done $0x0  }
0x2e: {  	s21 =	simm.s32 $0x100;
	[sflag:s13] =	ssyncadd.s32 $0xFFFFE000  }
0x2f: {  	[tilespmem:s17], [sflag:$0x1] =	stream.indirect.gather [hbm4b:s4+s16], $0x80, s21, s16, $0xb8;
	[tilespmem:$0x1FC00] =	vst v63  }
0x30: {  	_ =	swait.ge [sflag:s25], $0x2000  }
0x31: {  	[sflag:s25] =	ssyncset.done $0x0  }
0x32: {  	s30 =	simm.s32 $0x2880;
	[sflag:s25] =	ssyncadd.s32 $0xFFFFE000  }
0x33: {  	[spmem:s2] =	stream.indirect.scatter.add.f32 [tilespmem:s18], [sflag:$0x5], $0x80, s30, s16, $0xb8;
	[tilespmem:$0x1FC00] =	vst v63  }
0x34: {  	_ =	swait.ge [sflag:s13], $0x2000  }
0x35: {  	[sflag:s13] =	ssyncset.done $0x0  }
0x36: {  	s31 =	simm.s32 $0x140;
	[sflag:s13] =	ssyncadd.s32 $0xFFFFE000  }
0x37: {  	[tilespmem:s18], [sflag:$0x2] =	stream.indirect.gather [hbm4b:s4+s16], $0x80, s31, s16, $0xb8;
	[tilespmem:$0x1FC00] =	vst v63  }
0x38: {  	_ =	swait.ge [sflag:s26], $0x2000  }
0x39: {  	[sflag:s26] =	ssyncset.done $0x0  }
0x3a: {  	s21 =	simm.s32 $0x2900;
	[sflag:s26] =	ssyncadd.s32 $0xFFFFE000  }
0x3b: {  	[spmem:s2] =	stream.indirect.scatter.add.f32 [tilespmem:s20], [sflag:$0x5], $0x80, s21, s16, $0xb8;
	[tilespmem:$0x1FC00] =	vst v63  }
0x3c: {  	_ =	swait.ge [sflag:s13], $0x2000  }
0x3d: {  	[sflag:s13] =	ssyncset.done $0x0  }
0x3e: {  	s30 =	simm.s32 $0x180;
	[sflag:s13] =	ssyncadd.s32 $0xFFFFE000  }
0x3f: {  	[tilespmem:s20], [sflag:$0x3] =	stream.indirect.gather [hbm4b:s4+s16], $0x80, s30, s16, $0xb8;
	[tilespmem:$0x1FC00] =	vst v63  }
0x40: {  	_ =	swait.ge [sflag:s28], $0x2000  }
0x41: {  	[sflag:s28] =	ssyncset.done $0x0  }
0x42: {  	s31 =	simm.s32 $0x2980;
	[sflag:s28] =	ssyncadd.s32 $0xFFFFE000  }
0x43: {  	[spmem:s2] =	stream.indirect.scatter.add.f32 [tilespmem:s22], [sflag:$0x5], $0x80, s31, s16, $0xb8;
	[tilespmem:$0x1FC00] =	vst v63  }
0x44: {  	_ =	swait.ge [sflag:s13], $0x2000  }
0x45: {  	s29 =	simm.s32 $0x2C0;
	[sflag:s13] =	ssyncset.done $0x0  }
0x46: {  	s19 =	simm.s32 $0x1C0;
	s21 =	simm.s32 $0x800;
	[sflag:s13] =	ssyncadd.s32 $0xFFFFE000  }
.LBB2_2:
0x47: {  	[tilespmem:s22], [sflag:$0x4] =	stream.indirect.gather [hbm4b:s4+s16], $0x80, s19, s16, $0xb8;
	[tilespmem:$0x1FC00] =	vst v63  }
0x48: {  	s30 =	smov.u32 s21;
	s19 =	smov.u32 s29  }
0x49: {  	p0 =	sne.s32 s21, $0x4800;
	s21 =	sadd.s32 $0x800, s21;
	_ =	swait.ge [sflag:s24], $0x2000  }
0x4a: {  	s30 =	sshra.s32 s30, $0x2;
	[sflag:s24] =	ssyncset.done $0x0  }
0x4b: {  	s31 =	sadd.s32 $0x2800, s30;
	[sflag:s24] =	ssyncadd.s32 $0xFFFFE000  }
0x4c: {  	[spmem:s2] =	stream.indirect.scatter.add.f32 [tilespmem:s17], [sflag:$0x5], $0x80, s31, s16, $0xb8;
	[tilespmem:$0x1FC00] =	vst v63  }
0x4d: {  	_ =	swait.ge [sflag:s13], $0x2000  }
0x4e: {  	[sflag:s13] =	ssyncset.done $0x0  }
0x4f: {  	s31 =	sadd.s32 $0xFFFFFF40, s29;
	[sflag:s13] =	ssyncadd.s32 $0xFFFFE000  }
0x50: {  	[tilespmem:s17], [sflag:$0x1] =	stream.indirect.gather [hbm4b:s4+s16], $0x80, s31, s16, $0xb8;
	[tilespmem:$0x1FC00] =	vst v63  }
0x51: {  	_ =	swait.ge [sflag:s25], $0x2000  }
0x52: {  	[sflag:s25] =	ssyncset.done $0x0  }
0x53: {  	s31 =	sadd.s32 $0x2880, s30;
	[sflag:s25] =	ssyncadd.s32 $0xFFFFE000  }
0x54: {  	[spmem:s2] =	stream.indirect.scatter.add.f32 [tilespmem:s18], [sflag:$0x5], $0x80, s31, s16, $0xb8;
	[tilespmem:$0x1FC00] =	vst v63  }
0x55: {  	_ =	swait.ge [sflag:s13], $0x2000  }
0x56: {  	[sflag:s13] =	ssyncset.done $0x0  }
0x57: {  	s31 =	sadd.s32 $0xFFFFFF80, s29;
	[sflag:s13] =	ssyncadd.s32 $0xFFFFE000  }
0x58: {  	[tilespmem:s18], [sflag:$0x2] =	stream.indirect.gather [hbm4b:s4+s16], $0x80, s31, s16, $0xb8;
	[tilespmem:$0x1FC00] =	vst v63  }
0x59: {  	_ =	swait.ge [sflag:s26], $0x2000  }
0x5a: {  	[sflag:s26] =	ssyncset.done $0x0  }
0x5b: {  	s31 =	sadd.s32 $0x2900, s30;
	[sflag:s26] =	ssyncadd.s32 $0xFFFFE000  }
0x5c: {  	[spmem:s2] =	stream.indirect.scatter.add.f32 [tilespmem:s20], [sflag:$0x5], $0x80, s31, s16, $0xb8;
	[tilespmem:$0x1FC00] =	vst v63  }
0x5d: {  	_ =	swait.ge [sflag:s13], $0x2000  }
0x5e: {  	[sflag:s13] =	ssyncset.done $0x0  }
0x5f: {  	s31 =	sadd.s32 $0xFFFFFFC0, s29;
	[sflag:s13] =	ssyncadd.s32 $0xFFFFE000  }
0x60: {  	[tilespmem:s20], [sflag:$0x3] =	stream.indirect.gather [hbm4b:s4+s16], $0x80, s31, s16, $0xb8;
	[tilespmem:$0x1FC00] =	vst v63  }
0x61: {  	_ =	swait.ge [sflag:s28], $0x2000  }
0x62: {  	[sflag:s28] =	ssyncset.done $0x0  }
.Ltmp0:
0x63: {  	s30 =	sadd.s32 $0x2980, s30;
	[sflag:s28] =	ssyncadd.s32 $0xFFFFE000;
	(pc) =	sbr.rel @p0 .LBB2_2-.Ltmp0, $4  }
0x64: {  	[spmem:s2] =	stream.indirect.scatter.add.f32 [tilespmem:s22], [sflag:$0x5], $0x80, s30, s16, $0xb8;
	[tilespmem:$0x1FC00] =	vst v63  }
0x65: {  	_ =	swait.ge [sflag:s13], $0x2000  }
0x66: {  	[sflag:s13] =	ssyncset.done $0x0  }
0x67: {  	s29 =	sadd.s32 $0x100, s29;
	[sflag:s13] =	ssyncadd.s32 $0xFFFFE000  }
0x68: {  	[tilespmem:s22], [sflag:$0x4] =	stream.indirect.gather [hbm4b:s4+s16], $0x80, s19, s16, $0xb8;
	[tilespmem:$0x1FC00] =	vst v63  }
0x69: {  	s30 =	simm.s32 $0x0  }
0x6a: {  	[tilespmem:s23], [sflag:$0x5] =	stream.linear.gather [hbm4b:s8+s30], $0x1400, $0x38;
	[tilespmem:$0x1FC00] =	vst v63  }
0x6b: {  	_ =	swait.ge [sflag:s13], $0x1400  }
0x6c: {  	[sflag:s13] =	ssyncset.done $0x0  }
0x6d: {  	[sflag:s13] =	ssyncadd.s32 $0xFFFFEC00  }
0x6e: {  	_ =	swait.ge [sflag:s24], $0x2000  }
0x6f: {  	[sflag:s24] =	ssyncset.done $0x0  }
0x70: {  	s31 =	simm.s32 $0x2800;
	[sflag:s24] =	ssyncadd.s32 $0xFFFFE000  }
0x71: {  	[spmem:s2] =	stream.indirect.scatter.add.f32 [tilespmem:s17], [sflag:$0x5], $0x80, s31, s16, $0xb8;
	[tilespmem:$0x1FC00] =	vst v63  }
0x72: {  	_ =	swait.ge [sflag:s13], $0x2000  }
0x73: {  	[sflag:s13] =	ssyncset.done $0x0  }
0x74: {  	s21 =	simm.s32 $0xB00;
	[sflag:s13] =	ssyncadd.s32 $0xFFFFE000  }
0x75: {  	[tilespmem:s17], [sflag:$0x1] =	stream.indirect.gather [hbm4b:s4+s16], $0x80, s21, s16, $0xb8;
	[tilespmem:$0x1FC00] =	vst v63  }
0x76: {  	_ =	swait.ge [sflag:s25], $0x2000  }
0x77: {  	[sflag:s25] =	ssyncset.done $0x0  }
0x78: {  	s30 =	simm.s32 $0x2880;
	[sflag:s25] =	ssyncadd.s32 $0xFFFFE000  }
0x79: {  	[spmem:s2] =	stream.indirect.scatter.add.f32 [tilespmem:s18], [sflag:$0x5], $0x80, s30, s16, $0xb8;
	[tilespmem:$0x1FC00] =	vst v63  }
0x7a: {  	_ =	swait.ge [sflag:s13], $0x2000  }
0x7b: {  	[sflag:s13] =	ssyncset.done $0x0  }
0x7c: {  	s31 =	simm.s32 $0xB40;
	[sflag:s13] =	ssyncadd.s32 $0xFFFFE000  }
0x7d: {  	[tilespmem:s18], [sflag:$0x2] =	stream.indirect.gather [hbm4b:s4+s16], $0x80, s31, s16, $0xb8;
	[tilespmem:$0x1FC00] =	vst v63  }
0x7e: {  	_ =	swait.ge [sflag:s26], $0x2000  }
0x7f: {  	[sflag:s26] =	ssyncset.done $0x0  }
0x80: {  	s21 =	simm.s32 $0x2900;
	[sflag:s26] =	ssyncadd.s32 $0xFFFFE000  }
0x81: {  	[spmem:s2] =	stream.indirect.scatter.add.f32 [tilespmem:s20], [sflag:$0x5], $0x80, s21, s16, $0xb8;
	[tilespmem:$0x1FC00] =	vst v63  }
0x82: {  	_ =	swait.ge [sflag:s13], $0x2000  }
0x83: {  	[sflag:s13] =	ssyncset.done $0x0  }
0x84: {  	s30 =	simm.s32 $0xB80;
	[sflag:s13] =	ssyncadd.s32 $0xFFFFE000  }
0x85: {  	[tilespmem:s20], [sflag:$0x3] =	stream.indirect.gather [hbm4b:s4+s16], $0x80, s30, s16, $0xb8;
	[tilespmem:$0x1FC00] =	vst v63  }
0x86: {  	_ =	swait.ge [sflag:s28], $0x2000  }
0x87: {  	[sflag:s28] =	ssyncset.done $0x0  }
0x88: {  	s31 =	simm.s32 $0x2980;
	[sflag:s28] =	ssyncadd.s32 $0xFFFFE000  }
0x89: {  	[spmem:s2] =	stream.indirect.scatter.add.f32 [tilespmem:s22], [sflag:$0x5], $0x80, s31, s16, $0xb8;
	[tilespmem:$0x1FC00] =	vst v63  }
0x8a: {  	_ =	swait.ge [sflag:s13], $0x2000  }
0x8b: {  	s19 =	simm.s32 $0xBC0;
	[sflag:s13] =	ssyncset.done $0x0  }
0x8c: {  	s29 =	simm.s32 $0xCC0;
	s21 =	simm.s32 $0x800;
	[sflag:s13] =	ssyncadd.s32 $0xFFFFE000  }
.LBB2_4:
0x8d: {  	[tilespmem:s22], [sflag:$0x4] =	stream.indirect.gather [hbm4b:s4+s16], $0x80, s19, s16, $0xb8;
	[tilespmem:$0x1FC00] =	vst v63  }
0x8e: {  	s30 =	smov.u32 s21;
	s19 =	smov.u32 s29  }
0x8f: {  	p0 =	sne.s32 s21, $0x4800;
	s21 =	sadd.s32 $0x800, s21;
	_ =	swait.ge [sflag:s24], $0x2000  }
0x90: {  	s30 =	sshra.s32 s30, $0x2;
	[sflag:s24] =	ssyncset.done $0x0  }
0x91: {  	s31 =	sadd.s32 $0x2800, s30;
	[sflag:s24] =	ssyncadd.s32 $0xFFFFE000  }
0x92: {  	[spmem:s2] =	stream.indirect.scatter.add.f32 [tilespmem:s17], [sflag:$0x5], $0x80, s31, s16, $0xb8;
	[tilespmem:$0x1FC00] =	vst v63  }
0x93: {  	_ =	swait.ge [sflag:s13], $0x2000  }
0x94: {  	[sflag:s13] =	ssyncset.done $0x0  }
0x95: {  	s31 =	sadd.s32 $0xFFFFFF40, s29;
	[sflag:s13] =	ssyncadd.s32 $0xFFFFE000  }
0x96: {  	[tilespmem:s17], [sflag:$0x1] =	stream.indirect.gather [hbm4b:s4+s16], $0x80, s31, s16, $0xb8;
	[tilespmem:$0x1FC00] =	vst v63  }
0x97: {  	_ =	swait.ge [sflag:s25], $0x2000  }
0x98: {  	[sflag:s25] =	ssyncset.done $0x0  }
0x99: {  	s31 =	sadd.s32 $0x2880, s30;
	[sflag:s25] =	ssyncadd.s32 $0xFFFFE000  }
0x9a: {  	[spmem:s2] =	stream.indirect.scatter.add.f32 [tilespmem:s18], [sflag:$0x5], $0x80, s31, s16, $0xb8;
	[tilespmem:$0x1FC00] =	vst v63  }
0x9b: {  	_ =	swait.ge [sflag:s13], $0x2000  }
0x9c: {  	[sflag:s13] =	ssyncset.done $0x0  }
0x9d: {  	s31 =	sadd.s32 $0xFFFFFF80, s29;
	[sflag:s13] =	ssyncadd.s32 $0xFFFFE000  }
0x9e: {  	[tilespmem:s18], [sflag:$0x2] =	stream.indirect.gather [hbm4b:s4+s16], $0x80, s31, s16, $0xb8;
	[tilespmem:$0x1FC00] =	vst v63  }
0x9f: {  	_ =	swait.ge [sflag:s26], $0x2000  }
0xa0: {  	[sflag:s26] =	ssyncset.done $0x0  }
0xa1: {  	s31 =	sadd.s32 $0x2900, s30;
	[sflag:s26] =	ssyncadd.s32 $0xFFFFE000  }
0xa2: {  	[spmem:s2] =	stream.indirect.scatter.add.f32 [tilespmem:s20], [sflag:$0x5], $0x80, s31, s16, $0xb8;
	[tilespmem:$0x1FC00] =	vst v63  }
0xa3: {  	_ =	swait.ge [sflag:s13], $0x2000  }
0xa4: {  	[sflag:s13] =	ssyncset.done $0x0  }
0xa5: {  	s31 =	sadd.s32 $0xFFFFFFC0, s29;
	[sflag:s13] =	ssyncadd.s32 $0xFFFFE000  }
0xa6: {  	[tilespmem:s20], [sflag:$0x3] =	stream.indirect.gather [hbm4b:s4+s16], $0x80, s31, s16, $0xb8;
	[tilespmem:$0x1FC00] =	vst v63  }
0xa7: {  	_ =	swait.ge [sflag:s28], $0x2000  }
0xa8: {  	[sflag:s28] =	ssyncset.done $0x0  }
.Ltmp1:
0xa9: {  	s30 =	sadd.s32 $0x2980, s30;
	[sflag:s28] =	ssyncadd.s32 $0xFFFFE000;
	(pc) =	sbr.rel @p0 .LBB2_4-.Ltmp1, $4  }
0xaa: {  	[spmem:s2] =	stream.indirect.scatter.add.f32 [tilespmem:s22], [sflag:$0x5], $0x80, s30, s16, $0xb8;
	[tilespmem:$0x1FC00] =	vst v63  }
0xab: {  	_ =	swait.ge [sflag:s13], $0x2000  }
0xac: {  	[sflag:s13] =	ssyncset.done $0x0  }
0xad: {  	s29 =	sadd.s32 $0x100, s29;
	[sflag:s13] =	ssyncadd.s32 $0xFFFFE000  }
0xae: {  	[tilespmem:s22], [sflag:$0x4] =	stream.indirect.gather [hbm4b:s4+s16], $0x80, s19, s16, $0xb8;
	[tilespmem:$0x1FC00] =	vst v63  }
0xaf: {  	s30 =	simm.s32 $0x0  }
0xb0: {  	[tilespmem:s23], [sflag:$0x5] =	stream.linear.gather [hbm4b:s9+s30], $0x1400, $0x38;
	[tilespmem:$0x1FC00] =	vst v63  }
0xb1: {  	_ =	swait.ge [sflag:s13], $0x1400  }
0xb2: {  	[sflag:s13] =	ssyncset.done $0x0  }
0xb3: {  	[sflag:s13] =	ssyncadd.s32 $0xFFFFEC00  }
0xb4: {  	_ =	swait.ge [sflag:s24], $0x2000  }
0xb5: {  	[sflag:s24] =	ssyncset.done $0x0  }
0xb6: {  	s31 =	simm.s32 $0x2800;
	[sflag:s24] =	ssyncadd.s32 $0xFFFFE000  }
0xb7: {  	[spmem:s2] =	stream.indirect.scatter.add.f32 [tilespmem:s17], [sflag:$0x5], $0x80, s31, s16, $0xb8;
	[tilespmem:$0x1FC00] =	vst v63  }
0xb8: {  	_ =	swait.ge [sflag:s13], $0x2000  }
0xb9: {  	[sflag:s13] =	ssyncset.done $0x0  }
0xba: {  	s21 =	simm.s32 $0x1500;
	[sflag:s13] =	ssyncadd.s32 $0xFFFFE000  }
0xbb: {  	[tilespmem:s17], [sflag:$0x1] =	stream.indirect.gather [hbm4b:s4+s16], $0x80, s21, s16, $0xb8;
	[tilespmem:$0x1FC00] =	vst v63  }
0xbc: {  	_ =	swait.ge [sflag:s25], $0x2000  }
0xbd: {  	[sflag:s25] =	ssyncset.done $0x0  }
0xbe: {  	s30 =	simm.s32 $0x2880;
	[sflag:s25] =	ssyncadd.s32 $0xFFFFE000  }
0xbf: {  	[spmem:s2] =	stream.indirect.scatter.add.f32 [tilespmem:s18], [sflag:$0x5], $0x80, s30, s16, $0xb8;
	[tilespmem:$0x1FC00] =	vst v63  }
0xc0: {  	_ =	swait.ge [sflag:s13], $0x2000  }
0xc1: {  	[sflag:s13] =	ssyncset.done $0x0  }
0xc2: {  	s31 =	simm.s32 $0x1540;
	[sflag:s13] =	ssyncadd.s32 $0xFFFFE000  }
0xc3: {  	[tilespmem:s18], [sflag:$0x2] =	stream.indirect.gather [hbm4b:s4+s16], $0x80, s31, s16, $0xb8;
	[tilespmem:$0x1FC00] =	vst v63  }
0xc4: {  	_ =	swait.ge [sflag:s26], $0x2000  }
0xc5: {  	[sflag:s26] =	ssyncset.done $0x0  }
0xc6: {  	s21 =	simm.s32 $0x2900;
	[sflag:s26] =	ssyncadd.s32 $0xFFFFE000  }
0xc7: {  	[spmem:s2] =	stream.indirect.scatter.add.f32 [tilespmem:s20], [sflag:$0x5], $0x80, s21, s16, $0xb8;
	[tilespmem:$0x1FC00] =	vst v63  }
0xc8: {  	_ =	swait.ge [sflag:s13], $0x2000  }
0xc9: {  	[sflag:s13] =	ssyncset.done $0x0  }
0xca: {  	s30 =	simm.s32 $0x1580;
	[sflag:s13] =	ssyncadd.s32 $0xFFFFE000  }
0xcb: {  	[tilespmem:s20], [sflag:$0x3] =	stream.indirect.gather [hbm4b:s4+s16], $0x80, s30, s16, $0xb8;
	[tilespmem:$0x1FC00] =	vst v63  }
0xcc: {  	_ =	swait.ge [sflag:s28], $0x2000  }
0xcd: {  	[sflag:s28] =	ssyncset.done $0x0  }
0xce: {  	s31 =	simm.s32 $0x2980;
	[sflag:s28] =	ssyncadd.s32 $0xFFFFE000  }
0xcf: {  	[spmem:s2] =	stream.indirect.scatter.add.f32 [tilespmem:s22], [sflag:$0x5], $0x80, s31, s16, $0xb8;
	[tilespmem:$0x1FC00] =	vst v63  }
0xd0: {  	_ =	swait.ge [sflag:s13], $0x2000  }
0xd1: {  	s19 =	simm.s32 $0x15C0;
	[sflag:s13] =	ssyncset.done $0x0  }
0xd2: {  	s29 =	simm.s32 $0x16C0;
	s21 =	simm.s32 $0x800;
	[sflag:s13] =	ssyncadd.s32 $0xFFFFE000  }
.LBB2_6:
0xd3: {  	[tilespmem:s22], [sflag:$0x4] =	stream.indirect.gather [hbm4b:s4+s16], $0x80, s19, s16, $0xb8;
	[tilespmem:$0x1FC00] =	vst v63  }
0xd4: {  	s30 =	smov.u32 s21;
	s19 =	smov.u32 s29  }
0xd5: {  	p0 =	sne.s32 s21, $0x4800;
	s21 =	sadd.s32 $0x800, s21;
	_ =	swait.ge [sflag:s24], $0x2000  }
0xd6: {  	s30 =	sshra.s32 s30, $0x2;
	[sflag:s24] =	ssyncset.done $0x0  }
0xd7: {  	s31 =	sadd.s32 $0x2800, s30;
	[sflag:s24] =	ssyncadd.s32 $0xFFFFE000  }
0xd8: {  	[spmem:s2] =	stream.indirect.scatter.add.f32 [tilespmem:s17], [sflag:$0x5], $0x80, s31, s16, $0xb8;
	[tilespmem:$0x1FC00] =	vst v63  }
0xd9: {  	_ =	swait.ge [sflag:s13], $0x2000  }
0xda: {  	[sflag:s13] =	ssyncset.done $0x0  }
0xdb: {  	s31 =	sadd.s32 $0xFFFFFF40, s29;
	[sflag:s13] =	ssyncadd.s32 $0xFFFFE000  }
0xdc: {  	[tilespmem:s17], [sflag:$0x1] =	stream.indirect.gather [hbm4b:s4+s16], $0x80, s31, s16, $0xb8;
	[tilespmem:$0x1FC00] =	vst v63  }
0xdd: {  	_ =	swait.ge [sflag:s25], $0x2000  }
0xde: {  	[sflag:s25] =	ssyncset.done $0x0  }
0xdf: {  	s31 =	sadd.s32 $0x2880, s30;
	[sflag:s25] =	ssyncadd.s32 $0xFFFFE000  }
0xe0: {  	[spmem:s2] =	stream.indirect.scatter.add.f32 [tilespmem:s18], [sflag:$0x5], $0x80, s31, s16, $0xb8;
	[tilespmem:$0x1FC00] =	vst v63  }
0xe1: {  	_ =	swait.ge [sflag:s13], $0x2000  }
0xe2: {  	[sflag:s13] =	ssyncset.done $0x0  }
0xe3: {  	s31 =	sadd.s32 $0xFFFFFF80, s29;
	[sflag:s13] =	ssyncadd.s32 $0xFFFFE000  }
0xe4: {  	[tilespmem:s18], [sflag:$0x2] =	stream.indirect.gather [hbm4b:s4+s16], $0x80, s31, s16, $0xb8;
	[tilespmem:$0x1FC00] =	vst v63  }
0xe5: {  	_ =	swait.ge [sflag:s26], $0x2000  }
0xe6: {  	[sflag:s26] =	ssyncset.done $0x0  }
0xe7: {  	s31 =	sadd.s32 $0x2900, s30;
	[sflag:s26] =	ssyncadd.s32 $0xFFFFE000  }
0xe8: {  	[spmem:s2] =	stream.indirect.scatter.add.f32 [tilespmem:s20], [sflag:$0x5], $0x80, s31, s16, $0xb8;
	[tilespmem:$0x1FC00] =	vst v63  }
0xe9: {  	_ =	swait.ge [sflag:s13], $0x2000  }
0xea: {  	[sflag:s13] =	ssyncset.done $0x0  }
0xeb: {  	s31 =	sadd.s32 $0xFFFFFFC0, s29;
	[sflag:s13] =	ssyncadd.s32 $0xFFFFE000  }
0xec: {  	[tilespmem:s20], [sflag:$0x3] =	stream.indirect.gather [hbm4b:s4+s16], $0x80, s31, s16, $0xb8;
	[tilespmem:$0x1FC00] =	vst v63  }
0xed: {  	_ =	swait.ge [sflag:s28], $0x2000  }
0xee: {  	[sflag:s28] =	ssyncset.done $0x0  }
.Ltmp2:
0xef: {  	s30 =	sadd.s32 $0x2980, s30;
	[sflag:s28] =	ssyncadd.s32 $0xFFFFE000;
	(pc) =	sbr.rel @p0 .LBB2_6-.Ltmp2, $4  }
0xf0: {  	[spmem:s2] =	stream.indirect.scatter.add.f32 [tilespmem:s22], [sflag:$0x5], $0x80, s30, s16, $0xb8;
	[tilespmem:$0x1FC00] =	vst v63  }
0xf1: {  	_ =	swait.ge [sflag:s13], $0x2000  }
0xf2: {  	[sflag:s13] =	ssyncset.done $0x0  }
0xf3: {  	s29 =	sadd.s32 $0x100, s29;
	[sflag:s13] =	ssyncadd.s32 $0xFFFFE000  }
0xf4: {  	[tilespmem:s22], [sflag:$0x4] =	stream.indirect.gather [hbm4b:s4+s16], $0x80, s19, s16, $0xb8;
	[tilespmem:$0x1FC00] =	vst v63  }
0xf5: {  	s30 =	simm.s32 $0x0  }
0xf6: {  	[tilespmem:s23], [sflag:$0x5] =	stream.linear.gather [hbm4b:s10+s30], $0x1400, $0x38;
	[tilespmem:$0x1FC00] =	vst v63  }
0xf7: {  	_ =	swait.ge [sflag:s13], $0x1400  }
0xf8: {  	[sflag:s13] =	ssyncset.done $0x0  }
0xf9: {  	[sflag:s13] =	ssyncadd.s32 $0xFFFFEC00  }
0xfa: {  	_ =	swait.ge [sflag:s24], $0x2000  }
0xfb: {  	[sflag:s24] =	ssyncset.done $0x0  }
0xfc: {  	s31 =	simm.s32 $0x2800;
	[sflag:s24] =	ssyncadd.s32 $0xFFFFE000  }
0xfd: {  	[spmem:s2] =	stream.indirect.scatter.add.f32 [tilespmem:s17], [sflag:$0x5], $0x80, s31, s16, $0xb8;
	[tilespmem:$0x1FC00] =	vst v63  }
0xfe: {  	_ =	swait.ge [sflag:s13], $0x2000  }
0xff: {  	[sflag:s13] =	ssyncset.done $0x0  }
0x100: {  	s21 =	simm.s32 $0x1F00;
	[sflag:s13] =	ssyncadd.s32 $0xFFFFE000  }
0x101: {  	[tilespmem:s17], [sflag:$0x1] =	stream.indirect.gather [hbm4b:s4+s16], $0x80, s21, s16, $0xb8;
	[tilespmem:$0x1FC00] =	vst v63  }
0x102: {  	_ =	swait.ge [sflag:s25], $0x2000  }
0x103: {  	[sflag:s25] =	ssyncset.done $0x0  }
0x104: {  	s30 =	simm.s32 $0x2880;
	[sflag:s25] =	ssyncadd.s32 $0xFFFFE000  }
0x105: {  	[spmem:s2] =	stream.indirect.scatter.add.f32 [tilespmem:s18], [sflag:$0x5], $0x80, s30, s16, $0xb8;
	[tilespmem:$0x1FC00] =	vst v63  }
0x106: {  	_ =	swait.ge [sflag:s13], $0x2000  }
0x107: {  	[sflag:s13] =	ssyncset.done $0x0  }
0x108: {  	s31 =	simm.s32 $0x1F40;
	[sflag:s13] =	ssyncadd.s32 $0xFFFFE000  }
0x109: {  	[tilespmem:s18], [sflag:$0x2] =	stream.indirect.gather [hbm4b:s4+s16], $0x80, s31, s16, $0xb8;
	[tilespmem:$0x1FC00] =	vst v63  }
0x10a: {  	_ =	swait.ge [sflag:s26], $0x2000  }
0x10b: {  	[sflag:s26] =	ssyncset.done $0x0  }
0x10c: {  	s21 =	simm.s32 $0x2900;
	[sflag:s26] =	ssyncadd.s32 $0xFFFFE000  }
0x10d: {  	[spmem:s2] =	stream.indirect.scatter.add.f32 [tilespmem:s20], [sflag:$0x5], $0x80, s21, s16, $0xb8;
	[tilespmem:$0x1FC00] =	vst v63  }
0x10e: {  	_ =	swait.ge [sflag:s13], $0x2000  }
0x10f: {  	[sflag:s13] =	ssyncset.done $0x0  }
0x110: {  	s30 =	simm.s32 $0x1F80;
	[sflag:s13] =	ssyncadd.s32 $0xFFFFE000  }
0x111: {  	[tilespmem:s20], [sflag:$0x3] =	stream.indirect.gather [hbm4b:s4+s16], $0x80, s30, s16, $0xb8;
	[tilespmem:$0x1FC00] =	vst v63  }
0x112: {  	_ =	swait.ge [sflag:s28], $0x2000  }
0x113: {  	[sflag:s28] =	ssyncset.done $0x0  }
0x114: {  	s31 =	simm.s32 $0x2980;
	[sflag:s28] =	ssyncadd.s32 $0xFFFFE000  }
0x115: {  	[spmem:s2] =	stream.indirect.scatter.add.f32 [tilespmem:s22], [sflag:$0x5], $0x80, s31, s16, $0xb8;
	[tilespmem:$0x1FC00] =	vst v63  }
0x116: {  	_ =	swait.ge [sflag:s13], $0x2000  }
0x117: {  	s19 =	simm.s32 $0x1FC0;
	[sflag:s13] =	ssyncset.done $0x0  }
0x118: {  	s29 =	simm.s32 $0x20C0;
	s21 =	simm.s32 $0x800;
	[sflag:s13] =	ssyncadd.s32 $0xFFFFE000  }
.LBB2_8:
0x119: {  	[tilespmem:s22], [sflag:$0x4] =	stream.indirect.gather [hbm4b:s4+s16], $0x80, s19, s16, $0xb8;
	[tilespmem:$0x1FC00] =	vst v63  }
0x11a: {  	s30 =	smov.u32 s21;
	s19 =	smov.u32 s29  }
0x11b: {  	p0 =	sne.s32 s21, $0x4000;
	s21 =	sadd.s32 $0x800, s21;
	_ =	swait.ge [sflag:s24], $0x2000  }
0x11c: {  	s30 =	sshra.s32 s30, $0x2;
	[sflag:s24] =	ssyncset.done $0x0  }
0x11d: {  	s31 =	sadd.s32 $0x2800, s30;
	[sflag:s24] =	ssyncadd.s32 $0xFFFFE000  }
0x11e: {  	[spmem:s2] =	stream.indirect.scatter.add.f32 [tilespmem:s17], [sflag:$0x5], $0x80, s31, s16, $0xb8;
	[tilespmem:$0x1FC00] =	vst v63  }
0x11f: {  	_ =	swait.ge [sflag:s13], $0x2000  }
0x120: {  	[sflag:s13] =	ssyncset.done $0x0  }
0x121: {  	s31 =	sadd.s32 $0xFFFFFF40, s29;
	[sflag:s13] =	ssyncadd.s32 $0xFFFFE000  }
0x122: {  	[tilespmem:s17], [sflag:$0x1] =	stream.indirect.gather [hbm4b:s4+s16], $0x80, s31, s16, $0xb8;
	[tilespmem:$0x1FC00] =	vst v63  }
0x123: {  	_ =	swait.ge [sflag:s25], $0x2000  }
0x124: {  	[sflag:s25] =	ssyncset.done $0x0  }
0x125: {  	s31 =	sadd.s32 $0x2880, s30;
	[sflag:s25] =	ssyncadd.s32 $0xFFFFE000  }
0x126: {  	[spmem:s2] =	stream.indirect.scatter.add.f32 [tilespmem:s18], [sflag:$0x5], $0x80, s31, s16, $0xb8;
	[tilespmem:$0x1FC00] =	vst v63  }
0x127: {  	_ =	swait.ge [sflag:s13], $0x2000  }
0x128: {  	[sflag:s13] =	ssyncset.done $0x0  }
0x129: {  	s31 =	sadd.s32 $0xFFFFFF80, s29;
	[sflag:s13] =	ssyncadd.s32 $0xFFFFE000  }
0x12a: {  	[tilespmem:s18], [sflag:$0x2] =	stream.indirect.gather [hbm4b:s4+s16], $0x80, s31, s16, $0xb8;
	[tilespmem:$0x1FC00] =	vst v63  }
0x12b: {  	_ =	swait.ge [sflag:s26], $0x2000  }
0x12c: {  	[sflag:s26] =	ssyncset.done $0x0  }
0x12d: {  	s31 =	sadd.s32 $0x2900, s30;
	[sflag:s26] =	ssyncadd.s32 $0xFFFFE000  }
0x12e: {  	[spmem:s2] =	stream.indirect.scatter.add.f32 [tilespmem:s20], [sflag:$0x5], $0x80, s31, s16, $0xb8;
	[tilespmem:$0x1FC00] =	vst v63  }
0x12f: {  	_ =	swait.ge [sflag:s13], $0x2000  }
0x130: {  	[sflag:s13] =	ssyncset.done $0x0  }
0x131: {  	s31 =	sadd.s32 $0xFFFFFFC0, s29;
	[sflag:s13] =	ssyncadd.s32 $0xFFFFE000  }
0x132: {  	[tilespmem:s20], [sflag:$0x3] =	stream.indirect.gather [hbm4b:s4+s16], $0x80, s31, s16, $0xb8;
	[tilespmem:$0x1FC00] =	vst v63  }
0x133: {  	_ =	swait.ge [sflag:s28], $0x2000  }
0x134: {  	[sflag:s28] =	ssyncset.done $0x0  }
.Ltmp3:
0x135: {  	s30 =	sadd.s32 $0x2980, s30;
	[sflag:s28] =	ssyncadd.s32 $0xFFFFE000;
	(pc) =	sbr.rel @p0 .LBB2_8-.Ltmp3, $4  }
0x136: {  	[spmem:s2] =	stream.indirect.scatter.add.f32 [tilespmem:s22], [sflag:$0x5], $0x80, s30, s16, $0xb8;
	[tilespmem:$0x1FC00] =	vst v63  }
0x137: {  	_ =	swait.ge [sflag:s13], $0x2000  }
0x138: {  	[sflag:s13] =	ssyncset.done $0x0  }
0x139: {  	s29 =	sadd.s32 $0x100, s29;
	[sflag:s13] =	ssyncadd.s32 $0xFFFFE000  }
0x13a: {  	[tilespmem:s22], [sflag:$0x4] =	stream.indirect.gather [hbm4b:s4+s16], $0x80, s19, s16, $0xb8;
	[tilespmem:$0x1FC00] =	vst v63  }
0x13b: {  	_ =	swait.ge [sflag:s24], $0x2000  }
0x13c: {  	[sflag:s24] =	ssyncset.done $0x0  }
0x13d: {  	s29 =	simm.s32 $0x3A00;
	[sflag:s24] =	ssyncadd.s32 $0xFFFFE000  }
0x13e: {  	[spmem:s2] =	stream.indirect.scatter.add.f32 [tilespmem:s17], [sflag:$0x5], $0x80, s29, s16, $0xb8;
	[tilespmem:$0x1FC00] =	vst v63  }
0x13f: {  	_ =	swait.ge [sflag:s13], $0x2000  }
0x140: {  	[sflag:s13] =	ssyncset.done $0x0  }
0x141: {  	[sflag:s13] =	ssyncadd.s32 $0xFFFFE000  }
0x142: {  	_ =	swait.ge [sflag:s25], $0x2000  }
0x143: {  	[sflag:s25] =	ssyncset.done $0x0  }
0x144: {  	s30 =	simm.s32 $0x3A80;
	[sflag:s25] =	ssyncadd.s32 $0xFFFFE000  }
0x145: {  	[spmem:s2] =	stream.indirect.scatter.add.f32 [tilespmem:s18], [sflag:$0x5], $0x80, s30, s16, $0xb8;
	[tilespmem:$0x1FC00] =	vst v63  }
0x146: {  	_ =	swait.ge [sflag:s13], $0x2000  }
0x147: {  	[sflag:s13] =	ssyncset.done $0x0  }
0x148: {  	[sflag:s13] =	ssyncadd.s32 $0xFFFFE000  }
0x149: {  	_ =	swait.ge [sflag:s26], $0x2000  }
0x14a: {  	[sflag:s26] =	ssyncset.done $0x0  }
0x14b: {  	s31 =	simm.s32 $0x3B00;
	[sflag:s26] =	ssyncadd.s32 $0xFFFFE000  }
0x14c: {  	[spmem:s2] =	stream.indirect.scatter.add.f32 [tilespmem:s20], [sflag:$0x5], $0x80, s31, s16, $0xb8;
	[tilespmem:$0x1FC00] =	vst v63  }
0x14d: {  	_ =	swait.ge [sflag:s13], $0x2000  }
0x14e: {  	[sflag:s13] =	ssyncset.done $0x0  }
0x14f: {  	[sflag:s13] =	ssyncadd.s32 $0xFFFFE000  }
0x150: {  	_ =	swait.ge [sflag:s28], $0x2000  }
0x151: {  	[sflag:s28] =	ssyncset.done $0x0  }
0x152: {  	[sflag:s28] =	ssyncadd.s32 $0xFFFFE000  }
0x153: {  	[spmem:s2] =	stream.indirect.scatter.add.f32 [tilespmem:s22], [sflag:$0x5], $0x80, s1, s16, $0xb8;
	[tilespmem:$0x1FC00] =	vst v63  }
0x154: {  	_ =	swait.ge [sflag:s13], $0x2000  }
0x155: {  	s0 =	sadd.s32 $0x1, s0;
	[sflag:s13] =	ssyncset.done $0x0  }
0x156: {  	p0 =	sne.s32 s0, s12;
	[sflag:s13] =	ssyncadd.s32 $0xFFFFE000  }
.Ltmp4:
0x157: {  	[bflag:$0x0] =	sbarrier.arrive $0xFFFF;
	(pc) =	sbr.rel @p0 .LBB2_1-.Ltmp4, $4  }
0x158: {  	[hbm:s11], [sflag:s14] =	dma.local [spmem:s15], $0x2800  }
0x159: {  	_ =	swait.ge [sflag:s13], $0x2800  }
0x15a: {  	[sflag:s13] =	ssyncset.done $0x0  }
0x15b: {  	[sflag:s13] =	ssyncadd.s32 $0xFFFFD800  }
0x15c: {  	_ =	sfence.sel $0x180000  }
0x15d: {  	[bflag:$0x0] =	sbarrier.arrive $0xFFFF  }
0x15e: {  	_ =	strace $0x9000004D  }
0x15f: {  	s0 =	stileid.u32;
	[bflag:$0x2] =	sbarrier.arrive $0xFFFF  }
0x160: {  	p0 =	sne.s32 s0, $0x0;
	s0 =	rddreg [dreg:$0x3]  }
0x161: {  	s0 =	sadd.s32 @!p0 $0x100000, s0  }
0x162: {  	[sflag:s0] =	ssyncadd.tile.s32 @!p0 $0x1;
	_ =	shalt  }
.Lfunc_end2:
_tile_overlayer_lowered:
.L_overlay_start_2:
0x163: {  	(tag) =	ssettag $0x2  }
0x164: {  	s0 =	rddreg [dreg:$0x0];
	s2 =	stileid.u32  }
0x165: {  	s1 =	rddreg [dreg:$0x1];
	p0 =	sne.s32 s2, $0x0  }
0x166: {  	s3 =	rddreg [dreg:$0x2];
	[bflag:$0x3] =	sbarrier.arrive $0xFFFF;
	s2 =	simm.s32 @!p0 $0x1C05  }
0x167: {  	[timem:s3], [sflag:s2] =	dma.local @!p0 [hbm:s0], s1  }
0x168: {  	s0 =	simm.s32 @!p0 $0x5  }
0x169: {  	_ =	swait.ge @!p0 [sflag:s0], s1  }
0x16a: {  	s1 =	ssub.s32 @!p0 $0x0, s1;
	[sflag:s0] =	ssyncset.done @!p0 $0x0  }
0x16b: {  	[sflag:s0] =	ssyncadd.s32 @!p0 s1  }
0x16c: {  	[bflag:$0x3] =	sbarrier.arrive $0xFFFF  }
0x16d: {  	_ =	shalt  }

// kernel: kernel.8.cloned.1.call-start
scs
__scs_entry_jumppad:
0x0: {  	(pc) =	sbr.rel $0x88, $3  }
0x1: {  	(tag) =	ssettag $0x0;
	lr =	simm.s32 $0x1  }
0x2: {  	[smem:$0x3F9B] =	sst lr;
	_ =	strace $0xD0000000  }
0x3: {  	_ = 	snop  }
0x4: {  	_ = 	snop  }
0x5: {  	_ = 	snop  }
0x6: {  	_ = 	snop  }
0x7: {  	_ = 	snop  }
__scs_overlays_trampoline_lowered:
0x8: {  	[smem:$0x3FAA] =	sst s0  }
0x9: {  	[smem:$0x3FAB] =	sst s1  }
0xa: {  	[smem:$0x3FAC] =	sst s2  }
0xb: {  	[smem:$0x3FAD] =	sst s3  }
0xc: {  	[smem:$0x3FAE] =	sst s4  }
0xd: {  	[smem:$0x3FAF] =	sst s5  }
0xe: {  	[smem:$0x3FB0] =	sst s6  }
0xf: {  	[smem:$0x3FB1] =	sst s7  }
0x10: {  	[smem:$0x3FB2] =	sst s8  }
0x11: {  	[smem:$0x3FB3] =	sst s9;
	s0 =	simm.s32 @!p0 $0x0  }
0x12: {  	s1 =	sld [smem:$0x3F99];
	s0 =	simm.s32 @p0 $0x1  }
0x13: {  	[smem:$0x3FB4] =	sst s0;
	s0 =	simm.s32 @!p1 $0x0  }
0x14: {  	s2 =	sld [smem:$0x3F98];
	s0 =	simm.s32 @p1 $0x1  }
0x15: {  	[smem:$0x3FB5] =	sst s0;
	s0 =	simm.s32 @!p2 $0x0  }
0x16: {  	s3 =	sld [smem:$0x3FDB];
	s0 =	simm.s32 @p2 $0x1  }
0x17: {  	s4 =	simm.s32 $0x1BF5;
	[smem:$0x3FB7] =	sst s0  }
0x18: {  	s0 =	sld [smem:$0x3F9A];
	_ =	swait.ge [sflag:s4], $0x0  }
0x19: {  	s7 =	sld [smem:$0x3F9B]  }
0x1a: {  	s8 =	sadd.s32 $0xFFFFE003, lr  }
0x1b: {  	s9 =	sadd.s32 $0xFFFFFEF7, lr;
	s5 =	simm.s32 $0xFFFFFFFF;
	p2 =	slt.u32 s8, $0xFFFFF086  }
0x1c: {  	p1 =	slt.u32 s9, $0xF7A;
	s5 =	simm.s32 @!p2 $0x0  }
0x1d: {  	s5 =	simm.s32 @p1 $0x1;
	p0 =	seq.s32 s7, s2  }
0x1e: {  	s7 =	smul.u32 @!p0 $0xF7A, s2;
	p2 =	seq.s32 @!p0 s5, $0x0  }
0x1f: {  	s9 =	smul.u32 $0xF7A, s1;
	s8 =	simm.s32 @!p0 $0x1BF5;
	p2 =	por !p2, p0  }
0x20: {  	[sflag:s8] =	ssyncset.s32 @!p0 $0xFFFFF086;
	s6 =	sadd.s32 @!p0 s3, s7;
	s7 =	simm.s32 @!p0 $0x108  }
0x21: {  	s3 =	sadd.s32 s3, s9;
	s6 =	sadd.s32 @!p0 $0x88, s6;
	s7 =	simm.s32 @p2 $0x1082  }
0x22: {  	[simem:s7], [sflag:s8] =	dma.local @!p0 [hbm:s6], $0xF7A  }
0x23: {  	s9 =	sor.u32 $0xD0000000, s2;
	s6 =	simm.s32 $0x108;
	_ =	swait.ge @!p0 [sflag:s8], $0x0  }
0x24: {  	s3 =	sadd.s32 $0x88, s3;
	s6 =	simm.s32 @!p1 $0x1082;
	[sflag:s4] =	ssyncset.s32 $0xFFFFF086  }
0x25: {  	[simem:s6], [sflag:s4] =	dma.local [hbm:s3], $0xF7A  }
0x26: {  	[smem:$0x3F9B] =	sst s1;
	(tag) =	ssettag s2;
	_ =	strace s9  }
0x27: {  	s1 =	sld [smem:$0x3FAB]  }
0x28: {  	s2 =	sld [smem:$0x3FAC]  }
0x29: {  	s4 =	sld [smem:$0x3FAE]  }
0x2a: {  	p0 =	seq.s32 s5, $0x0;
	s5 =	sld [smem:$0x3FAF]  }
0x2b: {  	s6 =	sld [smem:$0x3FB0]  }
0x2c: {  	s7 =	sld [smem:$0x3FB1]  }
0x2d: {  	s3 =	simm.s32 $0x108;
	s8 =	sld [smem:$0x3FB2]  }
0x2e: {  	s3 =	simm.s32 @!p0 $0x1082;
	s9 =	sld [smem:$0x3FB3]  }
0x2f: {  	lr =	sadd.s32 s0, s3;
	s0 =	sld [smem:$0x3FAA]  }
0x30: {  	s3 =	sld [smem:$0x3FAD]  }
0x31: {  	[smem:$0x3FB6] =	sst s10  }
0x32: {  	s10 =	sld [smem:$0x3FB4];
	_ =	sdelay $0x3  }
0x33: {  	p0 =	seq.s32 s10, $0x1;
	s10 =	sld [smem:$0x3FB6];
	_ =	sdelay $0x3  }
0x34: {  	[smem:$0x3FB6] =	sst s10  }
0x35: {  	s10 =	sld [smem:$0x3FB5];
	_ =	sdelay $0x3  }
0x36: {  	p1 =	seq.s32 s10, $0x1;
	s10 =	sld [smem:$0x3FB6];
	_ =	sdelay $0x3  }
0x37: {  	[smem:$0x3FB6] =	sst s10  }
0x38: {  	s10 =	sld [smem:$0x3FB7]  }
0x39: {  	_ = 	snop;
	(pc) =	sbr.ind lr, $3  }
0x3a: {  	_ = 	snop  }
0x3b: {  	_ = 	snop  }
0x3c: {  	p2 =	seq.s32 s10, $0x1;
	s10 =	sld [smem:$0x3FB6]  }
0x3d: {  	_ =	shalt  }
0x3e: {  	_ =	shalt  }
0x3f: {  	_ =	shalt  }
0x40: {  	_ =	shalt  }
0x41: {  	_ =	shalt  }
0x42: {  	_ =	shalt  }
0x43: {  	_ =	shalt  }
0x44: {  	_ =	shalt  }
0x45: {  	_ =	shalt  }
0x46: {  	_ =	shalt  }
0x47: {  	_ =	shalt  }
0x48: {  	_ =	shalt  }
0x49: {  	_ =	shalt  }
0x4a: {  	_ =	shalt  }
0x4b: {  	_ =	shalt  }
0x4c: {  	_ =	shalt  }
0x4d: {  	_ =	shalt  }
0x4e: {  	_ =	shalt  }
0x4f: {  	_ =	shalt  }
0x50: {  	_ =	shalt  }
0x51: {  	_ =	shalt  }
0x52: {  	_ =	shalt  }
0x53: {  	_ =	shalt  }
0x54: {  	_ =	shalt  }
0x55: {  	_ =	shalt  }
0x56: {  	_ =	shalt  }
0x57: {  	_ =	shalt  }
0x58: {  	_ =	shalt  }
0x59: {  	_ =	shalt  }
0x5a: {  	_ =	shalt  }
0x5b: {  	_ =	shalt  }
0x5c: {  	_ =	shalt  }
0x5d: {  	_ =	shalt  }
0x5e: {  	_ =	shalt  }
0x5f: {  	_ =	shalt  }
0x60: {  	_ =	shalt  }
0x61: {  	_ =	shalt  }
0x62: {  	_ =	shalt  }
0x63: {  	_ =	shalt  }
0x64: {  	_ =	shalt  }
0x65: {  	_ =	shalt  }
0x66: {  	_ =	shalt  }
0x67: {  	_ =	shalt  }
0x68: {  	_ =	shalt  }
0x69: {  	_ =	shalt  }
0x6a: {  	_ =	shalt  }
0x6b: {  	_ =	shalt  }
0x6c: {  	_ =	shalt  }
0x6d: {  	_ =	shalt  }
0x6e: {  	_ =	shalt  }
0x6f: {  	_ =	shalt  }
0x70: {  	_ =	shalt  }
0x71: {  	_ =	shalt  }
0x72: {  	_ =	shalt  }
0x73: {  	_ =	shalt  }
0x74: {  	_ =	shalt  }
0x75: {  	_ =	shalt  }
0x76: {  	_ =	shalt  }
0x77: {  	_ =	shalt  }
0x78: {  	_ =	shalt  }
0x79: {  	_ =	shalt  }
0x7a: {  	_ =	shalt  }
0x7b: {  	_ =	shalt  }
0x7c: {  	_ =	shalt  }
0x7d: {  	_ =	shalt  }
0x7e: {  	_ =	shalt  }
0x7f: {  	_ =	shalt  }
0x80: {  	_ =	shalt  }
0x81: {  	_ =	shalt  }
0x82: {  	_ =	shalt  }
0x83: {  	_ =	shalt  }
0x84: {  	_ =	shalt  }
0x85: {  	_ =	shalt  }
0x86: {  	_ =	shalt  }
0x87: {  	_ =	shalt  }
.Lfunc_end0:
.L_simem_size_0:
called_computation_lowered:
.L_overlay_start_0:
0x88: {  	s2 =	sld [smem:$0x3FD9]  }
0x89: {  	s3 =	sld [smem:$0x3FFE];
	_ =	sdelay $0x1  }
0x8a: {  	s1 =	srdreg.scid  }
0x8b: {  	s0 =	sand.u32 $0x1, s1  }
0x8c: {  	s16 =	sshll.u32 s0, $0xA;
	s2 =	sadd.s32 s3, s2  }
0x8d: {  	s2 =	sadd.s32 s2, s16  }
0x8e: {  	[smem:$0x3FC2] =	sst s2  }
0x8f: {  	_ = 	snop  }
0x90: {  	(tm) =	ssettm $0x1  }
0x91: {  	s17 =	sld [smem:$0x3FFB];
	_ =	sdelay $0x3  }
0x92: {  	_ =	strace s17  }
0x93: {  	s2 =	sld [smem:$0x3FFC];
	_ =	sdelay $0x3  }
0x94: {  	_ =	strace s2  }
0x95: {  	s2 =	sld [smem:$0x3FFD];
	_ =	sdelay $0x3  }
0x96: {  	_ =	strace s2  }
0x97: {  	_ =	strace $0x8FFFFFFF  }
0x98: {  	s18 =	sld [smem:$0x3FDB];
	_ =	sdelay $0x1  }
0x99: {  	s19 =	simm.s32 $_scs_section_size  }
0x9a: {  	s4 =	simm.s32 $_size__tile_overlayer_lowered;
	s5 =	simm.s32 $_tile_overlayer_lowered  }
0x9b: {  	s22 =	simm.s32 $0x1BFF;
	s21 =	sshll.u32 s5, $0x1;
	s2 =	sadd.s32 s19, s18  }
0x9c: {  	s6 =	simm.s32 $0x0;
	s20 =	sshll.u32 s4, $0x1;
	s4 =	sadd.s32 s21, s2  }
0x9d: {  	[timem:s6], [sflag:s22] =	dma.local [hbm:s4], s20  }
0x9e: {  	_ =	swait.ge [sflag:s22], s20  }
0x9f: {  	s3 =	ssub.s32 $0x0, s20;
	[sflag:s22] =	ssyncset.done $0x0  }
0xa0: {  	[sflag:s22] =	ssyncadd.s32 s3;
	_ =	sdelay $0x1  }
0xa1: {  	s23 =	simm.s32 $0x1B8B  }
0xa2: {  	_ =	swait.ge [sflag:s23], $0x1  }
0xa3: {  	[sflag:s23] =	ssyncset.done $0x0  }
0xa4: {  	s25 =	simm.s32 $0x1B8E;
	s24 =	sld [smem:$0x3FFE];
	[sflag:s23] =	ssyncadd.s32 $0xFFFFFFFF  }
0xa5: {  	s26 =	simm.s32 $execute0_lowered;
	[smem:$0x3FD2] =	sst s25  }
0xa6: {  	s4 =	sshll.u32 s26, $0x1;
	_ =	strace $0x80000046;
	[dreg:$0x1] =	wrdreg $0xFFFFFFFF  }
0xa7: {  	s28 =	simm.s32 $_size_execute0_lowered;
	s2 =	sadd.s32 s2, s4;
	[dreg:$0x0] =	wrdreg $0x0  }
0xa8: {  	s4 =	sshll.u32 s28, $0x1;
	[dreg:$0x2] =	wrdreg s2  }
0xa9: {  	[dreg:$0x3] =	wrdreg s4  }
0xaa: {  	[dreg:$0x4] =	wrdreg $0xC0  }
0xab: {  	_ =	task [dreg:s6], $0x5FFFF  }
0xac: {  	[dreg:$0x1] =	wrdreg $0xFFFFFFFF  }
0xad: {  	[dreg:$0x0] =	wrdreg $0x60  }
0xae: {  	[dreg:$0x2] =	wrdreg s24  }
0xaf: {  	[dreg:$0x3] =	wrdreg $0x68000  }
0xb0: {  	[dreg:$0x4] =	wrdreg $0x9  }
0xb1: {  	_ =	task.clear_ibuf [dreg:s6], $0x5FFFF;
	_ =	strace $0x90000046  }
0xb2: {  	s29 =	simm.s32 $0x9;
	_ =	strace $0x80000048  }
0xb3: {  	_ =	swait.ge [sflag:s29], $0x1  }
0xb4: {  	[sflag:s29] =	ssyncadd.s32 $0xFFFFFFFF  }
0xb5: {  	_ =	strace $0x90000048  }
0xb6: {  	_ =	sfence  }
0xb7: {  	s30 =	sld [smem:$0x0];
	_ =	sdelay $0x2  }
0xb8: {  	s31 =	sshll.u32 s1, $0xD;
	s1 =	sshrl.u32 s1, $0x2  }
0xb9: {  	s3 =	sand.u32 $0x4000, s31;
	s1 =	sadd.s32 s1, s30  }
0xba: {  	s0 =	sor.u32 s3, s0;
	s1 =	sshll.u32 s1, $0x11  }
0xbb: {  	s0 =	sor.u32 s1, s0  }
0xbc: {  	s0 =	sadd.s32 $0x8F2B, s0  }
0xbd: {  	[sflag:s0] =	ssyncadd.remote.s32 $0x1  }
0xbe: {  	_ =	sfence.sel $0xFFFF  }
0xbf: {  	[dreg:$0x0] =	wrdreg $0xFFFFFFFF;
	(pc) =	sbr.abs _section_cstart, $3  }
0xc0: {  	[dreg:$0x1] =	wrdreg $0xFFFFFFFF  }
0xc1: {  	_ =	task.clear_ibuf [dreg:s6], $0x2FFFF;
	_ =	strace $0x9FFFFFFF  }
0xc2: {  	(tm) =	ssettm $0x7FFFFFFF  }
0xc3: {  	_ =	shalt  }
tec
execute0_lowered:
.L_overlay_start_1:
0x0: {  	(tag) =	ssettag $0x1  }
0x1: {  	s1 =	srdreg.scid;
	s5 =	rddreg [dreg:$0x0]  }
0x2: {  	s0 =	stileid.u32;
	s2 =	rddreg [dreg:$0x1];
	s3 =	simm.s32 $0x0  }
0x3: {  	s13 =	simm.s32 $0x80;
	s14 =	simm.s32 $0x0;
	s6 =	sand.u32 $0x1, s1  }
0x4: {  	s28 =	sshll.u32 s0, $0x1;
	s1 =	rddreg [dreg:$0x2];
	s7 =	smul.u32 $0x14000, s0  }
0x5: {  	[smem:$0x7FF] =	sst s3;
	s29 =	smul.u32 $0x50000, s0;
	s31 =	sshll.u32 s0, $0x6  }
0x6: {  	s4 =	sor.u32 s6, s28;
	_ =	strace $0x80000047;
	s8 =	smul.u32 $0x140000, s6  }
0x7: {  	s6 =	ssub.s32 $0x2, s6;
	s4 =	smul.u32 $0x500, s4;
	s10 =	sshrl.u32 s7, $0x3  }
0x8: {  	s11 =	sshrl.u32 s6, $0x1;
	s30 =	sshrl.u32 s29, $0x2;
	s7 =	sadd.s32 s7, s8  }
0x9: {  	s10 =	sadd.s32 s10, s5;
	s11 =	ssub.s32 s6, s11;
	s12 =	sadd.s32 s30, s2  }
0xa: {  	s9 =	sadd.s32 s4, s5;
	s4 =	sadd.s32 $0xC400, s5;
	s7 =	sshrl.u32 s7, $0x3  }
0xb: {  	s6 =	sadd.s32 $0xCC00, s10;
	s8 =	smax.u32 s11, $0x1;
	s10 =	simm.s32 $0x2800  }
0xc: {  	s11 =	sor.u32 $0x1C01, s31;
	s12 =	sshrl.u32 s12, $0x3;
	s7 =	sadd.s32 s7, s5  }
0xd: {  	s5 =	sadd.s32 $0x2400, s9;
	s9 =	simm.s32 $0x1;
	s7 =	sadd.s32 $0x34C00, s7  }
.LBB2_1:
0xe: {  	[tilespmem:s3], [sflag:$0x1] =	stream.linear.gather [hbm4b:s5+s3], $0x2800, $0x38;
	[tilespmem:$0x1A800] =	vst v63  }
0xf: {  	_ =	swait.ge [sflag:s9], $0x2800  }
0x10: {  	[sflag:s9] =	ssyncset.done $0x0  }
0x11: {  	[sflag:s9] =	ssyncadd.s32 $0xFFFFD800  }
0x12: {  	[tilespmem:s10], [sflag:$0x1] =	stream.linear.gather [hbm4b:s4+s3], $0x4000, $0x38;
	[tilespmem:$0x1A800] =	vst v63  }
0x13: {  	_ =	swait.ge [sflag:s9], $0x4000  }
0x14: {  	[sflag:s9] =	ssyncset.done $0x0  }
0x15: {  	[sflag:s9] =	ssyncadd.s32 $0xFFFFC000  }
0x16: {  	[spmem:s12], [sflag:s11] =	dma.local [hbm:s6], $0x2800  }
0x17: {  	_ =	swait.ge [sflag:s9], $0x2800  }
0x18: {  	[sflag:s9] =	ssyncset.done $0x0  }
0x19: {  	[sflag:s9] =	ssyncadd.s32 $0xFFFFD800  }
0x1a: {  	s15 =	simm.s32 $0x0;
	[bflag:$0x0] =	sbarrier.arrive $0xFFFF  }
0x1b: {  	[spmem:s2] =	stream.indirect.scatter.add.f32 [tilespmem:s10], [sflag:$0x1], $0x80, s15, s13, $0xb8;
	[tilespmem:$0x1A800] =	vst v63  }
0x1c: {  	_ =	swait.ge [sflag:s9], $0x4000  }
0x1d: {  	s15 =	simm.s32 $0x200;
	[sflag:s9] =	ssyncset.done $0x0  }
.LBB2_2:
0x1e: {  	s16 =	sshra.s32 s15, $0x2;
	[sflag:s9] =	ssyncadd.s32 $0xFFFFC000;
	p0 =	sne.s32 s15, $0x9E00  }
0x1f: {  	[spmem:s2] =	stream.indirect.scatter.add.f32 [tilespmem:s10], [sflag:$0x1], $0x80, s16, s13, $0xb8;
	[tilespmem:$0x1A800] =	vst v63  }
.Ltmp0:
0x20: {  	_ = 	snop;
	(pc) =	sbr.rel @p0 .LBB2_2-.Ltmp0, $4  }
0x21: {  	_ = 	snop  }
0x22: {  	s15 =	sadd.s32 $0x200, s15  }
0x23: {  	_ =	swait.ge [sflag:s9], $0x4000  }
0x24: {  	[sflag:s9] =	ssyncset.done $0x0  }
0x25: {  	s14 =	sadd.s32 $0x1, s14  }
0x26: {  	[sflag:s9] =	ssyncadd.s32 $0xFFFFC000;
	p0 =	sne.s32 s14, s8  }
.Ltmp1:
0x27: {  	[bflag:$0x0] =	sbarrier.arrive $0xFFFF;
	(pc) =	sbr.rel @p0 .LBB2_1-.Ltmp1, $4  }
0x28: {  	[hbm:s7], [sflag:s11] =	dma.local [spmem:s12], $0x2800  }
0x29: {  	_ =	swait.ge [sflag:s9], $0x2800  }
0x2a: {  	[sflag:s9] =	ssyncset.done $0x0  }
0x2b: {  	[sflag:s9] =	ssyncadd.s32 $0xFFFFD800  }
0x2c: {  	_ =	sfence.sel $0x180000  }
0x2d: {  	[bflag:$0x0] =	sbarrier.arrive $0xFFFF  }
0x2e: {  	p0 =	sne.s32 s0, $0x0;
	_ =	strace $0x90000047  }
0x2f: {  	s0 =	sadd.s32 @!p0 $0x100000, s1;
	[bflag:$0x2] =	sbarrier.arrive $0xFFFF  }
0x30: {  	[sflag:s0] =	ssyncadd.tile.s32 @!p0 $0x1;
	_ =	shalt  }
.Lfunc_end2:
_tile_overlayer_lowered:
.L_overlay_start_2:
0x31: {  	(tag) =	ssettag $0x2  }
0x32: {  	s0 =	rddreg [dreg:$0x0];
	s2 =	stileid.u32  }
0x33: {  	s1 =	rddreg [dreg:$0x1];
	p0 =	sne.s32 s2, $0x0  }
0x34: {  	s3 =	rddreg [dreg:$0x2];
	[bflag:$0x3] =	sbarrier.arrive $0xFFFF;
	s2 =	simm.s32 @!p0 $0x1C01  }
0x35: {  	[timem:s3], [sflag:s2] =	dma.local @!p0 [hbm:s0], s1  }
0x36: {  	s0 =	simm.s32 @!p0 $0x1  }
0x37: {  	_ =	swait.ge @!p0 [sflag:s0], s1  }
0x38: {  	s1 =	ssub.s32 @!p0 $0x0, s1;
	[sflag:s0] =	ssyncset.done @!p0 $0x0  }
0x39: {  	[sflag:s0] =	ssyncadd.s32 @!p0 s1  }
0x3a: {  	[bflag:$0x3] =	sbarrier.arrive $0xFFFF  }
0x3b: {  	_ =	shalt  }

</sc_bundles>
